<compile_context>
chip_gen: v7x
topology: tpu7x:2x2x1
jax: 0.10.2.dev20260603
libtpu: 0.0.44.dev20260713+nightly
codegen_flags: <defaults>
</compile_context>

<pallas_src>
import functools

import numpy as np

import jax
import jax.numpy as jnp
from jax import lax
from jax.experimental import pallas as pl
from jax.experimental.pallas import tpu as pltpu
from jax.experimental.pallas import tpu_sc as plsc

_INPUT_DIM = 4
_L = 16


@functools.lru_cache(maxsize=None)
def _build_sc_call(batch, node_num, input_dim, init_dim, num_edges):
    nc, ns = 2, 16
    nw = nc * ns
    nb = batch // nw
    out_d = input_dim + init_dim
    ncols = batch * node_num
    assert ncols % (128 * nw) == 0 and (ncols // nw) % (3 * 128) == 0
    wtiles = ncols // 128 // nw
    obs_chunk = (nb // 128) * 1024
    ei_words = nb * num_edges
    obs_off = 16
    n_macro = wtiles // node_num
    ei_step = node_num * (_L // num_edges)
    n_ec = ei_words // 128

    lane = np.arange(_L)
    tabs = []
    for d in range(input_dim):
        for tr in range(node_num):
            for s in range(128 // _L):
                cc = _L * s + lane
                bl = (128 * tr + cc) // node_num
                n = (2 * tr + cc) % node_num
                q = input_dim * n + d
                tabs.append((obs_off + (q // 8) * obs_chunk
                             + (bl // 128) * 1024 + (q % 8) * 128
                             + bl % 128).astype(np.int32))
    for d in range(out_d - input_dim):
        for rr in range(node_num):
            n = (rr + lane) % node_num
            tabs.append(np.where(n == 0, d, 8 + d).astype(np.int32))
    tabs.append(((lane // num_edges) * node_num).astype(np.int32))
    tabs.append((lane % num_edges).astype(np.int32))
    tabs.append((num_edges + lane % num_edges).astype(np.int32))
    consts_np = np.concatenate(tabs)
    n_const = consts_np.shape[0]
    n_xvec = input_dim * node_num * (128 // _L)

    mesh = plsc.VectorSubcoreMesh(core_axis_name="c", subcore_axis_name="s")

    @functools.partial(
        pl.kernel,
        out_type=[
            jax.ShapeDtypeStruct((8 * ncols,), jnp.float32),
            jax.ShapeDtypeStruct((2 * batch * num_edges,), jnp.int32),
        ],
        mesh=mesh,
        compiler_params=pltpu.CompilerParams(needs_layout_passes=False),
        scratch_types=[
            pltpu.VMEM((obs_off + 2 * obs_chunk,), jnp.float32),
            pltpu.VMEM((wtiles * 1024,), jnp.float32),
            pltpu.VMEM((2 * num_edges,), jnp.int32),
            pltpu.VMEM((2 * ei_words,), jnp.int32),
            pltpu.VMEM((n_const,), jnp.int32),
            pltpu.SemaphoreType.DMA,
            pltpu.SemaphoreType.DMA,
            pltpu.SemaphoreType.DMA,
        ],
    )
    def sc_call(o0_hbm, o1_hbm, e0_hbm, e1_hbm, ei_hbm, consts_hbm,
                x_hbm, eiout_hbm,
                stage, outbuf, eist, eibuf, constv, sem_a, sem_b, sem_o):
        wid = lax.axis_index("s") * nc + lax.axis_index("c")
        base = wid * nb
        h_small = [
            pltpu.async_copy(e0_hbm, stage.at[pl.ds(0, init_dim)], sem_a),
            pltpu.async_copy(e1_hbm, stage.at[pl.ds(8, init_dim)], sem_a),
            pltpu.async_copy(ei_hbm, eist, sem_a),
            pltpu.async_copy(consts_hbm, constv, sem_a),
        ]
        h_obs = [
            pltpu.async_copy(o0_hbm.at[pl.ds(wid * obs_chunk, obs_chunk)],
                             stage.at[pl.ds(obs_off, obs_chunk)], sem_b),
            pltpu.async_copy(o1_hbm.at[pl.ds(wid * obs_chunk, obs_chunk)],
                             stage.at[pl.ds(obs_off + obs_chunk, obs_chunk)],
                             sem_b),
        ]
        for h in h_small:
            h.wait()

        ce = n_xvec + 2 * node_num
        tri = constv[pl.ds(_L * ce, _L)] + node_num * base
        b0 = plsc.load_gather(eist, [constv[pl.ds(_L * (ce + 1), _L)]]) + tri
        b1 = plsc.load_gather(eist, [constv[pl.ds(_L * (ce + 2), _L)]]) + tri
        bs = [(b0 + s * ei_step, b1 + s * ei_step)
              for s in range(128 // _L)]

        def eibody(c, carry):
            cc = c * ((128 // _L) * ei_step)
            co = c * 256
            for s in range(128 // _L):
                eibuf[pl.ds(co + _L * s, _L)] = bs[s][0] + cc
                eibuf[pl.ds(co + 128 + _L * s, _L)] = bs[s][1] + cc
            return carry
        lax.fori_loop(0, n_ec, eibody, 0, unroll=False)

        h_out = [
            pltpu.async_copy(
                eibuf,
                eiout_hbm.at[pl.ds(wid * (2 * ei_words), 2 * ei_words)],
                sem_o),
        ]
        for h in h_obs:
            h.wait()

        xbase = wid * (wtiles * 1024)
        for lo, hi in ((0, n_macro // 2), (n_macro // 2, n_macro)):
            for d in range(input_dim):
                kb = [constv[pl.ds(_L * (d * 24 + j), _L)] for j in range(24)]

                def xbody(mi, carry, _d=d, _kb=kb):
                    mo = mi * (node_num * 1024) + _d * 128
                    sst = stage.at[pl.ds(mi * 1024,
                                         obs_off + obs_chunk + 1024)]
                    for tr in range(node_num):
                        for s in range(128 // _L):
                            outbuf[pl.ds(mo + tr * 1024 + _L * s, _L)] = \
                                plsc.load_gather(sst, [_kb[tr * 8 + s]])
                    return carry
                lax.fori_loop(lo, hi, xbody, 0, unroll=False)

            for d in range(input_dim, out_d):
                vals = [plsc.load_gather(
                            stage,
                            [constv[pl.ds(_L * (n_xvec + (d - input_dim)
                                                * node_num + rr), _L)]])
                        for rr in range(node_num)]

                def ibody(mi, carry, _d=d, _vals=vals):
                    mo = mi * (node_num * 1024) + _d * 128
                    for tr in range(node_num):
                        for s in range(128 // _L):
                            rr = (2 * tr + _L * s) % node_num
                            outbuf[pl.ds(mo + tr * 1024 + _L * s, _L)] = \
                                _vals[rr]
                    return carry
                lax.fori_loop(lo, hi, ibody, 0, unroll=False)

            for t in range(lo * node_num, hi * node_num):
                h_out.append(pltpu.async_copy(
                    outbuf.at[pl.ds(t * 1024, 768)],
                    x_hbm.at[pl.ds(xbase + t * 1024, 768)], sem_o))

        for h in h_out:
            h.wait()

    return sc_call, consts_np


def kernel(obs, ego_init, other_init, edge_index):
    batch, obs_dim = obs.shape
    node_num = obs_dim // _INPUT_DIM
    init_dim = ego_init.shape[0]
    num_edges = edge_index.shape[1]
    sc_call, consts_np = _build_sc_call(batch, node_num, _INPUT_DIM,
                                        init_dim, num_edges)
    nrow = node_num * _INPUT_DIM
    ncols = batch * node_num
    o0 = obs[:, :8].T.reshape(8, batch // 128, 128) \
                     .transpose(1, 0, 2).reshape(-1)
    o1 = jnp.concatenate(
        [obs[:, 8:].T, jnp.zeros((16 - nrow, batch), obs.dtype)], axis=0) \
        .reshape(8, batch // 128, 128).transpose(1, 0, 2).reshape(-1)
    xphys, ei_img = sc_call(o0, o1, ego_init, other_init,
                            edge_index.reshape(-1),
                            jnp.asarray(consts_np))
    x = xphys.reshape(ncols // 128, 8, 128).transpose(1, 0, 2) \
             .reshape(8, ncols)[:_INPUT_DIM + init_dim].T
    ei = ei_img.reshape(batch * num_edges // 128, 2, 128) \
               .transpose(1, 0, 2).reshape(2, batch * num_edges)
    return x, ei

# --- scband reference (transcript-rebuilt; emitter-appended) ---
"""Pipeline reference for scband-traffic-graph-builder-43447889166510 (READ-ONLY COPY).

The authoritative reference and input builder live on the scoring server;
editing this copy changes nothing except your own understanding.
"""

import jax, jax.numpy as jnp
import numpy as np

INPUT_DIM = 4


def setup_inputs(seed: int = 0) -> dict:
    key = jax.random.key(seed)
    batch_size = 65536
    node_num = 3
    obs = jax.random.normal(key, (batch_size, node_num * INPUT_DIM), dtype=jnp.float32)
    ego_init = jnp.array([0.0, 1.0], dtype=jnp.float32)
    other_init = jnp.array([1.0, 0.0], dtype=jnp.float32)
    edge_index = jnp.array([[0, 0, 1, 2], [1, 2, 0, 0]], dtype=jnp.int32)
    return {"obs": obs, "ego_init": ego_init, "other_init": other_init, "edge_index": edge_index}


def reference(obs, ego_init, other_init, edge_index):
    batch_size, obs_dim = obs.shape
    node_num = obs_dim // INPUT_DIM
    init_dim = ego_init.shape[0]
    output_dim = INPUT_DIM + init_dim

    # node features: [:, :, :input_dim] = obs; node 0 gets ego_init, nodes 1: get other_init
    obs_r = obs.reshape(batch_size, node_num, INPUT_DIM)
    init_feat = jnp.concatenate(
        [ego_init[None, :], jnp.broadcast_to(other_init[None, :], (node_num - 1, init_dim))],
        axis=0,
    )  # [node_num, init_dim]
    init_b = jnp.broadcast_to(init_feat[None, :, :], (batch_size, node_num, init_dim))
    x = jnp.concatenate([obs_r, init_b], axis=-1)
    x = x.reshape(batch_size * node_num, output_dim)

    # batched edge_index with per-sample node offsets
    offsets = (jnp.arange(batch_size, dtype=edge_index.dtype) * node_num)[:, None, None]
    ei = edge_index[None, :, :] + offsets  # [batch, 2, E]
    ei = jnp.transpose(ei, (1, 0, 2)).reshape(2, -1)
    return (x, ei)

if __name__ == "__main__":
    import jax
    _d = setup_inputs()
    print(jax.jit(kernel)(*tuple(_d.values())))

</pallas_src>

<mosaic_0001>
#map = affine_map<(d0, d1) -> (0)>
module attributes {stable_mosaic.version = 14 : i64} {
  func.func @sc_call(%arg0: i32, %arg1: i32, %arg2: memref<524288xf32, #tpu.memory_space<hbm>>, %arg3: memref<524288xf32, #tpu.memory_space<hbm>>, %arg4: memref<2xf32, #tpu.memory_space<hbm>>, %arg5: memref<2xf32, #tpu.memory_space<hbm>>, %arg6: memref<8xi32, #tpu.memory_space<hbm>>, %arg7: memref<1680xi32, #tpu.memory_space<hbm>>, %arg8: memref<1572864xf32, #tpu.memory_space<hbm>>, %arg9: memref<524288xi32, #tpu.memory_space<hbm>>, %arg10: memref<32784xf32, #tpu.memory_space<vmem>>, %arg11: memref<49152xf32, #tpu.memory_space<vmem>>, %arg12: memref<8xi32, #tpu.memory_space<vmem>>, %arg13: memref<16384xi32, #tpu.memory_space<vmem>>, %arg14: memref<1680xi32, #tpu.memory_space<vmem>>, %arg15: memref<!tpu.dma_semaphore, #tpu.memory_space<semaphore_mem>>, %arg16: memref<!tpu.dma_semaphore, #tpu.memory_space<semaphore_mem>>, %arg17: memref<!tpu.dma_semaphore, #tpu.memory_space<semaphore_mem>>) attributes {dimension_semantics = [#tpu.dimension_semantics<core_parallel>, #tpu.dimension_semantics<subcore_parallel>], iteration_bounds = array<i64: 2, 16>, scalar_prefetch = 0 : i64, scratch_operands = 8 : i64, tpu.core_type = #tpu.core_type<sc_vector_subcore>, window_params = [{transform_indices = #map}, {transform_indices = #map}, {transform_indices = #map}, {transform_indices = #map}, {transform_indices = #map}, {transform_indices = #map}, {transform_indices = #map}, {transform_indices = #map}]} {
    %mul3A = arith.constant 2 : i32
    %mul3A_0 = arith.muli %arg1, %mul3A : i32
    %add3A = arith.addi %mul3A_0, %arg0 : i32
    %mul3A_1 = arith.constant 2048 : i32
    %mul3A_2 = arith.muli %add3A, %mul3A_1 : i32
    %dma_start3A = arith.constant 0 : i32
    %dma_start3A_3 = tpu.memref_slice %arg10[%dma_start3A] : memref<32784xf32, #tpu.memory_space<vmem>> -> memref<2xf32, #tpu.memory_space<vmem>>
    %dma_start3A_4 = arith.constant 0 : i32
    %dma_start3A_5 = tpu.memref_slice %arg10[%dma_start3A_4] : memref<32784xf32, #tpu.memory_space<vmem>> -> memref<2xf32, #tpu.memory_space<vmem>>
    tpu.enqueue_dma source(%arg4 : memref<2xf32, #tpu.memory_space<hbm>>) target(%dma_start3A_5 : memref<2xf32, #tpu.memory_space<vmem>>) target_semaphore(%arg15 : memref<!tpu.dma_semaphore, #tpu.memory_space<semaphore_mem>>)
    %dma_start3A_6 = arith.constant 8 : i32
    %dma_start3A_7 = tpu.memref_slice %arg10[%dma_start3A_6] : memref<32784xf32, #tpu.memory_space<vmem>> -> memref<2xf32, #tpu.memory_space<vmem>>
    %dma_start3A_8 = arith.constant 8 : i32
    %dma_start3A_9 = tpu.memref_slice %arg10[%dma_start3A_8] : memref<32784xf32, #tpu.memory_space<vmem>> -> memref<2xf32, #tpu.memory_space<vmem>>
    tpu.enqueue_dma source(%arg5 : memref<2xf32, #tpu.memory_space<hbm>>) target(%dma_start3A_9 : memref<2xf32, #tpu.memory_space<vmem>>) target_semaphore(%arg15 : memref<!tpu.dma_semaphore, #tpu.memory_space<semaphore_mem>>)
    tpu.enqueue_dma source(%arg6 : memref<8xi32, #tpu.memory_space<hbm>>) target(%arg12 : memref<8xi32, #tpu.memory_space<vmem>>) target_semaphore(%arg15 : memref<!tpu.dma_semaphore, #tpu.memory_space<semaphore_mem>>)
    tpu.enqueue_dma source(%arg7 : memref<1680xi32, #tpu.memory_space<hbm>>) target(%arg14 : memref<1680xi32, #tpu.memory_space<vmem>>) target_semaphore(%arg15 : memref<!tpu.dma_semaphore, #tpu.memory_space<semaphore_mem>>)
    %mul3A_10 = arith.constant 16384 : i32
    %mul3A_11 = arith.muli %add3A, %mul3A_10 : i32
    %dma_start3A_12 = arith.constant 16 : i32
    %dma_start3A_13 = tpu.memref_slice %arg10[%dma_start3A_12] : memref<32784xf32, #tpu.memory_space<vmem>> -> memref<16384xf32, #tpu.memory_space<vmem>>
    %dma_start3A_14 = tpu.memref_slice %arg2[%mul3A_11] : memref<524288xf32, #tpu.memory_space<hbm>> -> memref<16384xf32, #tpu.memory_space<hbm>>
    %dma_start3A_15 = arith.constant 16 : i32
    %dma_start3A_16 = tpu.memref_slice %arg10[%dma_start3A_15] : memref<32784xf32, #tpu.memory_space<vmem>> -> memref<16384xf32, #tpu.memory_space<vmem>>
    %dma_start3A_17 = tpu.memref_slice %arg2[%mul3A_11] : memref<524288xf32, #tpu.memory_space<hbm>> -> memref<16384xf32, #tpu.memory_space<hbm>>
    tpu.enqueue_dma source(%dma_start3A_17 : memref<16384xf32, #tpu.memory_space<hbm>>) target(%dma_start3A_16 : memref<16384xf32, #tpu.memory_space<vmem>>) target_semaphore(%arg16 : memref<!tpu.dma_semaphore, #tpu.memory_space<semaphore_mem>>)
    %mul3A_18 = arith.constant 16384 : i32
    %mul3A_19 = arith.muli %add3A, %mul3A_18 : i32
    %dma_start3A_20 = arith.constant 16400 : i32
    %dma_start3A_21 = tpu.memref_slice %arg10[%dma_start3A_20] : memref<32784xf32, #tpu.memory_space<vmem>> -> memref<16384xf32, #tpu.memory_space<vmem>>
    %dma_start3A_22 = tpu.memref_slice %arg3[%mul3A_19] : memref<524288xf32, #tpu.memory_space<hbm>> -> memref<16384xf32, #tpu.memory_space<hbm>>
    %dma_start3A_23 = arith.constant 16400 : i32
    %dma_start3A_24 = tpu.memref_slice %arg10[%dma_start3A_23] : memref<32784xf32, #tpu.memory_space<vmem>> -> memref<16384xf32, #tpu.memory_space<vmem>>
    %dma_start3A_25 = tpu.memref_slice %arg3[%mul3A_19] : memref<524288xf32, #tpu.memory_space<hbm>> -> memref<16384xf32, #tpu.memory_space<hbm>>
    tpu.enqueue_dma source(%dma_start3A_25 : memref<16384xf32, #tpu.memory_space<hbm>>) target(%dma_start3A_24 : memref<16384xf32, #tpu.memory_space<vmem>>) target_semaphore(%arg16 : memref<!tpu.dma_semaphore, #tpu.memory_space<semaphore_mem>>)
    %dma_wait3A = arith.constant 0 : i32
    %dma_wait3A_26 = tpu.memref_slice %arg10[%dma_wait3A] : memref<32784xf32, #tpu.memory_space<vmem>> -> memref<2xf32, #tpu.memory_space<vmem>>
    %dma_wait3A_27 = arith.constant 0 : i32
    %dma_wait3A_28 = tpu.memref_slice %arg10[%dma_wait3A_27] : memref<32784xf32, #tpu.memory_space<vmem>> -> memref<2xf32, #tpu.memory_space<vmem>>
    tpu.wait_dma2 semaphore(%arg15 : memref<!tpu.dma_semaphore, #tpu.memory_space<semaphore_mem>>) src(%arg4 : memref<2xf32, #tpu.memory_space<hbm>>) dst(%dma_wait3A_28 : memref<2xf32, #tpu.memory_space<vmem>>)
    %dma_wait3A_29 = arith.constant 8 : i32
    %dma_wait3A_30 = tpu.memref_slice %arg10[%dma_wait3A_29] : memref<32784xf32, #tpu.memory_space<vmem>> -> memref<2xf32, #tpu.memory_space<vmem>>
    %dma_wait3A_31 = arith.constant 8 : i32
    %dma_wait3A_32 = tpu.memref_slice %arg10[%dma_wait3A_31] : memref<32784xf32, #tpu.memory_space<vmem>> -> memref<2xf32, #tpu.memory_space<vmem>>
    tpu.wait_dma2 semaphore(%arg15 : memref<!tpu.dma_semaphore, #tpu.memory_space<semaphore_mem>>) src(%arg5 : memref<2xf32, #tpu.memory_space<hbm>>) dst(%dma_wait3A_32 : memref<2xf32, #tpu.memory_space<vmem>>)
    tpu.wait_dma2 semaphore(%arg15 : memref<!tpu.dma_semaphore, #tpu.memory_space<semaphore_mem>>) src(%arg6 : memref<8xi32, #tpu.memory_space<hbm>>) dst(%arg12 : memref<8xi32, #tpu.memory_space<vmem>>)
    tpu.wait_dma2 semaphore(%arg15 : memref<!tpu.dma_semaphore, #tpu.memory_space<semaphore_mem>>) src(%arg7 : memref<1680xi32, #tpu.memory_space<hbm>>) dst(%arg14 : memref<1680xi32, #tpu.memory_space<vmem>>)
    %get3A = arith.constant 1632 : index
    %get3A_33 = tpu.vector_load %arg14[%get3A] {strides = array<i32>} : memref<1680xi32, #tpu.memory_space<vmem>>, vector<16xi32>,
    %mul3A_34 = arith.constant 3 : i32
    %mul3A_35 = arith.muli %mul3A_34, %mul3A_2 : i32
    %add3A_36 = vector.broadcast %mul3A_35 : i32 to vector<16xi32>
    %add3A_37 = arith.addi %get3A_33, %add3A_36 : vector<16xi32>
    %get3A_38 = arith.constant 1648 : index
    %get3A_39 = tpu.vector_load %arg14[%get3A_38] {strides = array<i32>} : memref<1680xi32, #tpu.memory_space<vmem>>, vector<16xi32>,
    %gather3A = tpu.vector_load_idx %arg12[%get3A_39] : memref<8xi32, #tpu.memory_space<vmem>>[vector<16xi32>], vector<16xi32>,
    %add3A_40 = arith.addi %gather3A, %add3A_37 : vector<16xi32>
    %get3A_41 = arith.constant 1664 : index
    %get3A_42 = tpu.vector_load %arg14[%get3A_41] {strides = array<i32>} : memref<1680xi32, #tpu.memory_space<vmem>>, vector<16xi32>,
    %gather3A_43 = tpu.vector_load_idx %arg12[%get3A_42] : memref<8xi32, #tpu.memory_space<vmem>>[vector<16xi32>], vector<16xi32>,
    %add3A_44 = arith.addi %gather3A_43, %add3A_37 : vector<16xi32>
    %add3A_45 = arith.constant 0 : i32
    %add3A_46 = vector.broadcast %add3A_45 : i32 to vector<16xi32>
    %add3A_47 = arith.addi %add3A_40, %add3A_46 : vector<16xi32>
    %add3A_48 = arith.constant 0 : i32
    %add3A_49 = vector.broadcast %add3A_48 : i32 to vector<16xi32>
    %add3A_50 = arith.addi %add3A_44, %add3A_49 : vector<16xi32>
    %add3A_51 = arith.constant 12 : i32
    %add3A_52 = vector.broadcast %add3A_51 : i32 to vector<16xi32>
    %add3A_53 = arith.addi %add3A_40, %add3A_52 : vector<16xi32>
    %add3A_54 = arith.constant 12 : i32
    %add3A_55 = vector.broadcast %add3A_54 : i32 to vector<16xi32>
    %add3A_56 = arith.addi %add3A_44, %add3A_55 : vector<16xi32>
    %add3A_57 = arith.constant 24 : i32
    %add3A_58 = vector.broadcast %add3A_57 : i32 to vector<16xi32>
    %add3A_59 = arith.addi %add3A_40, %add3A_58 : vector<16xi32>
    %add3A_60 = arith.constant 24 : i32
    %add3A_61 = vector.broadcast %add3A_60 : i32 to vector<16xi32>
    %add3A_62 = arith.addi %add3A_44, %add3A_61 : vector<16xi32>
    %add3A_63 = arith.constant 36 : i32
    %add3A_64 = vector.broadcast %add3A_63 : i32 to vector<16xi32>
    %add3A_65 = arith.addi %add3A_40, %add3A_64 : vector<16xi32>
    %add3A_66 = arith.constant 36 : i32
    %add3A_67 = vector.broadcast %add3A_66 : i32 to vector<16xi32>
    %add3A_68 = arith.addi %add3A_44, %add3A_67 : vector<16xi32>
    %add3A_69 = arith.constant 48 : i32
    %add3A_70 = vector.broadcast %add3A_69 : i32 to vector<16xi32>
    %add3A_71 = arith.addi %add3A_40, %add3A_70 : vector<16xi32>
    %add3A_72 = arith.constant 48 : i32
    %add3A_73 = vector.broadcast %add3A_72 : i32 to vector<16xi32>
    %add3A_74 = arith.addi %add3A_44, %add3A_73 : vector<16xi32>
    %add3A_75 = arith.constant 60 : i32
    %add3A_76 = vector.broadcast %add3A_75 : i32 to vector<16xi32>
    %add3A_77 = arith.addi %add3A_40, %add3A_76 : vector<16xi32>
    %add3A_78 = arith.constant 60 : i32
    %add3A_79 = vector.broadcast %add3A_78 : i32 to vector<16xi32>
    %add3A_80 = arith.addi %add3A_44, %add3A_79 : vector<16xi32>
    %add3A_81 = arith.constant 72 : i32
    %add3A_82 = vector.broadcast %add3A_81 : i32 to vector<16xi32>
    %add3A_83 = arith.addi %add3A_40, %add3A_82 : vector<16xi32>
    %add3A_84 = arith.constant 72 : i32
    %add3A_85 = vector.broadcast %add3A_84 : i32 to vector<16xi32>
    %add3A_86 = arith.addi %add3A_44, %add3A_85 : vector<16xi32>
    %add3A_87 = arith.constant 84 : i32
    %add3A_88 = vector.broadcast %add3A_87 : i32 to vector<16xi32>
    %add3A_89 = arith.addi %add3A_40, %add3A_88 : vector<16xi32>
    %add3A_90 = arith.constant 84 : i32
    %add3A_91 = vector.broadcast %add3A_90 : i32 to vector<16xi32>
    %add3A_92 = arith.addi %add3A_44, %add3A_91 : vector<16xi32>
    %scan3A = arith.constant 0 : i32
    %scan3A_93 = arith.constant 0 : i32
    %scan3A_94 = arith.constant 64 : i32
    %scan3A_95 = arith.addi %scan3A_93, %scan3A_94 : i32
    %scan3A_96 = arith.constant 1 : i32
    scf.for %scan3A_1282 = %scan3A_93 to %scan3A_95 step %scan3A_96  : i32 {
      %mul3A_1283 = arith.constant 96 : i32
      %mul3A_1284 = arith.muli %scan3A_1282, %mul3A_1283 : i32
      %mul3A_1285 = arith.constant 256 : i32
      %mul3A_1286 = arith.muli %scan3A_1282, %mul3A_1285 : i32
      %add3A_1287 = vector.broadcast %mul3A_1284 : i32 to vector<16xi32>
      %add3A_1288 = arith.addi %add3A_47, %add3A_1287 : vector<16xi32>
      %add3A_1289 = arith.constant 0 : i32
      %add3A_1290 = arith.addi %mul3A_1286, %add3A_1289 : i32
      %swap3A = arith.index_cast %add3A_1290 : i32 to index
      %swap3A_1291 = tpu.vector_load %arg13[%swap3A] {strides = array<i32>} : memref<16384xi32, #tpu.memory_space<vmem>>, vector<16xi32>,
      tpu.vector_store %arg13[%swap3A], %add3A_1288 {strides = array<i32>} : memref<16384xi32, #tpu.memory_space<vmem>>, vector<16xi32>,
      %add3A_1292 = vector.broadcast %mul3A_1284 : i32 to vector<16xi32>
      %add3A_1293 = arith.addi %add3A_50, %add3A_1292 : vector<16xi32>
      %add3A_1294 = arith.constant 128 : i32
      %add3A_1295 = arith.addi %mul3A_1286, %add3A_1294 : i32
      %add3A_1296 = arith.constant 0 : i32
      %add3A_1297 = arith.addi %add3A_1295, %add3A_1296 : i32
      %swap3A_1298 = arith.index_cast %add3A_1297 : i32 to index
      %swap3A_1299 = tpu.vector_load %arg13[%swap3A_1298] {strides = array<i32>} : memref<16384xi32, #tpu.memory_space<vmem>>, vector<16xi32>,
      tpu.vector_store %arg13[%swap3A_1298], %add3A_1293 {strides = array<i32>} : memref<16384xi32, #tpu.memory_space<vmem>>, vector<16xi32>,
      %add3A_1300 = vector.broadcast %mul3A_1284 : i32 to vector<16xi32>
      %add3A_1301 = arith.addi %add3A_53, %add3A_1300 : vector<16xi32>
      %add3A_1302 = arith.constant 16 : i32
      %add3A_1303 = arith.addi %mul3A_1286, %add3A_1302 : i32
      %swap3A_1304 = arith.index_cast %add3A_1303 : i32 to index
      %swap3A_1305 = tpu.vector_load %arg13[%swap3A_1304] {strides = array<i32>} : memref<16384xi32, #tpu.memory_space<vmem>>, vector<16xi32>,
      tpu.vector_store %arg13[%swap3A_1304], %add3A_1301 {strides = array<i32>} : memref<16384xi32, #tpu.memory_space<vmem>>, vector<16xi32>,
      %add3A_1306 = vector.broadcast %mul3A_1284 : i32 to vector<16xi32>
      %add3A_1307 = arith.addi %add3A_56, %add3A_1306 : vector<16xi32>
      %add3A_1308 = arith.constant 128 : i32
      %add3A_1309 = arith.addi %mul3A_1286, %add3A_1308 : i32
      %add3A_1310 = arith.constant 16 : i32
      %add3A_1311 = arith.addi %add3A_1309, %add3A_1310 : i32
      %swap3A_1312 = arith.index_cast %add3A_1311 : i32 to index
      %swap3A_1313 = tpu.vector_load %arg13[%swap3A_1312] {strides = array<i32>} : memref<16384xi32, #tpu.memory_space<vmem>>, vector<16xi32>,
      tpu.vector_store %arg13[%swap3A_1312], %add3A_1307 {strides = array<i32>} : memref<16384xi32, #tpu.memory_space<vmem>>, vector<16xi32>,
      %add3A_1314 = vector.broadcast %mul3A_1284 : i32 to vector<16xi32>
      %add3A_1315 = arith.addi %add3A_59, %add3A_1314 : vector<16xi32>
      %add3A_1316 = arith.constant 32 : i32
      %add3A_1317 = arith.addi %mul3A_1286, %add3A_1316 : i32
      %swap3A_1318 = arith.index_cast %add3A_1317 : i32 to index
      %swap3A_1319 = tpu.vector_load %arg13[%swap3A_1318] {strides = array<i32>} : memref<16384xi32, #tpu.memory_space<vmem>>, vector<16xi32>,
      tpu.vector_store %arg13[%swap3A_1318], %add3A_1315 {strides = array<i32>} : memref<16384xi32, #tpu.memory_space<vmem>>, vector<16xi32>,
      %add3A_1320 = vector.broadcast %mul3A_1284 : i32 to vector<16xi32>
      %add3A_1321 = arith.addi %add3A_62, %add3A_1320 : vector<16xi32>
      %add3A_1322 = arith.constant 128 : i32
      %add3A_1323 = arith.addi %mul3A_1286, %add3A_1322 : i32
      %add3A_1324 = arith.constant 32 : i32
      %add3A_1325 = arith.addi %add3A_1323, %add3A_1324 : i32
      %swap3A_1326 = arith.index_cast %add3A_1325 : i32 to index
      %swap3A_1327 = tpu.vector_load %arg13[%swap3A_1326] {strides = array<i32>} : memref<16384xi32, #tpu.memory_space<vmem>>, vector<16xi32>,
      tpu.vector_store %arg13[%swap3A_1326], %add3A_1321 {strides = array<i32>} : memref<16384xi32, #tpu.memory_space<vmem>>, vector<16xi32>,
      %add3A_1328 = vector.broadcast %mul3A_1284 : i32 to vector<16xi32>
      %add3A_1329 = arith.addi %add3A_65, %add3A_1328 : vector<16xi32>
      %add3A_1330 = arith.constant 48 : i32
      %add3A_1331 = arith.addi %mul3A_1286, %add3A_1330 : i32
      %swap3A_1332 = arith.index_cast %add3A_1331 : i32 to index
      %swap3A_1333 = tpu.vector_load %arg13[%swap3A_1332] {strides = array<i32>} : memref<16384xi32, #tpu.memory_space<vmem>>, vector<16xi32>,
      tpu.vector_store %arg13[%swap3A_1332], %add3A_1329 {strides = array<i32>} : memref<16384xi32, #tpu.memory_space<vmem>>, vector<16xi32>,
      %add3A_1334 = vector.broadcast %mul3A_1284 : i32 to vector<16xi32>
      %add3A_1335 = arith.addi %add3A_68, %add3A_1334 : vector<16xi32>
      %add3A_1336 = arith.constant 128 : i32
      %add3A_1337 = arith.addi %mul3A_1286, %add3A_1336 : i32
      %add3A_1338 = arith.constant 48 : i32
      %add3A_1339 = arith.addi %add3A_1337, %add3A_1338 : i32
      %swap3A_1340 = arith.index_cast %add3A_1339 : i32 to index
      %swap3A_1341 = tpu.vector_load %arg13[%swap3A_1340] {strides = array<i32>} : memref<16384xi32, #tpu.memory_space<vmem>>, vector<16xi32>,
      tpu.vector_store %arg13[%swap3A_1340], %add3A_1335 {strides = array<i32>} : memref<16384xi32, #tpu.memory_space<vmem>>, vector<16xi32>,
      %add3A_1342 = vector.broadcast %mul3A_1284 : i32 to vector<16xi32>
      %add3A_1343 = arith.addi %add3A_71, %add3A_1342 : vector<16xi32>
      %add3A_1344 = arith.constant 64 : i32
      %add3A_1345 = arith.addi %mul3A_1286, %add3A_1344 : i32
      %swap3A_1346 = arith.index_cast %add3A_1345 : i32 to index
      %swap3A_1347 = tpu.vector_load %arg13[%swap3A_1346] {strides = array<i32>} : memref<16384xi32, #tpu.memory_space<vmem>>, vector<16xi32>,
      tpu.vector_store %arg13[%swap3A_1346], %add3A_1343 {strides = array<i32>} : memref<16384xi32, #tpu.memory_space<vmem>>, vector<16xi32>,
      %add3A_1348 = vector.broadcast %mul3A_1284 : i32 to vector<16xi32>
      %add3A_1349 = arith.addi %add3A_74, %add3A_1348 : vector<16xi32>
      %add3A_1350 = arith.constant 128 : i32
      %add3A_1351 = arith.addi %mul3A_1286, %add3A_1350 : i32
      %add3A_1352 = arith.constant 64 : i32
      %add3A_1353 = arith.addi %add3A_1351, %add3A_1352 : i32
      %swap3A_1354 = arith.index_cast %add3A_1353 : i32 to index
      %swap3A_1355 = tpu.vector_load %arg13[%swap3A_1354] {strides = array<i32>} : memref<16384xi32, #tpu.memory_space<vmem>>, vector<16xi32>,
      tpu.vector_store %arg13[%swap3A_1354], %add3A_1349 {strides = array<i32>} : memref<16384xi32, #tpu.memory_space<vmem>>, vector<16xi32>,
      %add3A_1356 = vector.broadcast %mul3A_1284 : i32 to vector<16xi32>
      %add3A_1357 = arith.addi %add3A_77, %add3A_1356 : vector<16xi32>
      %add3A_1358 = arith.constant 80 : i32
      %add3A_1359 = arith.addi %mul3A_1286, %add3A_1358 : i32
      %swap3A_1360 = arith.index_cast %add3A_1359 : i32 to index
      %swap3A_1361 = tpu.vector_load %arg13[%swap3A_1360] {strides = array<i32>} : memref<16384xi32, #tpu.memory_space<vmem>>, vector<16xi32>,
      tpu.vector_store %arg13[%swap3A_1360], %add3A_1357 {strides = array<i32>} : memref<16384xi32, #tpu.memory_space<vmem>>, vector<16xi32>,
      %add3A_1362 = vector.broadcast %mul3A_1284 : i32 to vector<16xi32>
      %add3A_1363 = arith.addi %add3A_80, %add3A_1362 : vector<16xi32>
      %add3A_1364 = arith.constant 128 : i32
      %add3A_1365 = arith.addi %mul3A_1286, %add3A_1364 : i32
      %add3A_1366 = arith.constant 80 : i32
      %add3A_1367 = arith.addi %add3A_1365, %add3A_1366 : i32
      %swap3A_1368 = arith.index_cast %add3A_1367 : i32 to index
      %swap3A_1369 = tpu.vector_load %arg13[%swap3A_1368] {strides = array<i32>} : memref<16384xi32, #tpu.memory_space<vmem>>, vector<16xi32>,
      tpu.vector_store %arg13[%swap3A_1368], %add3A_1363 {strides = array<i32>} : memref<16384xi32, #tpu.memory_space<vmem>>, vector<16xi32>,
      %add3A_1370 = vector.broadcast %mul3A_1284 : i32 to vector<16xi32>
      %add3A_1371 = arith.addi %add3A_83, %add3A_1370 : vector<16xi32>
      %add3A_1372 = arith.constant 96 : i32
      %add3A_1373 = arith.addi %mul3A_1286, %add3A_1372 : i32
      %swap3A_1374 = arith.index_cast %add3A_1373 : i32 to index
      %swap3A_1375 = tpu.vector_load %arg13[%swap3A_1374] {strides = array<i32>} : memref<16384xi32, #tpu.memory_space<vmem>>, vector<16xi32>,
      tpu.vector_store %arg13[%swap3A_1374], %add3A_1371 {strides = array<i32>} : memref<16384xi32, #tpu.memory_space<vmem>>, vector<16xi32>,
      %add3A_1376 = vector.broadcast %mul3A_1284 : i32 to vector<16xi32>
      %add3A_1377 = arith.addi %add3A_86, %add3A_1376 : vector<16xi32>
      %add3A_1378 = arith.constant 128 : i32
      %add3A_1379 = arith.addi %mul3A_1286, %add3A_1378 : i32
      %add3A_1380 = arith.constant 96 : i32
      %add3A_1381 = arith.addi %add3A_1379, %add3A_1380 : i32
      %swap3A_1382 = arith.index_cast %add3A_1381 : i32 to index
      %swap3A_1383 = tpu.vector_load %arg13[%swap3A_1382] {strides = array<i32>} : memref<16384xi32, #tpu.memory_space<vmem>>, vector<16xi32>,
      tpu.vector_store %arg13[%swap3A_1382], %add3A_1377 {strides = array<i32>} : memref<16384xi32, #tpu.memory_space<vmem>>, vector<16xi32>,
      %add3A_1384 = vector.broadcast %mul3A_1284 : i32 to vector<16xi32>
      %add3A_1385 = arith.addi %add3A_89, %add3A_1384 : vector<16xi32>
      %add3A_1386 = arith.constant 112 : i32
      %add3A_1387 = arith.addi %mul3A_1286, %add3A_1386 : i32
      %swap3A_1388 = arith.index_cast %add3A_1387 : i32 to index
      %swap3A_1389 = tpu.vector_load %arg13[%swap3A_1388] {strides = array<i32>} : memref<16384xi32, #tpu.memory_space<vmem>>, vector<16xi32>,
      tpu.vector_store %arg13[%swap3A_1388], %add3A_1385 {strides = array<i32>} : memref<16384xi32, #tpu.memory_space<vmem>>, vector<16xi32>,
      %add3A_1390 = vector.broadcast %mul3A_1284 : i32 to vector<16xi32>
      %add3A_1391 = arith.addi %add3A_92, %add3A_1390 : vector<16xi32>
      %add3A_1392 = arith.constant 128 : i32
      %add3A_1393 = arith.addi %mul3A_1286, %add3A_1392 : i32
      %add3A_1394 = arith.constant 112 : i32
      %add3A_1395 = arith.addi %add3A_1393, %add3A_1394 : i32
      %swap3A_1396 = arith.index_cast %add3A_1395 : i32 to index
      %swap3A_1397 = tpu.vector_load %arg13[%swap3A_1396] {strides = array<i32>} : memref<16384xi32, #tpu.memory_space<vmem>>, vector<16xi32>,
      tpu.vector_store %arg13[%swap3A_1396], %add3A_1391 {strides = array<i32>} : memref<16384xi32, #tpu.memory_space<vmem>>, vector<16xi32>,
    }
    %scan3A_97 = arith.constant 64 : i32
    %mul3A_98 = arith.constant 16384 : i32
    %mul3A_99 = arith.muli %add3A, %mul3A_98 : i32
    %dma_start3A_100 = tpu.memref_slice %arg9[%mul3A_99] : memref<524288xi32, #tpu.memory_space<hbm>> -> memref<16384xi32, #tpu.memory_space<hbm>>
    %dma_start3A_101 = tpu.memref_slice %arg9[%mul3A_99] : memref<524288xi32, #tpu.memory_space<hbm>> -> memref<16384xi32, #tpu.memory_space<hbm>>
    tpu.enqueue_dma source(%arg13 : memref<16384xi32, #tpu.memory_space<vmem>>) target(%dma_start3A_101 : memref<16384xi32, #tpu.memory_space<hbm>>) target_semaphore(%arg17 : memref<!tpu.dma_semaphore, #tpu.memory_space<semaphore_mem>>)
    %dma_wait3A_102 = arith.constant 16 : i32
    %dma_wait3A_103 = tpu.memref_slice %arg10[%dma_wait3A_102] : memref<32784xf32, #tpu.memory_space<vmem>> -> memref<16384xf32, #tpu.memory_space<vmem>>
    %dma_wait3A_104 = tpu.memref_slice %arg2[%mul3A_11] : memref<524288xf32, #tpu.memory_space<hbm>> -> memref<16384xf32, #tpu.memory_space<hbm>>
    %dma_wait3A_105 = arith.constant 16 : i32
    %dma_wait3A_106 = tpu.memref_slice %arg10[%dma_wait3A_105] : memref<32784xf32, #tpu.memory_space<vmem>> -> memref<16384xf32, #tpu.memory_space<vmem>>
    %dma_wait3A_107 = tpu.memref_slice %arg2[%mul3A_11] : memref<524288xf32, #tpu.memory_space<hbm>> -> memref<16384xf32, #tpu.memory_space<hbm>>
    tpu.wait_dma2 semaphore(%arg16 : memref<!tpu.dma_semaphore, #tpu.memory_space<semaphore_mem>>) src(%dma_wait3A_107 : memref<16384xf32, #tpu.memory_space<hbm>>) dst(%dma_wait3A_106 : memref<16384xf32, #tpu.memory_space<vmem>>)
    %dma_wait3A_108 = arith.constant 16400 : i32
    %dma_wait3A_109 = tpu.memref_slice %arg10[%dma_wait3A_108] : memref<32784xf32, #tpu.memory_space<vmem>> -> memref<16384xf32, #tpu.memory_space<vmem>>
    %dma_wait3A_110 = tpu.memref_slice %arg3[%mul3A_19] : memref<524288xf32, #tpu.memory_space<hbm>> -> memref<16384xf32, #tpu.memory_space<hbm>>
    %dma_wait3A_111 = arith.constant 16400 : i32
    %dma_wait3A_112 = tpu.memref_slice %arg10[%dma_wait3A_111] : memref<32784xf32, #tpu.memory_space<vmem>> -> memref<16384xf32, #tpu.memory_space<vmem>>
    %dma_wait3A_113 = tpu.memref_slice %arg3[%mul3A_19] : memref<524288xf32, #tpu.memory_space<hbm>> -> memref<16384xf32, #tpu.memory_space<hbm>>
    tpu.wait_dma2 semaphore(%arg16 : memref<!tpu.dma_semaphore, #tpu.memory_space<semaphore_mem>>) src(%dma_wait3A_113 : memref<16384xf32, #tpu.memory_space<hbm>>) dst(%dma_wait3A_112 : memref<16384xf32, #tpu.memory_space<vmem>>)
    %mul3A_114 = arith.constant 49152 : i32
    %mul3A_115 = arith.muli %add3A, %mul3A_114 : i32
    %get3A_116 = arith.constant 0 : index
    %get3A_117 = tpu.vector_load %arg14[%get3A_116] {strides = array<i32>} : memref<1680xi32, #tpu.memory_space<vmem>>, vector<16xi32>,
    %get3A_118 = arith.constant 16 : index
    %get3A_119 = tpu.vector_load %arg14[%get3A_118] {strides = array<i32>} : memref<1680xi32, #tpu.memory_space<vmem>>, vector<16xi32>,
    %get3A_120 = arith.constant 32 : index
    %get3A_121 = tpu.vector_load %arg14[%get3A_120] {strides = array<i32>} : memref<1680xi32, #tpu.memory_space<vmem>>, vector<16xi32>,
    %get3A_122 = arith.constant 48 : index
    %get3A_123 = tpu.vector_load %arg14[%get3A_122] {strides = array<i32>} : memref<1680xi32, #tpu.memory_space<vmem>>, vector<16xi32>,
    %get3A_124 = arith.constant 64 : index
    %get3A_125 = tpu.vector_load %arg14[%get3A_124] {strides = array<i32>} : memref<1680xi32, #tpu.memory_space<vmem>>, vector<16xi32>,
    %get3A_126 = arith.constant 80 : index
    %get3A_127 = tpu.vector_load %arg14[%get3A_126] {strides = array<i32>} : memref<1680xi32, #tpu.memory_space<vmem>>, vector<16xi32>,
    %get3A_128 = arith.constant 96 : index
    %get3A_129 = tpu.vector_load %arg14[%get3A_128] {strides = array<i32>} : memref<1680xi32, #tpu.memory_space<vmem>>, vector<16xi32>,
    %get3A_130 = arith.constant 112 : index
    %get3A_131 = tpu.vector_load %arg14[%get3A_130] {strides = array<i32>} : memref<1680xi32, #tpu.memory_space<vmem>>, vector<16xi32>,
    %get3A_132 = arith.constant 128 : index
    %get3A_133 = tpu.vector_load %arg14[%get3A_132] {strides = array<i32>} : memref<1680xi32, #tpu.memory_space<vmem>>, vector<16xi32>,
    %get3A_134 = arith.constant 144 : index
    %get3A_135 = tpu.vector_load %arg14[%get3A_134] {strides = array<i32>} : memref<1680xi32, #tpu.memory_space<vmem>>, vector<16xi32>,
    %get3A_136 = arith.constant 160 : index
    %get3A_137 = tpu.vector_load %arg14[%get3A_136] {strides = array<i32>} : memref<1680xi32, #tpu.memory_space<vmem>>, vector<16xi32>,
    %get3A_138 = arith.constant 176 : index
    %get3A_139 = tpu.vector_load %arg14[%get3A_138] {strides = array<i32>} : memref<1680xi32, #tpu.memory_space<vmem>>, vector<16xi32>,
    %get3A_140 = arith.constant 192 : index
    %get3A_141 = tpu.vector_load %arg14[%get3A_140] {strides = array<i32>} : memref<1680xi32, #tpu.memory_space<vmem>>, vector<16xi32>,
    %get3A_142 = arith.constant 208 : index
    %get3A_143 = tpu.vector_load %arg14[%get3A_142] {strides = array<i32>} : memref<1680xi32, #tpu.memory_space<vmem>>, vector<16xi32>,
    %get3A_144 = arith.constant 224 : index
    %get3A_145 = tpu.vector_load %arg14[%get3A_144] {strides = array<i32>} : memref<1680xi32, #tpu.memory_space<vmem>>, vector<16xi32>,
    %get3A_146 = arith.constant 240 : index
    %get3A_147 = tpu.vector_load %arg14[%get3A_146] {strides = array<i32>} : memref<1680xi32, #tpu.memory_space<vmem>>, vector<16xi32>,
    %get3A_148 = arith.constant 256 : index
    %get3A_149 = tpu.vector_load %arg14[%get3A_148] {strides = array<i32>} : memref<1680xi32, #tpu.memory_space<vmem>>, vector<16xi32>,
    %get3A_150 = arith.constant 272 : index
    %get3A_151 = tpu.vector_load %arg14[%get3A_150] {strides = array<i32>} : memref<1680xi32, #tpu.memory_space<vmem>>, vector<16xi32>,
    %get3A_152 = arith.constant 288 : index
    %get3A_153 = tpu.vector_load %arg14[%get3A_152] {strides = array<i32>} : memref<1680xi32, #tpu.memory_space<vmem>>, vector<16xi32>,
    %get3A_154 = arith.constant 304 : index
    %get3A_155 = tpu.vector_load %arg14[%get3A_154] {strides = array<i32>} : memref<1680xi32, #tpu.memory_space<vmem>>, vector<16xi32>,
    %get3A_156 = arith.constant 320 : index
    %get3A_157 = tpu.vector_load %arg14[%get3A_156] {strides = array<i32>} : memref<1680xi32, #tpu.memory_space<vmem>>, vector<16xi32>,
    %get3A_158 = arith.constant 336 : index
    %get3A_159 = tpu.vector_load %arg14[%get3A_158] {strides = array<i32>} : memref<1680xi32, #tpu.memory_space<vmem>>, vector<16xi32>,
    %get3A_160 = arith.constant 352 : index
    %get3A_161 = tpu.vector_load %arg14[%get3A_160] {strides = array<i32>} : memref<1680xi32, #tpu.memory_space<vmem>>, vector<16xi32>,
    %get3A_162 = arith.constant 368 : index
    %get3A_163 = tpu.vector_load %arg14[%get3A_162] {strides = array<i32>} : memref<1680xi32, #tpu.memory_space<vmem>>, vector<16xi32>,
    %scan3A_164 = arith.constant 0 : i32
    %scan3A_165 = arith.constant 0 : i32
    %scan3A_166 = arith.constant 8 : i32
    %scan3A_167 = arith.addi %scan3A_165, %scan3A_166 : i32
    %scan3A_168 = arith.constant 1 : i32
    scf.for %scan3A_1282 = %scan3A_165 to %scan3A_167 step %scan3A_168  : i32 {
      %mul3A_1283 = arith.constant 3072 : i32
      %mul3A_1284 = arith.muli %scan3A_1282, %mul3A_1283 : i32
      %add3A_1285 = arith.constant 0 : i32
      %add3A_1286 = arith.addi %mul3A_1284, %add3A_1285 : i32
      %mul3A_1287 = arith.constant 1024 : i32
      %mul3A_1288 = arith.muli %scan3A_1282, %mul3A_1287 : i32
      %gather3A_1289 = tpu.memref_slice %arg10[%mul3A_1288] : memref<32784xf32, #tpu.memory_space<vmem>> -> memref<17424xf32, #tpu.memory_space<vmem>>
      %gather3A_1290 = tpu.vector_load_idx %gather3A_1289[%get3A_117] : memref<17424xf32, #tpu.memory_space<vmem>>[vector<16xi32>], vector<16xf32>,
      %add3A_1291 = arith.constant 0 : i32
      %add3A_1292 = arith.addi %add3A_1286, %add3A_1291 : i32
      %add3A_1293 = arith.constant 0 : i32
      %add3A_1294 = arith.addi %add3A_1292, %add3A_1293 : i32
      %swap3A = arith.index_cast %add3A_1294 : i32 to index
      %swap3A_1295 = tpu.vector_load %arg11[%swap3A] {strides = array<i32>} : memref<49152xf32, #tpu.memory_space<vmem>>, vector<16xf32>,
      tpu.vector_store %arg11[%swap3A], %gather3A_1290 {strides = array<i32>} : memref<49152xf32, #tpu.memory_space<vmem>>, vector<16xf32>,
      %gather3A_1296 = tpu.memref_slice %arg10[%mul3A_1288] : memref<32784xf32, #tpu.memory_space<vmem>> -> memref<17424xf32, #tpu.memory_space<vmem>>
      %gather3A_1297 = tpu.vector_load_idx %gather3A_1296[%get3A_119] : memref<17424xf32, #tpu.memory_space<vmem>>[vector<16xi32>], vector<16xf32>,
      %add3A_1298 = arith.constant 0 : i32
      %add3A_1299 = arith.addi %add3A_1286, %add3A_1298 : i32
      %add3A_1300 = arith.constant 16 : i32
      %add3A_1301 = arith.addi %add3A_1299, %add3A_1300 : i32
      %swap3A_1302 = arith.index_cast %add3A_1301 : i32 to index
      %swap3A_1303 = tpu.vector_load %arg11[%swap3A_1302] {strides = array<i32>} : memref<49152xf32, #tpu.memory_space<vmem>>, vector<16xf32>,
      tpu.vector_store %arg11[%swap3A_1302], %gather3A_1297 {strides = array<i32>} : memref<49152xf32, #tpu.memory_space<vmem>>, vector<16xf32>,
      %gather3A_1304 = tpu.memref_slice %arg10[%mul3A_1288] : memref<32784xf32, #tpu.memory_space<vmem>> -> memref<17424xf32, #tpu.memory_space<vmem>>
      %gather3A_1305 = tpu.vector_load_idx %gather3A_1304[%get3A_121] : memref<17424xf32, #tpu.memory_space<vmem>>[vector<16xi32>], vector<16xf32>,
      %add3A_1306 = arith.constant 0 : i32
      %add3A_1307 = arith.addi %add3A_1286, %add3A_1306 : i32
      %add3A_1308 = arith.constant 32 : i32
      %add3A_1309 = arith.addi %add3A_1307, %add3A_1308 : i32
      %swap3A_1310 = arith.index_cast %add3A_1309 : i32 to index
      %swap3A_1311 = tpu.vector_load %arg11[%swap3A_1310] {strides = array<i32>} : memref<49152xf32, #tpu.memory_space<vmem>>, vector<16xf32>,
      tpu.vector_store %arg11[%swap3A_1310], %gather3A_1305 {strides = array<i32>} : memref<49152xf32, #tpu.memory_space<vmem>>, vector<16xf32>,
      %gather3A_1312 = tpu.memref_slice %arg10[%mul3A_1288] : memref<32784xf32, #tpu.memory_space<vmem>> -> memref<17424xf32, #tpu.memory_space<vmem>>
      %gather3A_1313 = tpu.vector_load_idx %gather3A_1312[%get3A_123] : memref<17424xf32, #tpu.memory_space<vmem>>[vector<16xi32>], vector<16xf32>,
      %add3A_1314 = arith.constant 0 : i32
      %add3A_1315 = arith.addi %add3A_1286, %add3A_1314 : i32
      %add3A_1316 = arith.constant 48 : i32
      %add3A_1317 = arith.addi %add3A_1315, %add3A_1316 : i32
      %swap3A_1318 = arith.index_cast %add3A_1317 : i32 to index
      %swap3A_1319 = tpu.vector_load %arg11[%swap3A_1318] {strides = array<i32>} : memref<49152xf32, #tpu.memory_space<vmem>>, vector<16xf32>,
      tpu.vector_store %arg11[%swap3A_1318], %gather3A_1313 {strides = array<i32>} : memref<49152xf32, #tpu.memory_space<vmem>>, vector<16xf32>,
      %gather3A_1320 = tpu.memref_slice %arg10[%mul3A_1288] : memref<32784xf32, #tpu.memory_space<vmem>> -> memref<17424xf32, #tpu.memory_space<vmem>>
      %gather3A_1321 = tpu.vector_load_idx %gather3A_1320[%get3A_125] : memref<17424xf32, #tpu.memory_space<vmem>>[vector<16xi32>], vector<16xf32>,
      %add3A_1322 = arith.constant 0 : i32
      %add3A_1323 = arith.addi %add3A_1286, %add3A_1322 : i32
      %add3A_1324 = arith.constant 64 : i32
      %add3A_1325 = arith.addi %add3A_1323, %add3A_1324 : i32
      %swap3A_1326 = arith.index_cast %add3A_1325 : i32 to index
      %swap3A_1327 = tpu.vector_load %arg11[%swap3A_1326] {strides = array<i32>} : memref<49152xf32, #tpu.memory_space<vmem>>, vector<16xf32>,
      tpu.vector_store %arg11[%swap3A_1326], %gather3A_1321 {strides = array<i32>} : memref<49152xf32, #tpu.memory_space<vmem>>, vector<16xf32>,
      %gather3A_1328 = tpu.memref_slice %arg10[%mul3A_1288] : memref<32784xf32, #tpu.memory_space<vmem>> -> memref<17424xf32, #tpu.memory_space<vmem>>
      %gather3A_1329 = tpu.vector_load_idx %gather3A_1328[%get3A_127] : memref<17424xf32, #tpu.memory_space<vmem>>[vector<16xi32>], vector<16xf32>,
      %add3A_1330 = arith.constant 0 : i32
      %add3A_1331 = arith.addi %add3A_1286, %add3A_1330 : i32
      %add3A_1332 = arith.constant 80 : i32
      %add3A_1333 = arith.addi %add3A_1331, %add3A_1332 : i32
      %swap3A_1334 = arith.index_cast %add3A_1333 : i32 to index
      %swap3A_1335 = tpu.vector_load %arg11[%swap3A_1334] {strides = array<i32>} : memref<49152xf32, #tpu.memory_space<vmem>>, vector<16xf32>,
      tpu.vector_store %arg11[%swap3A_1334], %gather3A_1329 {strides = array<i32>} : memref<49152xf32, #tpu.memory_space<vmem>>, vector<16xf32>,
      %gather3A_1336 = tpu.memref_slice %arg10[%mul3A_1288] : memref<32784xf32, #tpu.memory_space<vmem>> -> memref<17424xf32, #tpu.memory_space<vmem>>
      %gather3A_1337 = tpu.vector_load_idx %gather3A_1336[%get3A_129] : memref<17424xf32, #tpu.memory_space<vmem>>[vector<16xi32>], vector<16xf32>,
      %add3A_1338 = arith.constant 0 : i32
      %add3A_1339 = arith.addi %add3A_1286, %add3A_1338 : i32
      %add3A_1340 = arith.constant 96 : i32
      %add3A_1341 = arith.addi %add3A_1339, %add3A_1340 : i32
      %swap3A_1342 = arith.index_cast %add3A_1341 : i32 to index
      %swap3A_1343 = tpu.vector_load %arg11[%swap3A_1342] {strides = array<i32>} : memref<49152xf32, #tpu.memory_space<vmem>>, vector<16xf32>,
      tpu.vector_store %arg11[%swap3A_1342], %gather3A_1337 {strides = array<i32>} : memref<49152xf32, #tpu.memory_space<vmem>>, vector<16xf32>,
      %gather3A_1344 = tpu.memref_slice %arg10[%mul3A_1288] : memref<32784xf32, #tpu.memory_space<vmem>> -> memref<17424xf32, #tpu.memory_space<vmem>>
      %gather3A_1345 = tpu.vector_load_idx %gather3A_1344[%get3A_131] : memref<17424xf32, #tpu.memory_space<vmem>>[vector<16xi32>], vector<16xf32>,
      %add3A_1346 = arith.constant 0 : i32
      %add3A_1347 = arith.addi %add3A_1286, %add3A_1346 : i32
      %add3A_1348 = arith.constant 112 : i32
      %add3A_1349 = arith.addi %add3A_1347, %add3A_1348 : i32
      %swap3A_1350 = arith.index_cast %add3A_1349 : i32 to index
      %swap3A_1351 = tpu.vector_load %arg11[%swap3A_1350] {strides = array<i32>} : memref<49152xf32, #tpu.memory_space<vmem>>, vector<16xf32>,
      tpu.vector_store %arg11[%swap3A_1350], %gather3A_1345 {strides = array<i32>} : memref<49152xf32, #tpu.memory_space<vmem>>, vector<16xf32>,
      %gather3A_1352 = tpu.memref_slice %arg10[%mul3A_1288] : memref<32784xf32, #tpu.memory_space<vmem>> -> memref<17424xf32, #tpu.memory_space<vmem>>
      %gather3A_1353 = tpu.vector_load_idx %gather3A_1352[%get3A_133] : memref<17424xf32, #tpu.memory_space<vmem>>[vector<16xi32>], vector<16xf32>,
      %add3A_1354 = arith.constant 1024 : i32
      %add3A_1355 = arith.addi %add3A_1286, %add3A_1354 : i32
      %add3A_1356 = arith.constant 0 : i32
      %add3A_1357 = arith.addi %add3A_1355, %add3A_1356 : i32
      %swap3A_1358 = arith.index_cast %add3A_1357 : i32 to index
      %swap3A_1359 = tpu.vector_load %arg11[%swap3A_1358] {strides = array<i32>} : memref<49152xf32, #tpu.memory_space<vmem>>, vector<16xf32>,
      tpu.vector_store %arg11[%swap3A_1358], %gather3A_1353 {strides = array<i32>} : memref<49152xf32, #tpu.memory_space<vmem>>, vector<16xf32>,
      %gather3A_1360 = tpu.memref_slice %arg10[%mul3A_1288] : memref<32784xf32, #tpu.memory_space<vmem>> -> memref<17424xf32, #tpu.memory_space<vmem>>
      %gather3A_1361 = tpu.vector_load_idx %gather3A_1360[%get3A_135] : memref<17424xf32, #tpu.memory_space<vmem>>[vector<16xi32>], vector<16xf32>,
      %add3A_1362 = arith.constant 1024 : i32
      %add3A_1363 = arith.addi %add3A_1286, %add3A_1362 : i32
      %add3A_1364 = arith.constant 16 : i32
      %add3A_1365 = arith.addi %add3A_1363, %add3A_1364 : i32
      %swap3A_1366 = arith.index_cast %add3A_1365 : i32 to index
      %swap3A_1367 = tpu.vector_load %arg11[%swap3A_1366] {strides = array<i32>} : memref<49152xf32, #tpu.memory_space<vmem>>, vector<16xf32>,
      tpu.vector_store %arg11[%swap3A_1366], %gather3A_1361 {strides = array<i32>} : memref<49152xf32, #tpu.memory_space<vmem>>, vector<16xf32>,
      %gather3A_1368 = tpu.memref_slice %arg10[%mul3A_1288] : memref<32784xf32, #tpu.memory_space<vmem>> -> memref<17424xf32, #tpu.memory_space<vmem>>
      %gather3A_1369 = tpu.vector_load_idx %gather3A_1368[%get3A_137] : memref<17424xf32, #tpu.memory_space<vmem>>[vector<16xi32>], vector<16xf32>,
      %add3A_1370 = arith.constant 1024 : i32
      %add3A_1371 = arith.addi %add3A_1286, %add3A_1370 : i32
      %add3A_1372 = arith.constant 32 : i32
      %add3A_1373 = arith.addi %add3A_1371, %add3A_1372 : i32
      %swap3A_1374 = arith.index_cast %add3A_1373 : i32 to index
      %swap3A_1375 = tpu.vector_load %arg11[%swap3A_1374] {strides = array<i32>} : memref<49152xf32, #tpu.memory_space<vmem>>, vector<16xf32>,
      tpu.vector_store %arg11[%swap3A_1374], %gather3A_1369 {strides = array<i32>} : memref<49152xf32, #tpu.memory_space<vmem>>, vector<16xf32>,
      %gather3A_1376 = tpu.memref_slice %arg10[%mul3A_1288] : memref<32784xf32, #tpu.memory_space<vmem>> -> memref<17424xf32, #tpu.memory_space<vmem>>
      %gather3A_1377 = tpu.vector_load_idx %gather3A_1376[%get3A_139] : memref<17424xf32, #tpu.memory_space<vmem>>[vector<16xi32>], vector<16xf32>,
      %add3A_1378 = arith.constant 1024 : i32
      %add3A_1379 = arith.addi %add3A_1286, %add3A_1378 : i32
      %add3A_1380 = arith.constant 48 : i32
      %add3A_1381 = arith.addi %add3A_1379, %add3A_1380 : i32
      %swap3A_1382 = arith.index_cast %add3A_1381 : i32 to index
      %swap3A_1383 = tpu.vector_load %arg11[%swap3A_1382] {strides = array<i32>} : memref<49152xf32, #tpu.memory_space<vmem>>, vector<16xf32>,
      tpu.vector_store %arg11[%swap3A_1382], %gather3A_1377 {strides = array<i32>} : memref<49152xf32, #tpu.memory_space<vmem>>, vector<16xf32>,
      %gather3A_1384 = tpu.memref_slice %arg10[%mul3A_1288] : memref<32784xf32, #tpu.memory_space<vmem>> -> memref<17424xf32, #tpu.memory_space<vmem>>
      %gather3A_1385 = tpu.vector_load_idx %gather3A_1384[%get3A_141] : memref<17424xf32, #tpu.memory_space<vmem>>[vector<16xi32>], vector<16xf32>,
      %add3A_1386 = arith.constant 1024 : i32
      %add3A_1387 = arith.addi %add3A_1286, %add3A_1386 : i32
      %add3A_1388 = arith.constant 64 : i32
      %add3A_1389 = arith.addi %add3A_1387, %add3A_1388 : i32
      %swap3A_1390 = arith.index_cast %add3A_1389 : i32 to index
      %swap3A_1391 = tpu.vector_load %arg11[%swap3A_1390] {strides = array<i32>} : memref<49152xf32, #tpu.memory_space<vmem>>, vector<16xf32>,
      tpu.vector_store %arg11[%swap3A_1390], %gather3A_1385 {strides = array<i32>} : memref<49152xf32, #tpu.memory_space<vmem>>, vector<16xf32>,
      %gather3A_1392 = tpu.memref_slice %arg10[%mul3A_1288] : memref<32784xf32, #tpu.memory_space<vmem>> -> memref<17424xf32, #tpu.memory_space<vmem>>
      %gather3A_1393 = tpu.vector_load_idx %gather3A_1392[%get3A_143] : memref<17424xf32, #tpu.memory_space<vmem>>[vector<16xi32>], vector<16xf32>,
      %add3A_1394 = arith.constant 1024 : i32
      %add3A_1395 = arith.addi %add3A_1286, %add3A_1394 : i32
      %add3A_1396 = arith.constant 80 : i32
      %add3A_1397 = arith.addi %add3A_1395, %add3A_1396 : i32
      %swap3A_1398 = arith.index_cast %add3A_1397 : i32 to index
      %swap3A_1399 = tpu.vector_load %arg11[%swap3A_1398] {strides = array<i32>} : memref<49152xf32, #tpu.memory_space<vmem>>, vector<16xf32>,
      tpu.vector_store %arg11[%swap3A_1398], %gather3A_1393 {strides = array<i32>} : memref<49152xf32, #tpu.memory_space<vmem>>, vector<16xf32>,
      %gather3A_1400 = tpu.memref_slice %arg10[%mul3A_1288] : memref<32784xf32, #tpu.memory_space<vmem>> -> memref<17424xf32, #tpu.memory_space<vmem>>
      %gather3A_1401 = tpu.vector_load_idx %gather3A_1400[%get3A_145] : memref<17424xf32, #tpu.memory_space<vmem>>[vector<16xi32>], vector<16xf32>,
      %add3A_1402 = arith.constant 1024 : i32
      %add3A_1403 = arith.addi %add3A_1286, %add3A_1402 : i32
      %add3A_1404 = arith.constant 96 : i32
      %add3A_1405 = arith.addi %add3A_1403, %add3A_1404 : i32
      %swap3A_1406 = arith.index_cast %add3A_1405 : i32 to index
      %swap3A_1407 = tpu.vector_load %arg11[%swap3A_1406] {strides = array<i32>} : memref<49152xf32, #tpu.memory_space<vmem>>, vector<16xf32>,
      tpu.vector_store %arg11[%swap3A_1406], %gather3A_1401 {strides = array<i32>} : memref<49152xf32, #tpu.memory_space<vmem>>, vector<16xf32>,
      %gather3A_1408 = tpu.memref_slice %arg10[%mul3A_1288] : memref<32784xf32, #tpu.memory_space<vmem>> -> memref<17424xf32, #tpu.memory_space<vmem>>
      %gather3A_1409 = tpu.vector_load_idx %gather3A_1408[%get3A_147] : memref<17424xf32, #tpu.memory_space<vmem>>[vector<16xi32>], vector<16xf32>,
      %add3A_1410 = arith.constant 1024 : i32
      %add3A_1411 = arith.addi %add3A_1286, %add3A_1410 : i32
      %add3A_1412 = arith.constant 112 : i32
      %add3A_1413 = arith.addi %add3A_1411, %add3A_1412 : i32
      %swap3A_1414 = arith.index_cast %add3A_1413 : i32 to index
      %swap3A_1415 = tpu.vector_load %arg11[%swap3A_1414] {strides = array<i32>} : memref<49152xf32, #tpu.memory_space<vmem>>, vector<16xf32>,
      tpu.vector_store %arg11[%swap3A_1414], %gather3A_1409 {strides = array<i32>} : memref<49152xf32, #tpu.memory_space<vmem>>, vector<16xf32>,
      %gather3A_1416 = tpu.memref_slice %arg10[%mul3A_1288] : memref<32784xf32, #tpu.memory_space<vmem>> -> memref<17424xf32, #tpu.memory_space<vmem>>
      %gather3A_1417 = tpu.vector_load_idx %gather3A_1416[%get3A_149] : memref<17424xf32, #tpu.memory_space<vmem>>[vector<16xi32>], vector<16xf32>,
      %add3A_1418 = arith.constant 2048 : i32
      %add3A_1419 = arith.addi %add3A_1286, %add3A_1418 : i32
      %add3A_1420 = arith.constant 0 : i32
      %add3A_1421 = arith.addi %add3A_1419, %add3A_1420 : i32
      %swap3A_1422 = arith.index_cast %add3A_1421 : i32 to index
      %swap3A_1423 = tpu.vector_load %arg11[%swap3A_1422] {strides = array<i32>} : memref<49152xf32, #tpu.memory_space<vmem>>, vector<16xf32>,
      tpu.vector_store %arg11[%swap3A_1422], %gather3A_1417 {strides = array<i32>} : memref<49152xf32, #tpu.memory_space<vmem>>, vector<16xf32>,
      %gather3A_1424 = tpu.memref_slice %arg10[%mul3A_1288] : memref<32784xf32, #tpu.memory_space<vmem>> -> memref<17424xf32, #tpu.memory_space<vmem>>
      %gather3A_1425 = tpu.vector_load_idx %gather3A_1424[%get3A_151] : memref<17424xf32, #tpu.memory_space<vmem>>[vector<16xi32>], vector<16xf32>,
      %add3A_1426 = arith.constant 2048 : i32
      %add3A_1427 = arith.addi %add3A_1286, %add3A_1426 : i32
      %add3A_1428 = arith.constant 16 : i32
      %add3A_1429 = arith.addi %add3A_1427, %add3A_1428 : i32
      %swap3A_1430 = arith.index_cast %add3A_1429 : i32 to index
      %swap3A_1431 = tpu.vector_load %arg11[%swap3A_1430] {strides = array<i32>} : memref<49152xf32, #tpu.memory_space<vmem>>, vector<16xf32>,
      tpu.vector_store %arg11[%swap3A_1430], %gather3A_1425 {strides = array<i32>} : memref<49152xf32, #tpu.memory_space<vmem>>, vector<16xf32>,
      %gather3A_1432 = tpu.memref_slice %arg10[%mul3A_1288] : memref<32784xf32, #tpu.memory_space<vmem>> -> memref<17424xf32, #tpu.memory_space<vmem>>
      %gather3A_1433 = tpu.vector_load_idx %gather3A_1432[%get3A_153] : memref<17424xf32, #tpu.memory_space<vmem>>[vector<16xi32>], vector<16xf32>,
      %add3A_1434 = arith.constant 2048 : i32
      %add3A_1435 = arith.addi %add3A_1286, %add3A_1434 : i32
      %add3A_1436 = arith.constant 32 : i32
      %add3A_1437 = arith.addi %add3A_1435, %add3A_1436 : i32
      %swap3A_1438 = arith.index_cast %add3A_1437 : i32 to index
      %swap3A_1439 = tpu.vector_load %arg11[%swap3A_1438] {strides = array<i32>} : memref<49152xf32, #tpu.memory_space<vmem>>, vector<16xf32>,
      tpu.vector_store %arg11[%swap3A_1438], %gather3A_1433 {strides = array<i32>} : memref<49152xf32, #tpu.memory_space<vmem>>, vector<16xf32>,
      %gather3A_1440 = tpu.memref_slice %arg10[%mul3A_1288] : memref<32784xf32, #tpu.memory_space<vmem>> -> memref<17424xf32, #tpu.memory_space<vmem>>
      %gather3A_1441 = tpu.vector_load_idx %gather3A_1440[%get3A_155] : memref<17424xf32, #tpu.memory_space<vmem>>[vector<16xi32>], vector<16xf32>,
      %add3A_1442 = arith.constant 2048 : i32
      %add3A_1443 = arith.addi %add3A_1286, %add3A_1442 : i32
      %add3A_1444 = arith.constant 48 : i32
      %add3A_1445 = arith.addi %add3A_1443, %add3A_1444 : i32
      %swap3A_1446 = arith.index_cast %add3A_1445 : i32 to index
      %swap3A_1447 = tpu.vector_load %arg11[%swap3A_1446] {strides = array<i32>} : memref<49152xf32, #tpu.memory_space<vmem>>, vector<16xf32>,
      tpu.vector_store %arg11[%swap3A_1446], %gather3A_1441 {strides = array<i32>} : memref<49152xf32, #tpu.memory_space<vmem>>, vector<16xf32>,
      %gather3A_1448 = tpu.memref_slice %arg10[%mul3A_1288] : memref<32784xf32, #tpu.memory_space<vmem>> -> memref<17424xf32, #tpu.memory_space<vmem>>
      %gather3A_1449 = tpu.vector_load_idx %gather3A_1448[%get3A_157] : memref<17424xf32, #tpu.memory_space<vmem>>[vector<16xi32>], vector<16xf32>,
      %add3A_1450 = arith.constant 2048 : i32
      %add3A_1451 = arith.addi %add3A_1286, %add3A_1450 : i32
      %add3A_1452 = arith.constant 64 : i32
      %add3A_1453 = arith.addi %add3A_1451, %add3A_1452 : i32
      %swap3A_1454 = arith.index_cast %add3A_1453 : i32 to index
      %swap3A_1455 = tpu.vector_load %arg11[%swap3A_1454] {strides = array<i32>} : memref<49152xf32, #tpu.memory_space<vmem>>, vector<16xf32>,
      tpu.vector_store %arg11[%swap3A_1454], %gather3A_1449 {strides = array<i32>} : memref<49152xf32, #tpu.memory_space<vmem>>, vector<16xf32>,
      %gather3A_1456 = tpu.memref_slice %arg10[%mul3A_1288] : memref<32784xf32, #tpu.memory_space<vmem>> -> memref<17424xf32, #tpu.memory_space<vmem>>
      %gather3A_1457 = tpu.vector_load_idx %gather3A_1456[%get3A_159] : memref<17424xf32, #tpu.memory_space<vmem>>[vector<16xi32>], vector<16xf32>,
      %add3A_1458 = arith.constant 2048 : i32
      %add3A_1459 = arith.addi %add3A_1286, %add3A_1458 : i32
      %add3A_1460 = arith.constant 80 : i32
      %add3A_1461 = arith.addi %add3A_1459, %add3A_1460 : i32
      %swap3A_1462 = arith.index_cast %add3A_1461 : i32 to index
      %swap3A_1463 = tpu.vector_load %arg11[%swap3A_1462] {strides = array<i32>} : memref<49152xf32, #tpu.memory_space<vmem>>, vector<16xf32>,
      tpu.vector_store %arg11[%swap3A_1462], %gather3A_1457 {strides = array<i32>} : memref<49152xf32, #tpu.memory_space<vmem>>, vector<16xf32>,
      %gather3A_1464 = tpu.memref_slice %arg10[%mul3A_1288] : memref<32784xf32, #tpu.memory_space<vmem>> -> memref<17424xf32, #tpu.memory_space<vmem>>
      %gather3A_1465 = tpu.vector_load_idx %gather3A_1464[%get3A_161] : memref<17424xf32, #tpu.memory_space<vmem>>[vector<16xi32>], vector<16xf32>,
      %add3A_1466 = arith.constant 2048 : i32
      %add3A_1467 = arith.addi %add3A_1286, %add3A_1466 : i32
      %add3A_1468 = arith.constant 96 : i32
      %add3A_1469 = arith.addi %add3A_1467, %add3A_1468 : i32
      %swap3A_1470 = arith.index_cast %add3A_1469 : i32 to index
      %swap3A_1471 = tpu.vector_load %arg11[%swap3A_1470] {strides = array<i32>} : memref<49152xf32, #tpu.memory_space<vmem>>, vector<16xf32>,
      tpu.vector_store %arg11[%swap3A_1470], %gather3A_1465 {strides = array<i32>} : memref<49152xf32, #tpu.memory_space<vmem>>, vector<16xf32>,
      %gather3A_1472 = tpu.memref_slice %arg10[%mul3A_1288] : memref<32784xf32, #tpu.memory_space<vmem>> -> memref<17424xf32, #tpu.memory_space<vmem>>
      %gather3A_1473 = tpu.vector_load_idx %gather3A_1472[%get3A_163] : memref<17424xf32, #tpu.memory_space<vmem>>[vector<16xi32>], vector<16xf32>,
      %add3A_1474 = arith.constant 2048 : i32
      %add3A_1475 = arith.addi %add3A_1286, %add3A_1474 : i32
      %add3A_1476 = arith.constant 112 : i32
      %add3A_1477 = arith.addi %add3A_1475, %add3A_1476 : i32
      %swap3A_1478 = arith.index_cast %add3A_1477 : i32 to index
      %swap3A_1479 = tpu.vector_load %arg11[%swap3A_1478] {strides = array<i32>} : memref<49152xf32, #tpu.memory_space<vmem>>, vector<16xf32>,
      tpu.vector_store %arg11[%swap3A_1478], %gather3A_1473 {strides = array<i32>} : memref<49152xf32, #tpu.memory_space<vmem>>, vector<16xf32>,
    }
    %scan3A_169 = arith.constant 8 : i32
    %get3A_170 = arith.constant 384 : index
    %get3A_171 = tpu.vector_load %arg14[%get3A_170] {strides = array<i32>} : memref<1680xi32, #tpu.memory_space<vmem>>, vector<16xi32>,
    %get3A_172 = arith.constant 400 : index
    %get3A_173 = tpu.vector_load %arg14[%get3A_172] {strides = array<i32>} : memref<1680xi32, #tpu.memory_space<vmem>>, vector<16xi32>,
    %get3A_174 = arith.constant 416 : index
    %get3A_175 = tpu.vector_load %arg14[%get3A_174] {strides = array<i32>} : memref<1680xi32, #tpu.memory_space<vmem>>, vector<16xi32>,
    %get3A_176 = arith.constant 432 : index
    %get3A_177 = tpu.vector_load %arg14[%get3A_176] {strides = array<i32>} : memref<1680xi32, #tpu.memory_space<vmem>>, vector<16xi32>,
    %get3A_178 = arith.constant 448 : index
    %get3A_179 = tpu.vector_load %arg14[%get3A_178] {strides = array<i32>} : memref<1680xi32, #tpu.memory_space<vmem>>, vector<16xi32>,
    %get3A_180 = arith.constant 464 : index
    %get3A_181 = tpu.vector_load %arg14[%get3A_180] {strides = array<i32>} : memref<1680xi32, #tpu.memory_space<vmem>>, vector<16xi32>,
    %get3A_182 = arith.constant 480 : index
    %get3A_183 = tpu.vector_load %arg14[%get3A_182] {strides = array<i32>} : memref<1680xi32, #tpu.memory_space<vmem>>, vector<16xi32>,
    %get3A_184 = arith.constant 496 : index
    %get3A_185 = tpu.vector_load %arg14[%get3A_184] {strides = array<i32>} : memref<1680xi32, #tpu.memory_space<vmem>>, vector<16xi32>,
    %get3A_186 = arith.constant 512 : index
    %get3A_187 = tpu.vector_load %arg14[%get3A_186] {strides = array<i32>} : memref<1680xi32, #tpu.memory_space<vmem>>, vector<16xi32>,
    %get3A_188 = arith.constant 528 : index
    %get3A_189 = tpu.vector_load %arg14[%get3A_188] {strides = array<i32>} : memref<1680xi32, #tpu.memory_space<vmem>>, vector<16xi32>,
    %get3A_190 = arith.constant 544 : index
    %get3A_191 = tpu.vector_load %arg14[%get3A_190] {strides = array<i32>} : memref<1680xi32, #tpu.memory_space<vmem>>, vector<16xi32>,
    %get3A_192 = arith.constant 560 : index
    %get3A_193 = tpu.vector_load %arg14[%get3A_192] {strides = array<i32>} : memref<1680xi32, #tpu.memory_space<vmem>>, vector<16xi32>,
    %get3A_194 = arith.constant 576 : index
    %get3A_195 = tpu.vector_load %arg14[%get3A_194] {strides = array<i32>} : memref<1680xi32, #tpu.memory_space<vmem>>, vector<16xi32>,
    %get3A_196 = arith.constant 592 : index
    %get3A_197 = tpu.vector_load %arg14[%get3A_196] {strides = array<i32>} : memref<1680xi32, #tpu.memory_space<vmem>>, vector<16xi32>,
    %get3A_198 = arith.constant 608 : index
    %get3A_199 = tpu.vector_load %arg14[%get3A_198] {strides = array<i32>} : memref<1680xi32, #tpu.memory_space<vmem>>, vector<16xi32>,
    %get3A_200 = arith.constant 624 : index
    %get3A_201 = tpu.vector_load %arg14[%get3A_200] {strides = array<i32>} : memref<1680xi32, #tpu.memory_space<vmem>>, vector<16xi32>,
    %get3A_202 = arith.constant 640 : index
    %get3A_203 = tpu.vector_load %arg14[%get3A_202] {strides = array<i32>} : memref<1680xi32, #tpu.memory_space<vmem>>, vector<16xi32>,
    %get3A_204 = arith.constant 656 : index
    %get3A_205 = tpu.vector_load %arg14[%get3A_204] {strides = array<i32>} : memref<1680xi32, #tpu.memory_space<vmem>>, vector<16xi32>,
    %get3A_206 = arith.constant 672 : index
    %get3A_207 = tpu.vector_load %arg14[%get3A_206] {strides = array<i32>} : memref<1680xi32, #tpu.memory_space<vmem>>, vector<16xi32>,
    %get3A_208 = arith.constant 688 : index
    %get3A_209 = tpu.vector_load %arg14[%get3A_208] {strides = array<i32>} : memref<1680xi32, #tpu.memory_space<vmem>>, vector<16xi32>,
    %get3A_210 = arith.constant 704 : index
    %get3A_211 = tpu.vector_load %arg14[%get3A_210] {strides = array<i32>} : memref<1680xi32, #tpu.memory_space<vmem>>, vector<16xi32>,
    %get3A_212 = arith.constant 720 : index
    %get3A_213 = tpu.vector_load %arg14[%get3A_212] {strides = array<i32>} : memref<1680xi32, #tpu.memory_space<vmem>>, vector<16xi32>,
    %get3A_214 = arith.constant 736 : index
    %get3A_215 = tpu.vector_load %arg14[%get3A_214] {strides = array<i32>} : memref<1680xi32, #tpu.memory_space<vmem>>, vector<16xi32>,
    %get3A_216 = arith.constant 752 : index
    %get3A_217 = tpu.vector_load %arg14[%get3A_216] {strides = array<i32>} : memref<1680xi32, #tpu.memory_space<vmem>>, vector<16xi32>,
    %scan3A_218 = arith.constant 0 : i32
    %scan3A_219 = arith.constant 0 : i32
    %scan3A_220 = arith.constant 8 : i32
    %scan3A_221 = arith.addi %scan3A_219, %scan3A_220 : i32
    %scan3A_222 = arith.constant 1 : i32
    scf.for %scan3A_1282 = %scan3A_219 to %scan3A_221 step %scan3A_222  : i32 {
      %mul3A_1283 = arith.constant 3072 : i32
      %mul3A_1284 = arith.muli %scan3A_1282, %mul3A_1283 : i32
      %add3A_1285 = arith.constant 128 : i32
      %add3A_1286 = arith.addi %mul3A_1284, %add3A_1285 : i32
      %mul3A_1287 = arith.constant 1024 : i32
      %mul3A_1288 = arith.muli %scan3A_1282, %mul3A_1287 : i32
      %gather3A_1289 = tpu.memref_slice %arg10[%mul3A_1288] : memref<32784xf32, #tpu.memory_space<vmem>> -> memref<17424xf32, #tpu.memory_space<vmem>>
      %gather3A_1290 = tpu.vector_load_idx %gather3A_1289[%get3A_171] : memref<17424xf32, #tpu.memory_space<vmem>>[vector<16xi32>], vector<16xf32>,
      %add3A_1291 = arith.constant 0 : i32
      %add3A_1292 = arith.addi %add3A_1286, %add3A_1291 : i32
      %add3A_1293 = arith.constant 0 : i32
      %add3A_1294 = arith.addi %add3A_1292, %add3A_1293 : i32
      %swap3A = arith.index_cast %add3A_1294 : i32 to index
      %swap3A_1295 = tpu.vector_load %arg11[%swap3A] {strides = array<i32>} : memref<49152xf32, #tpu.memory_space<vmem>>, vector<16xf32>,
      tpu.vector_store %arg11[%swap3A], %gather3A_1290 {strides = array<i32>} : memref<49152xf32, #tpu.memory_space<vmem>>, vector<16xf32>,
      %gather3A_1296 = tpu.memref_slice %arg10[%mul3A_1288] : memref<32784xf32, #tpu.memory_space<vmem>> -> memref<17424xf32, #tpu.memory_space<vmem>>
      %gather3A_1297 = tpu.vector_load_idx %gather3A_1296[%get3A_173] : memref<17424xf32, #tpu.memory_space<vmem>>[vector<16xi32>], vector<16xf32>,
      %add3A_1298 = arith.constant 0 : i32
      %add3A_1299 = arith.addi %add3A_1286, %add3A_1298 : i32
      %add3A_1300 = arith.constant 16 : i32
      %add3A_1301 = arith.addi %add3A_1299, %add3A_1300 : i32
      %swap3A_1302 = arith.index_cast %add3A_1301 : i32 to index
      %swap3A_1303 = tpu.vector_load %arg11[%swap3A_1302] {strides = array<i32>} : memref<49152xf32, #tpu.memory_space<vmem>>, vector<16xf32>,
      tpu.vector_store %arg11[%swap3A_1302], %gather3A_1297 {strides = array<i32>} : memref<49152xf32, #tpu.memory_space<vmem>>, vector<16xf32>,
      %gather3A_1304 = tpu.memref_slice %arg10[%mul3A_1288] : memref<32784xf32, #tpu.memory_space<vmem>> -> memref<17424xf32, #tpu.memory_space<vmem>>
      %gather3A_1305 = tpu.vector_load_idx %gather3A_1304[%get3A_175] : memref<17424xf32, #tpu.memory_space<vmem>>[vector<16xi32>], vector<16xf32>,
      %add3A_1306 = arith.constant 0 : i32
      %add3A_1307 = arith.addi %add3A_1286, %add3A_1306 : i32
      %add3A_1308 = arith.constant 32 : i32
      %add3A_1309 = arith.addi %add3A_1307, %add3A_1308 : i32
      %swap3A_1310 = arith.index_cast %add3A_1309 : i32 to index
      %swap3A_1311 = tpu.vector_load %arg11[%swap3A_1310] {strides = array<i32>} : memref<49152xf32, #tpu.memory_space<vmem>>, vector<16xf32>,
      tpu.vector_store %arg11[%swap3A_1310], %gather3A_1305 {strides = array<i32>} : memref<49152xf32, #tpu.memory_space<vmem>>, vector<16xf32>,
      %gather3A_1312 = tpu.memref_slice %arg10[%mul3A_1288] : memref<32784xf32, #tpu.memory_space<vmem>> -> memref<17424xf32, #tpu.memory_space<vmem>>
      %gather3A_1313 = tpu.vector_load_idx %gather3A_1312[%get3A_177] : memref<17424xf32, #tpu.memory_space<vmem>>[vector<16xi32>], vector<16xf32>,
      %add3A_1314 = arith.constant 0 : i32
      %add3A_1315 = arith.addi %add3A_1286, %add3A_1314 : i32
      %add3A_1316 = arith.constant 48 : i32
      %add3A_1317 = arith.addi %add3A_1315, %add3A_1316 : i32
      %swap3A_1318 = arith.index_cast %add3A_1317 : i32 to index
      %swap3A_1319 = tpu.vector_load %arg11[%swap3A_1318] {strides = array<i32>} : memref<49152xf32, #tpu.memory_space<vmem>>, vector<16xf32>,
      tpu.vector_store %arg11[%swap3A_1318], %gather3A_1313 {strides = array<i32>} : memref<49152xf32, #tpu.memory_space<vmem>>, vector<16xf32>,
      %gather3A_1320 = tpu.memref_slice %arg10[%mul3A_1288] : memref<32784xf32, #tpu.memory_space<vmem>> -> memref<17424xf32, #tpu.memory_space<vmem>>
      %gather3A_1321 = tpu.vector_load_idx %gather3A_1320[%get3A_179] : memref<17424xf32, #tpu.memory_space<vmem>>[vector<16xi32>], vector<16xf32>,
      %add3A_1322 = arith.constant 0 : i32
      %add3A_1323 = arith.addi %add3A_1286, %add3A_1322 : i32
      %add3A_1324 = arith.constant 64 : i32
      %add3A_1325 = arith.addi %add3A_1323, %add3A_1324 : i32
      %swap3A_1326 = arith.index_cast %add3A_1325 : i32 to index
      %swap3A_1327 = tpu.vector_load %arg11[%swap3A_1326] {strides = array<i32>} : memref<49152xf32, #tpu.memory_space<vmem>>, vector<16xf32>,
      tpu.vector_store %arg11[%swap3A_1326], %gather3A_1321 {strides = array<i32>} : memref<49152xf32, #tpu.memory_space<vmem>>, vector<16xf32>,
      %gather3A_1328 = tpu.memref_slice %arg10[%mul3A_1288] : memref<32784xf32, #tpu.memory_space<vmem>> -> memref<17424xf32, #tpu.memory_space<vmem>>
      %gather3A_1329 = tpu.vector_load_idx %gather3A_1328[%get3A_181] : memref<17424xf32, #tpu.memory_space<vmem>>[vector<16xi32>], vector<16xf32>,
      %add3A_1330 = arith.constant 0 : i32
      %add3A_1331 = arith.addi %add3A_1286, %add3A_1330 : i32
      %add3A_1332 = arith.constant 80 : i32
      %add3A_1333 = arith.addi %add3A_1331, %add3A_1332 : i32
      %swap3A_1334 = arith.index_cast %add3A_1333 : i32 to index
      %swap3A_1335 = tpu.vector_load %arg11[%swap3A_1334] {strides = array<i32>} : memref<49152xf32, #tpu.memory_space<vmem>>, vector<16xf32>,
      tpu.vector_store %arg11[%swap3A_1334], %gather3A_1329 {strides = array<i32>} : memref<49152xf32, #tpu.memory_space<vmem>>, vector<16xf32>,
      %gather3A_1336 = tpu.memref_slice %arg10[%mul3A_1288] : memref<32784xf32, #tpu.memory_space<vmem>> -> memref<17424xf32, #tpu.memory_space<vmem>>
      %gather3A_1337 = tpu.vector_load_idx %gather3A_1336[%get3A_183] : memref<17424xf32, #tpu.memory_space<vmem>>[vector<16xi32>], vector<16xf32>,
      %add3A_1338 = arith.constant 0 : i32
      %add3A_1339 = arith.addi %add3A_1286, %add3A_1338 : i32
      %add3A_1340 = arith.constant 96 : i32
      %add3A_1341 = arith.addi %add3A_1339, %add3A_1340 : i32
      %swap3A_1342 = arith.index_cast %add3A_1341 : i32 to index
      %swap3A_1343 = tpu.vector_load %arg11[%swap3A_1342] {strides = array<i32>} : memref<49152xf32, #tpu.memory_space<vmem>>, vector<16xf32>,
      tpu.vector_store %arg11[%swap3A_1342], %gather3A_1337 {strides = array<i32>} : memref<49152xf32, #tpu.memory_space<vmem>>, vector<16xf32>,
      %gather3A_1344 = tpu.memref_slice %arg10[%mul3A_1288] : memref<32784xf32, #tpu.memory_space<vmem>> -> memref<17424xf32, #tpu.memory_space<vmem>>
      %gather3A_1345 = tpu.vector_load_idx %gather3A_1344[%get3A_185] : memref<17424xf32, #tpu.memory_space<vmem>>[vector<16xi32>], vector<16xf32>,
      %add3A_1346 = arith.constant 0 : i32
      %add3A_1347 = arith.addi %add3A_1286, %add3A_1346 : i32
      %add3A_1348 = arith.constant 112 : i32
      %add3A_1349 = arith.addi %add3A_1347, %add3A_1348 : i32
      %swap3A_1350 = arith.index_cast %add3A_1349 : i32 to index
      %swap3A_1351 = tpu.vector_load %arg11[%swap3A_1350] {strides = array<i32>} : memref<49152xf32, #tpu.memory_space<vmem>>, vector<16xf32>,
      tpu.vector_store %arg11[%swap3A_1350], %gather3A_1345 {strides = array<i32>} : memref<49152xf32, #tpu.memory_space<vmem>>, vector<16xf32>,
      %gather3A_1352 = tpu.memref_slice %arg10[%mul3A_1288] : memref<32784xf32, #tpu.memory_space<vmem>> -> memref<17424xf32, #tpu.memory_space<vmem>>
      %gather3A_1353 = tpu.vector_load_idx %gather3A_1352[%get3A_187] : memref<17424xf32, #tpu.memory_space<vmem>>[vector<16xi32>], vector<16xf32>,
      %add3A_1354 = arith.constant 1024 : i32
      %add3A_1355 = arith.addi %add3A_1286, %add3A_1354 : i32
      %add3A_1356 = arith.constant 0 : i32
      %add3A_1357 = arith.addi %add3A_1355, %add3A_1356 : i32
      %swap3A_1358 = arith.index_cast %add3A_1357 : i32 to index
      %swap3A_1359 = tpu.vector_load %arg11[%swap3A_1358] {strides = array<i32>} : memref<49152xf32, #tpu.memory_space<vmem>>, vector<16xf32>,
      tpu.vector_store %arg11[%swap3A_1358], %gather3A_1353 {strides = array<i32>} : memref<49152xf32, #tpu.memory_space<vmem>>, vector<16xf32>,
      %gather3A_1360 = tpu.memref_slice %arg10[%mul3A_1288] : memref<32784xf32, #tpu.memory_space<vmem>> -> memref<17424xf32, #tpu.memory_space<vmem>>
      %gather3A_1361 = tpu.vector_load_idx %gather3A_1360[%get3A_189] : memref<17424xf32, #tpu.memory_space<vmem>>[vector<16xi32>], vector<16xf32>,
      %add3A_1362 = arith.constant 1024 : i32
      %add3A_1363 = arith.addi %add3A_1286, %add3A_1362 : i32
      %add3A_1364 = arith.constant 16 : i32
      %add3A_1365 = arith.addi %add3A_1363, %add3A_1364 : i32
      %swap3A_1366 = arith.index_cast %add3A_1365 : i32 to index
      %swap3A_1367 = tpu.vector_load %arg11[%swap3A_1366] {strides = array<i32>} : memref<49152xf32, #tpu.memory_space<vmem>>, vector<16xf32>,
      tpu.vector_store %arg11[%swap3A_1366], %gather3A_1361 {strides = array<i32>} : memref<49152xf32, #tpu.memory_space<vmem>>, vector<16xf32>,
      %gather3A_1368 = tpu.memref_slice %arg10[%mul3A_1288] : memref<32784xf32, #tpu.memory_space<vmem>> -> memref<17424xf32, #tpu.memory_space<vmem>>
      %gather3A_1369 = tpu.vector_load_idx %gather3A_1368[%get3A_191] : memref<17424xf32, #tpu.memory_space<vmem>>[vector<16xi32>], vector<16xf32>,
      %add3A_1370 = arith.constant 1024 : i32
      %add3A_1371 = arith.addi %add3A_1286, %add3A_1370 : i32
      %add3A_1372 = arith.constant 32 : i32
      %add3A_1373 = arith.addi %add3A_1371, %add3A_1372 : i32
      %swap3A_1374 = arith.index_cast %add3A_1373 : i32 to index
      %swap3A_1375 = tpu.vector_load %arg11[%swap3A_1374] {strides = array<i32>} : memref<49152xf32, #tpu.memory_space<vmem>>, vector<16xf32>,
      tpu.vector_store %arg11[%swap3A_1374], %gather3A_1369 {strides = array<i32>} : memref<49152xf32, #tpu.memory_space<vmem>>, vector<16xf32>,
      %gather3A_1376 = tpu.memref_slice %arg10[%mul3A_1288] : memref<32784xf32, #tpu.memory_space<vmem>> -> memref<17424xf32, #tpu.memory_space<vmem>>
      %gather3A_1377 = tpu.vector_load_idx %gather3A_1376[%get3A_193] : memref<17424xf32, #tpu.memory_space<vmem>>[vector<16xi32>], vector<16xf32>,
      %add3A_1378 = arith.constant 1024 : i32
      %add3A_1379 = arith.addi %add3A_1286, %add3A_1378 : i32
      %add3A_1380 = arith.constant 48 : i32
      %add3A_1381 = arith.addi %add3A_1379, %add3A_1380 : i32
      %swap3A_1382 = arith.index_cast %add3A_1381 : i32 to index
      %swap3A_1383 = tpu.vector_load %arg11[%swap3A_1382] {strides = array<i32>} : memref<49152xf32, #tpu.memory_space<vmem>>, vector<16xf32>,
      tpu.vector_store %arg11[%swap3A_1382], %gather3A_1377 {strides = array<i32>} : memref<49152xf32, #tpu.memory_space<vmem>>, vector<16xf32>,
      %gather3A_1384 = tpu.memref_slice %arg10[%mul3A_1288] : memref<32784xf32, #tpu.memory_space<vmem>> -> memref<17424xf32, #tpu.memory_space<vmem>>
      %gather3A_1385 = tpu.vector_load_idx %gather3A_1384[%get3A_195] : memref<17424xf32, #tpu.memory_space<vmem>>[vector<16xi32>], vector<16xf32>,
      %add3A_1386 = arith.constant 1024 : i32
      %add3A_1387 = arith.addi %add3A_1286, %add3A_1386 : i32
      %add3A_1388 = arith.constant 64 : i32
      %add3A_1389 = arith.addi %add3A_1387, %add3A_1388 : i32
      %swap3A_1390 = arith.index_cast %add3A_1389 : i32 to index
      %swap3A_1391 = tpu.vector_load %arg11[%swap3A_1390] {strides = array<i32>} : memref<49152xf32, #tpu.memory_space<vmem>>, vector<16xf32>,
      tpu.vector_store %arg11[%swap3A_1390], %gather3A_1385 {strides = array<i32>} : memref<49152xf32, #tpu.memory_space<vmem>>, vector<16xf32>,
      %gather3A_1392 = tpu.memref_slice %arg10[%mul3A_1288] : memref<32784xf32, #tpu.memory_space<vmem>> -> memref<17424xf32, #tpu.memory_space<vmem>>
      %gather3A_1393 = tpu.vector_load_idx %gather3A_1392[%get3A_197] : memref<17424xf32, #tpu.memory_space<vmem>>[vector<16xi32>], vector<16xf32>,
      %add3A_1394 = arith.constant 1024 : i32
      %add3A_1395 = arith.addi %add3A_1286, %add3A_1394 : i32
      %add3A_1396 = arith.constant 80 : i32
      %add3A_1397 = arith.addi %add3A_1395, %add3A_1396 : i32
      %swap3A_1398 = arith.index_cast %add3A_1397 : i32 to index
      %swap3A_1399 = tpu.vector_load %arg11[%swap3A_1398] {strides = array<i32>} : memref<49152xf32, #tpu.memory_space<vmem>>, vector<16xf32>,
      tpu.vector_store %arg11[%swap3A_1398], %gather3A_1393 {strides = array<i32>} : memref<49152xf32, #tpu.memory_space<vmem>>, vector<16xf32>,
      %gather3A_1400 = tpu.memref_slice %arg10[%mul3A_1288] : memref<32784xf32, #tpu.memory_space<vmem>> -> memref<17424xf32, #tpu.memory_space<vmem>>
      %gather3A_1401 = tpu.vector_load_idx %gather3A_1400[%get3A_199] : memref<17424xf32, #tpu.memory_space<vmem>>[vector<16xi32>], vector<16xf32>,
      %add3A_1402 = arith.constant 1024 : i32
      %add3A_1403 = arith.addi %add3A_1286, %add3A_1402 : i32
      %add3A_1404 = arith.constant 96 : i32
      %add3A_1405 = arith.addi %add3A_1403, %add3A_1404 : i32
      %swap3A_1406 = arith.index_cast %add3A_1405 : i32 to index
      %swap3A_1407 = tpu.vector_load %arg11[%swap3A_1406] {strides = array<i32>} : memref<49152xf32, #tpu.memory_space<vmem>>, vector<16xf32>,
      tpu.vector_store %arg11[%swap3A_1406], %gather3A_1401 {strides = array<i32>} : memref<49152xf32, #tpu.memory_space<vmem>>, vector<16xf32>,
      %gather3A_1408 = tpu.memref_slice %arg10[%mul3A_1288] : memref<32784xf32, #tpu.memory_space<vmem>> -> memref<17424xf32, #tpu.memory_space<vmem>>
      %gather3A_1409 = tpu.vector_load_idx %gather3A_1408[%get3A_201] : memref<17424xf32, #tpu.memory_space<vmem>>[vector<16xi32>], vector<16xf32>,
      %add3A_1410 = arith.constant 1024 : i32
      %add3A_1411 = arith.addi %add3A_1286, %add3A_1410 : i32
      %add3A_1412 = arith.constant 112 : i32
      %add3A_1413 = arith.addi %add3A_1411, %add3A_1412 : i32
      %swap3A_1414 = arith.index_cast %add3A_1413 : i32 to index
      %swap3A_1415 = tpu.vector_load %arg11[%swap3A_1414] {strides = array<i32>} : memref<49152xf32, #tpu.memory_space<vmem>>, vector<16xf32>,
      tpu.vector_store %arg11[%swap3A_1414], %gather3A_1409 {strides = array<i32>} : memref<49152xf32, #tpu.memory_space<vmem>>, vector<16xf32>,
      %gather3A_1416 = tpu.memref_slice %arg10[%mul3A_1288] : memref<32784xf32, #tpu.memory_space<vmem>> -> memref<17424xf32, #tpu.memory_space<vmem>>
      %gather3A_1417 = tpu.vector_load_idx %gather3A_1416[%get3A_203] : memref<17424xf32, #tpu.memory_space<vmem>>[vector<16xi32>], vector<16xf32>,
      %add3A_1418 = arith.constant 2048 : i32
      %add3A_1419 = arith.addi %add3A_1286, %add3A_1418 : i32
      %add3A_1420 = arith.constant 0 : i32
      %add3A_1421 = arith.addi %add3A_1419, %add3A_1420 : i32
      %swap3A_1422 = arith.index_cast %add3A_1421 : i32 to index
      %swap3A_1423 = tpu.vector_load %arg11[%swap3A_1422] {strides = array<i32>} : memref<49152xf32, #tpu.memory_space<vmem>>, vector<16xf32>,
      tpu.vector_store %arg11[%swap3A_1422], %gather3A_1417 {strides = array<i32>} : memref<49152xf32, #tpu.memory_space<vmem>>, vector<16xf32>,
      %gather3A_1424 = tpu.memref_slice %arg10[%mul3A_1288] : memref<32784xf32, #tpu.memory_space<vmem>> -> memref<17424xf32, #tpu.memory_space<vmem>>
      %gather3A_1425 = tpu.vector_load_idx %gather3A_1424[%get3A_205] : memref<17424xf32, #tpu.memory_space<vmem>>[vector<16xi32>], vector<16xf32>,
      %add3A_1426 = arith.constant 2048 : i32
      %add3A_1427 = arith.addi %add3A_1286, %add3A_1426 : i32
      %add3A_1428 = arith.constant 16 : i32
      %add3A_1429 = arith.addi %add3A_1427, %add3A_1428 : i32
      %swap3A_1430 = arith.index_cast %add3A_1429 : i32 to index
      %swap3A_1431 = tpu.vector_load %arg11[%swap3A_1430] {strides = array<i32>} : memref<49152xf32, #tpu.memory_space<vmem>>, vector<16xf32>,
      tpu.vector_store %arg11[%swap3A_1430], %gather3A_1425 {strides = array<i32>} : memref<49152xf32, #tpu.memory_space<vmem>>, vector<16xf32>,
      %gather3A_1432 = tpu.memref_slice %arg10[%mul3A_1288] : memref<32784xf32, #tpu.memory_space<vmem>> -> memref<17424xf32, #tpu.memory_space<vmem>>
      %gather3A_1433 = tpu.vector_load_idx %gather3A_1432[%get3A_207] : memref<17424xf32, #tpu.memory_space<vmem>>[vector<16xi32>], vector<16xf32>,
      %add3A_1434 = arith.constant 2048 : i32
      %add3A_1435 = arith.addi %add3A_1286, %add3A_1434 : i32
      %add3A_1436 = arith.constant 32 : i32
      %add3A_1437 = arith.addi %add3A_1435, %add3A_1436 : i32
      %swap3A_1438 = arith.index_cast %add3A_1437 : i32 to index
      %swap3A_1439 = tpu.vector_load %arg11[%swap3A_1438] {strides = array<i32>} : memref<49152xf32, #tpu.memory_space<vmem>>, vector<16xf32>,
      tpu.vector_store %arg11[%swap3A_1438], %gather3A_1433 {strides = array<i32>} : memref<49152xf32, #tpu.memory_space<vmem>>, vector<16xf32>,
      %gather3A_1440 = tpu.memref_slice %arg10[%mul3A_1288] : memref<32784xf32, #tpu.memory_space<vmem>> -> memref<17424xf32, #tpu.memory_space<vmem>>
      %gather3A_1441 = tpu.vector_load_idx %gather3A_1440[%get3A_209] : memref<17424xf32, #tpu.memory_space<vmem>>[vector<16xi32>], vector<16xf32>,
      %add3A_1442 = arith.constant 2048 : i32
      %add3A_1443 = arith.addi %add3A_1286, %add3A_1442 : i32
      %add3A_1444 = arith.constant 48 : i32
      %add3A_1445 = arith.addi %add3A_1443, %add3A_1444 : i32
      %swap3A_1446 = arith.index_cast %add3A_1445 : i32 to index
      %swap3A_1447 = tpu.vector_load %arg11[%swap3A_1446] {strides = array<i32>} : memref<49152xf32, #tpu.memory_space<vmem>>, vector<16xf32>,
      tpu.vector_store %arg11[%swap3A_1446], %gather3A_1441 {strides = array<i32>} : memref<49152xf32, #tpu.memory_space<vmem>>, vector<16xf32>,
      %gather3A_1448 = tpu.memref_slice %arg10[%mul3A_1288] : memref<32784xf32, #tpu.memory_space<vmem>> -> memref<17424xf32, #tpu.memory_space<vmem>>
      %gather3A_1449 = tpu.vector_load_idx %gather3A_1448[%get3A_211] : memref<17424xf32, #tpu.memory_space<vmem>>[vector<16xi32>], vector<16xf32>,
      %add3A_1450 = arith.constant 2048 : i32
      %add3A_1451 = arith.addi %add3A_1286, %add3A_1450 : i32
      %add3A_1452 = arith.constant 64 : i32
      %add3A_1453 = arith.addi %add3A_1451, %add3A_1452 : i32
      %swap3A_1454 = arith.index_cast %add3A_1453 : i32 to index
      %swap3A_1455 = tpu.vector_load %arg11[%swap3A_1454] {strides = array<i32>} : memref<49152xf32, #tpu.memory_space<vmem>>, vector<16xf32>,
      tpu.vector_store %arg11[%swap3A_1454], %gather3A_1449 {strides = array<i32>} : memref<49152xf32, #tpu.memory_space<vmem>>, vector<16xf32>,
      %gather3A_1456 = tpu.memref_slice %arg10[%mul3A_1288] : memref<32784xf32, #tpu.memory_space<vmem>> -> memref<17424xf32, #tpu.memory_space<vmem>>
      %gather3A_1457 = tpu.vector_load_idx %gather3A_1456[%get3A_213] : memref<17424xf32, #tpu.memory_space<vmem>>[vector<16xi32>], vector<16xf32>,
      %add3A_1458 = arith.constant 2048 : i32
      %add3A_1459 = arith.addi %add3A_1286, %add3A_1458 : i32
      %add3A_1460 = arith.constant 80 : i32
      %add3A_1461 = arith.addi %add3A_1459, %add3A_1460 : i32
      %swap3A_1462 = arith.index_cast %add3A_1461 : i32 to index
      %swap3A_1463 = tpu.vector_load %arg11[%swap3A_1462] {strides = array<i32>} : memref<49152xf32, #tpu.memory_space<vmem>>, vector<16xf32>,
      tpu.vector_store %arg11[%swap3A_1462], %gather3A_1457 {strides = array<i32>} : memref<49152xf32, #tpu.memory_space<vmem>>, vector<16xf32>,
      %gather3A_1464 = tpu.memref_slice %arg10[%mul3A_1288] : memref<32784xf32, #tpu.memory_space<vmem>> -> memref<17424xf32, #tpu.memory_space<vmem>>
      %gather3A_1465 = tpu.vector_load_idx %gather3A_1464[%get3A_215] : memref<17424xf32, #tpu.memory_space<vmem>>[vector<16xi32>], vector<16xf32>,
      %add3A_1466 = arith.constant 2048 : i32
      %add3A_1467 = arith.addi %add3A_1286, %add3A_1466 : i32
      %add3A_1468 = arith.constant 96 : i32
      %add3A_1469 = arith.addi %add3A_1467, %add3A_1468 : i32
      %swap3A_1470 = arith.index_cast %add3A_1469 : i32 to index
      %swap3A_1471 = tpu.vector_load %arg11[%swap3A_1470] {strides = array<i32>} : memref<49152xf32, #tpu.memory_space<vmem>>, vector<16xf32>,
      tpu.vector_store %arg11[%swap3A_1470], %gather3A_1465 {strides = array<i32>} : memref<49152xf32, #tpu.memory_space<vmem>>, vector<16xf32>,
      %gather3A_1472 = tpu.memref_slice %arg10[%mul3A_1288] : memref<32784xf32, #tpu.memory_space<vmem>> -> memref<17424xf32, #tpu.memory_space<vmem>>
      %gather3A_1473 = tpu.vector_load_idx %gather3A_1472[%get3A_217] : memref<17424xf32, #tpu.memory_space<vmem>>[vector<16xi32>], vector<16xf32>,
      %add3A_1474 = arith.constant 2048 : i32
      %add3A_1475 = arith.addi %add3A_1286, %add3A_1474 : i32
      %add3A_1476 = arith.constant 112 : i32
      %add3A_1477 = arith.addi %add3A_1475, %add3A_1476 : i32
      %swap3A_1478 = arith.index_cast %add3A_1477 : i32 to index
      %swap3A_1479 = tpu.vector_load %arg11[%swap3A_1478] {strides = array<i32>} : memref<49152xf32, #tpu.memory_space<vmem>>, vector<16xf32>,
      tpu.vector_store %arg11[%swap3A_1478], %gather3A_1473 {strides = array<i32>} : memref<49152xf32, #tpu.memory_space<vmem>>, vector<16xf32>,
    }
    %scan3A_223 = arith.constant 8 : i32
    %get3A_224 = arith.constant 768 : index
    %get3A_225 = tpu.vector_load %arg14[%get3A_224] {strides = array<i32>} : memref<1680xi32, #tpu.memory_space<vmem>>, vector<16xi32>,
    %get3A_226 = arith.constant 784 : index
    %get3A_227 = tpu.vector_load %arg14[%get3A_226] {strides = array<i32>} : memref<1680xi32, #tpu.memory_space<vmem>>, vector<16xi32>,
    %get3A_228 = arith.constant 800 : index
    %get3A_229 = tpu.vector_load %arg14[%get3A_228] {strides = array<i32>} : memref<1680xi32, #tpu.memory_space<vmem>>, vector<16xi32>,
    %get3A_230 = arith.constant 816 : index
    %get3A_231 = tpu.vector_load %arg14[%get3A_230] {strides = array<i32>} : memref<1680xi32, #tpu.memory_space<vmem>>, vector<16xi32>,
    %get3A_232 = arith.constant 832 : index
    %get3A_233 = tpu.vector_load %arg14[%get3A_232] {strides = array<i32>} : memref<1680xi32, #tpu.memory_space<vmem>>, vector<16xi32>,
    %get3A_234 = arith.constant 848 : index
    %get3A_235 = tpu.vector_load %arg14[%get3A_234] {strides = array<i32>} : memref<1680xi32, #tpu.memory_space<vmem>>, vector<16xi32>,
    %get3A_236 = arith.constant 864 : index
    %get3A_237 = tpu.vector_load %arg14[%get3A_236] {strides = array<i32>} : memref<1680xi32, #tpu.memory_space<vmem>>, vector<16xi32>,
    %get3A_238 = arith.constant 880 : index
    %get3A_239 = tpu.vector_load %arg14[%get3A_238] {strides = array<i32>} : memref<1680xi32, #tpu.memory_space<vmem>>, vector<16xi32>,
    %get3A_240 = arith.constant 896 : index
    %get3A_241 = tpu.vector_load %arg14[%get3A_240] {strides = array<i32>} : memref<1680xi32, #tpu.memory_space<vmem>>, vector<16xi32>,
    %get3A_242 = arith.constant 912 : index
    %get3A_243 = tpu.vector_load %arg14[%get3A_242] {strides = array<i32>} : memref<1680xi32, #tpu.memory_space<vmem>>, vector<16xi32>,
    %get3A_244 = arith.constant 928 : index
    %get3A_245 = tpu.vector_load %arg14[%get3A_244] {strides = array<i32>} : memref<1680xi32, #tpu.memory_space<vmem>>, vector<16xi32>,
    %get3A_246 = arith.constant 944 : index
    %get3A_247 = tpu.vector_load %arg14[%get3A_246] {strides = array<i32>} : memref<1680xi32, #tpu.memory_space<vmem>>, vector<16xi32>,
    %get3A_248 = arith.constant 960 : index
    %get3A_249 = tpu.vector_load %arg14[%get3A_248] {strides = array<i32>} : memref<1680xi32, #tpu.memory_space<vmem>>, vector<16xi32>,
    %get3A_250 = arith.constant 976 : index
    %get3A_251 = tpu.vector_load %arg14[%get3A_250] {strides = array<i32>} : memref<1680xi32, #tpu.memory_space<vmem>>, vector<16xi32>,
    %get3A_252 = arith.constant 992 : index
    %get3A_253 = tpu.vector_load %arg14[%get3A_252] {strides = array<i32>} : memref<1680xi32, #tpu.memory_space<vmem>>, vector<16xi32>,
    %get3A_254 = arith.constant 1008 : index
    %get3A_255 = tpu.vector_load %arg14[%get3A_254] {strides = array<i32>} : memref<1680xi32, #tpu.memory_space<vmem>>, vector<16xi32>,
    %get3A_256 = arith.constant 1024 : index
    %get3A_257 = tpu.vector_load %arg14[%get3A_256] {strides = array<i32>} : memref<1680xi32, #tpu.memory_space<vmem>>, vector<16xi32>,
    %get3A_258 = arith.constant 1040 : index
    %get3A_259 = tpu.vector_load %arg14[%get3A_258] {strides = array<i32>} : memref<1680xi32, #tpu.memory_space<vmem>>, vector<16xi32>,
    %get3A_260 = arith.constant 1056 : index
    %get3A_261 = tpu.vector_load %arg14[%get3A_260] {strides = array<i32>} : memref<1680xi32, #tpu.memory_space<vmem>>, vector<16xi32>,
    %get3A_262 = arith.constant 1072 : index
    %get3A_263 = tpu.vector_load %arg14[%get3A_262] {strides = array<i32>} : memref<1680xi32, #tpu.memory_space<vmem>>, vector<16xi32>,
    %get3A_264 = arith.constant 1088 : index
    %get3A_265 = tpu.vector_load %arg14[%get3A_264] {strides = array<i32>} : memref<1680xi32, #tpu.memory_space<vmem>>, vector<16xi32>,
    %get3A_266 = arith.constant 1104 : index
    %get3A_267 = tpu.vector_load %arg14[%get3A_266] {strides = array<i32>} : memref<1680xi32, #tpu.memory_space<vmem>>, vector<16xi32>,
    %get3A_268 = arith.constant 1120 : index
    %get3A_269 = tpu.vector_load %arg14[%get3A_268] {strides = array<i32>} : memref<1680xi32, #tpu.memory_space<vmem>>, vector<16xi32>,
    %get3A_270 = arith.constant 1136 : index
    %get3A_271 = tpu.vector_load %arg14[%get3A_270] {strides = array<i32>} : memref<1680xi32, #tpu.memory_space<vmem>>, vector<16xi32>,
    %scan3A_272 = arith.constant 0 : i32
    %scan3A_273 = arith.constant 0 : i32
    %scan3A_274 = arith.constant 8 : i32
    %scan3A_275 = arith.addi %scan3A_273, %scan3A_274 : i32
    %scan3A_276 = arith.constant 1 : i32
    scf.for %scan3A_1282 = %scan3A_273 to %scan3A_275 step %scan3A_276  : i32 {
      %mul3A_1283 = arith.constant 3072 : i32
      %mul3A_1284 = arith.muli %scan3A_1282, %mul3A_1283 : i32
      %add3A_1285 = arith.constant 256 : i32
      %add3A_1286 = arith.addi %mul3A_1284, %add3A_1285 : i32
      %mul3A_1287 = arith.constant 1024 : i32
      %mul3A_1288 = arith.muli %scan3A_1282, %mul3A_1287 : i32
      %gather3A_1289 = tpu.memref_slice %arg10[%mul3A_1288] : memref<32784xf32, #tpu.memory_space<vmem>> -> memref<17424xf32, #tpu.memory_space<vmem>>
      %gather3A_1290 = tpu.vector_load_idx %gather3A_1289[%get3A_225] : memref<17424xf32, #tpu.memory_space<vmem>>[vector<16xi32>], vector<16xf32>,
      %add3A_1291 = arith.constant 0 : i32
      %add3A_1292 = arith.addi %add3A_1286, %add3A_1291 : i32
      %add3A_1293 = arith.constant 0 : i32
      %add3A_1294 = arith.addi %add3A_1292, %add3A_1293 : i32
      %swap3A = arith.index_cast %add3A_1294 : i32 to index
      %swap3A_1295 = tpu.vector_load %arg11[%swap3A] {strides = array<i32>} : memref<49152xf32, #tpu.memory_space<vmem>>, vector<16xf32>,
      tpu.vector_store %arg11[%swap3A], %gather3A_1290 {strides = array<i32>} : memref<49152xf32, #tpu.memory_space<vmem>>, vector<16xf32>,
      %gather3A_1296 = tpu.memref_slice %arg10[%mul3A_1288] : memref<32784xf32, #tpu.memory_space<vmem>> -> memref<17424xf32, #tpu.memory_space<vmem>>
      %gather3A_1297 = tpu.vector_load_idx %gather3A_1296[%get3A_227] : memref<17424xf32, #tpu.memory_space<vmem>>[vector<16xi32>], vector<16xf32>,
      %add3A_1298 = arith.constant 0 : i32
      %add3A_1299 = arith.addi %add3A_1286, %add3A_1298 : i32
      %add3A_1300 = arith.constant 16 : i32
      %add3A_1301 = arith.addi %add3A_1299, %add3A_1300 : i32
      %swap3A_1302 = arith.index_cast %add3A_1301 : i32 to index
      %swap3A_1303 = tpu.vector_load %arg11[%swap3A_1302] {strides = array<i32>} : memref<49152xf32, #tpu.memory_space<vmem>>, vector<16xf32>,
      tpu.vector_store %arg11[%swap3A_1302], %gather3A_1297 {strides = array<i32>} : memref<49152xf32, #tpu.memory_space<vmem>>, vector<16xf32>,
      %gather3A_1304 = tpu.memref_slice %arg10[%mul3A_1288] : memref<32784xf32, #tpu.memory_space<vmem>> -> memref<17424xf32, #tpu.memory_space<vmem>>
      %gather3A_1305 = tpu.vector_load_idx %gather3A_1304[%get3A_229] : memref<17424xf32, #tpu.memory_space<vmem>>[vector<16xi32>], vector<16xf32>,
      %add3A_1306 = arith.constant 0 : i32
      %add3A_1307 = arith.addi %add3A_1286, %add3A_1306 : i32
      %add3A_1308 = arith.constant 32 : i32
      %add3A_1309 = arith.addi %add3A_1307, %add3A_1308 : i32
      %swap3A_1310 = arith.index_cast %add3A_1309 : i32 to index
      %swap3A_1311 = tpu.vector_load %arg11[%swap3A_1310] {strides = array<i32>} : memref<49152xf32, #tpu.memory_space<vmem>>, vector<16xf32>,
      tpu.vector_store %arg11[%swap3A_1310], %gather3A_1305 {strides = array<i32>} : memref<49152xf32, #tpu.memory_space<vmem>>, vector<16xf32>,
      %gather3A_1312 = tpu.memref_slice %arg10[%mul3A_1288] : memref<32784xf32, #tpu.memory_space<vmem>> -> memref<17424xf32, #tpu.memory_space<vmem>>
      %gather3A_1313 = tpu.vector_load_idx %gather3A_1312[%get3A_231] : memref<17424xf32, #tpu.memory_space<vmem>>[vector<16xi32>], vector<16xf32>,
      %add3A_1314 = arith.constant 0 : i32
      %add3A_1315 = arith.addi %add3A_1286, %add3A_1314 : i32
      %add3A_1316 = arith.constant 48 : i32
      %add3A_1317 = arith.addi %add3A_1315, %add3A_1316 : i32
      %swap3A_1318 = arith.index_cast %add3A_1317 : i32 to index
      %swap3A_1319 = tpu.vector_load %arg11[%swap3A_1318] {strides = array<i32>} : memref<49152xf32, #tpu.memory_space<vmem>>, vector<16xf32>,
      tpu.vector_store %arg11[%swap3A_1318], %gather3A_1313 {strides = array<i32>} : memref<49152xf32, #tpu.memory_space<vmem>>, vector<16xf32>,
      %gather3A_1320 = tpu.memref_slice %arg10[%mul3A_1288] : memref<32784xf32, #tpu.memory_space<vmem>> -> memref<17424xf32, #tpu.memory_space<vmem>>
      %gather3A_1321 = tpu.vector_load_idx %gather3A_1320[%get3A_233] : memref<17424xf32, #tpu.memory_space<vmem>>[vector<16xi32>], vector<16xf32>,
      %add3A_1322 = arith.constant 0 : i32
      %add3A_1323 = arith.addi %add3A_1286, %add3A_1322 : i32
      %add3A_1324 = arith.constant 64 : i32
      %add3A_1325 = arith.addi %add3A_1323, %add3A_1324 : i32
      %swap3A_1326 = arith.index_cast %add3A_1325 : i32 to index
      %swap3A_1327 = tpu.vector_load %arg11[%swap3A_1326] {strides = array<i32>} : memref<49152xf32, #tpu.memory_space<vmem>>, vector<16xf32>,
      tpu.vector_store %arg11[%swap3A_1326], %gather3A_1321 {strides = array<i32>} : memref<49152xf32, #tpu.memory_space<vmem>>, vector<16xf32>,
      %gather3A_1328 = tpu.memref_slice %arg10[%mul3A_1288] : memref<32784xf32, #tpu.memory_space<vmem>> -> memref<17424xf32, #tpu.memory_space<vmem>>
      %gather3A_1329 = tpu.vector_load_idx %gather3A_1328[%get3A_235] : memref<17424xf32, #tpu.memory_space<vmem>>[vector<16xi32>], vector<16xf32>,
      %add3A_1330 = arith.constant 0 : i32
      %add3A_1331 = arith.addi %add3A_1286, %add3A_1330 : i32
      %add3A_1332 = arith.constant 80 : i32
      %add3A_1333 = arith.addi %add3A_1331, %add3A_1332 : i32
      %swap3A_1334 = arith.index_cast %add3A_1333 : i32 to index
      %swap3A_1335 = tpu.vector_load %arg11[%swap3A_1334] {strides = array<i32>} : memref<49152xf32, #tpu.memory_space<vmem>>, vector<16xf32>,
      tpu.vector_store %arg11[%swap3A_1334], %gather3A_1329 {strides = array<i32>} : memref<49152xf32, #tpu.memory_space<vmem>>, vector<16xf32>,
      %gather3A_1336 = tpu.memref_slice %arg10[%mul3A_1288] : memref<32784xf32, #tpu.memory_space<vmem>> -> memref<17424xf32, #tpu.memory_space<vmem>>
      %gather3A_1337 = tpu.vector_load_idx %gather3A_1336[%get3A_237] : memref<17424xf32, #tpu.memory_space<vmem>>[vector<16xi32>], vector<16xf32>,
      %add3A_1338 = arith.constant 0 : i32
      %add3A_1339 = arith.addi %add3A_1286, %add3A_1338 : i32
      %add3A_1340 = arith.constant 96 : i32
      %add3A_1341 = arith.addi %add3A_1339, %add3A_1340 : i32
      %swap3A_1342 = arith.index_cast %add3A_1341 : i32 to index
      %swap3A_1343 = tpu.vector_load %arg11[%swap3A_1342] {strides = array<i32>} : memref<49152xf32, #tpu.memory_space<vmem>>, vector<16xf32>,
      tpu.vector_store %arg11[%swap3A_1342], %gather3A_1337 {strides = array<i32>} : memref<49152xf32, #tpu.memory_space<vmem>>, vector<16xf32>,
      %gather3A_1344 = tpu.memref_slice %arg10[%mul3A_1288] : memref<32784xf32, #tpu.memory_space<vmem>> -> memref<17424xf32, #tpu.memory_space<vmem>>
      %gather3A_1345 = tpu.vector_load_idx %gather3A_1344[%get3A_239] : memref<17424xf32, #tpu.memory_space<vmem>>[vector<16xi32>], vector<16xf32>,
      %add3A_1346 = arith.constant 0 : i32
      %add3A_1347 = arith.addi %add3A_1286, %add3A_1346 : i32
      %add3A_1348 = arith.constant 112 : i32
      %add3A_1349 = arith.addi %add3A_1347, %add3A_1348 : i32
      %swap3A_1350 = arith.index_cast %add3A_1349 : i32 to index
      %swap3A_1351 = tpu.vector_load %arg11[%swap3A_1350] {strides = array<i32>} : memref<49152xf32, #tpu.memory_space<vmem>>, vector<16xf32>,
      tpu.vector_store %arg11[%swap3A_1350], %gather3A_1345 {strides = array<i32>} : memref<49152xf32, #tpu.memory_space<vmem>>, vector<16xf32>,
      %gather3A_1352 = tpu.memref_slice %arg10[%mul3A_1288] : memref<32784xf32, #tpu.memory_space<vmem>> -> memref<17424xf32, #tpu.memory_space<vmem>>
      %gather3A_1353 = tpu.vector_load_idx %gather3A_1352[%get3A_241] : memref<17424xf32, #tpu.memory_space<vmem>>[vector<16xi32>], vector<16xf32>,
      %add3A_1354 = arith.constant 1024 : i32
      %add3A_1355 = arith.addi %add3A_1286, %add3A_1354 : i32
      %add3A_1356 = arith.constant 0 : i32
      %add3A_1357 = arith.addi %add3A_1355, %add3A_1356 : i32
      %swap3A_1358 = arith.index_cast %add3A_1357 : i32 to index
      %swap3A_1359 = tpu.vector_load %arg11[%swap3A_1358] {strides = array<i32>} : memref<49152xf32, #tpu.memory_space<vmem>>, vector<16xf32>,
      tpu.vector_store %arg11[%swap3A_1358], %gather3A_1353 {strides = array<i32>} : memref<49152xf32, #tpu.memory_space<vmem>>, vector<16xf32>,
      %gather3A_1360 = tpu.memref_slice %arg10[%mul3A_1288] : memref<32784xf32, #tpu.memory_space<vmem>> -> memref<17424xf32, #tpu.memory_space<vmem>>
      %gather3A_1361 = tpu.vector_load_idx %gather3A_1360[%get3A_243] : memref<17424xf32, #tpu.memory_space<vmem>>[vector<16xi32>], vector<16xf32>,
      %add3A_1362 = arith.constant 1024 : i32
      %add3A_1363 = arith.addi %add3A_1286, %add3A_1362 : i32
      %add3A_1364 = arith.constant 16 : i32
      %add3A_1365 = arith.addi %add3A_1363, %add3A_1364 : i32
      %swap3A_1366 = arith.index_cast %add3A_1365 : i32 to index
      %swap3A_1367 = tpu.vector_load %arg11[%swap3A_1366] {strides = array<i32>} : memref<49152xf32, #tpu.memory_space<vmem>>, vector<16xf32>,
      tpu.vector_store %arg11[%swap3A_1366], %gather3A_1361 {strides = array<i32>} : memref<49152xf32, #tpu.memory_space<vmem>>, vector<16xf32>,
      %gather3A_1368 = tpu.memref_slice %arg10[%mul3A_1288] : memref<32784xf32, #tpu.memory_space<vmem>> -> memref<17424xf32, #tpu.memory_space<vmem>>
      %gather3A_1369 = tpu.vector_load_idx %gather3A_1368[%get3A_245] : memref<17424xf32, #tpu.memory_space<vmem>>[vector<16xi32>], vector<16xf32>,
      %add3A_1370 = arith.constant 1024 : i32
      %add3A_1371 = arith.addi %add3A_1286, %add3A_1370 : i32
      %add3A_1372 = arith.constant 32 : i32
      %add3A_1373 = arith.addi %add3A_1371, %add3A_1372 : i32
      %swap3A_1374 = arith.index_cast %add3A_1373 : i32 to index
      %swap3A_1375 = tpu.vector_load %arg11[%swap3A_1374] {strides = array<i32>} : memref<49152xf32, #tpu.memory_space<vmem>>, vector<16xf32>,
      tpu.vector_store %arg11[%swap3A_1374], %gather3A_1369 {strides = array<i32>} : memref<49152xf32, #tpu.memory_space<vmem>>, vector<16xf32>,
      %gather3A_1376 = tpu.memref_slice %arg10[%mul3A_1288] : memref<32784xf32, #tpu.memory_space<vmem>> -> memref<17424xf32, #tpu.memory_space<vmem>>
      %gather3A_1377 = tpu.vector_load_idx %gather3A_1376[%get3A_247] : memref<17424xf32, #tpu.memory_space<vmem>>[vector<16xi32>], vector<16xf32>,
      %add3A_1378 = arith.constant 1024 : i32
      %add3A_1379 = arith.addi %add3A_1286, %add3A_1378 : i32
      %add3A_1380 = arith.constant 48 : i32
      %add3A_1381 = arith.addi %add3A_1379, %add3A_1380 : i32
      %swap3A_1382 = arith.index_cast %add3A_1381 : i32 to index
      %swap3A_1383 = tpu.vector_load %arg11[%swap3A_1382] {strides = array<i32>} : memref<49152xf32, #tpu.memory_space<vmem>>, vector<16xf32>,
      tpu.vector_store %arg11[%swap3A_1382], %gather3A_1377 {strides = array<i32>} : memref<49152xf32, #tpu.memory_space<vmem>>, vector<16xf32>,
      %gather3A_1384 = tpu.memref_slice %arg10[%mul3A_1288] : memref<32784xf32, #tpu.memory_space<vmem>> -> memref<17424xf32, #tpu.memory_space<vmem>>
      %gather3A_1385 = tpu.vector_load_idx %gather3A_1384[%get3A_249] : memref<17424xf32, #tpu.memory_space<vmem>>[vector<16xi32>], vector<16xf32>,
      %add3A_1386 = arith.constant 1024 : i32
      %add3A_1387 = arith.addi %add3A_1286, %add3A_1386 : i32
      %add3A_1388 = arith.constant 64 : i32
      %add3A_1389 = arith.addi %add3A_1387, %add3A_1388 : i32
      %swap3A_1390 = arith.index_cast %add3A_1389 : i32 to index
      %swap3A_1391 = tpu.vector_load %arg11[%swap3A_1390] {strides = array<i32>} : memref<49152xf32, #tpu.memory_space<vmem>>, vector<16xf32>,
      tpu.vector_store %arg11[%swap3A_1390], %gather3A_1385 {strides = array<i32>} : memref<49152xf32, #tpu.memory_space<vmem>>, vector<16xf32>,
      %gather3A_1392 = tpu.memref_slice %arg10[%mul3A_1288] : memref<32784xf32, #tpu.memory_space<vmem>> -> memref<17424xf32, #tpu.memory_space<vmem>>
      %gather3A_1393 = tpu.vector_load_idx %gather3A_1392[%get3A_251] : memref<17424xf32, #tpu.memory_space<vmem>>[vector<16xi32>], vector<16xf32>,
      %add3A_1394 = arith.constant 1024 : i32
      %add3A_1395 = arith.addi %add3A_1286, %add3A_1394 : i32
      %add3A_1396 = arith.constant 80 : i32
      %add3A_1397 = arith.addi %add3A_1395, %add3A_1396 : i32
      %swap3A_1398 = arith.index_cast %add3A_1397 : i32 to index
      %swap3A_1399 = tpu.vector_load %arg11[%swap3A_1398] {strides = array<i32>} : memref<49152xf32, #tpu.memory_space<vmem>>, vector<16xf32>,
      tpu.vector_store %arg11[%swap3A_1398], %gather3A_1393 {strides = array<i32>} : memref<49152xf32, #tpu.memory_space<vmem>>, vector<16xf32>,
      %gather3A_1400 = tpu.memref_slice %arg10[%mul3A_1288] : memref<32784xf32, #tpu.memory_space<vmem>> -> memref<17424xf32, #tpu.memory_space<vmem>>
      %gather3A_1401 = tpu.vector_load_idx %gather3A_1400[%get3A_253] : memref<17424xf32, #tpu.memory_space<vmem>>[vector<16xi32>], vector<16xf32>,
      %add3A_1402 = arith.constant 1024 : i32
      %add3A_1403 = arith.addi %add3A_1286, %add3A_1402 : i32
      %add3A_1404 = arith.constant 96 : i32
      %add3A_1405 = arith.addi %add3A_1403, %add3A_1404 : i32
      %swap3A_1406 = arith.index_cast %add3A_1405 : i32 to index
      %swap3A_1407 = tpu.vector_load %arg11[%swap3A_1406] {strides = array<i32>} : memref<49152xf32, #tpu.memory_space<vmem>>, vector<16xf32>,
      tpu.vector_store %arg11[%swap3A_1406], %gather3A_1401 {strides = array<i32>} : memref<49152xf32, #tpu.memory_space<vmem>>, vector<16xf32>,
      %gather3A_1408 = tpu.memref_slice %arg10[%mul3A_1288] : memref<32784xf32, #tpu.memory_space<vmem>> -> memref<17424xf32, #tpu.memory_space<vmem>>
      %gather3A_1409 = tpu.vector_load_idx %gather3A_1408[%get3A_255] : memref<17424xf32, #tpu.memory_space<vmem>>[vector<16xi32>], vector<16xf32>,
      %add3A_1410 = arith.constant 1024 : i32
      %add3A_1411 = arith.addi %add3A_1286, %add3A_1410 : i32
      %add3A_1412 = arith.constant 112 : i32
      %add3A_1413 = arith.addi %add3A_1411, %add3A_1412 : i32
      %swap3A_1414 = arith.index_cast %add3A_1413 : i32 to index
      %swap3A_1415 = tpu.vector_load %arg11[%swap3A_1414] {strides = array<i32>} : memref<49152xf32, #tpu.memory_space<vmem>>, vector<16xf32>,
      tpu.vector_store %arg11[%swap3A_1414], %gather3A_1409 {strides = array<i32>} : memref<49152xf32, #tpu.memory_space<vmem>>, vector<16xf32>,
      %gather3A_1416 = tpu.memref_slice %arg10[%mul3A_1288] : memref<32784xf32, #tpu.memory_space<vmem>> -> memref<17424xf32, #tpu.memory_space<vmem>>
      %gather3A_1417 = tpu.vector_load_idx %gather3A_1416[%get3A_257] : memref<17424xf32, #tpu.memory_space<vmem>>[vector<16xi32>], vector<16xf32>,
      %add3A_1418 = arith.constant 2048 : i32
      %add3A_1419 = arith.addi %add3A_1286, %add3A_1418 : i32
      %add3A_1420 = arith.constant 0 : i32
      %add3A_1421 = arith.addi %add3A_1419, %add3A_1420 : i32
      %swap3A_1422 = arith.index_cast %add3A_1421 : i32 to index
      %swap3A_1423 = tpu.vector_load %arg11[%swap3A_1422] {strides = array<i32>} : memref<49152xf32, #tpu.memory_space<vmem>>, vector<16xf32>,
      tpu.vector_store %arg11[%swap3A_1422], %gather3A_1417 {strides = array<i32>} : memref<49152xf32, #tpu.memory_space<vmem>>, vector<16xf32>,
      %gather3A_1424 = tpu.memref_slice %arg10[%mul3A_1288] : memref<32784xf32, #tpu.memory_space<vmem>> -> memref<17424xf32, #tpu.memory_space<vmem>>
      %gather3A_1425 = tpu.vector_load_idx %gather3A_1424[%get3A_259] : memref<17424xf32, #tpu.memory_space<vmem>>[vector<16xi32>], vector<16xf32>,
      %add3A_1426 = arith.constant 2048 : i32
      %add3A_1427 = arith.addi %add3A_1286, %add3A_1426 : i32
      %add3A_1428 = arith.constant 16 : i32
      %add3A_1429 = arith.addi %add3A_1427, %add3A_1428 : i32
      %swap3A_1430 = arith.index_cast %add3A_1429 : i32 to index
      %swap3A_1431 = tpu.vector_load %arg11[%swap3A_1430] {strides = array<i32>} : memref<49152xf32, #tpu.memory_space<vmem>>, vector<16xf32>,
      tpu.vector_store %arg11[%swap3A_1430], %gather3A_1425 {strides = array<i32>} : memref<49152xf32, #tpu.memory_space<vmem>>, vector<16xf32>,
      %gather3A_1432 = tpu.memref_slice %arg10[%mul3A_1288] : memref<32784xf32, #tpu.memory_space<vmem>> -> memref<17424xf32, #tpu.memory_space<vmem>>
      %gather3A_1433 = tpu.vector_load_idx %gather3A_1432[%get3A_261] : memref<17424xf32, #tpu.memory_space<vmem>>[vector<16xi32>], vector<16xf32>,
      %add3A_1434 = arith.constant 2048 : i32
      %add3A_1435 = arith.addi %add3A_1286, %add3A_1434 : i32
      %add3A_1436 = arith.constant 32 : i32
      %add3A_1437 = arith.addi %add3A_1435, %add3A_1436 : i32
      %swap3A_1438 = arith.index_cast %add3A_1437 : i32 to index
      %swap3A_1439 = tpu.vector_load %arg11[%swap3A_1438] {strides = array<i32>} : memref<49152xf32, #tpu.memory_space<vmem>>, vector<16xf32>,
      tpu.vector_store %arg11[%swap3A_1438], %gather3A_1433 {strides = array<i32>} : memref<49152xf32, #tpu.memory_space<vmem>>, vector<16xf32>,
      %gather3A_1440 = tpu.memref_slice %arg10[%mul3A_1288] : memref<32784xf32, #tpu.memory_space<vmem>> -> memref<17424xf32, #tpu.memory_space<vmem>>
      %gather3A_1441 = tpu.vector_load_idx %gather3A_1440[%get3A_263] : memref<17424xf32, #tpu.memory_space<vmem>>[vector<16xi32>], vector<16xf32>,
      %add3A_1442 = arith.constant 2048 : i32
      %add3A_1443 = arith.addi %add3A_1286, %add3A_1442 : i32
      %add3A_1444 = arith.constant 48 : i32
      %add3A_1445 = arith.addi %add3A_1443, %add3A_1444 : i32
      %swap3A_1446 = arith.index_cast %add3A_1445 : i32 to index
      %swap3A_1447 = tpu.vector_load %arg11[%swap3A_1446] {strides = array<i32>} : memref<49152xf32, #tpu.memory_space<vmem>>, vector<16xf32>,
      tpu.vector_store %arg11[%swap3A_1446], %gather3A_1441 {strides = array<i32>} : memref<49152xf32, #tpu.memory_space<vmem>>, vector<16xf32>,
      %gather3A_1448 = tpu.memref_slice %arg10[%mul3A_1288] : memref<32784xf32, #tpu.memory_space<vmem>> -> memref<17424xf32, #tpu.memory_space<vmem>>
      %gather3A_1449 = tpu.vector_load_idx %gather3A_1448[%get3A_265] : memref<17424xf32, #tpu.memory_space<vmem>>[vector<16xi32>], vector<16xf32>,
      %add3A_1450 = arith.constant 2048 : i32
      %add3A_1451 = arith.addi %add3A_1286, %add3A_1450 : i32
      %add3A_1452 = arith.constant 64 : i32
      %add3A_1453 = arith.addi %add3A_1451, %add3A_1452 : i32
      %swap3A_1454 = arith.index_cast %add3A_1453 : i32 to index
      %swap3A_1455 = tpu.vector_load %arg11[%swap3A_1454] {strides = array<i32>} : memref<49152xf32, #tpu.memory_space<vmem>>, vector<16xf32>,
      tpu.vector_store %arg11[%swap3A_1454], %gather3A_1449 {strides = array<i32>} : memref<49152xf32, #tpu.memory_space<vmem>>, vector<16xf32>,
      %gather3A_1456 = tpu.memref_slice %arg10[%mul3A_1288] : memref<32784xf32, #tpu.memory_space<vmem>> -> memref<17424xf32, #tpu.memory_space<vmem>>
      %gather3A_1457 = tpu.vector_load_idx %gather3A_1456[%get3A_267] : memref<17424xf32, #tpu.memory_space<vmem>>[vector<16xi32>], vector<16xf32>,
      %add3A_1458 = arith.constant 2048 : i32
      %add3A_1459 = arith.addi %add3A_1286, %add3A_1458 : i32
      %add3A_1460 = arith.constant 80 : i32
      %add3A_1461 = arith.addi %add3A_1459, %add3A_1460 : i32
      %swap3A_1462 = arith.index_cast %add3A_1461 : i32 to index
      %swap3A_1463 = tpu.vector_load %arg11[%swap3A_1462] {strides = array<i32>} : memref<49152xf32, #tpu.memory_space<vmem>>, vector<16xf32>,
      tpu.vector_store %arg11[%swap3A_1462], %gather3A_1457 {strides = array<i32>} : memref<49152xf32, #tpu.memory_space<vmem>>, vector<16xf32>,
      %gather3A_1464 = tpu.memref_slice %arg10[%mul3A_1288] : memref<32784xf32, #tpu.memory_space<vmem>> -> memref<17424xf32, #tpu.memory_space<vmem>>
      %gather3A_1465 = tpu.vector_load_idx %gather3A_1464[%get3A_269] : memref<17424xf32, #tpu.memory_space<vmem>>[vector<16xi32>], vector<16xf32>,
      %add3A_1466 = arith.constant 2048 : i32
      %add3A_1467 = arith.addi %add3A_1286, %add3A_1466 : i32
      %add3A_1468 = arith.constant 96 : i32
      %add3A_1469 = arith.addi %add3A_1467, %add3A_1468 : i32
      %swap3A_1470 = arith.index_cast %add3A_1469 : i32 to index
      %swap3A_1471 = tpu.vector_load %arg11[%swap3A_1470] {strides = array<i32>} : memref<49152xf32, #tpu.memory_space<vmem>>, vector<16xf32>,
      tpu.vector_store %arg11[%swap3A_1470], %gather3A_1465 {strides = array<i32>} : memref<49152xf32, #tpu.memory_space<vmem>>, vector<16xf32>,
      %gather3A_1472 = tpu.memref_slice %arg10[%mul3A_1288] : memref<32784xf32, #tpu.memory_space<vmem>> -> memref<17424xf32, #tpu.memory_space<vmem>>
      %gather3A_1473 = tpu.vector_load_idx %gather3A_1472[%get3A_271] : memref<17424xf32, #tpu.memory_space<vmem>>[vector<16xi32>], vector<16xf32>,
      %add3A_1474 = arith.constant 2048 : i32
      %add3A_1475 = arith.addi %add3A_1286, %add3A_1474 : i32
      %add3A_1476 = arith.constant 112 : i32
      %add3A_1477 = arith.addi %add3A_1475, %add3A_1476 : i32
      %swap3A_1478 = arith.index_cast %add3A_1477 : i32 to index
      %swap3A_1479 = tpu.vector_load %arg11[%swap3A_1478] {strides = array<i32>} : memref<49152xf32, #tpu.memory_space<vmem>>, vector<16xf32>,
      tpu.vector_store %arg11[%swap3A_1478], %gather3A_1473 {strides = array<i32>} : memref<49152xf32, #tpu.memory_space<vmem>>, vector<16xf32>,
    }
    %scan3A_277 = arith.constant 8 : i32
    %get3A_278 = arith.constant 1152 : index
    %get3A_279 = tpu.vector_load %arg14[%get3A_278] {strides = array<i32>} : memref<1680xi32, #tpu.memory_space<vmem>>, vector<16xi32>,
    %get3A_280 = arith.constant 1168 : index
    %get3A_281 = tpu.vector_load %arg14[%get3A_280] {strides = array<i32>} : memref<1680xi32, #tpu.memory_space<vmem>>, vector<16xi32>,
    %get3A_282 = arith.constant 1184 : index
    %get3A_283 = tpu.vector_load %arg14[%get3A_282] {strides = array<i32>} : memref<1680xi32, #tpu.memory_space<vmem>>, vector<16xi32>,
    %get3A_284 = arith.constant 1200 : index
    %get3A_285 = tpu.vector_load %arg14[%get3A_284] {strides = array<i32>} : memref<1680xi32, #tpu.memory_space<vmem>>, vector<16xi32>,
    %get3A_286 = arith.constant 1216 : index
    %get3A_287 = tpu.vector_load %arg14[%get3A_286] {strides = array<i32>} : memref<1680xi32, #tpu.memory_space<vmem>>, vector<16xi32>,
    %get3A_288 = arith.constant 1232 : index
    %get3A_289 = tpu.vector_load %arg14[%get3A_288] {strides = array<i32>} : memref<1680xi32, #tpu.memory_space<vmem>>, vector<16xi32>,
    %get3A_290 = arith.constant 1248 : index
    %get3A_291 = tpu.vector_load %arg14[%get3A_290] {strides = array<i32>} : memref<1680xi32, #tpu.memory_space<vmem>>, vector<16xi32>,
    %get3A_292 = arith.constant 1264 : index
    %get3A_293 = tpu.vector_load %arg14[%get3A_292] {strides = array<i32>} : memref<1680xi32, #tpu.memory_space<vmem>>, vector<16xi32>,
    %get3A_294 = arith.constant 1280 : index
    %get3A_295 = tpu.vector_load %arg14[%get3A_294] {strides = array<i32>} : memref<1680xi32, #tpu.memory_space<vmem>>, vector<16xi32>,
    %get3A_296 = arith.constant 1296 : index
    %get3A_297 = tpu.vector_load %arg14[%get3A_296] {strides = array<i32>} : memref<1680xi32, #tpu.memory_space<vmem>>, vector<16xi32>,
    %get3A_298 = arith.constant 1312 : index
    %get3A_299 = tpu.vector_load %arg14[%get3A_298] {strides = array<i32>} : memref<1680xi32, #tpu.memory_space<vmem>>, vector<16xi32>,
    %get3A_300 = arith.constant 1328 : index
    %get3A_301 = tpu.vector_load %arg14[%get3A_300] {strides = array<i32>} : memref<1680xi32, #tpu.memory_space<vmem>>, vector<16xi32>,
    %get3A_302 = arith.constant 1344 : index
    %get3A_303 = tpu.vector_load %arg14[%get3A_302] {strides = array<i32>} : memref<1680xi32, #tpu.memory_space<vmem>>, vector<16xi32>,
    %get3A_304 = arith.constant 1360 : index
    %get3A_305 = tpu.vector_load %arg14[%get3A_304] {strides = array<i32>} : memref<1680xi32, #tpu.memory_space<vmem>>, vector<16xi32>,
    %get3A_306 = arith.constant 1376 : index
    %get3A_307 = tpu.vector_load %arg14[%get3A_306] {strides = array<i32>} : memref<1680xi32, #tpu.memory_space<vmem>>, vector<16xi32>,
    %get3A_308 = arith.constant 1392 : index
    %get3A_309 = tpu.vector_load %arg14[%get3A_308] {strides = array<i32>} : memref<1680xi32, #tpu.memory_space<vmem>>, vector<16xi32>,
    %get3A_310 = arith.constant 1408 : index
    %get3A_311 = tpu.vector_load %arg14[%get3A_310] {strides = array<i32>} : memref<1680xi32, #tpu.memory_space<vmem>>, vector<16xi32>,
    %get3A_312 = arith.constant 1424 : index
    %get3A_313 = tpu.vector_load %arg14[%get3A_312] {strides = array<i32>} : memref<1680xi32, #tpu.memory_space<vmem>>, vector<16xi32>,
    %get3A_314 = arith.constant 1440 : index
    %get3A_315 = tpu.vector_load %arg14[%get3A_314] {strides = array<i32>} : memref<1680xi32, #tpu.memory_space<vmem>>, vector<16xi32>,
    %get3A_316 = arith.constant 1456 : index
    %get3A_317 = tpu.vector_load %arg14[%get3A_316] {strides = array<i32>} : memref<1680xi32, #tpu.memory_space<vmem>>, vector<16xi32>,
    %get3A_318 = arith.constant 1472 : index
    %get3A_319 = tpu.vector_load %arg14[%get3A_318] {strides = array<i32>} : memref<1680xi32, #tpu.memory_space<vmem>>, vector<16xi32>,
    %get3A_320 = arith.constant 1488 : index
    %get3A_321 = tpu.vector_load %arg14[%get3A_320] {strides = array<i32>} : memref<1680xi32, #tpu.memory_space<vmem>>, vector<16xi32>,
    %get3A_322 = arith.constant 1504 : index
    %get3A_323 = tpu.vector_load %arg14[%get3A_322] {strides = array<i32>} : memref<1680xi32, #tpu.memory_space<vmem>>, vector<16xi32>,
    %get3A_324 = arith.constant 1520 : index
    %get3A_325 = tpu.vector_load %arg14[%get3A_324] {strides = array<i32>} : memref<1680xi32, #tpu.memory_space<vmem>>, vector<16xi32>,
    %scan3A_326 = arith.constant 0 : i32
    %scan3A_327 = arith.constant 0 : i32
    %scan3A_328 = arith.constant 8 : i32
    %scan3A_329 = arith.addi %scan3A_327, %scan3A_328 : i32
    %scan3A_330 = arith.constant 1 : i32
    scf.for %scan3A_1282 = %scan3A_327 to %scan3A_329 step %scan3A_330  : i32 {
      %mul3A_1283 = arith.constant 3072 : i32
      %mul3A_1284 = arith.muli %scan3A_1282, %mul3A_1283 : i32
      %add3A_1285 = arith.constant 384 : i32
      %add3A_1286 = arith.addi %mul3A_1284, %add3A_1285 : i32
      %mul3A_1287 = arith.constant 1024 : i32
      %mul3A_1288 = arith.muli %scan3A_1282, %mul3A_1287 : i32
      %gather3A_1289 = tpu.memref_slice %arg10[%mul3A_1288] : memref<32784xf32, #tpu.memory_space<vmem>> -> memref<17424xf32, #tpu.memory_space<vmem>>
      %gather3A_1290 = tpu.vector_load_idx %gather3A_1289[%get3A_279] : memref<17424xf32, #tpu.memory_space<vmem>>[vector<16xi32>], vector<16xf32>,
      %add3A_1291 = arith.constant 0 : i32
      %add3A_1292 = arith.addi %add3A_1286, %add3A_1291 : i32
      %add3A_1293 = arith.constant 0 : i32
      %add3A_1294 = arith.addi %add3A_1292, %add3A_1293 : i32
      %swap3A = arith.index_cast %add3A_1294 : i32 to index
      %swap3A_1295 = tpu.vector_load %arg11[%swap3A] {strides = array<i32>} : memref<49152xf32, #tpu.memory_space<vmem>>, vector<16xf32>,
      tpu.vector_store %arg11[%swap3A], %gather3A_1290 {strides = array<i32>} : memref<49152xf32, #tpu.memory_space<vmem>>, vector<16xf32>,
      %gather3A_1296 = tpu.memref_slice %arg10[%mul3A_1288] : memref<32784xf32, #tpu.memory_space<vmem>> -> memref<17424xf32, #tpu.memory_space<vmem>>
      %gather3A_1297 = tpu.vector_load_idx %gather3A_1296[%get3A_281] : memref<17424xf32, #tpu.memory_space<vmem>>[vector<16xi32>], vector<16xf32>,
      %add3A_1298 = arith.constant 0 : i32
      %add3A_1299 = arith.addi %add3A_1286, %add3A_1298 : i32
      %add3A_1300 = arith.constant 16 : i32
      %add3A_1301 = arith.addi %add3A_1299, %add3A_1300 : i32
      %swap3A_1302 = arith.index_cast %add3A_1301 : i32 to index
      %swap3A_1303 = tpu.vector_load %arg11[%swap3A_1302] {strides = array<i32>} : memref<49152xf32, #tpu.memory_space<vmem>>, vector<16xf32>,
      tpu.vector_store %arg11[%swap3A_1302], %gather3A_1297 {strides = array<i32>} : memref<49152xf32, #tpu.memory_space<vmem>>, vector<16xf32>,
      %gather3A_1304 = tpu.memref_slice %arg10[%mul3A_1288] : memref<32784xf32, #tpu.memory_space<vmem>> -> memref<17424xf32, #tpu.memory_space<vmem>>
      %gather3A_1305 = tpu.vector_load_idx %gather3A_1304[%get3A_283] : memref<17424xf32, #tpu.memory_space<vmem>>[vector<16xi32>], vector<16xf32>,
      %add3A_1306 = arith.constant 0 : i32
      %add3A_1307 = arith.addi %add3A_1286, %add3A_1306 : i32
      %add3A_1308 = arith.constant 32 : i32
      %add3A_1309 = arith.addi %add3A_1307, %add3A_1308 : i32
      %swap3A_1310 = arith.index_cast %add3A_1309 : i32 to index
      %swap3A_1311 = tpu.vector_load %arg11[%swap3A_1310] {strides = array<i32>} : memref<49152xf32, #tpu.memory_space<vmem>>, vector<16xf32>,
      tpu.vector_store %arg11[%swap3A_1310], %gather3A_1305 {strides = array<i32>} : memref<49152xf32, #tpu.memory_space<vmem>>, vector<16xf32>,
      %gather3A_1312 = tpu.memref_slice %arg10[%mul3A_1288] : memref<32784xf32, #tpu.memory_space<vmem>> -> memref<17424xf32, #tpu.memory_space<vmem>>
      %gather3A_1313 = tpu.vector_load_idx %gather3A_1312[%get3A_285] : memref<17424xf32, #tpu.memory_space<vmem>>[vector<16xi32>], vector<16xf32>,
      %add3A_1314 = arith.constant 0 : i32
      %add3A_1315 = arith.addi %add3A_1286, %add3A_1314 : i32
      %add3A_1316 = arith.constant 48 : i32
      %add3A_1317 = arith.addi %add3A_1315, %add3A_1316 : i32
      %swap3A_1318 = arith.index_cast %add3A_1317 : i32 to index
      %swap3A_1319 = tpu.vector_load %arg11[%swap3A_1318] {strides = array<i32>} : memref<49152xf32, #tpu.memory_space<vmem>>, vector<16xf32>,
      tpu.vector_store %arg11[%swap3A_1318], %gather3A_1313 {strides = array<i32>} : memref<49152xf32, #tpu.memory_space<vmem>>, vector<16xf32>,
      %gather3A_1320 = tpu.memref_slice %arg10[%mul3A_1288] : memref<32784xf32, #tpu.memory_space<vmem>> -> memref<17424xf32, #tpu.memory_space<vmem>>
      %gather3A_1321 = tpu.vector_load_idx %gather3A_1320[%get3A_287] : memref<17424xf32, #tpu.memory_space<vmem>>[vector<16xi32>], vector<16xf32>,
      %add3A_1322 = arith.constant 0 : i32
      %add3A_1323 = arith.addi %add3A_1286, %add3A_1322 : i32
      %add3A_1324 = arith.constant 64 : i32
      %add3A_1325 = arith.addi %add3A_1323, %add3A_1324 : i32
      %swap3A_1326 = arith.index_cast %add3A_1325 : i32 to index
      %swap3A_1327 = tpu.vector_load %arg11[%swap3A_1326] {strides = array<i32>} : memref<49152xf32, #tpu.memory_space<vmem>>, vector<16xf32>,
      tpu.vector_store %arg11[%swap3A_1326], %gather3A_1321 {strides = array<i32>} : memref<49152xf32, #tpu.memory_space<vmem>>, vector<16xf32>,
      %gather3A_1328 = tpu.memref_slice %arg10[%mul3A_1288] : memref<32784xf32, #tpu.memory_space<vmem>> -> memref<17424xf32, #tpu.memory_space<vmem>>
      %gather3A_1329 = tpu.vector_load_idx %gather3A_1328[%get3A_289] : memref<17424xf32, #tpu.memory_space<vmem>>[vector<16xi32>], vector<16xf32>,
      %add3A_1330 = arith.constant 0 : i32
      %add3A_1331 = arith.addi %add3A_1286, %add3A_1330 : i32
      %add3A_1332 = arith.constant 80 : i32
      %add3A_1333 = arith.addi %add3A_1331, %add3A_1332 : i32
      %swap3A_1334 = arith.index_cast %add3A_1333 : i32 to index
      %swap3A_1335 = tpu.vector_load %arg11[%swap3A_1334] {strides = array<i32>} : memref<49152xf32, #tpu.memory_space<vmem>>, vector<16xf32>,
      tpu.vector_store %arg11[%swap3A_1334], %gather3A_1329 {strides = array<i32>} : memref<49152xf32, #tpu.memory_space<vmem>>, vector<16xf32>,
      %gather3A_1336 = tpu.memref_slice %arg10[%mul3A_1288] : memref<32784xf32, #tpu.memory_space<vmem>> -> memref<17424xf32, #tpu.memory_space<vmem>>
      %gather3A_1337 = tpu.vector_load_idx %gather3A_1336[%get3A_291] : memref<17424xf32, #tpu.memory_space<vmem>>[vector<16xi32>], vector<16xf32>,
      %add3A_1338 = arith.constant 0 : i32
      %add3A_1339 = arith.addi %add3A_1286, %add3A_1338 : i32
      %add3A_1340 = arith.constant 96 : i32
      %add3A_1341 = arith.addi %add3A_1339, %add3A_1340 : i32
      %swap3A_1342 = arith.index_cast %add3A_1341 : i32 to index
      %swap3A_1343 = tpu.vector_load %arg11[%swap3A_1342] {strides = array<i32>} : memref<49152xf32, #tpu.memory_space<vmem>>, vector<16xf32>,
      tpu.vector_store %arg11[%swap3A_1342], %gather3A_1337 {strides = array<i32>} : memref<49152xf32, #tpu.memory_space<vmem>>, vector<16xf32>,
      %gather3A_1344 = tpu.memref_slice %arg10[%mul3A_1288] : memref<32784xf32, #tpu.memory_space<vmem>> -> memref<17424xf32, #tpu.memory_space<vmem>>
      %gather3A_1345 = tpu.vector_load_idx %gather3A_1344[%get3A_293] : memref<17424xf32, #tpu.memory_space<vmem>>[vector<16xi32>], vector<16xf32>,
      %add3A_1346 = arith.constant 0 : i32
      %add3A_1347 = arith.addi %add3A_1286, %add3A_1346 : i32
      %add3A_1348 = arith.constant 112 : i32
      %add3A_1349 = arith.addi %add3A_1347, %add3A_1348 : i32
      %swap3A_1350 = arith.index_cast %add3A_1349 : i32 to index
      %swap3A_1351 = tpu.vector_load %arg11[%swap3A_1350] {strides = array<i32>} : memref<49152xf32, #tpu.memory_space<vmem>>, vector<16xf32>,
      tpu.vector_store %arg11[%swap3A_1350], %gather3A_1345 {strides = array<i32>} : memref<49152xf32, #tpu.memory_space<vmem>>, vector<16xf32>,
      %gather3A_1352 = tpu.memref_slice %arg10[%mul3A_1288] : memref<32784xf32, #tpu.memory_space<vmem>> -> memref<17424xf32, #tpu.memory_space<vmem>>
      %gather3A_1353 = tpu.vector_load_idx %gather3A_1352[%get3A_295] : memref<17424xf32, #tpu.memory_space<vmem>>[vector<16xi32>], vector<16xf32>,
      %add3A_1354 = arith.constant 1024 : i32
      %add3A_1355 = arith.addi %add3A_1286, %add3A_1354 : i32
      %add3A_1356 = arith.constant 0 : i32
      %add3A_1357 = arith.addi %add3A_1355, %add3A_1356 : i32
      %swap3A_1358 = arith.index_cast %add3A_1357 : i32 to index
      %swap3A_1359 = tpu.vector_load %arg11[%swap3A_1358] {strides = array<i32>} : memref<49152xf32, #tpu.memory_space<vmem>>, vector<16xf32>,
      tpu.vector_store %arg11[%swap3A_1358], %gather3A_1353 {strides = array<i32>} : memref<49152xf32, #tpu.memory_space<vmem>>, vector<16xf32>,
      %gather3A_1360 = tpu.memref_slice %arg10[%mul3A_1288] : memref<32784xf32, #tpu.memory_space<vmem>> -> memref<17424xf32, #tpu.memory_space<vmem>>
      %gather3A_1361 = tpu.vector_load_idx %gather3A_1360[%get3A_297] : memref<17424xf32, #tpu.memory_space<vmem>>[vector<16xi32>], vector<16xf32>,
      %add3A_1362 = arith.constant 1024 : i32
      %add3A_1363 = arith.addi %add3A_1286, %add3A_1362 : i32
      %add3A_1364 = arith.constant 16 : i32
      %add3A_1365 = arith.addi %add3A_1363, %add3A_1364 : i32
      %swap3A_1366 = arith.index_cast %add3A_1365 : i32 to index
      %swap3A_1367 = tpu.vector_load %arg11[%swap3A_1366] {strides = array<i32>} : memref<49152xf32, #tpu.memory_space<vmem>>, vector<16xf32>,
      tpu.vector_store %arg11[%swap3A_1366], %gather3A_1361 {strides = array<i32>} : memref<49152xf32, #tpu.memory_space<vmem>>, vector<16xf32>,
      %gather3A_1368 = tpu.memref_slice %arg10[%mul3A_1288] : memref<32784xf32, #tpu.memory_space<vmem>> -> memref<17424xf32, #tpu.memory_space<vmem>>
      %gather3A_1369 = tpu.vector_load_idx %gather3A_1368[%get3A_299] : memref<17424xf32, #tpu.memory_space<vmem>>[vector<16xi32>], vector<16xf32>,
      %add3A_1370 = arith.constant 1024 : i32
      %add3A_1371 = arith.addi %add3A_1286, %add3A_1370 : i32
      %add3A_1372 = arith.constant 32 : i32
      %add3A_1373 = arith.addi %add3A_1371, %add3A_1372 : i32
      %swap3A_1374 = arith.index_cast %add3A_1373 : i32 to index
      %swap3A_1375 = tpu.vector_load %arg11[%swap3A_1374] {strides = array<i32>} : memref<49152xf32, #tpu.memory_space<vmem>>, vector<16xf32>,
      tpu.vector_store %arg11[%swap3A_1374], %gather3A_1369 {strides = array<i32>} : memref<49152xf32, #tpu.memory_space<vmem>>, vector<16xf32>,
      %gather3A_1376 = tpu.memref_slice %arg10[%mul3A_1288] : memref<32784xf32, #tpu.memory_space<vmem>> -> memref<17424xf32, #tpu.memory_space<vmem>>
      %gather3A_1377 = tpu.vector_load_idx %gather3A_1376[%get3A_301] : memref<17424xf32, #tpu.memory_space<vmem>>[vector<16xi32>], vector<16xf32>,
      %add3A_1378 = arith.constant 1024 : i32
      %add3A_1379 = arith.addi %add3A_1286, %add3A_1378 : i32
      %add3A_1380 = arith.constant 48 : i32
      %add3A_1381 = arith.addi %add3A_1379, %add3A_1380 : i32
      %swap3A_1382 = arith.index_cast %add3A_1381 : i32 to index
      %swap3A_1383 = tpu.vector_load %arg11[%swap3A_1382] {strides = array<i32>} : memref<49152xf32, #tpu.memory_space<vmem>>, vector<16xf32>,
      tpu.vector_store %arg11[%swap3A_1382], %gather3A_1377 {strides = array<i32>} : memref<49152xf32, #tpu.memory_space<vmem>>, vector<16xf32>,
      %gather3A_1384 = tpu.memref_slice %arg10[%mul3A_1288] : memref<32784xf32, #tpu.memory_space<vmem>> -> memref<17424xf32, #tpu.memory_space<vmem>>
      %gather3A_1385 = tpu.vector_load_idx %gather3A_1384[%get3A_303] : memref<17424xf32, #tpu.memory_space<vmem>>[vector<16xi32>], vector<16xf32>,
      %add3A_1386 = arith.constant 1024 : i32
      %add3A_1387 = arith.addi %add3A_1286, %add3A_1386 : i32
      %add3A_1388 = arith.constant 64 : i32
      %add3A_1389 = arith.addi %add3A_1387, %add3A_1388 : i32
      %swap3A_1390 = arith.index_cast %add3A_1389 : i32 to index
      %swap3A_1391 = tpu.vector_load %arg11[%swap3A_1390] {strides = array<i32>} : memref<49152xf32, #tpu.memory_space<vmem>>, vector<16xf32>,
      tpu.vector_store %arg11[%swap3A_1390], %gather3A_1385 {strides = array<i32>} : memref<49152xf32, #tpu.memory_space<vmem>>, vector<16xf32>,
      %gather3A_1392 = tpu.memref_slice %arg10[%mul3A_1288] : memref<32784xf32, #tpu.memory_space<vmem>> -> memref<17424xf32, #tpu.memory_space<vmem>>
      %gather3A_1393 = tpu.vector_load_idx %gather3A_1392[%get3A_305] : memref<17424xf32, #tpu.memory_space<vmem>>[vector<16xi32>], vector<16xf32>,
      %add3A_1394 = arith.constant 1024 : i32
      %add3A_1395 = arith.addi %add3A_1286, %add3A_1394 : i32
      %add3A_1396 = arith.constant 80 : i32
      %add3A_1397 = arith.addi %add3A_1395, %add3A_1396 : i32
      %swap3A_1398 = arith.index_cast %add3A_1397 : i32 to index
      %swap3A_1399 = tpu.vector_load %arg11[%swap3A_1398] {strides = array<i32>} : memref<49152xf32, #tpu.memory_space<vmem>>, vector<16xf32>,
      tpu.vector_store %arg11[%swap3A_1398], %gather3A_1393 {strides = array<i32>} : memref<49152xf32, #tpu.memory_space<vmem>>, vector<16xf32>,
      %gather3A_1400 = tpu.memref_slice %arg10[%mul3A_1288] : memref<32784xf32, #tpu.memory_space<vmem>> -> memref<17424xf32, #tpu.memory_space<vmem>>
      %gather3A_1401 = tpu.vector_load_idx %gather3A_1400[%get3A_307] : memref<17424xf32, #tpu.memory_space<vmem>>[vector<16xi32>], vector<16xf32>,
      %add3A_1402 = arith.constant 1024 : i32
      %add3A_1403 = arith.addi %add3A_1286, %add3A_1402 : i32
      %add3A_1404 = arith.constant 96 : i32
      %add3A_1405 = arith.addi %add3A_1403, %add3A_1404 : i32
      %swap3A_1406 = arith.index_cast %add3A_1405 : i32 to index
      %swap3A_1407 = tpu.vector_load %arg11[%swap3A_1406] {strides = array<i32>} : memref<49152xf32, #tpu.memory_space<vmem>>, vector<16xf32>,
      tpu.vector_store %arg11[%swap3A_1406], %gather3A_1401 {strides = array<i32>} : memref<49152xf32, #tpu.memory_space<vmem>>, vector<16xf32>,
      %gather3A_1408 = tpu.memref_slice %arg10[%mul3A_1288] : memref<32784xf32, #tpu.memory_space<vmem>> -> memref<17424xf32, #tpu.memory_space<vmem>>
      %gather3A_1409 = tpu.vector_load_idx %gather3A_1408[%get3A_309] : memref<17424xf32, #tpu.memory_space<vmem>>[vector<16xi32>], vector<16xf32>,
      %add3A_1410 = arith.constant 1024 : i32
      %add3A_1411 = arith.addi %add3A_1286, %add3A_1410 : i32
      %add3A_1412 = arith.constant 112 : i32
      %add3A_1413 = arith.addi %add3A_1411, %add3A_1412 : i32
      %swap3A_1414 = arith.index_cast %add3A_1413 : i32 to index
      %swap3A_1415 = tpu.vector_load %arg11[%swap3A_1414] {strides = array<i32>} : memref<49152xf32, #tpu.memory_space<vmem>>, vector<16xf32>,
      tpu.vector_store %arg11[%swap3A_1414], %gather3A_1409 {strides = array<i32>} : memref<49152xf32, #tpu.memory_space<vmem>>, vector<16xf32>,
      %gather3A_1416 = tpu.memref_slice %arg10[%mul3A_1288] : memref<32784xf32, #tpu.memory_space<vmem>> -> memref<17424xf32, #tpu.memory_space<vmem>>
      %gather3A_1417 = tpu.vector_load_idx %gather3A_1416[%get3A_311] : memref<17424xf32, #tpu.memory_space<vmem>>[vector<16xi32>], vector<16xf32>,
      %add3A_1418 = arith.constant 2048 : i32
      %add3A_1419 = arith.addi %add3A_1286, %add3A_1418 : i32
      %add3A_1420 = arith.constant 0 : i32
      %add3A_1421 = arith.addi %add3A_1419, %add3A_1420 : i32
      %swap3A_1422 = arith.index_cast %add3A_1421 : i32 to index
      %swap3A_1423 = tpu.vector_load %arg11[%swap3A_1422] {strides = array<i32>} : memref<49152xf32, #tpu.memory_space<vmem>>, vector<16xf32>,
      tpu.vector_store %arg11[%swap3A_1422], %gather3A_1417 {strides = array<i32>} : memref<49152xf32, #tpu.memory_space<vmem>>, vector<16xf32>,
      %gather3A_1424 = tpu.memref_slice %arg10[%mul3A_1288] : memref<32784xf32, #tpu.memory_space<vmem>> -> memref<17424xf32, #tpu.memory_space<vmem>>
      %gather3A_1425 = tpu.vector_load_idx %gather3A_1424[%get3A_313] : memref<17424xf32, #tpu.memory_space<vmem>>[vector<16xi32>], vector<16xf32>,
      %add3A_1426 = arith.constant 2048 : i32
      %add3A_1427 = arith.addi %add3A_1286, %add3A_1426 : i32
      %add3A_1428 = arith.constant 16 : i32
      %add3A_1429 = arith.addi %add3A_1427, %add3A_1428 : i32
      %swap3A_1430 = arith.index_cast %add3A_1429 : i32 to index
      %swap3A_1431 = tpu.vector_load %arg11[%swap3A_1430] {strides = array<i32>} : memref<49152xf32, #tpu.memory_space<vmem>>, vector<16xf32>,
      tpu.vector_store %arg11[%swap3A_1430], %gather3A_1425 {strides = array<i32>} : memref<49152xf32, #tpu.memory_space<vmem>>, vector<16xf32>,
      %gather3A_1432 = tpu.memref_slice %arg10[%mul3A_1288] : memref<32784xf32, #tpu.memory_space<vmem>> -> memref<17424xf32, #tpu.memory_space<vmem>>
      %gather3A_1433 = tpu.vector_load_idx %gather3A_1432[%get3A_315] : memref<17424xf32, #tpu.memory_space<vmem>>[vector<16xi32>], vector<16xf32>,
      %add3A_1434 = arith.constant 2048 : i32
      %add3A_1435 = arith.addi %add3A_1286, %add3A_1434 : i32
      %add3A_1436 = arith.constant 32 : i32
      %add3A_1437 = arith.addi %add3A_1435, %add3A_1436 : i32
      %swap3A_1438 = arith.index_cast %add3A_1437 : i32 to index
      %swap3A_1439 = tpu.vector_load %arg11[%swap3A_1438] {strides = array<i32>} : memref<49152xf32, #tpu.memory_space<vmem>>, vector<16xf32>,
      tpu.vector_store %arg11[%swap3A_1438], %gather3A_1433 {strides = array<i32>} : memref<49152xf32, #tpu.memory_space<vmem>>, vector<16xf32>,
      %gather3A_1440 = tpu.memref_slice %arg10[%mul3A_1288] : memref<32784xf32, #tpu.memory_space<vmem>> -> memref<17424xf32, #tpu.memory_space<vmem>>
      %gather3A_1441 = tpu.vector_load_idx %gather3A_1440[%get3A_317] : memref<17424xf32, #tpu.memory_space<vmem>>[vector<16xi32>], vector<16xf32>,
      %add3A_1442 = arith.constant 2048 : i32
      %add3A_1443 = arith.addi %add3A_1286, %add3A_1442 : i32
      %add3A_1444 = arith.constant 48 : i32
      %add3A_1445 = arith.addi %add3A_1443, %add3A_1444 : i32
      %swap3A_1446 = arith.index_cast %add3A_1445 : i32 to index
      %swap3A_1447 = tpu.vector_load %arg11[%swap3A_1446] {strides = array<i32>} : memref<49152xf32, #tpu.memory_space<vmem>>, vector<16xf32>,
      tpu.vector_store %arg11[%swap3A_1446], %gather3A_1441 {strides = array<i32>} : memref<49152xf32, #tpu.memory_space<vmem>>, vector<16xf32>,
      %gather3A_1448 = tpu.memref_slice %arg10[%mul3A_1288] : memref<32784xf32, #tpu.memory_space<vmem>> -> memref<17424xf32, #tpu.memory_space<vmem>>
      %gather3A_1449 = tpu.vector_load_idx %gather3A_1448[%get3A_319] : memref<17424xf32, #tpu.memory_space<vmem>>[vector<16xi32>], vector<16xf32>,
      %add3A_1450 = arith.constant 2048 : i32
      %add3A_1451 = arith.addi %add3A_1286, %add3A_1450 : i32
      %add3A_1452 = arith.constant 64 : i32
      %add3A_1453 = arith.addi %add3A_1451, %add3A_1452 : i32
      %swap3A_1454 = arith.index_cast %add3A_1453 : i32 to index
      %swap3A_1455 = tpu.vector_load %arg11[%swap3A_1454] {strides = array<i32>} : memref<49152xf32, #tpu.memory_space<vmem>>, vector<16xf32>,
      tpu.vector_store %arg11[%swap3A_1454], %gather3A_1449 {strides = array<i32>} : memref<49152xf32, #tpu.memory_space<vmem>>, vector<16xf32>,
      %gather3A_1456 = tpu.memref_slice %arg10[%mul3A_1288] : memref<32784xf32, #tpu.memory_space<vmem>> -> memref<17424xf32, #tpu.memory_space<vmem>>
      %gather3A_1457 = tpu.vector_load_idx %gather3A_1456[%get3A_321] : memref<17424xf32, #tpu.memory_space<vmem>>[vector<16xi32>], vector<16xf32>,
      %add3A_1458 = arith.constant 2048 : i32
      %add3A_1459 = arith.addi %add3A_1286, %add3A_1458 : i32
      %add3A_1460 = arith.constant 80 : i32
      %add3A_1461 = arith.addi %add3A_1459, %add3A_1460 : i32
      %swap3A_1462 = arith.index_cast %add3A_1461 : i32 to index
      %swap3A_1463 = tpu.vector_load %arg11[%swap3A_1462] {strides = array<i32>} : memref<49152xf32, #tpu.memory_space<vmem>>, vector<16xf32>,
      tpu.vector_store %arg11[%swap3A_1462], %gather3A_1457 {strides = array<i32>} : memref<49152xf32, #tpu.memory_space<vmem>>, vector<16xf32>,
      %gather3A_1464 = tpu.memref_slice %arg10[%mul3A_1288] : memref<32784xf32, #tpu.memory_space<vmem>> -> memref<17424xf32, #tpu.memory_space<vmem>>
      %gather3A_1465 = tpu.vector_load_idx %gather3A_1464[%get3A_323] : memref<17424xf32, #tpu.memory_space<vmem>>[vector<16xi32>], vector<16xf32>,
      %add3A_1466 = arith.constant 2048 : i32
      %add3A_1467 = arith.addi %add3A_1286, %add3A_1466 : i32
      %add3A_1468 = arith.constant 96 : i32
      %add3A_1469 = arith.addi %add3A_1467, %add3A_1468 : i32
      %swap3A_1470 = arith.index_cast %add3A_1469 : i32 to index
      %swap3A_1471 = tpu.vector_load %arg11[%swap3A_1470] {strides = array<i32>} : memref<49152xf32, #tpu.memory_space<vmem>>, vector<16xf32>,
      tpu.vector_store %arg11[%swap3A_1470], %gather3A_1465 {strides = array<i32>} : memref<49152xf32, #tpu.memory_space<vmem>>, vector<16xf32>,
      %gather3A_1472 = tpu.memref_slice %arg10[%mul3A_1288] : memref<32784xf32, #tpu.memory_space<vmem>> -> memref<17424xf32, #tpu.memory_space<vmem>>
      %gather3A_1473 = tpu.vector_load_idx %gather3A_1472[%get3A_325] : memref<17424xf32, #tpu.memory_space<vmem>>[vector<16xi32>], vector<16xf32>,
      %add3A_1474 = arith.constant 2048 : i32
      %add3A_1475 = arith.addi %add3A_1286, %add3A_1474 : i32
      %add3A_1476 = arith.constant 112 : i32
      %add3A_1477 = arith.addi %add3A_1475, %add3A_1476 : i32
      %swap3A_1478 = arith.index_cast %add3A_1477 : i32 to index
      %swap3A_1479 = tpu.vector_load %arg11[%swap3A_1478] {strides = array<i32>} : memref<49152xf32, #tpu.memory_space<vmem>>, vector<16xf32>,
      tpu.vector_store %arg11[%swap3A_1478], %gather3A_1473 {strides = array<i32>} : memref<49152xf32, #tpu.memory_space<vmem>>, vector<16xf32>,
    }
    %scan3A_331 = arith.constant 8 : i32
    %get3A_332 = arith.constant 1536 : index
    %get3A_333 = tpu.vector_load %arg14[%get3A_332] {strides = array<i32>} : memref<1680xi32, #tpu.memory_space<vmem>>, vector<16xi32>,
    %gather3A_334 = tpu.vector_load_idx %arg10[%get3A_333] : memref<32784xf32, #tpu.memory_space<vmem>>[vector<16xi32>], vector<16xf32>,
    %get3A_335 = arith.constant 1552 : index
    %get3A_336 = tpu.vector_load %arg14[%get3A_335] {strides = array<i32>} : memref<1680xi32, #tpu.memory_space<vmem>>, vector<16xi32>,
    %gather3A_337 = tpu.vector_load_idx %arg10[%get3A_336] : memref<32784xf32, #tpu.memory_space<vmem>>[vector<16xi32>], vector<16xf32>,
    %get3A_338 = arith.constant 1568 : index
    %get3A_339 = tpu.vector_load %arg14[%get3A_338] {strides = array<i32>} : memref<1680xi32, #tpu.memory_space<vmem>>, vector<16xi32>,
    %gather3A_340 = tpu.vector_load_idx %arg10[%get3A_339] : memref<32784xf32, #tpu.memory_space<vmem>>[vector<16xi32>], vector<16xf32>,
    %scan3A_341 = arith.constant 0 : i32
    %scan3A_342 = arith.constant 0 : i32
    %scan3A_343 = arith.constant 8 : i32
    %scan3A_344 = arith.addi %scan3A_342, %scan3A_343 : i32
    %scan3A_345 = arith.constant 1 : i32
    scf.for %scan3A_1282 = %scan3A_342 to %scan3A_344 step %scan3A_345  : i32 {
      %mul3A_1283 = arith.constant 3072 : i32
      %mul3A_1284 = arith.muli %scan3A_1282, %mul3A_1283 : i32
      %add3A_1285 = arith.constant 512 : i32
      %add3A_1286 = arith.addi %mul3A_1284, %add3A_1285 : i32
      %add3A_1287 = arith.constant 0 : i32
      %add3A_1288 = arith.addi %add3A_1286, %add3A_1287 : i32
      %add3A_1289 = arith.constant 0 : i32
      %add3A_1290 = arith.addi %add3A_1288, %add3A_1289 : i32
      %swap3A = arith.index_cast %add3A_1290 : i32 to index
      %swap3A_1291 = tpu.vector_load %arg11[%swap3A] {strides = array<i32>} : memref<49152xf32, #tpu.memory_space<vmem>>, vector<16xf32>,
      tpu.vector_store %arg11[%swap3A], %gather3A_334 {strides = array<i32>} : memref<49152xf32, #tpu.memory_space<vmem>>, vector<16xf32>,
      %add3A_1292 = arith.constant 0 : i32
      %add3A_1293 = arith.addi %add3A_1286, %add3A_1292 : i32
      %add3A_1294 = arith.constant 16 : i32
      %add3A_1295 = arith.addi %add3A_1293, %add3A_1294 : i32
      %swap3A_1296 = arith.index_cast %add3A_1295 : i32 to index
      %swap3A_1297 = tpu.vector_load %arg11[%swap3A_1296] {strides = array<i32>} : memref<49152xf32, #tpu.memory_space<vmem>>, vector<16xf32>,
      tpu.vector_store %arg11[%swap3A_1296], %gather3A_337 {strides = array<i32>} : memref<49152xf32, #tpu.memory_space<vmem>>, vector<16xf32>,
      %add3A_1298 = arith.constant 0 : i32
      %add3A_1299 = arith.addi %add3A_1286, %add3A_1298 : i32
      %add3A_1300 = arith.constant 32 : i32
      %add3A_1301 = arith.addi %add3A_1299, %add3A_1300 : i32
      %swap3A_1302 = arith.index_cast %add3A_1301 : i32 to index
      %swap3A_1303 = tpu.vector_load %arg11[%swap3A_1302] {strides = array<i32>} : memref<49152xf32, #tpu.memory_space<vmem>>, vector<16xf32>,
      tpu.vector_store %arg11[%swap3A_1302], %gather3A_340 {strides = array<i32>} : memref<49152xf32, #tpu.memory_space<vmem>>, vector<16xf32>,
      %add3A_1304 = arith.constant 0 : i32
      %add3A_1305 = arith.addi %add3A_1286, %add3A_1304 : i32
      %add3A_1306 = arith.constant 48 : i32
      %add3A_1307 = arith.addi %add3A_1305, %add3A_1306 : i32
      %swap3A_1308 = arith.index_cast %add3A_1307 : i32 to index
      %swap3A_1309 = tpu.vector_load %arg11[%swap3A_1308] {strides = array<i32>} : memref<49152xf32, #tpu.memory_space<vmem>>, vector<16xf32>,
      tpu.vector_store %arg11[%swap3A_1308], %gather3A_334 {strides = array<i32>} : memref<49152xf32, #tpu.memory_space<vmem>>, vector<16xf32>,
      %add3A_1310 = arith.constant 0 : i32
      %add3A_1311 = arith.addi %add3A_1286, %add3A_1310 : i32
      %add3A_1312 = arith.constant 64 : i32
      %add3A_1313 = arith.addi %add3A_1311, %add3A_1312 : i32
      %swap3A_1314 = arith.index_cast %add3A_1313 : i32 to index
      %swap3A_1315 = tpu.vector_load %arg11[%swap3A_1314] {strides = array<i32>} : memref<49152xf32, #tpu.memory_space<vmem>>, vector<16xf32>,
      tpu.vector_store %arg11[%swap3A_1314], %gather3A_337 {strides = array<i32>} : memref<49152xf32, #tpu.memory_space<vmem>>, vector<16xf32>,
      %add3A_1316 = arith.constant 0 : i32
      %add3A_1317 = arith.addi %add3A_1286, %add3A_1316 : i32
      %add3A_1318 = arith.constant 80 : i32
      %add3A_1319 = arith.addi %add3A_1317, %add3A_1318 : i32
      %swap3A_1320 = arith.index_cast %add3A_1319 : i32 to index
      %swap3A_1321 = tpu.vector_load %arg11[%swap3A_1320] {strides = array<i32>} : memref<49152xf32, #tpu.memory_space<vmem>>, vector<16xf32>,
      tpu.vector_store %arg11[%swap3A_1320], %gather3A_340 {strides = array<i32>} : memref<49152xf32, #tpu.memory_space<vmem>>, vector<16xf32>,
      %add3A_1322 = arith.constant 0 : i32
      %add3A_1323 = arith.addi %add3A_1286, %add3A_1322 : i32
      %add3A_1324 = arith.constant 96 : i32
      %add3A_1325 = arith.addi %add3A_1323, %add3A_1324 : i32
      %swap3A_1326 = arith.index_cast %add3A_1325 : i32 to index
      %swap3A_1327 = tpu.vector_load %arg11[%swap3A_1326] {strides = array<i32>} : memref<49152xf32, #tpu.memory_space<vmem>>, vector<16xf32>,
      tpu.vector_store %arg11[%swap3A_1326], %gather3A_334 {strides = array<i32>} : memref<49152xf32, #tpu.memory_space<vmem>>, vector<16xf32>,
      %add3A_1328 = arith.constant 0 : i32
      %add3A_1329 = arith.addi %add3A_1286, %add3A_1328 : i32
      %add3A_1330 = arith.constant 112 : i32
      %add3A_1331 = arith.addi %add3A_1329, %add3A_1330 : i32
      %swap3A_1332 = arith.index_cast %add3A_1331 : i32 to index
      %swap3A_1333 = tpu.vector_load %arg11[%swap3A_1332] {strides = array<i32>} : memref<49152xf32, #tpu.memory_space<vmem>>, vector<16xf32>,
      tpu.vector_store %arg11[%swap3A_1332], %gather3A_337 {strides = array<i32>} : memref<49152xf32, #tpu.memory_space<vmem>>, vector<16xf32>,
      %add3A_1334 = arith.constant 1024 : i32
      %add3A_1335 = arith.addi %add3A_1286, %add3A_1334 : i32
      %add3A_1336 = arith.constant 0 : i32
      %add3A_1337 = arith.addi %add3A_1335, %add3A_1336 : i32
      %swap3A_1338 = arith.index_cast %add3A_1337 : i32 to index
      %swap3A_1339 = tpu.vector_load %arg11[%swap3A_1338] {strides = array<i32>} : memref<49152xf32, #tpu.memory_space<vmem>>, vector<16xf32>,
      tpu.vector_store %arg11[%swap3A_1338], %gather3A_340 {strides = array<i32>} : memref<49152xf32, #tpu.memory_space<vmem>>, vector<16xf32>,
      %add3A_1340 = arith.constant 1024 : i32
      %add3A_1341 = arith.addi %add3A_1286, %add3A_1340 : i32
      %add3A_1342 = arith.constant 16 : i32
      %add3A_1343 = arith.addi %add3A_1341, %add3A_1342 : i32
      %swap3A_1344 = arith.index_cast %add3A_1343 : i32 to index
      %swap3A_1345 = tpu.vector_load %arg11[%swap3A_1344] {strides = array<i32>} : memref<49152xf32, #tpu.memory_space<vmem>>, vector<16xf32>,
      tpu.vector_store %arg11[%swap3A_1344], %gather3A_334 {strides = array<i32>} : memref<49152xf32, #tpu.memory_space<vmem>>, vector<16xf32>,
      %add3A_1346 = arith.constant 1024 : i32
      %add3A_1347 = arith.addi %add3A_1286, %add3A_1346 : i32
      %add3A_1348 = arith.constant 32 : i32
      %add3A_1349 = arith.addi %add3A_1347, %add3A_1348 : i32
      %swap3A_1350 = arith.index_cast %add3A_1349 : i32 to index
      %swap3A_1351 = tpu.vector_load %arg11[%swap3A_1350] {strides = array<i32>} : memref<49152xf32, #tpu.memory_space<vmem>>, vector<16xf32>,
      tpu.vector_store %arg11[%swap3A_1350], %gather3A_337 {strides = array<i32>} : memref<49152xf32, #tpu.memory_space<vmem>>, vector<16xf32>,
      %add3A_1352 = arith.constant 1024 : i32
      %add3A_1353 = arith.addi %add3A_1286, %add3A_1352 : i32
      %add3A_1354 = arith.constant 48 : i32
      %add3A_1355 = arith.addi %add3A_1353, %add3A_1354 : i32
      %swap3A_1356 = arith.index_cast %add3A_1355 : i32 to index
      %swap3A_1357 = tpu.vector_load %arg11[%swap3A_1356] {strides = array<i32>} : memref<49152xf32, #tpu.memory_space<vmem>>, vector<16xf32>,
      tpu.vector_store %arg11[%swap3A_1356], %gather3A_340 {strides = array<i32>} : memref<49152xf32, #tpu.memory_space<vmem>>, vector<16xf32>,
      %add3A_1358 = arith.constant 1024 : i32
      %add3A_1359 = arith.addi %add3A_1286, %add3A_1358 : i32
      %add3A_1360 = arith.constant 64 : i32
      %add3A_1361 = arith.addi %add3A_1359, %add3A_1360 : i32
      %swap3A_1362 = arith.index_cast %add3A_1361 : i32 to index
      %swap3A_1363 = tpu.vector_load %arg11[%swap3A_1362] {strides = array<i32>} : memref<49152xf32, #tpu.memory_space<vmem>>, vector<16xf32>,
      tpu.vector_store %arg11[%swap3A_1362], %gather3A_334 {strides = array<i32>} : memref<49152xf32, #tpu.memory_space<vmem>>, vector<16xf32>,
      %add3A_1364 = arith.constant 1024 : i32
      %add3A_1365 = arith.addi %add3A_1286, %add3A_1364 : i32
      %add3A_1366 = arith.constant 80 : i32
      %add3A_1367 = arith.addi %add3A_1365, %add3A_1366 : i32
      %swap3A_1368 = arith.index_cast %add3A_1367 : i32 to index
      %swap3A_1369 = tpu.vector_load %arg11[%swap3A_1368] {strides = array<i32>} : memref<49152xf32, #tpu.memory_space<vmem>>, vector<16xf32>,
      tpu.vector_store %arg11[%swap3A_1368], %gather3A_337 {strides = array<i32>} : memref<49152xf32, #tpu.memory_space<vmem>>, vector<16xf32>,
      %add3A_1370 = arith.constant 1024 : i32
      %add3A_1371 = arith.addi %add3A_1286, %add3A_1370 : i32
      %add3A_1372 = arith.constant 96 : i32
      %add3A_1373 = arith.addi %add3A_1371, %add3A_1372 : i32
      %swap3A_1374 = arith.index_cast %add3A_1373 : i32 to index
      %swap3A_1375 = tpu.vector_load %arg11[%swap3A_1374] {strides = array<i32>} : memref<49152xf32, #tpu.memory_space<vmem>>, vector<16xf32>,
      tpu.vector_store %arg11[%swap3A_1374], %gather3A_340 {strides = array<i32>} : memref<49152xf32, #tpu.memory_space<vmem>>, vector<16xf32>,
      %add3A_1376 = arith.constant 1024 : i32
      %add3A_1377 = arith.addi %add3A_1286, %add3A_1376 : i32
      %add3A_1378 = arith.constant 112 : i32
      %add3A_1379 = arith.addi %add3A_1377, %add3A_1378 : i32
      %swap3A_1380 = arith.index_cast %add3A_1379 : i32 to index
      %swap3A_1381 = tpu.vector_load %arg11[%swap3A_1380] {strides = array<i32>} : memref<49152xf32, #tpu.memory_space<vmem>>, vector<16xf32>,
      tpu.vector_store %arg11[%swap3A_1380], %gather3A_334 {strides = array<i32>} : memref<49152xf32, #tpu.memory_space<vmem>>, vector<16xf32>,
      %add3A_1382 = arith.constant 2048 : i32
      %add3A_1383 = arith.addi %add3A_1286, %add3A_1382 : i32
      %add3A_1384 = arith.constant 0 : i32
      %add3A_1385 = arith.addi %add3A_1383, %add3A_1384 : i32
      %swap3A_1386 = arith.index_cast %add3A_1385 : i32 to index
      %swap3A_1387 = tpu.vector_load %arg11[%swap3A_1386] {strides = array<i32>} : memref<49152xf32, #tpu.memory_space<vmem>>, vector<16xf32>,
      tpu.vector_store %arg11[%swap3A_1386], %gather3A_337 {strides = array<i32>} : memref<49152xf32, #tpu.memory_space<vmem>>, vector<16xf32>,
      %add3A_1388 = arith.constant 2048 : i32
      %add3A_1389 = arith.addi %add3A_1286, %add3A_1388 : i32
      %add3A_1390 = arith.constant 16 : i32
      %add3A_1391 = arith.addi %add3A_1389, %add3A_1390 : i32
      %swap3A_1392 = arith.index_cast %add3A_1391 : i32 to index
      %swap3A_1393 = tpu.vector_load %arg11[%swap3A_1392] {strides = array<i32>} : memref<49152xf32, #tpu.memory_space<vmem>>, vector<16xf32>,
      tpu.vector_store %arg11[%swap3A_1392], %gather3A_340 {strides = array<i32>} : memref<49152xf32, #tpu.memory_space<vmem>>, vector<16xf32>,
      %add3A_1394 = arith.constant 2048 : i32
      %add3A_1395 = arith.addi %add3A_1286, %add3A_1394 : i32
      %add3A_1396 = arith.constant 32 : i32
      %add3A_1397 = arith.addi %add3A_1395, %add3A_1396 : i32
      %swap3A_1398 = arith.index_cast %add3A_1397 : i32 to index
      %swap3A_1399 = tpu.vector_load %arg11[%swap3A_1398] {strides = array<i32>} : memref<49152xf32, #tpu.memory_space<vmem>>, vector<16xf32>,
      tpu.vector_store %arg11[%swap3A_1398], %gather3A_334 {strides = array<i32>} : memref<49152xf32, #tpu.memory_space<vmem>>, vector<16xf32>,
      %add3A_1400 = arith.constant 2048 : i32
      %add3A_1401 = arith.addi %add3A_1286, %add3A_1400 : i32
      %add3A_1402 = arith.constant 48 : i32
      %add3A_1403 = arith.addi %add3A_1401, %add3A_1402 : i32
      %swap3A_1404 = arith.index_cast %add3A_1403 : i32 to index
      %swap3A_1405 = tpu.vector_load %arg11[%swap3A_1404] {strides = array<i32>} : memref<49152xf32, #tpu.memory_space<vmem>>, vector<16xf32>,
      tpu.vector_store %arg11[%swap3A_1404], %gather3A_337 {strides = array<i32>} : memref<49152xf32, #tpu.memory_space<vmem>>, vector<16xf32>,
      %add3A_1406 = arith.constant 2048 : i32
      %add3A_1407 = arith.addi %add3A_1286, %add3A_1406 : i32
      %add3A_1408 = arith.constant 64 : i32
      %add3A_1409 = arith.addi %add3A_1407, %add3A_1408 : i32
      %swap3A_1410 = arith.index_cast %add3A_1409 : i32 to index
      %swap3A_1411 = tpu.vector_load %arg11[%swap3A_1410] {strides = array<i32>} : memref<49152xf32, #tpu.memory_space<vmem>>, vector<16xf32>,
      tpu.vector_store %arg11[%swap3A_1410], %gather3A_340 {strides = array<i32>} : memref<49152xf32, #tpu.memory_space<vmem>>, vector<16xf32>,
      %add3A_1412 = arith.constant 2048 : i32
      %add3A_1413 = arith.addi %add3A_1286, %add3A_1412 : i32
      %add3A_1414 = arith.constant 80 : i32
      %add3A_1415 = arith.addi %add3A_1413, %add3A_1414 : i32
      %swap3A_1416 = arith.index_cast %add3A_1415 : i32 to index
      %swap3A_1417 = tpu.vector_load %arg11[%swap3A_1416] {strides = array<i32>} : memref<49152xf32, #tpu.memory_space<vmem>>, vector<16xf32>,
      tpu.vector_store %arg11[%swap3A_1416], %gather3A_334 {strides = array<i32>} : memref<49152xf32, #tpu.memory_space<vmem>>, vector<16xf32>,
      %add3A_1418 = arith.constant 2048 : i32
      %add3A_1419 = arith.addi %add3A_1286, %add3A_1418 : i32
      %add3A_1420 = arith.constant 96 : i32
      %add3A_1421 = arith.addi %add3A_1419, %add3A_1420 : i32
      %swap3A_1422 = arith.index_cast %add3A_1421 : i32 to index
      %swap3A_1423 = tpu.vector_load %arg11[%swap3A_1422] {strides = array<i32>} : memref<49152xf32, #tpu.memory_space<vmem>>, vector<16xf32>,
      tpu.vector_store %arg11[%swap3A_1422], %gather3A_337 {strides = array<i32>} : memref<49152xf32, #tpu.memory_space<vmem>>, vector<16xf32>,
      %add3A_1424 = arith.constant 2048 : i32
      %add3A_1425 = arith.addi %add3A_1286, %add3A_1424 : i32
      %add3A_1426 = arith.constant 112 : i32
      %add3A_1427 = arith.addi %add3A_1425, %add3A_1426 : i32
      %swap3A_1428 = arith.index_cast %add3A_1427 : i32 to index
      %swap3A_1429 = tpu.vector_load %arg11[%swap3A_1428] {strides = array<i32>} : memref<49152xf32, #tpu.memory_space<vmem>>, vector<16xf32>,
      tpu.vector_store %arg11[%swap3A_1428], %gather3A_340 {strides = array<i32>} : memref<49152xf32, #tpu.memory_space<vmem>>, vector<16xf32>,
    }
    %scan3A_346 = arith.constant 8 : i32
    %get3A_347 = arith.constant 1584 : index
    %get3A_348 = tpu.vector_load %arg14[%get3A_347] {strides = array<i32>} : memref<1680xi32, #tpu.memory_space<vmem>>, vector<16xi32>,
    %gather3A_349 = tpu.vector_load_idx %arg10[%get3A_348] : memref<32784xf32, #tpu.memory_space<vmem>>[vector<16xi32>], vector<16xf32>,
    %get3A_350 = arith.constant 1600 : index
    %get3A_351 = tpu.vector_load %arg14[%get3A_350] {strides = array<i32>} : memref<1680xi32, #tpu.memory_space<vmem>>, vector<16xi32>,
    %gather3A_352 = tpu.vector_load_idx %arg10[%get3A_351] : memref<32784xf32, #tpu.memory_space<vmem>>[vector<16xi32>], vector<16xf32>,
    %get3A_353 = arith.constant 1616 : index
    %get3A_354 = tpu.vector_load %arg14[%get3A_353] {strides = array<i32>} : memref<1680xi32, #tpu.memory_space<vmem>>, vector<16xi32>,
    %gather3A_355 = tpu.vector_load_idx %arg10[%get3A_354] : memref<32784xf32, #tpu.memory_space<vmem>>[vector<16xi32>], vector<16xf32>,
    %scan3A_356 = arith.constant 0 : i32
    %scan3A_357 = arith.constant 0 : i32
    %scan3A_358 = arith.constant 8 : i32
    %scan3A_359 = arith.addi %scan3A_357, %scan3A_358 : i32
    %scan3A_360 = arith.constant 1 : i32
    scf.for %scan3A_1282 = %scan3A_357 to %scan3A_359 step %scan3A_360  : i32 {
      %mul3A_1283 = arith.constant 3072 : i32
      %mul3A_1284 = arith.muli %scan3A_1282, %mul3A_1283 : i32
      %add3A_1285 = arith.constant 640 : i32
      %add3A_1286 = arith.addi %mul3A_1284, %add3A_1285 : i32
      %add3A_1287 = arith.constant 0 : i32
      %add3A_1288 = arith.addi %add3A_1286, %add3A_1287 : i32
      %add3A_1289 = arith.constant 0 : i32
      %add3A_1290 = arith.addi %add3A_1288, %add3A_1289 : i32
      %swap3A = arith.index_cast %add3A_1290 : i32 to index
      %swap3A_1291 = tpu.vector_load %arg11[%swap3A] {strides = array<i32>} : memref<49152xf32, #tpu.memory_space<vmem>>, vector<16xf32>,
      tpu.vector_store %arg11[%swap3A], %gather3A_349 {strides = array<i32>} : memref<49152xf32, #tpu.memory_space<vmem>>, vector<16xf32>,
      %add3A_1292 = arith.constant 0 : i32
      %add3A_1293 = arith.addi %add3A_1286, %add3A_1292 : i32
      %add3A_1294 = arith.constant 16 : i32
      %add3A_1295 = arith.addi %add3A_1293, %add3A_1294 : i32
      %swap3A_1296 = arith.index_cast %add3A_1295 : i32 to index
      %swap3A_1297 = tpu.vector_load %arg11[%swap3A_1296] {strides = array<i32>} : memref<49152xf32, #tpu.memory_space<vmem>>, vector<16xf32>,
      tpu.vector_store %arg11[%swap3A_1296], %gather3A_352 {strides = array<i32>} : memref<49152xf32, #tpu.memory_space<vmem>>, vector<16xf32>,
      %add3A_1298 = arith.constant 0 : i32
      %add3A_1299 = arith.addi %add3A_1286, %add3A_1298 : i32
      %add3A_1300 = arith.constant 32 : i32
      %add3A_1301 = arith.addi %add3A_1299, %add3A_1300 : i32
      %swap3A_1302 = arith.index_cast %add3A_1301 : i32 to index
      %swap3A_1303 = tpu.vector_load %arg11[%swap3A_1302] {strides = array<i32>} : memref<49152xf32, #tpu.memory_space<vmem>>, vector<16xf32>,
      tpu.vector_store %arg11[%swap3A_1302], %gather3A_355 {strides = array<i32>} : memref<49152xf32, #tpu.memory_space<vmem>>, vector<16xf32>,
      %add3A_1304 = arith.constant 0 : i32
      %add3A_1305 = arith.addi %add3A_1286, %add3A_1304 : i32
      %add3A_1306 = arith.constant 48 : i32
      %add3A_1307 = arith.addi %add3A_1305, %add3A_1306 : i32
      %swap3A_1308 = arith.index_cast %add3A_1307 : i32 to index
      %swap3A_1309 = tpu.vector_load %arg11[%swap3A_1308] {strides = array<i32>} : memref<49152xf32, #tpu.memory_space<vmem>>, vector<16xf32>,
      tpu.vector_store %arg11[%swap3A_1308], %gather3A_349 {strides = array<i32>} : memref<49152xf32, #tpu.memory_space<vmem>>, vector<16xf32>,
      %add3A_1310 = arith.constant 0 : i32
      %add3A_1311 = arith.addi %add3A_1286, %add3A_1310 : i32
      %add3A_1312 = arith.constant 64 : i32
      %add3A_1313 = arith.addi %add3A_1311, %add3A_1312 : i32
      %swap3A_1314 = arith.index_cast %add3A_1313 : i32 to index
      %swap3A_1315 = tpu.vector_load %arg11[%swap3A_1314] {strides = array<i32>} : memref<49152xf32, #tpu.memory_space<vmem>>, vector<16xf32>,
      tpu.vector_store %arg11[%swap3A_1314], %gather3A_352 {strides = array<i32>} : memref<49152xf32, #tpu.memory_space<vmem>>, vector<16xf32>,
      %add3A_1316 = arith.constant 0 : i32
      %add3A_1317 = arith.addi %add3A_1286, %add3A_1316 : i32
      %add3A_1318 = arith.constant 80 : i32
      %add3A_1319 = arith.addi %add3A_1317, %add3A_1318 : i32
      %swap3A_1320 = arith.index_cast %add3A_1319 : i32 to index
      %swap3A_1321 = tpu.vector_load %arg11[%swap3A_1320] {strides = array<i32>} : memref<49152xf32, #tpu.memory_space<vmem>>, vector<16xf32>,
      tpu.vector_store %arg11[%swap3A_1320], %gather3A_355 {strides = array<i32>} : memref<49152xf32, #tpu.memory_space<vmem>>, vector<16xf32>,
      %add3A_1322 = arith.constant 0 : i32
      %add3A_1323 = arith.addi %add3A_1286, %add3A_1322 : i32
      %add3A_1324 = arith.constant 96 : i32
      %add3A_1325 = arith.addi %add3A_1323, %add3A_1324 : i32
      %swap3A_1326 = arith.index_cast %add3A_1325 : i32 to index
      %swap3A_1327 = tpu.vector_load %arg11[%swap3A_1326] {strides = array<i32>} : memref<49152xf32, #tpu.memory_space<vmem>>, vector<16xf32>,
      tpu.vector_store %arg11[%swap3A_1326], %gather3A_349 {strides = array<i32>} : memref<49152xf32, #tpu.memory_space<vmem>>, vector<16xf32>,
      %add3A_1328 = arith.constant 0 : i32
      %add3A_1329 = arith.addi %add3A_1286, %add3A_1328 : i32
      %add3A_1330 = arith.constant 112 : i32
      %add3A_1331 = arith.addi %add3A_1329, %add3A_1330 : i32
      %swap3A_1332 = arith.index_cast %add3A_1331 : i32 to index
      %swap3A_1333 = tpu.vector_load %arg11[%swap3A_1332] {strides = array<i32>} : memref<49152xf32, #tpu.memory_space<vmem>>, vector<16xf32>,
      tpu.vector_store %arg11[%swap3A_1332], %gather3A_352 {strides = array<i32>} : memref<49152xf32, #tpu.memory_space<vmem>>, vector<16xf32>,
      %add3A_1334 = arith.constant 1024 : i32
      %add3A_1335 = arith.addi %add3A_1286, %add3A_1334 : i32
      %add3A_1336 = arith.constant 0 : i32
      %add3A_1337 = arith.addi %add3A_1335, %add3A_1336 : i32
      %swap3A_1338 = arith.index_cast %add3A_1337 : i32 to index
      %swap3A_1339 = tpu.vector_load %arg11[%swap3A_1338] {strides = array<i32>} : memref<49152xf32, #tpu.memory_space<vmem>>, vector<16xf32>,
      tpu.vector_store %arg11[%swap3A_1338], %gather3A_355 {strides = array<i32>} : memref<49152xf32, #tpu.memory_space<vmem>>, vector<16xf32>,
      %add3A_1340 = arith.constant 1024 : i32
      %add3A_1341 = arith.addi %add3A_1286, %add3A_1340 : i32
      %add3A_1342 = arith.constant 16 : i32
      %add3A_1343 = arith.addi %add3A_1341, %add3A_1342 : i32
      %swap3A_1344 = arith.index_cast %add3A_1343 : i32 to index
      %swap3A_1345 = tpu.vector_load %arg11[%swap3A_1344] {strides = array<i32>} : memref<49152xf32, #tpu.memory_space<vmem>>, vector<16xf32>,
      tpu.vector_store %arg11[%swap3A_1344], %gather3A_349 {strides = array<i32>} : memref<49152xf32, #tpu.memory_space<vmem>>, vector<16xf32>,
      %add3A_1346 = arith.constant 1024 : i32
      %add3A_1347 = arith.addi %add3A_1286, %add3A_1346 : i32
      %add3A_1348 = arith.constant 32 : i32
      %add3A_1349 = arith.addi %add3A_1347, %add3A_1348 : i32
      %swap3A_1350 = arith.index_cast %add3A_1349 : i32 to index
      %swap3A_1351 = tpu.vector_load %arg11[%swap3A_1350] {strides = array<i32>} : memref<49152xf32, #tpu.memory_space<vmem>>, vector<16xf32>,
      tpu.vector_store %arg11[%swap3A_1350], %gather3A_352 {strides = array<i32>} : memref<49152xf32, #tpu.memory_space<vmem>>, vector<16xf32>,
      %add3A_1352 = arith.constant 1024 : i32
      %add3A_1353 = arith.addi %add3A_1286, %add3A_1352 : i32
      %add3A_1354 = arith.constant 48 : i32
      %add3A_1355 = arith.addi %add3A_1353, %add3A_1354 : i32
      %swap3A_1356 = arith.index_cast %add3A_1355 : i32 to index
      %swap3A_1357 = tpu.vector_load %arg11[%swap3A_1356] {strides = array<i32>} : memref<49152xf32, #tpu.memory_space<vmem>>, vector<16xf32>,
      tpu.vector_store %arg11[%swap3A_1356], %gather3A_355 {strides = array<i32>} : memref<49152xf32, #tpu.memory_space<vmem>>, vector<16xf32>,
      %add3A_1358 = arith.constant 1024 : i32
      %add3A_1359 = arith.addi %add3A_1286, %add3A_1358 : i32
      %add3A_1360 = arith.constant 64 : i32
      %add3A_1361 = arith.addi %add3A_1359, %add3A_1360 : i32
      %swap3A_1362 = arith.index_cast %add3A_1361 : i32 to index
      %swap3A_1363 = tpu.vector_load %arg11[%swap3A_1362] {strides = array<i32>} : memref<49152xf32, #tpu.memory_space<vmem>>, vector<16xf32>,
      tpu.vector_store %arg11[%swap3A_1362], %gather3A_349 {strides = array<i32>} : memref<49152xf32, #tpu.memory_space<vmem>>, vector<16xf32>,
      %add3A_1364 = arith.constant 1024 : i32
      %add3A_1365 = arith.addi %add3A_1286, %add3A_1364 : i32
      %add3A_1366 = arith.constant 80 : i32
      %add3A_1367 = arith.addi %add3A_1365, %add3A_1366 : i32
      %swap3A_1368 = arith.index_cast %add3A_1367 : i32 to index
      %swap3A_1369 = tpu.vector_load %arg11[%swap3A_1368] {strides = array<i32>} : memref<49152xf32, #tpu.memory_space<vmem>>, vector<16xf32>,
      tpu.vector_store %arg11[%swap3A_1368], %gather3A_352 {strides = array<i32>} : memref<49152xf32, #tpu.memory_space<vmem>>, vector<16xf32>,
      %add3A_1370 = arith.constant 1024 : i32
      %add3A_1371 = arith.addi %add3A_1286, %add3A_1370 : i32
      %add3A_1372 = arith.constant 96 : i32
      %add3A_1373 = arith.addi %add3A_1371, %add3A_1372 : i32
      %swap3A_1374 = arith.index_cast %add3A_1373 : i32 to index
      %swap3A_1375 = tpu.vector_load %arg11[%swap3A_1374] {strides = array<i32>} : memref<49152xf32, #tpu.memory_space<vmem>>, vector<16xf32>,
      tpu.vector_store %arg11[%swap3A_1374], %gather3A_355 {strides = array<i32>} : memref<49152xf32, #tpu.memory_space<vmem>>, vector<16xf32>,
      %add3A_1376 = arith.constant 1024 : i32
      %add3A_1377 = arith.addi %add3A_1286, %add3A_1376 : i32
      %add3A_1378 = arith.constant 112 : i32
      %add3A_1379 = arith.addi %add3A_1377, %add3A_1378 : i32
      %swap3A_1380 = arith.index_cast %add3A_1379 : i32 to index
      %swap3A_1381 = tpu.vector_load %arg11[%swap3A_1380] {strides = array<i32>} : memref<49152xf32, #tpu.memory_space<vmem>>, vector<16xf32>,
      tpu.vector_store %arg11[%swap3A_1380], %gather3A_349 {strides = array<i32>} : memref<49152xf32, #tpu.memory_space<vmem>>, vector<16xf32>,
      %add3A_1382 = arith.constant 2048 : i32
      %add3A_1383 = arith.addi %add3A_1286, %add3A_1382 : i32
      %add3A_1384 = arith.constant 0 : i32
      %add3A_1385 = arith.addi %add3A_1383, %add3A_1384 : i32
      %swap3A_1386 = arith.index_cast %add3A_1385 : i32 to index
      %swap3A_1387 = tpu.vector_load %arg11[%swap3A_1386] {strides = array<i32>} : memref<49152xf32, #tpu.memory_space<vmem>>, vector<16xf32>,
      tpu.vector_store %arg11[%swap3A_1386], %gather3A_352 {strides = array<i32>} : memref<49152xf32, #tpu.memory_space<vmem>>, vector<16xf32>,
      %add3A_1388 = arith.constant 2048 : i32
      %add3A_1389 = arith.addi %add3A_1286, %add3A_1388 : i32
      %add3A_1390 = arith.constant 16 : i32
      %add3A_1391 = arith.addi %add3A_1389, %add3A_1390 : i32
      %swap3A_1392 = arith.index_cast %add3A_1391 : i32 to index
      %swap3A_1393 = tpu.vector_load %arg11[%swap3A_1392] {strides = array<i32>} : memref<49152xf32, #tpu.memory_space<vmem>>, vector<16xf32>,
      tpu.vector_store %arg11[%swap3A_1392], %gather3A_355 {strides = array<i32>} : memref<49152xf32, #tpu.memory_space<vmem>>, vector<16xf32>,
      %add3A_1394 = arith.constant 2048 : i32
      %add3A_1395 = arith.addi %add3A_1286, %add3A_1394 : i32
      %add3A_1396 = arith.constant 32 : i32
      %add3A_1397 = arith.addi %add3A_1395, %add3A_1396 : i32
      %swap3A_1398 = arith.index_cast %add3A_1397 : i32 to index
      %swap3A_1399 = tpu.vector_load %arg11[%swap3A_1398] {strides = array<i32>} : memref<49152xf32, #tpu.memory_space<vmem>>, vector<16xf32>,
      tpu.vector_store %arg11[%swap3A_1398], %gather3A_349 {strides = array<i32>} : memref<49152xf32, #tpu.memory_space<vmem>>, vector<16xf32>,
      %add3A_1400 = arith.constant 2048 : i32
      %add3A_1401 = arith.addi %add3A_1286, %add3A_1400 : i32
      %add3A_1402 = arith.constant 48 : i32
      %add3A_1403 = arith.addi %add3A_1401, %add3A_1402 : i32
      %swap3A_1404 = arith.index_cast %add3A_1403 : i32 to index
      %swap3A_1405 = tpu.vector_load %arg11[%swap3A_1404] {strides = array<i32>} : memref<49152xf32, #tpu.memory_space<vmem>>, vector<16xf32>,
      tpu.vector_store %arg11[%swap3A_1404], %gather3A_352 {strides = array<i32>} : memref<49152xf32, #tpu.memory_space<vmem>>, vector<16xf32>,
      %add3A_1406 = arith.constant 2048 : i32
      %add3A_1407 = arith.addi %add3A_1286, %add3A_1406 : i32
      %add3A_1408 = arith.constant 64 : i32
      %add3A_1409 = arith.addi %add3A_1407, %add3A_1408 : i32
      %swap3A_1410 = arith.index_cast %add3A_1409 : i32 to index
      %swap3A_1411 = tpu.vector_load %arg11[%swap3A_1410] {strides = array<i32>} : memref<49152xf32, #tpu.memory_space<vmem>>, vector<16xf32>,
      tpu.vector_store %arg11[%swap3A_1410], %gather3A_355 {strides = array<i32>} : memref<49152xf32, #tpu.memory_space<vmem>>, vector<16xf32>,
      %add3A_1412 = arith.constant 2048 : i32
      %add3A_1413 = arith.addi %add3A_1286, %add3A_1412 : i32
      %add3A_1414 = arith.constant 80 : i32
      %add3A_1415 = arith.addi %add3A_1413, %add3A_1414 : i32
      %swap3A_1416 = arith.index_cast %add3A_1415 : i32 to index
      %swap3A_1417 = tpu.vector_load %arg11[%swap3A_1416] {strides = array<i32>} : memref<49152xf32, #tpu.memory_space<vmem>>, vector<16xf32>,
      tpu.vector_store %arg11[%swap3A_1416], %gather3A_349 {strides = array<i32>} : memref<49152xf32, #tpu.memory_space<vmem>>, vector<16xf32>,
      %add3A_1418 = arith.constant 2048 : i32
      %add3A_1419 = arith.addi %add3A_1286, %add3A_1418 : i32
      %add3A_1420 = arith.constant 96 : i32
      %add3A_1421 = arith.addi %add3A_1419, %add3A_1420 : i32
      %swap3A_1422 = arith.index_cast %add3A_1421 : i32 to index
      %swap3A_1423 = tpu.vector_load %arg11[%swap3A_1422] {strides = array<i32>} : memref<49152xf32, #tpu.memory_space<vmem>>, vector<16xf32>,
      tpu.vector_store %arg11[%swap3A_1422], %gather3A_352 {strides = array<i32>} : memref<49152xf32, #tpu.memory_space<vmem>>, vector<16xf32>,
      %add3A_1424 = arith.constant 2048 : i32
      %add3A_1425 = arith.addi %add3A_1286, %add3A_1424 : i32
      %add3A_1426 = arith.constant 112 : i32
      %add3A_1427 = arith.addi %add3A_1425, %add3A_1426 : i32
      %swap3A_1428 = arith.index_cast %add3A_1427 : i32 to index
      %swap3A_1429 = tpu.vector_load %arg11[%swap3A_1428] {strides = array<i32>} : memref<49152xf32, #tpu.memory_space<vmem>>, vector<16xf32>,
      tpu.vector_store %arg11[%swap3A_1428], %gather3A_355 {strides = array<i32>} : memref<49152xf32, #tpu.memory_space<vmem>>, vector<16xf32>,
    }
    %scan3A_361 = arith.constant 8 : i32
    %add3A_362 = arith.constant 0 : i32
    %add3A_363 = arith.addi %mul3A_115, %add3A_362 : i32
    %dma_start3A_364 = arith.constant 0 : i32
    %dma_start3A_365 = tpu.memref_slice %arg11[%dma_start3A_364] : memref<49152xf32, #tpu.memory_space<vmem>> -> memref<768xf32, #tpu.memory_space<vmem>>
    %dma_start3A_366 = tpu.memref_slice %arg8[%add3A_363] : memref<1572864xf32, #tpu.memory_space<hbm>> -> memref<768xf32, #tpu.memory_space<hbm>>
    %dma_start3A_367 = tpu.memref_slice %arg8[%add3A_363] : memref<1572864xf32, #tpu.memory_space<hbm>> -> memref<768xf32, #tpu.memory_space<hbm>>
    %dma_start3A_368 = arith.constant 0 : i32
    %dma_start3A_369 = tpu.memref_slice %arg11[%dma_start3A_368] : memref<49152xf32, #tpu.memory_space<vmem>> -> memref<768xf32, #tpu.memory_space<vmem>>
    tpu.enqueue_dma source(%dma_start3A_369 : memref<768xf32, #tpu.memory_space<vmem>>) target(%dma_start3A_367 : memref<768xf32, #tpu.memory_space<hbm>>) target_semaphore(%arg17 : memref<!tpu.dma_semaphore, #tpu.memory_space<semaphore_mem>>)
    %add3A_370 = arith.constant 1024 : i32
    %add3A_371 = arith.addi %mul3A_115, %add3A_370 : i32
    %dma_start3A_372 = arith.constant 1024 : i32
    %dma_start3A_373 = tpu.memref_slice %arg11[%dma_start3A_372] : memref<49152xf32, #tpu.memory_space<vmem>> -> memref<768xf32, #tpu.memory_space<vmem>>
    %dma_start3A_374 = tpu.memref_slice %arg8[%add3A_371] : memref<1572864xf32, #tpu.memory_space<hbm>> -> memref<768xf32, #tpu.memory_space<hbm>>
    %dma_start3A_375 = tpu.memref_slice %arg8[%add3A_371] : memref<1572864xf32, #tpu.memory_space<hbm>> -> memref<768xf32, #tpu.memory_space<hbm>>
    %dma_start3A_376 = arith.constant 1024 : i32
    %dma_start3A_377 = tpu.memref_slice %arg11[%dma_start3A_376] : memref<49152xf32, #tpu.memory_space<vmem>> -> memref<768xf32, #tpu.memory_space<vmem>>
    tpu.enqueue_dma source(%dma_start3A_377 : memref<768xf32, #tpu.memory_space<vmem>>) target(%dma_start3A_375 : memref<768xf32, #tpu.memory_space<hbm>>) target_semaphore(%arg17 : memref<!tpu.dma_semaphore, #tpu.memory_space<semaphore_mem>>)
    %add3A_378 = arith.constant 2048 : i32
    %add3A_379 = arith.addi %mul3A_115, %add3A_378 : i32
    %dma_start3A_380 = arith.constant 2048 : i32
    %dma_start3A_381 = tpu.memref_slice %arg11[%dma_start3A_380] : memref<49152xf32, #tpu.memory_space<vmem>> -> memref<768xf32, #tpu.memory_space<vmem>>
    %dma_start3A_382 = tpu.memref_slice %arg8[%add3A_379] : memref<1572864xf32, #tpu.memory_space<hbm>> -> memref<768xf32, #tpu.memory_space<hbm>>
    %dma_start3A_383 = tpu.memref_slice %arg8[%add3A_379] : memref<1572864xf32, #tpu.memory_space<hbm>> -> memref<768xf32, #tpu.memory_space<hbm>>
    %dma_start3A_384 = arith.constant 2048 : i32
    %dma_start3A_385 = tpu.memref_slice %arg11[%dma_start3A_384] : memref<49152xf32, #tpu.memory_space<vmem>> -> memref<768xf32, #tpu.memory_space<vmem>>
    tpu.enqueue_dma source(%dma_start3A_385 : memref<768xf32, #tpu.memory_space<vmem>>) target(%dma_start3A_383 : memref<768xf32, #tpu.memory_space<hbm>>) target_semaphore(%arg17 : memref<!tpu.dma_semaphore, #tpu.memory_space<semaphore_mem>>)
    %add3A_386 = arith.constant 3072 : i32
    %add3A_387 = arith.addi %mul3A_115, %add3A_386 : i32
    %dma_start3A_388 = arith.constant 3072 : i32
    %dma_start3A_389 = tpu.memref_slice %arg11[%dma_start3A_388] : memref<49152xf32, #tpu.memory_space<vmem>> -> memref<768xf32, #tpu.memory_space<vmem>>
    %dma_start3A_390 = tpu.memref_slice %arg8[%add3A_387] : memref<1572864xf32, #tpu.memory_space<hbm>> -> memref<768xf32, #tpu.memory_space<hbm>>
    %dma_start3A_391 = tpu.memref_slice %arg8[%add3A_387] : memref<1572864xf32, #tpu.memory_space<hbm>> -> memref<768xf32, #tpu.memory_space<hbm>>
    %dma_start3A_392 = arith.constant 3072 : i32
    %dma_start3A_393 = tpu.memref_slice %arg11[%dma_start3A_392] : memref<49152xf32, #tpu.memory_space<vmem>> -> memref<768xf32, #tpu.memory_space<vmem>>
    tpu.enqueue_dma source(%dma_start3A_393 : memref<768xf32, #tpu.memory_space<vmem>>) target(%dma_start3A_391 : memref<768xf32, #tpu.memory_space<hbm>>) target_semaphore(%arg17 : memref<!tpu.dma_semaphore, #tpu.memory_space<semaphore_mem>>)
    %add3A_394 = arith.constant 4096 : i32
    %add3A_395 = arith.addi %mul3A_115, %add3A_394 : i32
    %dma_start3A_396 = arith.constant 4096 : i32
    %dma_start3A_397 = tpu.memref_slice %arg11[%dma_start3A_396] : memref<49152xf32, #tpu.memory_space<vmem>> -> memref<768xf32, #tpu.memory_space<vmem>>
    %dma_start3A_398 = tpu.memref_slice %arg8[%add3A_395] : memref<1572864xf32, #tpu.memory_space<hbm>> -> memref<768xf32, #tpu.memory_space<hbm>>
    %dma_start3A_399 = tpu.memref_slice %arg8[%add3A_395] : memref<1572864xf32, #tpu.memory_space<hbm>> -> memref<768xf32, #tpu.memory_space<hbm>>
    %dma_start3A_400 = arith.constant 4096 : i32
    %dma_start3A_401 = tpu.memref_slice %arg11[%dma_start3A_400] : memref<49152xf32, #tpu.memory_space<vmem>> -> memref<768xf32, #tpu.memory_space<vmem>>
    tpu.enqueue_dma source(%dma_start3A_401 : memref<768xf32, #tpu.memory_space<vmem>>) target(%dma_start3A_399 : memref<768xf32, #tpu.memory_space<hbm>>) target_semaphore(%arg17 : memref<!tpu.dma_semaphore, #tpu.memory_space<semaphore_mem>>)
    %add3A_402 = arith.constant 5120 : i32
    %add3A_403 = arith.addi %mul3A_115, %add3A_402 : i32
    %dma_start3A_404 = arith.constant 5120 : i32
    %dma_start3A_405 = tpu.memref_slice %arg11[%dma_start3A_404] : memref<49152xf32, #tpu.memory_space<vmem>> -> memref<768xf32, #tpu.memory_space<vmem>>
    %dma_start3A_406 = tpu.memref_slice %arg8[%add3A_403] : memref<1572864xf32, #tpu.memory_space<hbm>> -> memref<768xf32, #tpu.memory_space<hbm>>
    %dma_start3A_407 = tpu.memref_slice %arg8[%add3A_403] : memref<1572864xf32, #tpu.memory_space<hbm>> -> memref<768xf32, #tpu.memory_space<hbm>>
    %dma_start3A_408 = arith.constant 5120 : i32
    %dma_start3A_409 = tpu.memref_slice %arg11[%dma_start3A_408] : memref<49152xf32, #tpu.memory_space<vmem>> -> memref<768xf32, #tpu.memory_space<vmem>>
    tpu.enqueue_dma source(%dma_start3A_409 : memref<768xf32, #tpu.memory_space<vmem>>) target(%dma_start3A_407 : memref<768xf32, #tpu.memory_space<hbm>>) target_semaphore(%arg17 : memref<!tpu.dma_semaphore, #tpu.memory_space<semaphore_mem>>)
    %add3A_410 = arith.constant 6144 : i32
    %add3A_411 = arith.addi %mul3A_115, %add3A_410 : i32
    %dma_start3A_412 = arith.constant 6144 : i32
    %dma_start3A_413 = tpu.memref_slice %arg11[%dma_start3A_412] : memref<49152xf32, #tpu.memory_space<vmem>> -> memref<768xf32, #tpu.memory_space<vmem>>
    %dma_start3A_414 = tpu.memref_slice %arg8[%add3A_411] : memref<1572864xf32, #tpu.memory_space<hbm>> -> memref<768xf32, #tpu.memory_space<hbm>>
    %dma_start3A_415 = tpu.memref_slice %arg8[%add3A_411] : memref<1572864xf32, #tpu.memory_space<hbm>> -> memref<768xf32, #tpu.memory_space<hbm>>
    %dma_start3A_416 = arith.constant 6144 : i32
    %dma_start3A_417 = tpu.memref_slice %arg11[%dma_start3A_416] : memref<49152xf32, #tpu.memory_space<vmem>> -> memref<768xf32, #tpu.memory_space<vmem>>
    tpu.enqueue_dma source(%dma_start3A_417 : memref<768xf32, #tpu.memory_space<vmem>>) target(%dma_start3A_415 : memref<768xf32, #tpu.memory_space<hbm>>) target_semaphore(%arg17 : memref<!tpu.dma_semaphore, #tpu.memory_space<semaphore_mem>>)
    %add3A_418 = arith.constant 7168 : i32
    %add3A_419 = arith.addi %mul3A_115, %add3A_418 : i32
    %dma_start3A_420 = arith.constant 7168 : i32
    %dma_start3A_421 = tpu.memref_slice %arg11[%dma_start3A_420] : memref<49152xf32, #tpu.memory_space<vmem>> -> memref<768xf32, #tpu.memory_space<vmem>>
    %dma_start3A_422 = tpu.memref_slice %arg8[%add3A_419] : memref<1572864xf32, #tpu.memory_space<hbm>> -> memref<768xf32, #tpu.memory_space<hbm>>
    %dma_start3A_423 = tpu.memref_slice %arg8[%add3A_419] : memref<1572864xf32, #tpu.memory_space<hbm>> -> memref<768xf32, #tpu.memory_space<hbm>>
    %dma_start3A_424 = arith.constant 7168 : i32
    %dma_start3A_425 = tpu.memref_slice %arg11[%dma_start3A_424] : memref<49152xf32, #tpu.memory_space<vmem>> -> memref<768xf32, #tpu.memory_space<vmem>>
    tpu.enqueue_dma source(%dma_start3A_425 : memref<768xf32, #tpu.memory_space<vmem>>) target(%dma_start3A_423 : memref<768xf32, #tpu.memory_space<hbm>>) target_semaphore(%arg17 : memref<!tpu.dma_semaphore, #tpu.memory_space<semaphore_mem>>)
    %add3A_426 = arith.constant 8192 : i32
    %add3A_427 = arith.addi %mul3A_115, %add3A_426 : i32
    %dma_start3A_428 = arith.constant 8192 : i32
    %dma_start3A_429 = tpu.memref_slice %arg11[%dma_start3A_428] : memref<49152xf32, #tpu.memory_space<vmem>> -> memref<768xf32, #tpu.memory_space<vmem>>
    %dma_start3A_430 = tpu.memref_slice %arg8[%add3A_427] : memref<1572864xf32, #tpu.memory_space<hbm>> -> memref<768xf32, #tpu.memory_space<hbm>>
    %dma_start3A_431 = tpu.memref_slice %arg8[%add3A_427] : memref<1572864xf32, #tpu.memory_space<hbm>> -> memref<768xf32, #tpu.memory_space<hbm>>
    %dma_start3A_432 = arith.constant 8192 : i32
    %dma_start3A_433 = tpu.memref_slice %arg11[%dma_start3A_432] : memref<49152xf32, #tpu.memory_space<vmem>> -> memref<768xf32, #tpu.memory_space<vmem>>
    tpu.enqueue_dma source(%dma_start3A_433 : memref<768xf32, #tpu.memory_space<vmem>>) target(%dma_start3A_431 : memref<768xf32, #tpu.memory_space<hbm>>) target_semaphore(%arg17 : memref<!tpu.dma_semaphore, #tpu.memory_space<semaphore_mem>>)
    %add3A_434 = arith.constant 9216 : i32
    %add3A_435 = arith.addi %mul3A_115, %add3A_434 : i32
    %dma_start3A_436 = arith.constant 9216 : i32
    %dma_start3A_437 = tpu.memref_slice %arg11[%dma_start3A_436] : memref<49152xf32, #tpu.memory_space<vmem>> -> memref<768xf32, #tpu.memory_space<vmem>>
    %dma_start3A_438 = tpu.memref_slice %arg8[%add3A_435] : memref<1572864xf32, #tpu.memory_space<hbm>> -> memref<768xf32, #tpu.memory_space<hbm>>
    %dma_start3A_439 = tpu.memref_slice %arg8[%add3A_435] : memref<1572864xf32, #tpu.memory_space<hbm>> -> memref<768xf32, #tpu.memory_space<hbm>>
    %dma_start3A_440 = arith.constant 9216 : i32
    %dma_start3A_441 = tpu.memref_slice %arg11[%dma_start3A_440] : memref<49152xf32, #tpu.memory_space<vmem>> -> memref<768xf32, #tpu.memory_space<vmem>>
    tpu.enqueue_dma source(%dma_start3A_441 : memref<768xf32, #tpu.memory_space<vmem>>) target(%dma_start3A_439 : memref<768xf32, #tpu.memory_space<hbm>>) target_semaphore(%arg17 : memref<!tpu.dma_semaphore, #tpu.memory_space<semaphore_mem>>)
    %add3A_442 = arith.constant 10240 : i32
    %add3A_443 = arith.addi %mul3A_115, %add3A_442 : i32
    %dma_start3A_444 = arith.constant 10240 : i32
    %dma_start3A_445 = tpu.memref_slice %arg11[%dma_start3A_444] : memref<49152xf32, #tpu.memory_space<vmem>> -> memref<768xf32, #tpu.memory_space<vmem>>
    %dma_start3A_446 = tpu.memref_slice %arg8[%add3A_443] : memref<1572864xf32, #tpu.memory_space<hbm>> -> memref<768xf32, #tpu.memory_space<hbm>>
    %dma_start3A_447 = tpu.memref_slice %arg8[%add3A_443] : memref<1572864xf32, #tpu.memory_space<hbm>> -> memref<768xf32, #tpu.memory_space<hbm>>
    %dma_start3A_448 = arith.constant 10240 : i32
    %dma_start3A_449 = tpu.memref_slice %arg11[%dma_start3A_448] : memref<49152xf32, #tpu.memory_space<vmem>> -> memref<768xf32, #tpu.memory_space<vmem>>
    tpu.enqueue_dma source(%dma_start3A_449 : memref<768xf32, #tpu.memory_space<vmem>>) target(%dma_start3A_447 : memref<768xf32, #tpu.memory_space<hbm>>) target_semaphore(%arg17 : memref<!tpu.dma_semaphore, #tpu.memory_space<semaphore_mem>>)
    %add3A_450 = arith.constant 11264 : i32
    %add3A_451 = arith.addi %mul3A_115, %add3A_450 : i32
    %dma_start3A_452 = arith.constant 11264 : i32
    %dma_start3A_453 = tpu.memref_slice %arg11[%dma_start3A_452] : memref<49152xf32, #tpu.memory_space<vmem>> -> memref<768xf32, #tpu.memory_space<vmem>>
    %dma_start3A_454 = tpu.memref_slice %arg8[%add3A_451] : memref<1572864xf32, #tpu.memory_space<hbm>> -> memref<768xf32, #tpu.memory_space<hbm>>
    %dma_start3A_455 = tpu.memref_slice %arg8[%add3A_451] : memref<1572864xf32, #tpu.memory_space<hbm>> -> memref<768xf32, #tpu.memory_space<hbm>>
    %dma_start3A_456 = arith.constant 11264 : i32
    %dma_start3A_457 = tpu.memref_slice %arg11[%dma_start3A_456] : memref<49152xf32, #tpu.memory_space<vmem>> -> memref<768xf32, #tpu.memory_space<vmem>>
    tpu.enqueue_dma source(%dma_start3A_457 : memref<768xf32, #tpu.memory_space<vmem>>) target(%dma_start3A_455 : memref<768xf32, #tpu.memory_space<hbm>>) target_semaphore(%arg17 : memref<!tpu.dma_semaphore, #tpu.memory_space<semaphore_mem>>)
    %add3A_458 = arith.constant 12288 : i32
    %add3A_459 = arith.addi %mul3A_115, %add3A_458 : i32
    %dma_start3A_460 = arith.constant 12288 : i32
    %dma_start3A_461 = tpu.memref_slice %arg11[%dma_start3A_460] : memref<49152xf32, #tpu.memory_space<vmem>> -> memref<768xf32, #tpu.memory_space<vmem>>
    %dma_start3A_462 = tpu.memref_slice %arg8[%add3A_459] : memref<1572864xf32, #tpu.memory_space<hbm>> -> memref<768xf32, #tpu.memory_space<hbm>>
    %dma_start3A_463 = tpu.memref_slice %arg8[%add3A_459] : memref<1572864xf32, #tpu.memory_space<hbm>> -> memref<768xf32, #tpu.memory_space<hbm>>
    %dma_start3A_464 = arith.constant 12288 : i32
    %dma_start3A_465 = tpu.memref_slice %arg11[%dma_start3A_464] : memref<49152xf32, #tpu.memory_space<vmem>> -> memref<768xf32, #tpu.memory_space<vmem>>
    tpu.enqueue_dma source(%dma_start3A_465 : memref<768xf32, #tpu.memory_space<vmem>>) target(%dma_start3A_463 : memref<768xf32, #tpu.memory_space<hbm>>) target_semaphore(%arg17 : memref<!tpu.dma_semaphore, #tpu.memory_space<semaphore_mem>>)
    %add3A_466 = arith.constant 13312 : i32
    %add3A_467 = arith.addi %mul3A_115, %add3A_466 : i32
    %dma_start3A_468 = arith.constant 13312 : i32
    %dma_start3A_469 = tpu.memref_slice %arg11[%dma_start3A_468] : memref<49152xf32, #tpu.memory_space<vmem>> -> memref<768xf32, #tpu.memory_space<vmem>>
    %dma_start3A_470 = tpu.memref_slice %arg8[%add3A_467] : memref<1572864xf32, #tpu.memory_space<hbm>> -> memref<768xf32, #tpu.memory_space<hbm>>
    %dma_start3A_471 = tpu.memref_slice %arg8[%add3A_467] : memref<1572864xf32, #tpu.memory_space<hbm>> -> memref<768xf32, #tpu.memory_space<hbm>>
    %dma_start3A_472 = arith.constant 13312 : i32
    %dma_start3A_473 = tpu.memref_slice %arg11[%dma_start3A_472] : memref<49152xf32, #tpu.memory_space<vmem>> -> memref<768xf32, #tpu.memory_space<vmem>>
    tpu.enqueue_dma source(%dma_start3A_473 : memref<768xf32, #tpu.memory_space<vmem>>) target(%dma_start3A_471 : memref<768xf32, #tpu.memory_space<hbm>>) target_semaphore(%arg17 : memref<!tpu.dma_semaphore, #tpu.memory_space<semaphore_mem>>)
    %add3A_474 = arith.constant 14336 : i32
    %add3A_475 = arith.addi %mul3A_115, %add3A_474 : i32
    %dma_start3A_476 = arith.constant 14336 : i32
    %dma_start3A_477 = tpu.memref_slice %arg11[%dma_start3A_476] : memref<49152xf32, #tpu.memory_space<vmem>> -> memref<768xf32, #tpu.memory_space<vmem>>
    %dma_start3A_478 = tpu.memref_slice %arg8[%add3A_475] : memref<1572864xf32, #tpu.memory_space<hbm>> -> memref<768xf32, #tpu.memory_space<hbm>>
    %dma_start3A_479 = tpu.memref_slice %arg8[%add3A_475] : memref<1572864xf32, #tpu.memory_space<hbm>> -> memref<768xf32, #tpu.memory_space<hbm>>
    %dma_start3A_480 = arith.constant 14336 : i32
    %dma_start3A_481 = tpu.memref_slice %arg11[%dma_start3A_480] : memref<49152xf32, #tpu.memory_space<vmem>> -> memref<768xf32, #tpu.memory_space<vmem>>
    tpu.enqueue_dma source(%dma_start3A_481 : memref<768xf32, #tpu.memory_space<vmem>>) target(%dma_start3A_479 : memref<768xf32, #tpu.memory_space<hbm>>) target_semaphore(%arg17 : memref<!tpu.dma_semaphore, #tpu.memory_space<semaphore_mem>>)
    %add3A_482 = arith.constant 15360 : i32
    %add3A_483 = arith.addi %mul3A_115, %add3A_482 : i32
    %dma_start3A_484 = arith.constant 15360 : i32
    %dma_start3A_485 = tpu.memref_slice %arg11[%dma_start3A_484] : memref<49152xf32, #tpu.memory_space<vmem>> -> memref<768xf32, #tpu.memory_space<vmem>>
    %dma_start3A_486 = tpu.memref_slice %arg8[%add3A_483] : memref<1572864xf32, #tpu.memory_space<hbm>> -> memref<768xf32, #tpu.memory_space<hbm>>
    %dma_start3A_487 = tpu.memref_slice %arg8[%add3A_483] : memref<1572864xf32, #tpu.memory_space<hbm>> -> memref<768xf32, #tpu.memory_space<hbm>>
    %dma_start3A_488 = arith.constant 15360 : i32
    %dma_start3A_489 = tpu.memref_slice %arg11[%dma_start3A_488] : memref<49152xf32, #tpu.memory_space<vmem>> -> memref<768xf32, #tpu.memory_space<vmem>>
    tpu.enqueue_dma source(%dma_start3A_489 : memref<768xf32, #tpu.memory_space<vmem>>) target(%dma_start3A_487 : memref<768xf32, #tpu.memory_space<hbm>>) target_semaphore(%arg17 : memref<!tpu.dma_semaphore, #tpu.memory_space<semaphore_mem>>)
    %add3A_490 = arith.constant 16384 : i32
    %add3A_491 = arith.addi %mul3A_115, %add3A_490 : i32
    %dma_start3A_492 = arith.constant 16384 : i32
    %dma_start3A_493 = tpu.memref_slice %arg11[%dma_start3A_492] : memref<49152xf32, #tpu.memory_space<vmem>> -> memref<768xf32, #tpu.memory_space<vmem>>
    %dma_start3A_494 = tpu.memref_slice %arg8[%add3A_491] : memref<1572864xf32, #tpu.memory_space<hbm>> -> memref<768xf32, #tpu.memory_space<hbm>>
    %dma_start3A_495 = tpu.memref_slice %arg8[%add3A_491] : memref<1572864xf32, #tpu.memory_space<hbm>> -> memref<768xf32, #tpu.memory_space<hbm>>
    %dma_start3A_496 = arith.constant 16384 : i32
    %dma_start3A_497 = tpu.memref_slice %arg11[%dma_start3A_496] : memref<49152xf32, #tpu.memory_space<vmem>> -> memref<768xf32, #tpu.memory_space<vmem>>
    tpu.enqueue_dma source(%dma_start3A_497 : memref<768xf32, #tpu.memory_space<vmem>>) target(%dma_start3A_495 : memref<768xf32, #tpu.memory_space<hbm>>) target_semaphore(%arg17 : memref<!tpu.dma_semaphore, #tpu.memory_space<semaphore_mem>>)
    %add3A_498 = arith.constant 17408 : i32
    %add3A_499 = arith.addi %mul3A_115, %add3A_498 : i32
    %dma_start3A_500 = arith.constant 17408 : i32
    %dma_start3A_501 = tpu.memref_slice %arg11[%dma_start3A_500] : memref<49152xf32, #tpu.memory_space<vmem>> -> memref<768xf32, #tpu.memory_space<vmem>>
    %dma_start3A_502 = tpu.memref_slice %arg8[%add3A_499] : memref<1572864xf32, #tpu.memory_space<hbm>> -> memref<768xf32, #tpu.memory_space<hbm>>
    %dma_start3A_503 = tpu.memref_slice %arg8[%add3A_499] : memref<1572864xf32, #tpu.memory_space<hbm>> -> memref<768xf32, #tpu.memory_space<hbm>>
    %dma_start3A_504 = arith.constant 17408 : i32
    %dma_start3A_505 = tpu.memref_slice %arg11[%dma_start3A_504] : memref<49152xf32, #tpu.memory_space<vmem>> -> memref<768xf32, #tpu.memory_space<vmem>>
    tpu.enqueue_dma source(%dma_start3A_505 : memref<768xf32, #tpu.memory_space<vmem>>) target(%dma_start3A_503 : memref<768xf32, #tpu.memory_space<hbm>>) target_semaphore(%arg17 : memref<!tpu.dma_semaphore, #tpu.memory_space<semaphore_mem>>)
    %add3A_506 = arith.constant 18432 : i32
    %add3A_507 = arith.addi %mul3A_115, %add3A_506 : i32
    %dma_start3A_508 = arith.constant 18432 : i32
    %dma_start3A_509 = tpu.memref_slice %arg11[%dma_start3A_508] : memref<49152xf32, #tpu.memory_space<vmem>> -> memref<768xf32, #tpu.memory_space<vmem>>
    %dma_start3A_510 = tpu.memref_slice %arg8[%add3A_507] : memref<1572864xf32, #tpu.memory_space<hbm>> -> memref<768xf32, #tpu.memory_space<hbm>>
    %dma_start3A_511 = tpu.memref_slice %arg8[%add3A_507] : memref<1572864xf32, #tpu.memory_space<hbm>> -> memref<768xf32, #tpu.memory_space<hbm>>
    %dma_start3A_512 = arith.constant 18432 : i32
    %dma_start3A_513 = tpu.memref_slice %arg11[%dma_start3A_512] : memref<49152xf32, #tpu.memory_space<vmem>> -> memref<768xf32, #tpu.memory_space<vmem>>
    tpu.enqueue_dma source(%dma_start3A_513 : memref<768xf32, #tpu.memory_space<vmem>>) target(%dma_start3A_511 : memref<768xf32, #tpu.memory_space<hbm>>) target_semaphore(%arg17 : memref<!tpu.dma_semaphore, #tpu.memory_space<semaphore_mem>>)
    %add3A_514 = arith.constant 19456 : i32
    %add3A_515 = arith.addi %mul3A_115, %add3A_514 : i32
    %dma_start3A_516 = arith.constant 19456 : i32
    %dma_start3A_517 = tpu.memref_slice %arg11[%dma_start3A_516] : memref<49152xf32, #tpu.memory_space<vmem>> -> memref<768xf32, #tpu.memory_space<vmem>>
    %dma_start3A_518 = tpu.memref_slice %arg8[%add3A_515] : memref<1572864xf32, #tpu.memory_space<hbm>> -> memref<768xf32, #tpu.memory_space<hbm>>
    %dma_start3A_519 = tpu.memref_slice %arg8[%add3A_515] : memref<1572864xf32, #tpu.memory_space<hbm>> -> memref<768xf32, #tpu.memory_space<hbm>>
    %dma_start3A_520 = arith.constant 19456 : i32
    %dma_start3A_521 = tpu.memref_slice %arg11[%dma_start3A_520] : memref<49152xf32, #tpu.memory_space<vmem>> -> memref<768xf32, #tpu.memory_space<vmem>>
    tpu.enqueue_dma source(%dma_start3A_521 : memref<768xf32, #tpu.memory_space<vmem>>) target(%dma_start3A_519 : memref<768xf32, #tpu.memory_space<hbm>>) target_semaphore(%arg17 : memref<!tpu.dma_semaphore, #tpu.memory_space<semaphore_mem>>)
    %add3A_522 = arith.constant 20480 : i32
    %add3A_523 = arith.addi %mul3A_115, %add3A_522 : i32
    %dma_start3A_524 = arith.constant 20480 : i32
    %dma_start3A_525 = tpu.memref_slice %arg11[%dma_start3A_524] : memref<49152xf32, #tpu.memory_space<vmem>> -> memref<768xf32, #tpu.memory_space<vmem>>
    %dma_start3A_526 = tpu.memref_slice %arg8[%add3A_523] : memref<1572864xf32, #tpu.memory_space<hbm>> -> memref<768xf32, #tpu.memory_space<hbm>>
    %dma_start3A_527 = tpu.memref_slice %arg8[%add3A_523] : memref<1572864xf32, #tpu.memory_space<hbm>> -> memref<768xf32, #tpu.memory_space<hbm>>
    %dma_start3A_528 = arith.constant 20480 : i32
    %dma_start3A_529 = tpu.memref_slice %arg11[%dma_start3A_528] : memref<49152xf32, #tpu.memory_space<vmem>> -> memref<768xf32, #tpu.memory_space<vmem>>
    tpu.enqueue_dma source(%dma_start3A_529 : memref<768xf32, #tpu.memory_space<vmem>>) target(%dma_start3A_527 : memref<768xf32, #tpu.memory_space<hbm>>) target_semaphore(%arg17 : memref<!tpu.dma_semaphore, #tpu.memory_space<semaphore_mem>>)
    %add3A_530 = arith.constant 21504 : i32
    %add3A_531 = arith.addi %mul3A_115, %add3A_530 : i32
    %dma_start3A_532 = arith.constant 21504 : i32
    %dma_start3A_533 = tpu.memref_slice %arg11[%dma_start3A_532] : memref<49152xf32, #tpu.memory_space<vmem>> -> memref<768xf32, #tpu.memory_space<vmem>>
    %dma_start3A_534 = tpu.memref_slice %arg8[%add3A_531] : memref<1572864xf32, #tpu.memory_space<hbm>> -> memref<768xf32, #tpu.memory_space<hbm>>
    %dma_start3A_535 = tpu.memref_slice %arg8[%add3A_531] : memref<1572864xf32, #tpu.memory_space<hbm>> -> memref<768xf32, #tpu.memory_space<hbm>>
    %dma_start3A_536 = arith.constant 21504 : i32
    %dma_start3A_537 = tpu.memref_slice %arg11[%dma_start3A_536] : memref<49152xf32, #tpu.memory_space<vmem>> -> memref<768xf32, #tpu.memory_space<vmem>>
    tpu.enqueue_dma source(%dma_start3A_537 : memref<768xf32, #tpu.memory_space<vmem>>) target(%dma_start3A_535 : memref<768xf32, #tpu.memory_space<hbm>>) target_semaphore(%arg17 : memref<!tpu.dma_semaphore, #tpu.memory_space<semaphore_mem>>)
    %add3A_538 = arith.constant 22528 : i32
    %add3A_539 = arith.addi %mul3A_115, %add3A_538 : i32
    %dma_start3A_540 = arith.constant 22528 : i32
    %dma_start3A_541 = tpu.memref_slice %arg11[%dma_start3A_540] : memref<49152xf32, #tpu.memory_space<vmem>> -> memref<768xf32, #tpu.memory_space<vmem>>
    %dma_start3A_542 = tpu.memref_slice %arg8[%add3A_539] : memref<1572864xf32, #tpu.memory_space<hbm>> -> memref<768xf32, #tpu.memory_space<hbm>>
    %dma_start3A_543 = tpu.memref_slice %arg8[%add3A_539] : memref<1572864xf32, #tpu.memory_space<hbm>> -> memref<768xf32, #tpu.memory_space<hbm>>
    %dma_start3A_544 = arith.constant 22528 : i32
    %dma_start3A_545 = tpu.memref_slice %arg11[%dma_start3A_544] : memref<49152xf32, #tpu.memory_space<vmem>> -> memref<768xf32, #tpu.memory_space<vmem>>
    tpu.enqueue_dma source(%dma_start3A_545 : memref<768xf32, #tpu.memory_space<vmem>>) target(%dma_start3A_543 : memref<768xf32, #tpu.memory_space<hbm>>) target_semaphore(%arg17 : memref<!tpu.dma_semaphore, #tpu.memory_space<semaphore_mem>>)
    %add3A_546 = arith.constant 23552 : i32
    %add3A_547 = arith.addi %mul3A_115, %add3A_546 : i32
    %dma_start3A_548 = arith.constant 23552 : i32
    %dma_start3A_549 = tpu.memref_slice %arg11[%dma_start3A_548] : memref<49152xf32, #tpu.memory_space<vmem>> -> memref<768xf32, #tpu.memory_space<vmem>>
    %dma_start3A_550 = tpu.memref_slice %arg8[%add3A_547] : memref<1572864xf32, #tpu.memory_space<hbm>> -> memref<768xf32, #tpu.memory_space<hbm>>
    %dma_start3A_551 = tpu.memref_slice %arg8[%add3A_547] : memref<1572864xf32, #tpu.memory_space<hbm>> -> memref<768xf32, #tpu.memory_space<hbm>>
    %dma_start3A_552 = arith.constant 23552 : i32
    %dma_start3A_553 = tpu.memref_slice %arg11[%dma_start3A_552] : memref<49152xf32, #tpu.memory_space<vmem>> -> memref<768xf32, #tpu.memory_space<vmem>>
    tpu.enqueue_dma source(%dma_start3A_553 : memref<768xf32, #tpu.memory_space<vmem>>) target(%dma_start3A_551 : memref<768xf32, #tpu.memory_space<hbm>>) target_semaphore(%arg17 : memref<!tpu.dma_semaphore, #tpu.memory_space<semaphore_mem>>)
    %get3A_554 = arith.constant 0 : index
    %get3A_555 = tpu.vector_load %arg14[%get3A_554] {strides = array<i32>} : memref<1680xi32, #tpu.memory_space<vmem>>, vector<16xi32>,
    %get3A_556 = arith.constant 16 : index
    %get3A_557 = tpu.vector_load %arg14[%get3A_556] {strides = array<i32>} : memref<1680xi32, #tpu.memory_space<vmem>>, vector<16xi32>,
    %get3A_558 = arith.constant 32 : index
    %get3A_559 = tpu.vector_load %arg14[%get3A_558] {strides = array<i32>} : memref<1680xi32, #tpu.memory_space<vmem>>, vector<16xi32>,
    %get3A_560 = arith.constant 48 : index
    %get3A_561 = tpu.vector_load %arg14[%get3A_560] {strides = array<i32>} : memref<1680xi32, #tpu.memory_space<vmem>>, vector<16xi32>,
    %get3A_562 = arith.constant 64 : index
    %get3A_563 = tpu.vector_load %arg14[%get3A_562] {strides = array<i32>} : memref<1680xi32, #tpu.memory_space<vmem>>, vector<16xi32>,
    %get3A_564 = arith.constant 80 : index
    %get3A_565 = tpu.vector_load %arg14[%get3A_564] {strides = array<i32>} : memref<1680xi32, #tpu.memory_space<vmem>>, vector<16xi32>,
    %get3A_566 = arith.constant 96 : index
    %get3A_567 = tpu.vector_load %arg14[%get3A_566] {strides = array<i32>} : memref<1680xi32, #tpu.memory_space<vmem>>, vector<16xi32>,
    %get3A_568 = arith.constant 112 : index
    %get3A_569 = tpu.vector_load %arg14[%get3A_568] {strides = array<i32>} : memref<1680xi32, #tpu.memory_space<vmem>>, vector<16xi32>,
    %get3A_570 = arith.constant 128 : index
    %get3A_571 = tpu.vector_load %arg14[%get3A_570] {strides = array<i32>} : memref<1680xi32, #tpu.memory_space<vmem>>, vector<16xi32>,
    %get3A_572 = arith.constant 144 : index
    %get3A_573 = tpu.vector_load %arg14[%get3A_572] {strides = array<i32>} : memref<1680xi32, #tpu.memory_space<vmem>>, vector<16xi32>,
    %get3A_574 = arith.constant 160 : index
    %get3A_575 = tpu.vector_load %arg14[%get3A_574] {strides = array<i32>} : memref<1680xi32, #tpu.memory_space<vmem>>, vector<16xi32>,
    %get3A_576 = arith.constant 176 : index
    %get3A_577 = tpu.vector_load %arg14[%get3A_576] {strides = array<i32>} : memref<1680xi32, #tpu.memory_space<vmem>>, vector<16xi32>,
    %get3A_578 = arith.constant 192 : index
    %get3A_579 = tpu.vector_load %arg14[%get3A_578] {strides = array<i32>} : memref<1680xi32, #tpu.memory_space<vmem>>, vector<16xi32>,
    %get3A_580 = arith.constant 208 : index
    %get3A_581 = tpu.vector_load %arg14[%get3A_580] {strides = array<i32>} : memref<1680xi32, #tpu.memory_space<vmem>>, vector<16xi32>,
    %get3A_582 = arith.constant 224 : index
    %get3A_583 = tpu.vector_load %arg14[%get3A_582] {strides = array<i32>} : memref<1680xi32, #tpu.memory_space<vmem>>, vector<16xi32>,
    %get3A_584 = arith.constant 240 : index
    %get3A_585 = tpu.vector_load %arg14[%get3A_584] {strides = array<i32>} : memref<1680xi32, #tpu.memory_space<vmem>>, vector<16xi32>,
    %get3A_586 = arith.constant 256 : index
    %get3A_587 = tpu.vector_load %arg14[%get3A_586] {strides = array<i32>} : memref<1680xi32, #tpu.memory_space<vmem>>, vector<16xi32>,
    %get3A_588 = arith.constant 272 : index
    %get3A_589 = tpu.vector_load %arg14[%get3A_588] {strides = array<i32>} : memref<1680xi32, #tpu.memory_space<vmem>>, vector<16xi32>,
    %get3A_590 = arith.constant 288 : index
    %get3A_591 = tpu.vector_load %arg14[%get3A_590] {strides = array<i32>} : memref<1680xi32, #tpu.memory_space<vmem>>, vector<16xi32>,
    %get3A_592 = arith.constant 304 : index
    %get3A_593 = tpu.vector_load %arg14[%get3A_592] {strides = array<i32>} : memref<1680xi32, #tpu.memory_space<vmem>>, vector<16xi32>,
    %get3A_594 = arith.constant 320 : index
    %get3A_595 = tpu.vector_load %arg14[%get3A_594] {strides = array<i32>} : memref<1680xi32, #tpu.memory_space<vmem>>, vector<16xi32>,
    %get3A_596 = arith.constant 336 : index
    %get3A_597 = tpu.vector_load %arg14[%get3A_596] {strides = array<i32>} : memref<1680xi32, #tpu.memory_space<vmem>>, vector<16xi32>,
    %get3A_598 = arith.constant 352 : index
    %get3A_599 = tpu.vector_load %arg14[%get3A_598] {strides = array<i32>} : memref<1680xi32, #tpu.memory_space<vmem>>, vector<16xi32>,
    %get3A_600 = arith.constant 368 : index
    %get3A_601 = tpu.vector_load %arg14[%get3A_600] {strides = array<i32>} : memref<1680xi32, #tpu.memory_space<vmem>>, vector<16xi32>,
    %scan3A_602 = arith.constant 0 : i32
    %scan3A_603 = arith.constant 8 : i32
    %scan3A_604 = arith.constant 8 : i32
    %scan3A_605 = arith.addi %scan3A_603, %scan3A_604 : i32
    %scan3A_606 = arith.constant 1 : i32
    scf.for %scan3A_1282 = %scan3A_603 to %scan3A_605 step %scan3A_606  : i32 {
      %mul3A_1283 = arith.constant 3072 : i32
      %mul3A_1284 = arith.muli %scan3A_1282, %mul3A_1283 : i32
      %add3A_1285 = arith.constant 0 : i32
      %add3A_1286 = arith.addi %mul3A_1284, %add3A_1285 : i32
      %mul3A_1287 = arith.constant 1024 : i32
      %mul3A_1288 = arith.muli %scan3A_1282, %mul3A_1287 : i32
      %gather3A_1289 = tpu.memref_slice %arg10[%mul3A_1288] : memref<32784xf32, #tpu.memory_space<vmem>> -> memref<17424xf32, #tpu.memory_space<vmem>>
      %gather3A_1290 = tpu.vector_load_idx %gather3A_1289[%get3A_555] : memref<17424xf32, #tpu.memory_space<vmem>>[vector<16xi32>], vector<16xf32>,
      %add3A_1291 = arith.constant 0 : i32
      %add3A_1292 = arith.addi %add3A_1286, %add3A_1291 : i32
      %add3A_1293 = arith.constant 0 : i32
      %add3A_1294 = arith.addi %add3A_1292, %add3A_1293 : i32
      %swap3A = arith.index_cast %add3A_1294 : i32 to index
      %swap3A_1295 = tpu.vector_load %arg11[%swap3A] {strides = array<i32>} : memref<49152xf32, #tpu.memory_space<vmem>>, vector<16xf32>,
      tpu.vector_store %arg11[%swap3A], %gather3A_1290 {strides = array<i32>} : memref<49152xf32, #tpu.memory_space<vmem>>, vector<16xf32>,
      %gather3A_1296 = tpu.memref_slice %arg10[%mul3A_1288] : memref<32784xf32, #tpu.memory_space<vmem>> -> memref<17424xf32, #tpu.memory_space<vmem>>
      %gather3A_1297 = tpu.vector_load_idx %gather3A_1296[%get3A_557] : memref<17424xf32, #tpu.memory_space<vmem>>[vector<16xi32>], vector<16xf32>,
      %add3A_1298 = arith.constant 0 : i32
      %add3A_1299 = arith.addi %add3A_1286, %add3A_1298 : i32
      %add3A_1300 = arith.constant 16 : i32
      %add3A_1301 = arith.addi %add3A_1299, %add3A_1300 : i32
      %swap3A_1302 = arith.index_cast %add3A_1301 : i32 to index
      %swap3A_1303 = tpu.vector_load %arg11[%swap3A_1302] {strides = array<i32>} : memref<49152xf32, #tpu.memory_space<vmem>>, vector<16xf32>,
      tpu.vector_store %arg11[%swap3A_1302], %gather3A_1297 {strides = array<i32>} : memref<49152xf32, #tpu.memory_space<vmem>>, vector<16xf32>,
      %gather3A_1304 = tpu.memref_slice %arg10[%mul3A_1288] : memref<32784xf32, #tpu.memory_space<vmem>> -> memref<17424xf32, #tpu.memory_space<vmem>>
      %gather3A_1305 = tpu.vector_load_idx %gather3A_1304[%get3A_559] : memref<17424xf32, #tpu.memory_space<vmem>>[vector<16xi32>], vector<16xf32>,
      %add3A_1306 = arith.constant 0 : i32
      %add3A_1307 = arith.addi %add3A_1286, %add3A_1306 : i32
      %add3A_1308 = arith.constant 32 : i32
      %add3A_1309 = arith.addi %add3A_1307, %add3A_1308 : i32
      %swap3A_1310 = arith.index_cast %add3A_1309 : i32 to index
      %swap3A_1311 = tpu.vector_load %arg11[%swap3A_1310] {strides = array<i32>} : memref<49152xf32, #tpu.memory_space<vmem>>, vector<16xf32>,
      tpu.vector_store %arg11[%swap3A_1310], %gather3A_1305 {strides = array<i32>} : memref<49152xf32, #tpu.memory_space<vmem>>, vector<16xf32>,
      %gather3A_1312 = tpu.memref_slice %arg10[%mul3A_1288] : memref<32784xf32, #tpu.memory_space<vmem>> -> memref<17424xf32, #tpu.memory_space<vmem>>
      %gather3A_1313 = tpu.vector_load_idx %gather3A_1312[%get3A_561] : memref<17424xf32, #tpu.memory_space<vmem>>[vector<16xi32>], vector<16xf32>,
      %add3A_1314 = arith.constant 0 : i32
      %add3A_1315 = arith.addi %add3A_1286, %add3A_1314 : i32
      %add3A_1316 = arith.constant 48 : i32
      %add3A_1317 = arith.addi %add3A_1315, %add3A_1316 : i32
      %swap3A_1318 = arith.index_cast %add3A_1317 : i32 to index
      %swap3A_1319 = tpu.vector_load %arg11[%swap3A_1318] {strides = array<i32>} : memref<49152xf32, #tpu.memory_space<vmem>>, vector<16xf32>,
      tpu.vector_store %arg11[%swap3A_1318], %gather3A_1313 {strides = array<i32>} : memref<49152xf32, #tpu.memory_space<vmem>>, vector<16xf32>,
      %gather3A_1320 = tpu.memref_slice %arg10[%mul3A_1288] : memref<32784xf32, #tpu.memory_space<vmem>> -> memref<17424xf32, #tpu.memory_space<vmem>>
      %gather3A_1321 = tpu.vector_load_idx %gather3A_1320[%get3A_563] : memref<17424xf32, #tpu.memory_space<vmem>>[vector<16xi32>], vector<16xf32>,
      %add3A_1322 = arith.constant 0 : i32
      %add3A_1323 = arith.addi %add3A_1286, %add3A_1322 : i32
      %add3A_1324 = arith.constant 64 : i32
      %add3A_1325 = arith.addi %add3A_1323, %add3A_1324 : i32
      %swap3A_1326 = arith.index_cast %add3A_1325 : i32 to index
      %swap3A_1327 = tpu.vector_load %arg11[%swap3A_1326] {strides = array<i32>} : memref<49152xf32, #tpu.memory_space<vmem>>, vector<16xf32>,
      tpu.vector_store %arg11[%swap3A_1326], %gather3A_1321 {strides = array<i32>} : memref<49152xf32, #tpu.memory_space<vmem>>, vector<16xf32>,
      %gather3A_1328 = tpu.memref_slice %arg10[%mul3A_1288] : memref<32784xf32, #tpu.memory_space<vmem>> -> memref<17424xf32, #tpu.memory_space<vmem>>
      %gather3A_1329 = tpu.vector_load_idx %gather3A_1328[%get3A_565] : memref<17424xf32, #tpu.memory_space<vmem>>[vector<16xi32>], vector<16xf32>,
      %add3A_1330 = arith.constant 0 : i32
      %add3A_1331 = arith.addi %add3A_1286, %add3A_1330 : i32
      %add3A_1332 = arith.constant 80 : i32
      %add3A_1333 = arith.addi %add3A_1331, %add3A_1332 : i32
      %swap3A_1334 = arith.index_cast %add3A_1333 : i32 to index
      %swap3A_1335 = tpu.vector_load %arg11[%swap3A_1334] {strides = array<i32>} : memref<49152xf32, #tpu.memory_space<vmem>>, vector<16xf32>,
      tpu.vector_store %arg11[%swap3A_1334], %gather3A_1329 {strides = array<i32>} : memref<49152xf32, #tpu.memory_space<vmem>>, vector<16xf32>,
      %gather3A_1336 = tpu.memref_slice %arg10[%mul3A_1288] : memref<32784xf32, #tpu.memory_space<vmem>> -> memref<17424xf32, #tpu.memory_space<vmem>>
      %gather3A_1337 = tpu.vector_load_idx %gather3A_1336[%get3A_567] : memref<17424xf32, #tpu.memory_space<vmem>>[vector<16xi32>], vector<16xf32>,
      %add3A_1338 = arith.constant 0 : i32
      %add3A_1339 = arith.addi %add3A_1286, %add3A_1338 : i32
      %add3A_1340 = arith.constant 96 : i32
      %add3A_1341 = arith.addi %add3A_1339, %add3A_1340 : i32
      %swap3A_1342 = arith.index_cast %add3A_1341 : i32 to index
      %swap3A_1343 = tpu.vector_load %arg11[%swap3A_1342] {strides = array<i32>} : memref<49152xf32, #tpu.memory_space<vmem>>, vector<16xf32>,
      tpu.vector_store %arg11[%swap3A_1342], %gather3A_1337 {strides = array<i32>} : memref<49152xf32, #tpu.memory_space<vmem>>, vector<16xf32>,
      %gather3A_1344 = tpu.memref_slice %arg10[%mul3A_1288] : memref<32784xf32, #tpu.memory_space<vmem>> -> memref<17424xf32, #tpu.memory_space<vmem>>
      %gather3A_1345 = tpu.vector_load_idx %gather3A_1344[%get3A_569] : memref<17424xf32, #tpu.memory_space<vmem>>[vector<16xi32>], vector<16xf32>,
      %add3A_1346 = arith.constant 0 : i32
      %add3A_1347 = arith.addi %add3A_1286, %add3A_1346 : i32
      %add3A_1348 = arith.constant 112 : i32
      %add3A_1349 = arith.addi %add3A_1347, %add3A_1348 : i32
      %swap3A_1350 = arith.index_cast %add3A_1349 : i32 to index
      %swap3A_1351 = tpu.vector_load %arg11[%swap3A_1350] {strides = array<i32>} : memref<49152xf32, #tpu.memory_space<vmem>>, vector<16xf32>,
      tpu.vector_store %arg11[%swap3A_1350], %gather3A_1345 {strides = array<i32>} : memref<49152xf32, #tpu.memory_space<vmem>>, vector<16xf32>,
      %gather3A_1352 = tpu.memref_slice %arg10[%mul3A_1288] : memref<32784xf32, #tpu.memory_space<vmem>> -> memref<17424xf32, #tpu.memory_space<vmem>>
      %gather3A_1353 = tpu.vector_load_idx %gather3A_1352[%get3A_571] : memref<17424xf32, #tpu.memory_space<vmem>>[vector<16xi32>], vector<16xf32>,
      %add3A_1354 = arith.constant 1024 : i32
      %add3A_1355 = arith.addi %add3A_1286, %add3A_1354 : i32
      %add3A_1356 = arith.constant 0 : i32
      %add3A_1357 = arith.addi %add3A_1355, %add3A_1356 : i32
      %swap3A_1358 = arith.index_cast %add3A_1357 : i32 to index
      %swap3A_1359 = tpu.vector_load %arg11[%swap3A_1358] {strides = array<i32>} : memref<49152xf32, #tpu.memory_space<vmem>>, vector<16xf32>,
      tpu.vector_store %arg11[%swap3A_1358], %gather3A_1353 {strides = array<i32>} : memref<49152xf32, #tpu.memory_space<vmem>>, vector<16xf32>,
      %gather3A_1360 = tpu.memref_slice %arg10[%mul3A_1288] : memref<32784xf32, #tpu.memory_space<vmem>> -> memref<17424xf32, #tpu.memory_space<vmem>>
      %gather3A_1361 = tpu.vector_load_idx %gather3A_1360[%get3A_573] : memref<17424xf32, #tpu.memory_space<vmem>>[vector<16xi32>], vector<16xf32>,
      %add3A_1362 = arith.constant 1024 : i32
      %add3A_1363 = arith.addi %add3A_1286, %add3A_1362 : i32
      %add3A_1364 = arith.constant 16 : i32
      %add3A_1365 = arith.addi %add3A_1363, %add3A_1364 : i32
      %swap3A_1366 = arith.index_cast %add3A_1365 : i32 to index
      %swap3A_1367 = tpu.vector_load %arg11[%swap3A_1366] {strides = array<i32>} : memref<49152xf32, #tpu.memory_space<vmem>>, vector<16xf32>,
      tpu.vector_store %arg11[%swap3A_1366], %gather3A_1361 {strides = array<i32>} : memref<49152xf32, #tpu.memory_space<vmem>>, vector<16xf32>,
      %gather3A_1368 = tpu.memref_slice %arg10[%mul3A_1288] : memref<32784xf32, #tpu.memory_space<vmem>> -> memref<17424xf32, #tpu.memory_space<vmem>>
      %gather3A_1369 = tpu.vector_load_idx %gather3A_1368[%get3A_575] : memref<17424xf32, #tpu.memory_space<vmem>>[vector<16xi32>], vector<16xf32>,
      %add3A_1370 = arith.constant 1024 : i32
      %add3A_1371 = arith.addi %add3A_1286, %add3A_1370 : i32
      %add3A_1372 = arith.constant 32 : i32
      %add3A_1373 = arith.addi %add3A_1371, %add3A_1372 : i32
      %swap3A_1374 = arith.index_cast %add3A_1373 : i32 to index
      %swap3A_1375 = tpu.vector_load %arg11[%swap3A_1374] {strides = array<i32>} : memref<49152xf32, #tpu.memory_space<vmem>>, vector<16xf32>,
      tpu.vector_store %arg11[%swap3A_1374], %gather3A_1369 {strides = array<i32>} : memref<49152xf32, #tpu.memory_space<vmem>>, vector<16xf32>,
      %gather3A_1376 = tpu.memref_slice %arg10[%mul3A_1288] : memref<32784xf32, #tpu.memory_space<vmem>> -> memref<17424xf32, #tpu.memory_space<vmem>>
      %gather3A_1377 = tpu.vector_load_idx %gather3A_1376[%get3A_577] : memref<17424xf32, #tpu.memory_space<vmem>>[vector<16xi32>], vector<16xf32>,
      %add3A_1378 = arith.constant 1024 : i32
      %add3A_1379 = arith.addi %add3A_1286, %add3A_1378 : i32
      %add3A_1380 = arith.constant 48 : i32
      %add3A_1381 = arith.addi %add3A_1379, %add3A_1380 : i32
      %swap3A_1382 = arith.index_cast %add3A_1381 : i32 to index
      %swap3A_1383 = tpu.vector_load %arg11[%swap3A_1382] {strides = array<i32>} : memref<49152xf32, #tpu.memory_space<vmem>>, vector<16xf32>,
      tpu.vector_store %arg11[%swap3A_1382], %gather3A_1377 {strides = array<i32>} : memref<49152xf32, #tpu.memory_space<vmem>>, vector<16xf32>,
      %gather3A_1384 = tpu.memref_slice %arg10[%mul3A_1288] : memref<32784xf32, #tpu.memory_space<vmem>> -> memref<17424xf32, #tpu.memory_space<vmem>>
      %gather3A_1385 = tpu.vector_load_idx %gather3A_1384[%get3A_579] : memref<17424xf32, #tpu.memory_space<vmem>>[vector<16xi32>], vector<16xf32>,
      %add3A_1386 = arith.constant 1024 : i32
      %add3A_1387 = arith.addi %add3A_1286, %add3A_1386 : i32
      %add3A_1388 = arith.constant 64 : i32
      %add3A_1389 = arith.addi %add3A_1387, %add3A_1388 : i32
      %swap3A_1390 = arith.index_cast %add3A_1389 : i32 to index
      %swap3A_1391 = tpu.vector_load %arg11[%swap3A_1390] {strides = array<i32>} : memref<49152xf32, #tpu.memory_space<vmem>>, vector<16xf32>,
      tpu.vector_store %arg11[%swap3A_1390], %gather3A_1385 {strides = array<i32>} : memref<49152xf32, #tpu.memory_space<vmem>>, vector<16xf32>,
      %gather3A_1392 = tpu.memref_slice %arg10[%mul3A_1288] : memref<32784xf32, #tpu.memory_space<vmem>> -> memref<17424xf32, #tpu.memory_space<vmem>>
      %gather3A_1393 = tpu.vector_load_idx %gather3A_1392[%get3A_581] : memref<17424xf32, #tpu.memory_space<vmem>>[vector<16xi32>], vector<16xf32>,
      %add3A_1394 = arith.constant 1024 : i32
      %add3A_1395 = arith.addi %add3A_1286, %add3A_1394 : i32
      %add3A_1396 = arith.constant 80 : i32
      %add3A_1397 = arith.addi %add3A_1395, %add3A_1396 : i32
      %swap3A_1398 = arith.index_cast %add3A_1397 : i32 to index
      %swap3A_1399 = tpu.vector_load %arg11[%swap3A_1398] {strides = array<i32>} : memref<49152xf32, #tpu.memory_space<vmem>>, vector<16xf32>,
      tpu.vector_store %arg11[%swap3A_1398], %gather3A_1393 {strides = array<i32>} : memref<49152xf32, #tpu.memory_space<vmem>>, vector<16xf32>,
      %gather3A_1400 = tpu.memref_slice %arg10[%mul3A_1288] : memref<32784xf32, #tpu.memory_space<vmem>> -> memref<17424xf32, #tpu.memory_space<vmem>>
      %gather3A_1401 = tpu.vector_load_idx %gather3A_1400[%get3A_583] : memref<17424xf32, #tpu.memory_space<vmem>>[vector<16xi32>], vector<16xf32>,
      %add3A_1402 = arith.constant 1024 : i32
      %add3A_1403 = arith.addi %add3A_1286, %add3A_1402 : i32
      %add3A_1404 = arith.constant 96 : i32
      %add3A_1405 = arith.addi %add3A_1403, %add3A_1404 : i32
      %swap3A_1406 = arith.index_cast %add3A_1405 : i32 to index
      %swap3A_1407 = tpu.vector_load %arg11[%swap3A_1406] {strides = array<i32>} : memref<49152xf32, #tpu.memory_space<vmem>>, vector<16xf32>,
      tpu.vector_store %arg11[%swap3A_1406], %gather3A_1401 {strides = array<i32>} : memref<49152xf32, #tpu.memory_space<vmem>>, vector<16xf32>,
      %gather3A_1408 = tpu.memref_slice %arg10[%mul3A_1288] : memref<32784xf32, #tpu.memory_space<vmem>> -> memref<17424xf32, #tpu.memory_space<vmem>>
      %gather3A_1409 = tpu.vector_load_idx %gather3A_1408[%get3A_585] : memref<17424xf32, #tpu.memory_space<vmem>>[vector<16xi32>], vector<16xf32>,
      %add3A_1410 = arith.constant 1024 : i32
      %add3A_1411 = arith.addi %add3A_1286, %add3A_1410 : i32
      %add3A_1412 = arith.constant 112 : i32
      %add3A_1413 = arith.addi %add3A_1411, %add3A_1412 : i32
      %swap3A_1414 = arith.index_cast %add3A_1413 : i32 to index
      %swap3A_1415 = tpu.vector_load %arg11[%swap3A_1414] {strides = array<i32>} : memref<49152xf32, #tpu.memory_space<vmem>>, vector<16xf32>,
      tpu.vector_store %arg11[%swap3A_1414], %gather3A_1409 {strides = array<i32>} : memref<49152xf32, #tpu.memory_space<vmem>>, vector<16xf32>,
      %gather3A_1416 = tpu.memref_slice %arg10[%mul3A_1288] : memref<32784xf32, #tpu.memory_space<vmem>> -> memref<17424xf32, #tpu.memory_space<vmem>>
      %gather3A_1417 = tpu.vector_load_idx %gather3A_1416[%get3A_587] : memref<17424xf32, #tpu.memory_space<vmem>>[vector<16xi32>], vector<16xf32>,
      %add3A_1418 = arith.constant 2048 : i32
      %add3A_1419 = arith.addi %add3A_1286, %add3A_1418 : i32
      %add3A_1420 = arith.constant 0 : i32
      %add3A_1421 = arith.addi %add3A_1419, %add3A_1420 : i32
      %swap3A_1422 = arith.index_cast %add3A_1421 : i32 to index
      %swap3A_1423 = tpu.vector_load %arg11[%swap3A_1422] {strides = array<i32>} : memref<49152xf32, #tpu.memory_space<vmem>>, vector<16xf32>,
      tpu.vector_store %arg11[%swap3A_1422], %gather3A_1417 {strides = array<i32>} : memref<49152xf32, #tpu.memory_space<vmem>>, vector<16xf32>,
      %gather3A_1424 = tpu.memref_slice %arg10[%mul3A_1288] : memref<32784xf32, #tpu.memory_space<vmem>> -> memref<17424xf32, #tpu.memory_space<vmem>>
      %gather3A_1425 = tpu.vector_load_idx %gather3A_1424[%get3A_589] : memref<17424xf32, #tpu.memory_space<vmem>>[vector<16xi32>], vector<16xf32>,
      %add3A_1426 = arith.constant 2048 : i32
      %add3A_1427 = arith.addi %add3A_1286, %add3A_1426 : i32
      %add3A_1428 = arith.constant 16 : i32
      %add3A_1429 = arith.addi %add3A_1427, %add3A_1428 : i32
      %swap3A_1430 = arith.index_cast %add3A_1429 : i32 to index
      %swap3A_1431 = tpu.vector_load %arg11[%swap3A_1430] {strides = array<i32>} : memref<49152xf32, #tpu.memory_space<vmem>>, vector<16xf32>,
      tpu.vector_store %arg11[%swap3A_1430], %gather3A_1425 {strides = array<i32>} : memref<49152xf32, #tpu.memory_space<vmem>>, vector<16xf32>,
      %gather3A_1432 = tpu.memref_slice %arg10[%mul3A_1288] : memref<32784xf32, #tpu.memory_space<vmem>> -> memref<17424xf32, #tpu.memory_space<vmem>>
      %gather3A_1433 = tpu.vector_load_idx %gather3A_1432[%get3A_591] : memref<17424xf32, #tpu.memory_space<vmem>>[vector<16xi32>], vector<16xf32>,
      %add3A_1434 = arith.constant 2048 : i32
      %add3A_1435 = arith.addi %add3A_1286, %add3A_1434 : i32
      %add3A_1436 = arith.constant 32 : i32
      %add3A_1437 = arith.addi %add3A_1435, %add3A_1436 : i32
      %swap3A_1438 = arith.index_cast %add3A_1437 : i32 to index
      %swap3A_1439 = tpu.vector_load %arg11[%swap3A_1438] {strides = array<i32>} : memref<49152xf32, #tpu.memory_space<vmem>>, vector<16xf32>,
      tpu.vector_store %arg11[%swap3A_1438], %gather3A_1433 {strides = array<i32>} : memref<49152xf32, #tpu.memory_space<vmem>>, vector<16xf32>,
      %gather3A_1440 = tpu.memref_slice %arg10[%mul3A_1288] : memref<32784xf32, #tpu.memory_space<vmem>> -> memref<17424xf32, #tpu.memory_space<vmem>>
      %gather3A_1441 = tpu.vector_load_idx %gather3A_1440[%get3A_593] : memref<17424xf32, #tpu.memory_space<vmem>>[vector<16xi32>], vector<16xf32>,
      %add3A_1442 = arith.constant 2048 : i32
      %add3A_1443 = arith.addi %add3A_1286, %add3A_1442 : i32
      %add3A_1444 = arith.constant 48 : i32
      %add3A_1445 = arith.addi %add3A_1443, %add3A_1444 : i32
      %swap3A_1446 = arith.index_cast %add3A_1445 : i32 to index
      %swap3A_1447 = tpu.vector_load %arg11[%swap3A_1446] {strides = array<i32>} : memref<49152xf32, #tpu.memory_space<vmem>>, vector<16xf32>,
      tpu.vector_store %arg11[%swap3A_1446], %gather3A_1441 {strides = array<i32>} : memref<49152xf32, #tpu.memory_space<vmem>>, vector<16xf32>,
      %gather3A_1448 = tpu.memref_slice %arg10[%mul3A_1288] : memref<32784xf32, #tpu.memory_space<vmem>> -> memref<17424xf32, #tpu.memory_space<vmem>>
      %gather3A_1449 = tpu.vector_load_idx %gather3A_1448[%get3A_595] : memref<17424xf32, #tpu.memory_space<vmem>>[vector<16xi32>], vector<16xf32>,
      %add3A_1450 = arith.constant 2048 : i32
      %add3A_1451 = arith.addi %add3A_1286, %add3A_1450 : i32
      %add3A_1452 = arith.constant 64 : i32
      %add3A_1453 = arith.addi %add3A_1451, %add3A_1452 : i32
      %swap3A_1454 = arith.index_cast %add3A_1453 : i32 to index
      %swap3A_1455 = tpu.vector_load %arg11[%swap3A_1454] {strides = array<i32>} : memref<49152xf32, #tpu.memory_space<vmem>>, vector<16xf32>,
      tpu.vector_store %arg11[%swap3A_1454], %gather3A_1449 {strides = array<i32>} : memref<49152xf32, #tpu.memory_space<vmem>>, vector<16xf32>,
      %gather3A_1456 = tpu.memref_slice %arg10[%mul3A_1288] : memref<32784xf32, #tpu.memory_space<vmem>> -> memref<17424xf32, #tpu.memory_space<vmem>>
      %gather3A_1457 = tpu.vector_load_idx %gather3A_1456[%get3A_597] : memref<17424xf32, #tpu.memory_space<vmem>>[vector<16xi32>], vector<16xf32>,
      %add3A_1458 = arith.constant 2048 : i32
      %add3A_1459 = arith.addi %add3A_1286, %add3A_1458 : i32
      %add3A_1460 = arith.constant 80 : i32
      %add3A_1461 = arith.addi %add3A_1459, %add3A_1460 : i32
      %swap3A_1462 = arith.index_cast %add3A_1461 : i32 to index
      %swap3A_1463 = tpu.vector_load %arg11[%swap3A_1462] {strides = array<i32>} : memref<49152xf32, #tpu.memory_space<vmem>>, vector<16xf32>,
      tpu.vector_store %arg11[%swap3A_1462], %gather3A_1457 {strides = array<i32>} : memref<49152xf32, #tpu.memory_space<vmem>>, vector<16xf32>,
      %gather3A_1464 = tpu.memref_slice %arg10[%mul3A_1288] : memref<32784xf32, #tpu.memory_space<vmem>> -> memref<17424xf32, #tpu.memory_space<vmem>>
      %gather3A_1465 = tpu.vector_load_idx %gather3A_1464[%get3A_599] : memref<17424xf32, #tpu.memory_space<vmem>>[vector<16xi32>], vector<16xf32>,
      %add3A_1466 = arith.constant 2048 : i32
      %add3A_1467 = arith.addi %add3A_1286, %add3A_1466 : i32
      %add3A_1468 = arith.constant 96 : i32
      %add3A_1469 = arith.addi %add3A_1467, %add3A_1468 : i32
      %swap3A_1470 = arith.index_cast %add3A_1469 : i32 to index
      %swap3A_1471 = tpu.vector_load %arg11[%swap3A_1470] {strides = array<i32>} : memref<49152xf32, #tpu.memory_space<vmem>>, vector<16xf32>,
      tpu.vector_store %arg11[%swap3A_1470], %gather3A_1465 {strides = array<i32>} : memref<49152xf32, #tpu.memory_space<vmem>>, vector<16xf32>,
      %gather3A_1472 = tpu.memref_slice %arg10[%mul3A_1288] : memref<32784xf32, #tpu.memory_space<vmem>> -> memref<17424xf32, #tpu.memory_space<vmem>>
      %gather3A_1473 = tpu.vector_load_idx %gather3A_1472[%get3A_601] : memref<17424xf32, #tpu.memory_space<vmem>>[vector<16xi32>], vector<16xf32>,
      %add3A_1474 = arith.constant 2048 : i32
      %add3A_1475 = arith.addi %add3A_1286, %add3A_1474 : i32
      %add3A_1476 = arith.constant 112 : i32
      %add3A_1477 = arith.addi %add3A_1475, %add3A_1476 : i32
      %swap3A_1478 = arith.index_cast %add3A_1477 : i32 to index
      %swap3A_1479 = tpu.vector_load %arg11[%swap3A_1478] {strides = array<i32>} : memref<49152xf32, #tpu.memory_space<vmem>>, vector<16xf32>,
      tpu.vector_store %arg11[%swap3A_1478], %gather3A_1473 {strides = array<i32>} : memref<49152xf32, #tpu.memory_space<vmem>>, vector<16xf32>,
    }
    %scan3A_607 = arith.constant 8 : i32
    %get3A_608 = arith.constant 384 : index
    %get3A_609 = tpu.vector_load %arg14[%get3A_608] {strides = array<i32>} : memref<1680xi32, #tpu.memory_space<vmem>>, vector<16xi32>,
    %get3A_610 = arith.constant 400 : index
    %get3A_611 = tpu.vector_load %arg14[%get3A_610] {strides = array<i32>} : memref<1680xi32, #tpu.memory_space<vmem>>, vector<16xi32>,
    %get3A_612 = arith.constant 416 : index
    %get3A_613 = tpu.vector_load %arg14[%get3A_612] {strides = array<i32>} : memref<1680xi32, #tpu.memory_space<vmem>>, vector<16xi32>,
    %get3A_614 = arith.constant 432 : index
    %get3A_615 = tpu.vector_load %arg14[%get3A_614] {strides = array<i32>} : memref<1680xi32, #tpu.memory_space<vmem>>, vector<16xi32>,
    %get3A_616 = arith.constant 448 : index
    %get3A_617 = tpu.vector_load %arg14[%get3A_616] {strides = array<i32>} : memref<1680xi32, #tpu.memory_space<vmem>>, vector<16xi32>,
    %get3A_618 = arith.constant 464 : index
    %get3A_619 = tpu.vector_load %arg14[%get3A_618] {strides = array<i32>} : memref<1680xi32, #tpu.memory_space<vmem>>, vector<16xi32>,
    %get3A_620 = arith.constant 480 : index
    %get3A_621 = tpu.vector_load %arg14[%get3A_620] {strides = array<i32>} : memref<1680xi32, #tpu.memory_space<vmem>>, vector<16xi32>,
    %get3A_622 = arith.constant 496 : index
    %get3A_623 = tpu.vector_load %arg14[%get3A_622] {strides = array<i32>} : memref<1680xi32, #tpu.memory_space<vmem>>, vector<16xi32>,
    %get3A_624 = arith.constant 512 : index
    %get3A_625 = tpu.vector_load %arg14[%get3A_624] {strides = array<i32>} : memref<1680xi32, #tpu.memory_space<vmem>>, vector<16xi32>,
    %get3A_626 = arith.constant 528 : index
    %get3A_627 = tpu.vector_load %arg14[%get3A_626] {strides = array<i32>} : memref<1680xi32, #tpu.memory_space<vmem>>, vector<16xi32>,
    %get3A_628 = arith.constant 544 : index
    %get3A_629 = tpu.vector_load %arg14[%get3A_628] {strides = array<i32>} : memref<1680xi32, #tpu.memory_space<vmem>>, vector<16xi32>,
    %get3A_630 = arith.constant 560 : index
    %get3A_631 = tpu.vector_load %arg14[%get3A_630] {strides = array<i32>} : memref<1680xi32, #tpu.memory_space<vmem>>, vector<16xi32>,
    %get3A_632 = arith.constant 576 : index
    %get3A_633 = tpu.vector_load %arg14[%get3A_632] {strides = array<i32>} : memref<1680xi32, #tpu.memory_space<vmem>>, vector<16xi32>,
    %get3A_634 = arith.constant 592 : index
    %get3A_635 = tpu.vector_load %arg14[%get3A_634] {strides = array<i32>} : memref<1680xi32, #tpu.memory_space<vmem>>, vector<16xi32>,
    %get3A_636 = arith.constant 608 : index
    %get3A_637 = tpu.vector_load %arg14[%get3A_636] {strides = array<i32>} : memref<1680xi32, #tpu.memory_space<vmem>>, vector<16xi32>,
    %get3A_638 = arith.constant 624 : index
    %get3A_639 = tpu.vector_load %arg14[%get3A_638] {strides = array<i32>} : memref<1680xi32, #tpu.memory_space<vmem>>, vector<16xi32>,
    %get3A_640 = arith.constant 640 : index
    %get3A_641 = tpu.vector_load %arg14[%get3A_640] {strides = array<i32>} : memref<1680xi32, #tpu.memory_space<vmem>>, vector<16xi32>,
    %get3A_642 = arith.constant 656 : index
    %get3A_643 = tpu.vector_load %arg14[%get3A_642] {strides = array<i32>} : memref<1680xi32, #tpu.memory_space<vmem>>, vector<16xi32>,
    %get3A_644 = arith.constant 672 : index
    %get3A_645 = tpu.vector_load %arg14[%get3A_644] {strides = array<i32>} : memref<1680xi32, #tpu.memory_space<vmem>>, vector<16xi32>,
    %get3A_646 = arith.constant 688 : index
    %get3A_647 = tpu.vector_load %arg14[%get3A_646] {strides = array<i32>} : memref<1680xi32, #tpu.memory_space<vmem>>, vector<16xi32>,
    %get3A_648 = arith.constant 704 : index
    %get3A_649 = tpu.vector_load %arg14[%get3A_648] {strides = array<i32>} : memref<1680xi32, #tpu.memory_space<vmem>>, vector<16xi32>,
    %get3A_650 = arith.constant 720 : index
    %get3A_651 = tpu.vector_load %arg14[%get3A_650] {strides = array<i32>} : memref<1680xi32, #tpu.memory_space<vmem>>, vector<16xi32>,
    %get3A_652 = arith.constant 736 : index
    %get3A_653 = tpu.vector_load %arg14[%get3A_652] {strides = array<i32>} : memref<1680xi32, #tpu.memory_space<vmem>>, vector<16xi32>,
    %get3A_654 = arith.constant 752 : index
    %get3A_655 = tpu.vector_load %arg14[%get3A_654] {strides = array<i32>} : memref<1680xi32, #tpu.memory_space<vmem>>, vector<16xi32>,
    %scan3A_656 = arith.constant 0 : i32
    %scan3A_657 = arith.constant 8 : i32
    %scan3A_658 = arith.constant 8 : i32
    %scan3A_659 = arith.addi %scan3A_657, %scan3A_658 : i32
    %scan3A_660 = arith.constant 1 : i32
    scf.for %scan3A_1282 = %scan3A_657 to %scan3A_659 step %scan3A_660  : i32 {
      %mul3A_1283 = arith.constant 3072 : i32
      %mul3A_1284 = arith.muli %scan3A_1282, %mul3A_1283 : i32
      %add3A_1285 = arith.constant 128 : i32
      %add3A_1286 = arith.addi %mul3A_1284, %add3A_1285 : i32
      %mul3A_1287 = arith.constant 1024 : i32
      %mul3A_1288 = arith.muli %scan3A_1282, %mul3A_1287 : i32
      %gather3A_1289 = tpu.memref_slice %arg10[%mul3A_1288] : memref<32784xf32, #tpu.memory_space<vmem>> -> memref<17424xf32, #tpu.memory_space<vmem>>
      %gather3A_1290 = tpu.vector_load_idx %gather3A_1289[%get3A_609] : memref<17424xf32, #tpu.memory_space<vmem>>[vector<16xi32>], vector<16xf32>,
      %add3A_1291 = arith.constant 0 : i32
      %add3A_1292 = arith.addi %add3A_1286, %add3A_1291 : i32
      %add3A_1293 = arith.constant 0 : i32
      %add3A_1294 = arith.addi %add3A_1292, %add3A_1293 : i32
      %swap3A = arith.index_cast %add3A_1294 : i32 to index
      %swap3A_1295 = tpu.vector_load %arg11[%swap3A] {strides = array<i32>} : memref<49152xf32, #tpu.memory_space<vmem>>, vector<16xf32>,
      tpu.vector_store %arg11[%swap3A], %gather3A_1290 {strides = array<i32>} : memref<49152xf32, #tpu.memory_space<vmem>>, vector<16xf32>,
      %gather3A_1296 = tpu.memref_slice %arg10[%mul3A_1288] : memref<32784xf32, #tpu.memory_space<vmem>> -> memref<17424xf32, #tpu.memory_space<vmem>>
      %gather3A_1297 = tpu.vector_load_idx %gather3A_1296[%get3A_611] : memref<17424xf32, #tpu.memory_space<vmem>>[vector<16xi32>], vector<16xf32>,
      %add3A_1298 = arith.constant 0 : i32
      %add3A_1299 = arith.addi %add3A_1286, %add3A_1298 : i32
      %add3A_1300 = arith.constant 16 : i32
      %add3A_1301 = arith.addi %add3A_1299, %add3A_1300 : i32
      %swap3A_1302 = arith.index_cast %add3A_1301 : i32 to index
      %swap3A_1303 = tpu.vector_load %arg11[%swap3A_1302] {strides = array<i32>} : memref<49152xf32, #tpu.memory_space<vmem>>, vector<16xf32>,
      tpu.vector_store %arg11[%swap3A_1302], %gather3A_1297 {strides = array<i32>} : memref<49152xf32, #tpu.memory_space<vmem>>, vector<16xf32>,
      %gather3A_1304 = tpu.memref_slice %arg10[%mul3A_1288] : memref<32784xf32, #tpu.memory_space<vmem>> -> memref<17424xf32, #tpu.memory_space<vmem>>
      %gather3A_1305 = tpu.vector_load_idx %gather3A_1304[%get3A_613] : memref<17424xf32, #tpu.memory_space<vmem>>[vector<16xi32>], vector<16xf32>,
      %add3A_1306 = arith.constant 0 : i32
      %add3A_1307 = arith.addi %add3A_1286, %add3A_1306 : i32
      %add3A_1308 = arith.constant 32 : i32
      %add3A_1309 = arith.addi %add3A_1307, %add3A_1308 : i32
      %swap3A_1310 = arith.index_cast %add3A_1309 : i32 to index
      %swap3A_1311 = tpu.vector_load %arg11[%swap3A_1310] {strides = array<i32>} : memref<49152xf32, #tpu.memory_space<vmem>>, vector<16xf32>,
      tpu.vector_store %arg11[%swap3A_1310], %gather3A_1305 {strides = array<i32>} : memref<49152xf32, #tpu.memory_space<vmem>>, vector<16xf32>,
      %gather3A_1312 = tpu.memref_slice %arg10[%mul3A_1288] : memref<32784xf32, #tpu.memory_space<vmem>> -> memref<17424xf32, #tpu.memory_space<vmem>>
      %gather3A_1313 = tpu.vector_load_idx %gather3A_1312[%get3A_615] : memref<17424xf32, #tpu.memory_space<vmem>>[vector<16xi32>], vector<16xf32>,
      %add3A_1314 = arith.constant 0 : i32
      %add3A_1315 = arith.addi %add3A_1286, %add3A_1314 : i32
      %add3A_1316 = arith.constant 48 : i32
      %add3A_1317 = arith.addi %add3A_1315, %add3A_1316 : i32
      %swap3A_1318 = arith.index_cast %add3A_1317 : i32 to index
      %swap3A_1319 = tpu.vector_load %arg11[%swap3A_1318] {strides = array<i32>} : memref<49152xf32, #tpu.memory_space<vmem>>, vector<16xf32>,
      tpu.vector_store %arg11[%swap3A_1318], %gather3A_1313 {strides = array<i32>} : memref<49152xf32, #tpu.memory_space<vmem>>, vector<16xf32>,
      %gather3A_1320 = tpu.memref_slice %arg10[%mul3A_1288] : memref<32784xf32, #tpu.memory_space<vmem>> -> memref<17424xf32, #tpu.memory_space<vmem>>
      %gather3A_1321 = tpu.vector_load_idx %gather3A_1320[%get3A_617] : memref<17424xf32, #tpu.memory_space<vmem>>[vector<16xi32>], vector<16xf32>,
      %add3A_1322 = arith.constant 0 : i32
      %add3A_1323 = arith.addi %add3A_1286, %add3A_1322 : i32
      %add3A_1324 = arith.constant 64 : i32
      %add3A_1325 = arith.addi %add3A_1323, %add3A_1324 : i32
      %swap3A_1326 = arith.index_cast %add3A_1325 : i32 to index
      %swap3A_1327 = tpu.vector_load %arg11[%swap3A_1326] {strides = array<i32>} : memref<49152xf32, #tpu.memory_space<vmem>>, vector<16xf32>,
      tpu.vector_store %arg11[%swap3A_1326], %gather3A_1321 {strides = array<i32>} : memref<49152xf32, #tpu.memory_space<vmem>>, vector<16xf32>,
      %gather3A_1328 = tpu.memref_slice %arg10[%mul3A_1288] : memref<32784xf32, #tpu.memory_space<vmem>> -> memref<17424xf32, #tpu.memory_space<vmem>>
      %gather3A_1329 = tpu.vector_load_idx %gather3A_1328[%get3A_619] : memref<17424xf32, #tpu.memory_space<vmem>>[vector<16xi32>], vector<16xf32>,
      %add3A_1330 = arith.constant 0 : i32
      %add3A_1331 = arith.addi %add3A_1286, %add3A_1330 : i32
      %add3A_1332 = arith.constant 80 : i32
      %add3A_1333 = arith.addi %add3A_1331, %add3A_1332 : i32
      %swap3A_1334 = arith.index_cast %add3A_1333 : i32 to index
      %swap3A_1335 = tpu.vector_load %arg11[%swap3A_1334] {strides = array<i32>} : memref<49152xf32, #tpu.memory_space<vmem>>, vector<16xf32>,
      tpu.vector_store %arg11[%swap3A_1334], %gather3A_1329 {strides = array<i32>} : memref<49152xf32, #tpu.memory_space<vmem>>, vector<16xf32>,
      %gather3A_1336 = tpu.memref_slice %arg10[%mul3A_1288] : memref<32784xf32, #tpu.memory_space<vmem>> -> memref<17424xf32, #tpu.memory_space<vmem>>
      %gather3A_1337 = tpu.vector_load_idx %gather3A_1336[%get3A_621] : memref<17424xf32, #tpu.memory_space<vmem>>[vector<16xi32>], vector<16xf32>,
      %add3A_1338 = arith.constant 0 : i32
      %add3A_1339 = arith.addi %add3A_1286, %add3A_1338 : i32
      %add3A_1340 = arith.constant 96 : i32
      %add3A_1341 = arith.addi %add3A_1339, %add3A_1340 : i32
      %swap3A_1342 = arith.index_cast %add3A_1341 : i32 to index
      %swap3A_1343 = tpu.vector_load %arg11[%swap3A_1342] {strides = array<i32>} : memref<49152xf32, #tpu.memory_space<vmem>>, vector<16xf32>,
      tpu.vector_store %arg11[%swap3A_1342], %gather3A_1337 {strides = array<i32>} : memref<49152xf32, #tpu.memory_space<vmem>>, vector<16xf32>,
      %gather3A_1344 = tpu.memref_slice %arg10[%mul3A_1288] : memref<32784xf32, #tpu.memory_space<vmem>> -> memref<17424xf32, #tpu.memory_space<vmem>>
      %gather3A_1345 = tpu.vector_load_idx %gather3A_1344[%get3A_623] : memref<17424xf32, #tpu.memory_space<vmem>>[vector<16xi32>], vector<16xf32>,
      %add3A_1346 = arith.constant 0 : i32
      %add3A_1347 = arith.addi %add3A_1286, %add3A_1346 : i32
      %add3A_1348 = arith.constant 112 : i32
      %add3A_1349 = arith.addi %add3A_1347, %add3A_1348 : i32
      %swap3A_1350 = arith.index_cast %add3A_1349 : i32 to index
      %swap3A_1351 = tpu.vector_load %arg11[%swap3A_1350] {strides = array<i32>} : memref<49152xf32, #tpu.memory_space<vmem>>, vector<16xf32>,
      tpu.vector_store %arg11[%swap3A_1350], %gather3A_1345 {strides = array<i32>} : memref<49152xf32, #tpu.memory_space<vmem>>, vector<16xf32>,
      %gather3A_1352 = tpu.memref_slice %arg10[%mul3A_1288] : memref<32784xf32, #tpu.memory_space<vmem>> -> memref<17424xf32, #tpu.memory_space<vmem>>
      %gather3A_1353 = tpu.vector_load_idx %gather3A_1352[%get3A_625] : memref<17424xf32, #tpu.memory_space<vmem>>[vector<16xi32>], vector<16xf32>,
      %add3A_1354 = arith.constant 1024 : i32
      %add3A_1355 = arith.addi %add3A_1286, %add3A_1354 : i32
      %add3A_1356 = arith.constant 0 : i32
      %add3A_1357 = arith.addi %add3A_1355, %add3A_1356 : i32
      %swap3A_1358 = arith.index_cast %add3A_1357 : i32 to index
      %swap3A_1359 = tpu.vector_load %arg11[%swap3A_1358] {strides = array<i32>} : memref<49152xf32, #tpu.memory_space<vmem>>, vector<16xf32>,
      tpu.vector_store %arg11[%swap3A_1358], %gather3A_1353 {strides = array<i32>} : memref<49152xf32, #tpu.memory_space<vmem>>, vector<16xf32>,
      %gather3A_1360 = tpu.memref_slice %arg10[%mul3A_1288] : memref<32784xf32, #tpu.memory_space<vmem>> -> memref<17424xf32, #tpu.memory_space<vmem>>
      %gather3A_1361 = tpu.vector_load_idx %gather3A_1360[%get3A_627] : memref<17424xf32, #tpu.memory_space<vmem>>[vector<16xi32>], vector<16xf32>,
      %add3A_1362 = arith.constant 1024 : i32
      %add3A_1363 = arith.addi %add3A_1286, %add3A_1362 : i32
      %add3A_1364 = arith.constant 16 : i32
      %add3A_1365 = arith.addi %add3A_1363, %add3A_1364 : i32
      %swap3A_1366 = arith.index_cast %add3A_1365 : i32 to index
      %swap3A_1367 = tpu.vector_load %arg11[%swap3A_1366] {strides = array<i32>} : memref<49152xf32, #tpu.memory_space<vmem>>, vector<16xf32>,
      tpu.vector_store %arg11[%swap3A_1366], %gather3A_1361 {strides = array<i32>} : memref<49152xf32, #tpu.memory_space<vmem>>, vector<16xf32>,
      %gather3A_1368 = tpu.memref_slice %arg10[%mul3A_1288] : memref<32784xf32, #tpu.memory_space<vmem>> -> memref<17424xf32, #tpu.memory_space<vmem>>
      %gather3A_1369 = tpu.vector_load_idx %gather3A_1368[%get3A_629] : memref<17424xf32, #tpu.memory_space<vmem>>[vector<16xi32>], vector<16xf32>,
      %add3A_1370 = arith.constant 1024 : i32
      %add3A_1371 = arith.addi %add3A_1286, %add3A_1370 : i32
      %add3A_1372 = arith.constant 32 : i32
      %add3A_1373 = arith.addi %add3A_1371, %add3A_1372 : i32
      %swap3A_1374 = arith.index_cast %add3A_1373 : i32 to index
      %swap3A_1375 = tpu.vector_load %arg11[%swap3A_1374] {strides = array<i32>} : memref<49152xf32, #tpu.memory_space<vmem>>, vector<16xf32>,
      tpu.vector_store %arg11[%swap3A_1374], %gather3A_1369 {strides = array<i32>} : memref<49152xf32, #tpu.memory_space<vmem>>, vector<16xf32>,
      %gather3A_1376 = tpu.memref_slice %arg10[%mul3A_1288] : memref<32784xf32, #tpu.memory_space<vmem>> -> memref<17424xf32, #tpu.memory_space<vmem>>
      %gather3A_1377 = tpu.vector_load_idx %gather3A_1376[%get3A_631] : memref<17424xf32, #tpu.memory_space<vmem>>[vector<16xi32>], vector<16xf32>,
      %add3A_1378 = arith.constant 1024 : i32
      %add3A_1379 = arith.addi %add3A_1286, %add3A_1378 : i32
      %add3A_1380 = arith.constant 48 : i32
      %add3A_1381 = arith.addi %add3A_1379, %add3A_1380 : i32
      %swap3A_1382 = arith.index_cast %add3A_1381 : i32 to index
      %swap3A_1383 = tpu.vector_load %arg11[%swap3A_1382] {strides = array<i32>} : memref<49152xf32, #tpu.memory_space<vmem>>, vector<16xf32>,
      tpu.vector_store %arg11[%swap3A_1382], %gather3A_1377 {strides = array<i32>} : memref<49152xf32, #tpu.memory_space<vmem>>, vector<16xf32>,
      %gather3A_1384 = tpu.memref_slice %arg10[%mul3A_1288] : memref<32784xf32, #tpu.memory_space<vmem>> -> memref<17424xf32, #tpu.memory_space<vmem>>
      %gather3A_1385 = tpu.vector_load_idx %gather3A_1384[%get3A_633] : memref<17424xf32, #tpu.memory_space<vmem>>[vector<16xi32>], vector<16xf32>,
      %add3A_1386 = arith.constant 1024 : i32
      %add3A_1387 = arith.addi %add3A_1286, %add3A_1386 : i32
      %add3A_1388 = arith.constant 64 : i32
      %add3A_1389 = arith.addi %add3A_1387, %add3A_1388 : i32
      %swap3A_1390 = arith.index_cast %add3A_1389 : i32 to index
      %swap3A_1391 = tpu.vector_load %arg11[%swap3A_1390] {strides = array<i32>} : memref<49152xf32, #tpu.memory_space<vmem>>, vector<16xf32>,
      tpu.vector_store %arg11[%swap3A_1390], %gather3A_1385 {strides = array<i32>} : memref<49152xf32, #tpu.memory_space<vmem>>, vector<16xf32>,
      %gather3A_1392 = tpu.memref_slice %arg10[%mul3A_1288] : memref<32784xf32, #tpu.memory_space<vmem>> -> memref<17424xf32, #tpu.memory_space<vmem>>
      %gather3A_1393 = tpu.vector_load_idx %gather3A_1392[%get3A_635] : memref<17424xf32, #tpu.memory_space<vmem>>[vector<16xi32>], vector<16xf32>,
      %add3A_1394 = arith.constant 1024 : i32
      %add3A_1395 = arith.addi %add3A_1286, %add3A_1394 : i32
      %add3A_1396 = arith.constant 80 : i32
      %add3A_1397 = arith.addi %add3A_1395, %add3A_1396 : i32
      %swap3A_1398 = arith.index_cast %add3A_1397 : i32 to index
      %swap3A_1399 = tpu.vector_load %arg11[%swap3A_1398] {strides = array<i32>} : memref<49152xf32, #tpu.memory_space<vmem>>, vector<16xf32>,
      tpu.vector_store %arg11[%swap3A_1398], %gather3A_1393 {strides = array<i32>} : memref<49152xf32, #tpu.memory_space<vmem>>, vector<16xf32>,
      %gather3A_1400 = tpu.memref_slice %arg10[%mul3A_1288] : memref<32784xf32, #tpu.memory_space<vmem>> -> memref<17424xf32, #tpu.memory_space<vmem>>
      %gather3A_1401 = tpu.vector_load_idx %gather3A_1400[%get3A_637] : memref<17424xf32, #tpu.memory_space<vmem>>[vector<16xi32>], vector<16xf32>,
      %add3A_1402 = arith.constant 1024 : i32
      %add3A_1403 = arith.addi %add3A_1286, %add3A_1402 : i32
      %add3A_1404 = arith.constant 96 : i32
      %add3A_1405 = arith.addi %add3A_1403, %add3A_1404 : i32
      %swap3A_1406 = arith.index_cast %add3A_1405 : i32 to index
      %swap3A_1407 = tpu.vector_load %arg11[%swap3A_1406] {strides = array<i32>} : memref<49152xf32, #tpu.memory_space<vmem>>, vector<16xf32>,
      tpu.vector_store %arg11[%swap3A_1406], %gather3A_1401 {strides = array<i32>} : memref<49152xf32, #tpu.memory_space<vmem>>, vector<16xf32>,
      %gather3A_1408 = tpu.memref_slice %arg10[%mul3A_1288] : memref<32784xf32, #tpu.memory_space<vmem>> -> memref<17424xf32, #tpu.memory_space<vmem>>
      %gather3A_1409 = tpu.vector_load_idx %gather3A_1408[%get3A_639] : memref<17424xf32, #tpu.memory_space<vmem>>[vector<16xi32>], vector<16xf32>,
      %add3A_1410 = arith.constant 1024 : i32
      %add3A_1411 = arith.addi %add3A_1286, %add3A_1410 : i32
      %add3A_1412 = arith.constant 112 : i32
      %add3A_1413 = arith.addi %add3A_1411, %add3A_1412 : i32
      %swap3A_1414 = arith.index_cast %add3A_1413 : i32 to index
      %swap3A_1415 = tpu.vector_load %arg11[%swap3A_1414] {strides = array<i32>} : memref<49152xf32, #tpu.memory_space<vmem>>, vector<16xf32>,
      tpu.vector_store %arg11[%swap3A_1414], %gather3A_1409 {strides = array<i32>} : memref<49152xf32, #tpu.memory_space<vmem>>, vector<16xf32>,
      %gather3A_1416 = tpu.memref_slice %arg10[%mul3A_1288] : memref<32784xf32, #tpu.memory_space<vmem>> -> memref<17424xf32, #tpu.memory_space<vmem>>
      %gather3A_1417 = tpu.vector_load_idx %gather3A_1416[%get3A_641] : memref<17424xf32, #tpu.memory_space<vmem>>[vector<16xi32>], vector<16xf32>,
      %add3A_1418 = arith.constant 2048 : i32
      %add3A_1419 = arith.addi %add3A_1286, %add3A_1418 : i32
      %add3A_1420 = arith.constant 0 : i32
      %add3A_1421 = arith.addi %add3A_1419, %add3A_1420 : i32
      %swap3A_1422 = arith.index_cast %add3A_1421 : i32 to index
      %swap3A_1423 = tpu.vector_load %arg11[%swap3A_1422] {strides = array<i32>} : memref<49152xf32, #tpu.memory_space<vmem>>, vector<16xf32>,
      tpu.vector_store %arg11[%swap3A_1422], %gather3A_1417 {strides = array<i32>} : memref<49152xf32, #tpu.memory_space<vmem>>, vector<16xf32>,
      %gather3A_1424 = tpu.memref_slice %arg10[%mul3A_1288] : memref<32784xf32, #tpu.memory_space<vmem>> -> memref<17424xf32, #tpu.memory_space<vmem>>
      %gather3A_1425 = tpu.vector_load_idx %gather3A_1424[%get3A_643] : memref<17424xf32, #tpu.memory_space<vmem>>[vector<16xi32>], vector<16xf32>,
      %add3A_1426 = arith.constant 2048 : i32
      %add3A_1427 = arith.addi %add3A_1286, %add3A_1426 : i32
      %add3A_1428 = arith.constant 16 : i32
      %add3A_1429 = arith.addi %add3A_1427, %add3A_1428 : i32
      %swap3A_1430 = arith.index_cast %add3A_1429 : i32 to index
      %swap3A_1431 = tpu.vector_load %arg11[%swap3A_1430] {strides = array<i32>} : memref<49152xf32, #tpu.memory_space<vmem>>, vector<16xf32>,
      tpu.vector_store %arg11[%swap3A_1430], %gather3A_1425 {strides = array<i32>} : memref<49152xf32, #tpu.memory_space<vmem>>, vector<16xf32>,
      %gather3A_1432 = tpu.memref_slice %arg10[%mul3A_1288] : memref<32784xf32, #tpu.memory_space<vmem>> -> memref<17424xf32, #tpu.memory_space<vmem>>
      %gather3A_1433 = tpu.vector_load_idx %gather3A_1432[%get3A_645] : memref<17424xf32, #tpu.memory_space<vmem>>[vector<16xi32>], vector<16xf32>,
      %add3A_1434 = arith.constant 2048 : i32
      %add3A_1435 = arith.addi %add3A_1286, %add3A_1434 : i32
      %add3A_1436 = arith.constant 32 : i32
      %add3A_1437 = arith.addi %add3A_1435, %add3A_1436 : i32
      %swap3A_1438 = arith.index_cast %add3A_1437 : i32 to index
      %swap3A_1439 = tpu.vector_load %arg11[%swap3A_1438] {strides = array<i32>} : memref<49152xf32, #tpu.memory_space<vmem>>, vector<16xf32>,
      tpu.vector_store %arg11[%swap3A_1438], %gather3A_1433 {strides = array<i32>} : memref<49152xf32, #tpu.memory_space<vmem>>, vector<16xf32>,
      %gather3A_1440 = tpu.memref_slice %arg10[%mul3A_1288] : memref<32784xf32, #tpu.memory_space<vmem>> -> memref<17424xf32, #tpu.memory_space<vmem>>
      %gather3A_1441 = tpu.vector_load_idx %gather3A_1440[%get3A_647] : memref<17424xf32, #tpu.memory_space<vmem>>[vector<16xi32>], vector<16xf32>,
      %add3A_1442 = arith.constant 2048 : i32
      %add3A_1443 = arith.addi %add3A_1286, %add3A_1442 : i32
      %add3A_1444 = arith.constant 48 : i32
      %add3A_1445 = arith.addi %add3A_1443, %add3A_1444 : i32
      %swap3A_1446 = arith.index_cast %add3A_1445 : i32 to index
      %swap3A_1447 = tpu.vector_load %arg11[%swap3A_1446] {strides = array<i32>} : memref<49152xf32, #tpu.memory_space<vmem>>, vector<16xf32>,
      tpu.vector_store %arg11[%swap3A_1446], %gather3A_1441 {strides = array<i32>} : memref<49152xf32, #tpu.memory_space<vmem>>, vector<16xf32>,
      %gather3A_1448 = tpu.memref_slice %arg10[%mul3A_1288] : memref<32784xf32, #tpu.memory_space<vmem>> -> memref<17424xf32, #tpu.memory_space<vmem>>
      %gather3A_1449 = tpu.vector_load_idx %gather3A_1448[%get3A_649] : memref<17424xf32, #tpu.memory_space<vmem>>[vector<16xi32>], vector<16xf32>,
      %add3A_1450 = arith.constant 2048 : i32
      %add3A_1451 = arith.addi %add3A_1286, %add3A_1450 : i32
      %add3A_1452 = arith.constant 64 : i32
      %add3A_1453 = arith.addi %add3A_1451, %add3A_1452 : i32
      %swap3A_1454 = arith.index_cast %add3A_1453 : i32 to index
      %swap3A_1455 = tpu.vector_load %arg11[%swap3A_1454] {strides = array<i32>} : memref<49152xf32, #tpu.memory_space<vmem>>, vector<16xf32>,
      tpu.vector_store %arg11[%swap3A_1454], %gather3A_1449 {strides = array<i32>} : memref<49152xf32, #tpu.memory_space<vmem>>, vector<16xf32>,
      %gather3A_1456 = tpu.memref_slice %arg10[%mul3A_1288] : memref<32784xf32, #tpu.memory_space<vmem>> -> memref<17424xf32, #tpu.memory_space<vmem>>
      %gather3A_1457 = tpu.vector_load_idx %gather3A_1456[%get3A_651] : memref<17424xf32, #tpu.memory_space<vmem>>[vector<16xi32>], vector<16xf32>,
      %add3A_1458 = arith.constant 2048 : i32
      %add3A_1459 = arith.addi %add3A_1286, %add3A_1458 : i32
      %add3A_1460 = arith.constant 80 : i32
      %add3A_1461 = arith.addi %add3A_1459, %add3A_1460 : i32
      %swap3A_1462 = arith.index_cast %add3A_1461 : i32 to index
      %swap3A_1463 = tpu.vector_load %arg11[%swap3A_1462] {strides = array<i32>} : memref<49152xf32, #tpu.memory_space<vmem>>, vector<16xf32>,
      tpu.vector_store %arg11[%swap3A_1462], %gather3A_1457 {strides = array<i32>} : memref<49152xf32, #tpu.memory_space<vmem>>, vector<16xf32>,
      %gather3A_1464 = tpu.memref_slice %arg10[%mul3A_1288] : memref<32784xf32, #tpu.memory_space<vmem>> -> memref<17424xf32, #tpu.memory_space<vmem>>
      %gather3A_1465 = tpu.vector_load_idx %gather3A_1464[%get3A_653] : memref<17424xf32, #tpu.memory_space<vmem>>[vector<16xi32>], vector<16xf32>,
      %add3A_1466 = arith.constant 2048 : i32
      %add3A_1467 = arith.addi %add3A_1286, %add3A_1466 : i32
      %add3A_1468 = arith.constant 96 : i32
      %add3A_1469 = arith.addi %add3A_1467, %add3A_1468 : i32
      %swap3A_1470 = arith.index_cast %add3A_1469 : i32 to index
      %swap3A_1471 = tpu.vector_load %arg11[%swap3A_1470] {strides = array<i32>} : memref<49152xf32, #tpu.memory_space<vmem>>, vector<16xf32>,
      tpu.vector_store %arg11[%swap3A_1470], %gather3A_1465 {strides = array<i32>} : memref<49152xf32, #tpu.memory_space<vmem>>, vector<16xf32>,
      %gather3A_1472 = tpu.memref_slice %arg10[%mul3A_1288] : memref<32784xf32, #tpu.memory_space<vmem>> -> memref<17424xf32, #tpu.memory_space<vmem>>
      %gather3A_1473 = tpu.vector_load_idx %gather3A_1472[%get3A_655] : memref<17424xf32, #tpu.memory_space<vmem>>[vector<16xi32>], vector<16xf32>,
      %add3A_1474 = arith.constant 2048 : i32
      %add3A_1475 = arith.addi %add3A_1286, %add3A_1474 : i32
      %add3A_1476 = arith.constant 112 : i32
      %add3A_1477 = arith.addi %add3A_1475, %add3A_1476 : i32
      %swap3A_1478 = arith.index_cast %add3A_1477 : i32 to index
      %swap3A_1479 = tpu.vector_load %arg11[%swap3A_1478] {strides = array<i32>} : memref<49152xf32, #tpu.memory_space<vmem>>, vector<16xf32>,
      tpu.vector_store %arg11[%swap3A_1478], %gather3A_1473 {strides = array<i32>} : memref<49152xf32, #tpu.memory_space<vmem>>, vector<16xf32>,
    }
    %scan3A_661 = arith.constant 8 : i32
    %get3A_662 = arith.constant 768 : index
    %get3A_663 = tpu.vector_load %arg14[%get3A_662] {strides = array<i32>} : memref<1680xi32, #tpu.memory_space<vmem>>, vector<16xi32>,
    %get3A_664 = arith.constant 784 : index
    %get3A_665 = tpu.vector_load %arg14[%get3A_664] {strides = array<i32>} : memref<1680xi32, #tpu.memory_space<vmem>>, vector<16xi32>,
    %get3A_666 = arith.constant 800 : index
    %get3A_667 = tpu.vector_load %arg14[%get3A_666] {strides = array<i32>} : memref<1680xi32, #tpu.memory_space<vmem>>, vector<16xi32>,
    %get3A_668 = arith.constant 816 : index
    %get3A_669 = tpu.vector_load %arg14[%get3A_668] {strides = array<i32>} : memref<1680xi32, #tpu.memory_space<vmem>>, vector<16xi32>,
    %get3A_670 = arith.constant 832 : index
    %get3A_671 = tpu.vector_load %arg14[%get3A_670] {strides = array<i32>} : memref<1680xi32, #tpu.memory_space<vmem>>, vector<16xi32>,
    %get3A_672 = arith.constant 848 : index
    %get3A_673 = tpu.vector_load %arg14[%get3A_672] {strides = array<i32>} : memref<1680xi32, #tpu.memory_space<vmem>>, vector<16xi32>,
    %get3A_674 = arith.constant 864 : index
    %get3A_675 = tpu.vector_load %arg14[%get3A_674] {strides = array<i32>} : memref<1680xi32, #tpu.memory_space<vmem>>, vector<16xi32>,
    %get3A_676 = arith.constant 880 : index
    %get3A_677 = tpu.vector_load %arg14[%get3A_676] {strides = array<i32>} : memref<1680xi32, #tpu.memory_space<vmem>>, vector<16xi32>,
    %get3A_678 = arith.constant 896 : index
    %get3A_679 = tpu.vector_load %arg14[%get3A_678] {strides = array<i32>} : memref<1680xi32, #tpu.memory_space<vmem>>, vector<16xi32>,
    %get3A_680 = arith.constant 912 : index
    %get3A_681 = tpu.vector_load %arg14[%get3A_680] {strides = array<i32>} : memref<1680xi32, #tpu.memory_space<vmem>>, vector<16xi32>,
    %get3A_682 = arith.constant 928 : index
    %get3A_683 = tpu.vector_load %arg14[%get3A_682] {strides = array<i32>} : memref<1680xi32, #tpu.memory_space<vmem>>, vector<16xi32>,
    %get3A_684 = arith.constant 944 : index
    %get3A_685 = tpu.vector_load %arg14[%get3A_684] {strides = array<i32>} : memref<1680xi32, #tpu.memory_space<vmem>>, vector<16xi32>,
    %get3A_686 = arith.constant 960 : index
    %get3A_687 = tpu.vector_load %arg14[%get3A_686] {strides = array<i32>} : memref<1680xi32, #tpu.memory_space<vmem>>, vector<16xi32>,
    %get3A_688 = arith.constant 976 : index
    %get3A_689 = tpu.vector_load %arg14[%get3A_688] {strides = array<i32>} : memref<1680xi32, #tpu.memory_space<vmem>>, vector<16xi32>,
    %get3A_690 = arith.constant 992 : index
    %get3A_691 = tpu.vector_load %arg14[%get3A_690] {strides = array<i32>} : memref<1680xi32, #tpu.memory_space<vmem>>, vector<16xi32>,
    %get3A_692 = arith.constant 1008 : index
    %get3A_693 = tpu.vector_load %arg14[%get3A_692] {strides = array<i32>} : memref<1680xi32, #tpu.memory_space<vmem>>, vector<16xi32>,
    %get3A_694 = arith.constant 1024 : index
    %get3A_695 = tpu.vector_load %arg14[%get3A_694] {strides = array<i32>} : memref<1680xi32, #tpu.memory_space<vmem>>, vector<16xi32>,
    %get3A_696 = arith.constant 1040 : index
    %get3A_697 = tpu.vector_load %arg14[%get3A_696] {strides = array<i32>} : memref<1680xi32, #tpu.memory_space<vmem>>, vector<16xi32>,
    %get3A_698 = arith.constant 1056 : index
    %get3A_699 = tpu.vector_load %arg14[%get3A_698] {strides = array<i32>} : memref<1680xi32, #tpu.memory_space<vmem>>, vector<16xi32>,
    %get3A_700 = arith.constant 1072 : index
    %get3A_701 = tpu.vector_load %arg14[%get3A_700] {strides = array<i32>} : memref<1680xi32, #tpu.memory_space<vmem>>, vector<16xi32>,
    %get3A_702 = arith.constant 1088 : index
    %get3A_703 = tpu.vector_load %arg14[%get3A_702] {strides = array<i32>} : memref<1680xi32, #tpu.memory_space<vmem>>, vector<16xi32>,
    %get3A_704 = arith.constant 1104 : index
    %get3A_705 = tpu.vector_load %arg14[%get3A_704] {strides = array<i32>} : memref<1680xi32, #tpu.memory_space<vmem>>, vector<16xi32>,
    %get3A_706 = arith.constant 1120 : index
    %get3A_707 = tpu.vector_load %arg14[%get3A_706] {strides = array<i32>} : memref<1680xi32, #tpu.memory_space<vmem>>, vector<16xi32>,
    %get3A_708 = arith.constant 1136 : index
    %get3A_709 = tpu.vector_load %arg14[%get3A_708] {strides = array<i32>} : memref<1680xi32, #tpu.memory_space<vmem>>, vector<16xi32>,
    %scan3A_710 = arith.constant 0 : i32
    %scan3A_711 = arith.constant 8 : i32
    %scan3A_712 = arith.constant 8 : i32
    %scan3A_713 = arith.addi %scan3A_711, %scan3A_712 : i32
    %scan3A_714 = arith.constant 1 : i32
    scf.for %scan3A_1282 = %scan3A_711 to %scan3A_713 step %scan3A_714  : i32 {
      %mul3A_1283 = arith.constant 3072 : i32
      %mul3A_1284 = arith.muli %scan3A_1282, %mul3A_1283 : i32
      %add3A_1285 = arith.constant 256 : i32
      %add3A_1286 = arith.addi %mul3A_1284, %add3A_1285 : i32
      %mul3A_1287 = arith.constant 1024 : i32
      %mul3A_1288 = arith.muli %scan3A_1282, %mul3A_1287 : i32
      %gather3A_1289 = tpu.memref_slice %arg10[%mul3A_1288] : memref<32784xf32, #tpu.memory_space<vmem>> -> memref<17424xf32, #tpu.memory_space<vmem>>
      %gather3A_1290 = tpu.vector_load_idx %gather3A_1289[%get3A_663] : memref<17424xf32, #tpu.memory_space<vmem>>[vector<16xi32>], vector<16xf32>,
      %add3A_1291 = arith.constant 0 : i32
      %add3A_1292 = arith.addi %add3A_1286, %add3A_1291 : i32
      %add3A_1293 = arith.constant 0 : i32
      %add3A_1294 = arith.addi %add3A_1292, %add3A_1293 : i32
      %swap3A = arith.index_cast %add3A_1294 : i32 to index
      %swap3A_1295 = tpu.vector_load %arg11[%swap3A] {strides = array<i32>} : memref<49152xf32, #tpu.memory_space<vmem>>, vector<16xf32>,
      tpu.vector_store %arg11[%swap3A], %gather3A_1290 {strides = array<i32>} : memref<49152xf32, #tpu.memory_space<vmem>>, vector<16xf32>,
      %gather3A_1296 = tpu.memref_slice %arg10[%mul3A_1288] : memref<32784xf32, #tpu.memory_space<vmem>> -> memref<17424xf32, #tpu.memory_space<vmem>>
      %gather3A_1297 = tpu.vector_load_idx %gather3A_1296[%get3A_665] : memref<17424xf32, #tpu.memory_space<vmem>>[vector<16xi32>], vector<16xf32>,
      %add3A_1298 = arith.constant 0 : i32
      %add3A_1299 = arith.addi %add3A_1286, %add3A_1298 : i32
      %add3A_1300 = arith.constant 16 : i32
      %add3A_1301 = arith.addi %add3A_1299, %add3A_1300 : i32
      %swap3A_1302 = arith.index_cast %add3A_1301 : i32 to index
      %swap3A_1303 = tpu.vector_load %arg11[%swap3A_1302] {strides = array<i32>} : memref<49152xf32, #tpu.memory_space<vmem>>, vector<16xf32>,
      tpu.vector_store %arg11[%swap3A_1302], %gather3A_1297 {strides = array<i32>} : memref<49152xf32, #tpu.memory_space<vmem>>, vector<16xf32>,
      %gather3A_1304 = tpu.memref_slice %arg10[%mul3A_1288] : memref<32784xf32, #tpu.memory_space<vmem>> -> memref<17424xf32, #tpu.memory_space<vmem>>
      %gather3A_1305 = tpu.vector_load_idx %gather3A_1304[%get3A_667] : memref<17424xf32, #tpu.memory_space<vmem>>[vector<16xi32>], vector<16xf32>,
      %add3A_1306 = arith.constant 0 : i32
      %add3A_1307 = arith.addi %add3A_1286, %add3A_1306 : i32
      %add3A_1308 = arith.constant 32 : i32
      %add3A_1309 = arith.addi %add3A_1307, %add3A_1308 : i32
      %swap3A_1310 = arith.index_cast %add3A_1309 : i32 to index
      %swap3A_1311 = tpu.vector_load %arg11[%swap3A_1310] {strides = array<i32>} : memref<49152xf32, #tpu.memory_space<vmem>>, vector<16xf32>,
      tpu.vector_store %arg11[%swap3A_1310], %gather3A_1305 {strides = array<i32>} : memref<49152xf32, #tpu.memory_space<vmem>>, vector<16xf32>,
      %gather3A_1312 = tpu.memref_slice %arg10[%mul3A_1288] : memref<32784xf32, #tpu.memory_space<vmem>> -> memref<17424xf32, #tpu.memory_space<vmem>>
      %gather3A_1313 = tpu.vector_load_idx %gather3A_1312[%get3A_669] : memref<17424xf32, #tpu.memory_space<vmem>>[vector<16xi32>], vector<16xf32>,
      %add3A_1314 = arith.constant 0 : i32
      %add3A_1315 = arith.addi %add3A_1286, %add3A_1314 : i32
      %add3A_1316 = arith.constant 48 : i32
      %add3A_1317 = arith.addi %add3A_1315, %add3A_1316 : i32
      %swap3A_1318 = arith.index_cast %add3A_1317 : i32 to index
      %swap3A_1319 = tpu.vector_load %arg11[%swap3A_1318] {strides = array<i32>} : memref<49152xf32, #tpu.memory_space<vmem>>, vector<16xf32>,
      tpu.vector_store %arg11[%swap3A_1318], %gather3A_1313 {strides = array<i32>} : memref<49152xf32, #tpu.memory_space<vmem>>, vector<16xf32>,
      %gather3A_1320 = tpu.memref_slice %arg10[%mul3A_1288] : memref<32784xf32, #tpu.memory_space<vmem>> -> memref<17424xf32, #tpu.memory_space<vmem>>
      %gather3A_1321 = tpu.vector_load_idx %gather3A_1320[%get3A_671] : memref<17424xf32, #tpu.memory_space<vmem>>[vector<16xi32>], vector<16xf32>,
      %add3A_1322 = arith.constant 0 : i32
      %add3A_1323 = arith.addi %add3A_1286, %add3A_1322 : i32
      %add3A_1324 = arith.constant 64 : i32
      %add3A_1325 = arith.addi %add3A_1323, %add3A_1324 : i32
      %swap3A_1326 = arith.index_cast %add3A_1325 : i32 to index
      %swap3A_1327 = tpu.vector_load %arg11[%swap3A_1326] {strides = array<i32>} : memref<49152xf32, #tpu.memory_space<vmem>>, vector<16xf32>,
      tpu.vector_store %arg11[%swap3A_1326], %gather3A_1321 {strides = array<i32>} : memref<49152xf32, #tpu.memory_space<vmem>>, vector<16xf32>,
      %gather3A_1328 = tpu.memref_slice %arg10[%mul3A_1288] : memref<32784xf32, #tpu.memory_space<vmem>> -> memref<17424xf32, #tpu.memory_space<vmem>>
      %gather3A_1329 = tpu.vector_load_idx %gather3A_1328[%get3A_673] : memref<17424xf32, #tpu.memory_space<vmem>>[vector<16xi32>], vector<16xf32>,
      %add3A_1330 = arith.constant 0 : i32
      %add3A_1331 = arith.addi %add3A_1286, %add3A_1330 : i32
      %add3A_1332 = arith.constant 80 : i32
      %add3A_1333 = arith.addi %add3A_1331, %add3A_1332 : i32
      %swap3A_1334 = arith.index_cast %add3A_1333 : i32 to index
      %swap3A_1335 = tpu.vector_load %arg11[%swap3A_1334] {strides = array<i32>} : memref<49152xf32, #tpu.memory_space<vmem>>, vector<16xf32>,
      tpu.vector_store %arg11[%swap3A_1334], %gather3A_1329 {strides = array<i32>} : memref<49152xf32, #tpu.memory_space<vmem>>, vector<16xf32>,
      %gather3A_1336 = tpu.memref_slice %arg10[%mul3A_1288] : memref<32784xf32, #tpu.memory_space<vmem>> -> memref<17424xf32, #tpu.memory_space<vmem>>
      %gather3A_1337 = tpu.vector_load_idx %gather3A_1336[%get3A_675] : memref<17424xf32, #tpu.memory_space<vmem>>[vector<16xi32>], vector<16xf32>,
      %add3A_1338 = arith.constant 0 : i32
      %add3A_1339 = arith.addi %add3A_1286, %add3A_1338 : i32
      %add3A_1340 = arith.constant 96 : i32
      %add3A_1341 = arith.addi %add3A_1339, %add3A_1340 : i32
      %swap3A_1342 = arith.index_cast %add3A_1341 : i32 to index
      %swap3A_1343 = tpu.vector_load %arg11[%swap3A_1342] {strides = array<i32>} : memref<49152xf32, #tpu.memory_space<vmem>>, vector<16xf32>,
      tpu.vector_store %arg11[%swap3A_1342], %gather3A_1337 {strides = array<i32>} : memref<49152xf32, #tpu.memory_space<vmem>>, vector<16xf32>,
      %gather3A_1344 = tpu.memref_slice %arg10[%mul3A_1288] : memref<32784xf32, #tpu.memory_space<vmem>> -> memref<17424xf32, #tpu.memory_space<vmem>>
      %gather3A_1345 = tpu.vector_load_idx %gather3A_1344[%get3A_677] : memref<17424xf32, #tpu.memory_space<vmem>>[vector<16xi32>], vector<16xf32>,
      %add3A_1346 = arith.constant 0 : i32
      %add3A_1347 = arith.addi %add3A_1286, %add3A_1346 : i32
      %add3A_1348 = arith.constant 112 : i32
      %add3A_1349 = arith.addi %add3A_1347, %add3A_1348 : i32
      %swap3A_1350 = arith.index_cast %add3A_1349 : i32 to index
      %swap3A_1351 = tpu.vector_load %arg11[%swap3A_1350] {strides = array<i32>} : memref<49152xf32, #tpu.memory_space<vmem>>, vector<16xf32>,
      tpu.vector_store %arg11[%swap3A_1350], %gather3A_1345 {strides = array<i32>} : memref<49152xf32, #tpu.memory_space<vmem>>, vector<16xf32>,
      %gather3A_1352 = tpu.memref_slice %arg10[%mul3A_1288] : memref<32784xf32, #tpu.memory_space<vmem>> -> memref<17424xf32, #tpu.memory_space<vmem>>
      %gather3A_1353 = tpu.vector_load_idx %gather3A_1352[%get3A_679] : memref<17424xf32, #tpu.memory_space<vmem>>[vector<16xi32>], vector<16xf32>,
      %add3A_1354 = arith.constant 1024 : i32
      %add3A_1355 = arith.addi %add3A_1286, %add3A_1354 : i32
      %add3A_1356 = arith.constant 0 : i32
      %add3A_1357 = arith.addi %add3A_1355, %add3A_1356 : i32
      %swap3A_1358 = arith.index_cast %add3A_1357 : i32 to index
      %swap3A_1359 = tpu.vector_load %arg11[%swap3A_1358] {strides = array<i32>} : memref<49152xf32, #tpu.memory_space<vmem>>, vector<16xf32>,
      tpu.vector_store %arg11[%swap3A_1358], %gather3A_1353 {strides = array<i32>} : memref<49152xf32, #tpu.memory_space<vmem>>, vector<16xf32>,
      %gather3A_1360 = tpu.memref_slice %arg10[%mul3A_1288] : memref<32784xf32, #tpu.memory_space<vmem>> -> memref<17424xf32, #tpu.memory_space<vmem>>
      %gather3A_1361 = tpu.vector_load_idx %gather3A_1360[%get3A_681] : memref<17424xf32, #tpu.memory_space<vmem>>[vector<16xi32>], vector<16xf32>,
      %add3A_1362 = arith.constant 1024 : i32
      %add3A_1363 = arith.addi %add3A_1286, %add3A_1362 : i32
      %add3A_1364 = arith.constant 16 : i32
      %add3A_1365 = arith.addi %add3A_1363, %add3A_1364 : i32
      %swap3A_1366 = arith.index_cast %add3A_1365 : i32 to index
      %swap3A_1367 = tpu.vector_load %arg11[%swap3A_1366] {strides = array<i32>} : memref<49152xf32, #tpu.memory_space<vmem>>, vector<16xf32>,
      tpu.vector_store %arg11[%swap3A_1366], %gather3A_1361 {strides = array<i32>} : memref<49152xf32, #tpu.memory_space<vmem>>, vector<16xf32>,
      %gather3A_1368 = tpu.memref_slice %arg10[%mul3A_1288] : memref<32784xf32, #tpu.memory_space<vmem>> -> memref<17424xf32, #tpu.memory_space<vmem>>
      %gather3A_1369 = tpu.vector_load_idx %gather3A_1368[%get3A_683] : memref<17424xf32, #tpu.memory_space<vmem>>[vector<16xi32>], vector<16xf32>,
      %add3A_1370 = arith.constant 1024 : i32
      %add3A_1371 = arith.addi %add3A_1286, %add3A_1370 : i32
      %add3A_1372 = arith.constant 32 : i32
      %add3A_1373 = arith.addi %add3A_1371, %add3A_1372 : i32
      %swap3A_1374 = arith.index_cast %add3A_1373 : i32 to index
      %swap3A_1375 = tpu.vector_load %arg11[%swap3A_1374] {strides = array<i32>} : memref<49152xf32, #tpu.memory_space<vmem>>, vector<16xf32>,
      tpu.vector_store %arg11[%swap3A_1374], %gather3A_1369 {strides = array<i32>} : memref<49152xf32, #tpu.memory_space<vmem>>, vector<16xf32>,
      %gather3A_1376 = tpu.memref_slice %arg10[%mul3A_1288] : memref<32784xf32, #tpu.memory_space<vmem>> -> memref<17424xf32, #tpu.memory_space<vmem>>
      %gather3A_1377 = tpu.vector_load_idx %gather3A_1376[%get3A_685] : memref<17424xf32, #tpu.memory_space<vmem>>[vector<16xi32>], vector<16xf32>,
      %add3A_1378 = arith.constant 1024 : i32
      %add3A_1379 = arith.addi %add3A_1286, %add3A_1378 : i32
      %add3A_1380 = arith.constant 48 : i32
      %add3A_1381 = arith.addi %add3A_1379, %add3A_1380 : i32
      %swap3A_1382 = arith.index_cast %add3A_1381 : i32 to index
      %swap3A_1383 = tpu.vector_load %arg11[%swap3A_1382] {strides = array<i32>} : memref<49152xf32, #tpu.memory_space<vmem>>, vector<16xf32>,
      tpu.vector_store %arg11[%swap3A_1382], %gather3A_1377 {strides = array<i32>} : memref<49152xf32, #tpu.memory_space<vmem>>, vector<16xf32>,
      %gather3A_1384 = tpu.memref_slice %arg10[%mul3A_1288] : memref<32784xf32, #tpu.memory_space<vmem>> -> memref<17424xf32, #tpu.memory_space<vmem>>
      %gather3A_1385 = tpu.vector_load_idx %gather3A_1384[%get3A_687] : memref<17424xf32, #tpu.memory_space<vmem>>[vector<16xi32>], vector<16xf32>,
      %add3A_1386 = arith.constant 1024 : i32
      %add3A_1387 = arith.addi %add3A_1286, %add3A_1386 : i32
      %add3A_1388 = arith.constant 64 : i32
      %add3A_1389 = arith.addi %add3A_1387, %add3A_1388 : i32
      %swap3A_1390 = arith.index_cast %add3A_1389 : i32 to index
      %swap3A_1391 = tpu.vector_load %arg11[%swap3A_1390] {strides = array<i32>} : memref<49152xf32, #tpu.memory_space<vmem>>, vector<16xf32>,
      tpu.vector_store %arg11[%swap3A_1390], %gather3A_1385 {strides = array<i32>} : memref<49152xf32, #tpu.memory_space<vmem>>, vector<16xf32>,
      %gather3A_1392 = tpu.memref_slice %arg10[%mul3A_1288] : memref<32784xf32, #tpu.memory_space<vmem>> -> memref<17424xf32, #tpu.memory_space<vmem>>
      %gather3A_1393 = tpu.vector_load_idx %gather3A_1392[%get3A_689] : memref<17424xf32, #tpu.memory_space<vmem>>[vector<16xi32>], vector<16xf32>,
      %add3A_1394 = arith.constant 1024 : i32
      %add3A_1395 = arith.addi %add3A_1286, %add3A_1394 : i32
      %add3A_1396 = arith.constant 80 : i32
      %add3A_1397 = arith.addi %add3A_1395, %add3A_1396 : i32
      %swap3A_1398 = arith.index_cast %add3A_1397 : i32 to index
      %swap3A_1399 = tpu.vector_load %arg11[%swap3A_1398] {strides = array<i32>} : memref<49152xf32, #tpu.memory_space<vmem>>, vector<16xf32>,
      tpu.vector_store %arg11[%swap3A_1398], %gather3A_1393 {strides = array<i32>} : memref<49152xf32, #tpu.memory_space<vmem>>, vector<16xf32>,
      %gather3A_1400 = tpu.memref_slice %arg10[%mul3A_1288] : memref<32784xf32, #tpu.memory_space<vmem>> -> memref<17424xf32, #tpu.memory_space<vmem>>
      %gather3A_1401 = tpu.vector_load_idx %gather3A_1400[%get3A_691] : memref<17424xf32, #tpu.memory_space<vmem>>[vector<16xi32>], vector<16xf32>,
      %add3A_1402 = arith.constant 1024 : i32
      %add3A_1403 = arith.addi %add3A_1286, %add3A_1402 : i32
      %add3A_1404 = arith.constant 96 : i32
      %add3A_1405 = arith.addi %add3A_1403, %add3A_1404 : i32
      %swap3A_1406 = arith.index_cast %add3A_1405 : i32 to index
      %swap3A_1407 = tpu.vector_load %arg11[%swap3A_1406] {strides = array<i32>} : memref<49152xf32, #tpu.memory_space<vmem>>, vector<16xf32>,
      tpu.vector_store %arg11[%swap3A_1406], %gather3A_1401 {strides = array<i32>} : memref<49152xf32, #tpu.memory_space<vmem>>, vector<16xf32>,
      %gather3A_1408 = tpu.memref_slice %arg10[%mul3A_1288] : memref<32784xf32, #tpu.memory_space<vmem>> -> memref<17424xf32, #tpu.memory_space<vmem>>
      %gather3A_1409 = tpu.vector_load_idx %gather3A_1408[%get3A_693] : memref<17424xf32, #tpu.memory_space<vmem>>[vector<16xi32>], vector<16xf32>,
      %add3A_1410 = arith.constant 1024 : i32
      %add3A_1411 = arith.addi %add3A_1286, %add3A_1410 : i32
      %add3A_1412 = arith.constant 112 : i32
      %add3A_1413 = arith.addi %add3A_1411, %add3A_1412 : i32
      %swap3A_1414 = arith.index_cast %add3A_1413 : i32 to index
      %swap3A_1415 = tpu.vector_load %arg11[%swap3A_1414] {strides = array<i32>} : memref<49152xf32, #tpu.memory_space<vmem>>, vector<16xf32>,
      tpu.vector_store %arg11[%swap3A_1414], %gather3A_1409 {strides = array<i32>} : memref<49152xf32, #tpu.memory_space<vmem>>, vector<16xf32>,
      %gather3A_1416 = tpu.memref_slice %arg10[%mul3A_1288] : memref<32784xf32, #tpu.memory_space<vmem>> -> memref<17424xf32, #tpu.memory_space<vmem>>
      %gather3A_1417 = tpu.vector_load_idx %gather3A_1416[%get3A_695] : memref<17424xf32, #tpu.memory_space<vmem>>[vector<16xi32>], vector<16xf32>,
      %add3A_1418 = arith.constant 2048 : i32
      %add3A_1419 = arith.addi %add3A_1286, %add3A_1418 : i32
      %add3A_1420 = arith.constant 0 : i32
      %add3A_1421 = arith.addi %add3A_1419, %add3A_1420 : i32
      %swap3A_1422 = arith.index_cast %add3A_1421 : i32 to index
      %swap3A_1423 = tpu.vector_load %arg11[%swap3A_1422] {strides = array<i32>} : memref<49152xf32, #tpu.memory_space<vmem>>, vector<16xf32>,
      tpu.vector_store %arg11[%swap3A_1422], %gather3A_1417 {strides = array<i32>} : memref<49152xf32, #tpu.memory_space<vmem>>, vector<16xf32>,
      %gather3A_1424 = tpu.memref_slice %arg10[%mul3A_1288] : memref<32784xf32, #tpu.memory_space<vmem>> -> memref<17424xf32, #tpu.memory_space<vmem>>
      %gather3A_1425 = tpu.vector_load_idx %gather3A_1424[%get3A_697] : memref<17424xf32, #tpu.memory_space<vmem>>[vector<16xi32>], vector<16xf32>,
      %add3A_1426 = arith.constant 2048 : i32
      %add3A_1427 = arith.addi %add3A_1286, %add3A_1426 : i32
      %add3A_1428 = arith.constant 16 : i32
      %add3A_1429 = arith.addi %add3A_1427, %add3A_1428 : i32
      %swap3A_1430 = arith.index_cast %add3A_1429 : i32 to index
      %swap3A_1431 = tpu.vector_load %arg11[%swap3A_1430] {strides = array<i32>} : memref<49152xf32, #tpu.memory_space<vmem>>, vector<16xf32>,
      tpu.vector_store %arg11[%swap3A_1430], %gather3A_1425 {strides = array<i32>} : memref<49152xf32, #tpu.memory_space<vmem>>, vector<16xf32>,
      %gather3A_1432 = tpu.memref_slice %arg10[%mul3A_1288] : memref<32784xf32, #tpu.memory_space<vmem>> -> memref<17424xf32, #tpu.memory_space<vmem>>
      %gather3A_1433 = tpu.vector_load_idx %gather3A_1432[%get3A_699] : memref<17424xf32, #tpu.memory_space<vmem>>[vector<16xi32>], vector<16xf32>,
      %add3A_1434 = arith.constant 2048 : i32
      %add3A_1435 = arith.addi %add3A_1286, %add3A_1434 : i32
      %add3A_1436 = arith.constant 32 : i32
      %add3A_1437 = arith.addi %add3A_1435, %add3A_1436 : i32
      %swap3A_1438 = arith.index_cast %add3A_1437 : i32 to index
      %swap3A_1439 = tpu.vector_load %arg11[%swap3A_1438] {strides = array<i32>} : memref<49152xf32, #tpu.memory_space<vmem>>, vector<16xf32>,
      tpu.vector_store %arg11[%swap3A_1438], %gather3A_1433 {strides = array<i32>} : memref<49152xf32, #tpu.memory_space<vmem>>, vector<16xf32>,
      %gather3A_1440 = tpu.memref_slice %arg10[%mul3A_1288] : memref<32784xf32, #tpu.memory_space<vmem>> -> memref<17424xf32, #tpu.memory_space<vmem>>
      %gather3A_1441 = tpu.vector_load_idx %gather3A_1440[%get3A_701] : memref<17424xf32, #tpu.memory_space<vmem>>[vector<16xi32>], vector<16xf32>,
      %add3A_1442 = arith.constant 2048 : i32
      %add3A_1443 = arith.addi %add3A_1286, %add3A_1442 : i32
      %add3A_1444 = arith.constant 48 : i32
      %add3A_1445 = arith.addi %add3A_1443, %add3A_1444 : i32
      %swap3A_1446 = arith.index_cast %add3A_1445 : i32 to index
      %swap3A_1447 = tpu.vector_load %arg11[%swap3A_1446] {strides = array<i32>} : memref<49152xf32, #tpu.memory_space<vmem>>, vector<16xf32>,
      tpu.vector_store %arg11[%swap3A_1446], %gather3A_1441 {strides = array<i32>} : memref<49152xf32, #tpu.memory_space<vmem>>, vector<16xf32>,
      %gather3A_1448 = tpu.memref_slice %arg10[%mul3A_1288] : memref<32784xf32, #tpu.memory_space<vmem>> -> memref<17424xf32, #tpu.memory_space<vmem>>
      %gather3A_1449 = tpu.vector_load_idx %gather3A_1448[%get3A_703] : memref<17424xf32, #tpu.memory_space<vmem>>[vector<16xi32>], vector<16xf32>,
      %add3A_1450 = arith.constant 2048 : i32
      %add3A_1451 = arith.addi %add3A_1286, %add3A_1450 : i32
      %add3A_1452 = arith.constant 64 : i32
      %add3A_1453 = arith.addi %add3A_1451, %add3A_1452 : i32
      %swap3A_1454 = arith.index_cast %add3A_1453 : i32 to index
      %swap3A_1455 = tpu.vector_load %arg11[%swap3A_1454] {strides = array<i32>} : memref<49152xf32, #tpu.memory_space<vmem>>, vector<16xf32>,
      tpu.vector_store %arg11[%swap3A_1454], %gather3A_1449 {strides = array<i32>} : memref<49152xf32, #tpu.memory_space<vmem>>, vector<16xf32>,
      %gather3A_1456 = tpu.memref_slice %arg10[%mul3A_1288] : memref<32784xf32, #tpu.memory_space<vmem>> -> memref<17424xf32, #tpu.memory_space<vmem>>
      %gather3A_1457 = tpu.vector_load_idx %gather3A_1456[%get3A_705] : memref<17424xf32, #tpu.memory_space<vmem>>[vector<16xi32>], vector<16xf32>,
      %add3A_1458 = arith.constant 2048 : i32
      %add3A_1459 = arith.addi %add3A_1286, %add3A_1458 : i32
      %add3A_1460 = arith.constant 80 : i32
      %add3A_1461 = arith.addi %add3A_1459, %add3A_1460 : i32
      %swap3A_1462 = arith.index_cast %add3A_1461 : i32 to index
      %swap3A_1463 = tpu.vector_load %arg11[%swap3A_1462] {strides = array<i32>} : memref<49152xf32, #tpu.memory_space<vmem>>, vector<16xf32>,
      tpu.vector_store %arg11[%swap3A_1462], %gather3A_1457 {strides = array<i32>} : memref<49152xf32, #tpu.memory_space<vmem>>, vector<16xf32>,
      %gather3A_1464 = tpu.memref_slice %arg10[%mul3A_1288] : memref<32784xf32, #tpu.memory_space<vmem>> -> memref<17424xf32, #tpu.memory_space<vmem>>
      %gather3A_1465 = tpu.vector_load_idx %gather3A_1464[%get3A_707] : memref<17424xf32, #tpu.memory_space<vmem>>[vector<16xi32>], vector<16xf32>,
      %add3A_1466 = arith.constant 2048 : i32
      %add3A_1467 = arith.addi %add3A_1286, %add3A_1466 : i32
      %add3A_1468 = arith.constant 96 : i32
      %add3A_1469 = arith.addi %add3A_1467, %add3A_1468 : i32
      %swap3A_1470 = arith.index_cast %add3A_1469 : i32 to index
      %swap3A_1471 = tpu.vector_load %arg11[%swap3A_1470] {strides = array<i32>} : memref<49152xf32, #tpu.memory_space<vmem>>, vector<16xf32>,
      tpu.vector_store %arg11[%swap3A_1470], %gather3A_1465 {strides = array<i32>} : memref<49152xf32, #tpu.memory_space<vmem>>, vector<16xf32>,
      %gather3A_1472 = tpu.memref_slice %arg10[%mul3A_1288] : memref<32784xf32, #tpu.memory_space<vmem>> -> memref<17424xf32, #tpu.memory_space<vmem>>
      %gather3A_1473 = tpu.vector_load_idx %gather3A_1472[%get3A_709] : memref<17424xf32, #tpu.memory_space<vmem>>[vector<16xi32>], vector<16xf32>,
      %add3A_1474 = arith.constant 2048 : i32
      %add3A_1475 = arith.addi %add3A_1286, %add3A_1474 : i32
      %add3A_1476 = arith.constant 112 : i32
      %add3A_1477 = arith.addi %add3A_1475, %add3A_1476 : i32
      %swap3A_1478 = arith.index_cast %add3A_1477 : i32 to index
      %swap3A_1479 = tpu.vector_load %arg11[%swap3A_1478] {strides = array<i32>} : memref<49152xf32, #tpu.memory_space<vmem>>, vector<16xf32>,
      tpu.vector_store %arg11[%swap3A_1478], %gather3A_1473 {strides = array<i32>} : memref<49152xf32, #tpu.memory_space<vmem>>, vector<16xf32>,
    }
    %scan3A_715 = arith.constant 8 : i32
    %get3A_716 = arith.constant 1152 : index
    %get3A_717 = tpu.vector_load %arg14[%get3A_716] {strides = array<i32>} : memref<1680xi32, #tpu.memory_space<vmem>>, vector<16xi32>,
    %get3A_718 = arith.constant 1168 : index
    %get3A_719 = tpu.vector_load %arg14[%get3A_718] {strides = array<i32>} : memref<1680xi32, #tpu.memory_space<vmem>>, vector<16xi32>,
    %get3A_720 = arith.constant 1184 : index
    %get3A_721 = tpu.vector_load %arg14[%get3A_720] {strides = array<i32>} : memref<1680xi32, #tpu.memory_space<vmem>>, vector<16xi32>,
    %get3A_722 = arith.constant 1200 : index
    %get3A_723 = tpu.vector_load %arg14[%get3A_722] {strides = array<i32>} : memref<1680xi32, #tpu.memory_space<vmem>>, vector<16xi32>,
    %get3A_724 = arith.constant 1216 : index
    %get3A_725 = tpu.vector_load %arg14[%get3A_724] {strides = array<i32>} : memref<1680xi32, #tpu.memory_space<vmem>>, vector<16xi32>,
    %get3A_726 = arith.constant 1232 : index
    %get3A_727 = tpu.vector_load %arg14[%get3A_726] {strides = array<i32>} : memref<1680xi32, #tpu.memory_space<vmem>>, vector<16xi32>,
    %get3A_728 = arith.constant 1248 : index
    %get3A_729 = tpu.vector_load %arg14[%get3A_728] {strides = array<i32>} : memref<1680xi32, #tpu.memory_space<vmem>>, vector<16xi32>,
    %get3A_730 = arith.constant 1264 : index
    %get3A_731 = tpu.vector_load %arg14[%get3A_730] {strides = array<i32>} : memref<1680xi32, #tpu.memory_space<vmem>>, vector<16xi32>,
    %get3A_732 = arith.constant 1280 : index
    %get3A_733 = tpu.vector_load %arg14[%get3A_732] {strides = array<i32>} : memref<1680xi32, #tpu.memory_space<vmem>>, vector<16xi32>,
    %get3A_734 = arith.constant 1296 : index
    %get3A_735 = tpu.vector_load %arg14[%get3A_734] {strides = array<i32>} : memref<1680xi32, #tpu.memory_space<vmem>>, vector<16xi32>,
    %get3A_736 = arith.constant 1312 : index
    %get3A_737 = tpu.vector_load %arg14[%get3A_736] {strides = array<i32>} : memref<1680xi32, #tpu.memory_space<vmem>>, vector<16xi32>,
    %get3A_738 = arith.constant 1328 : index
    %get3A_739 = tpu.vector_load %arg14[%get3A_738] {strides = array<i32>} : memref<1680xi32, #tpu.memory_space<vmem>>, vector<16xi32>,
    %get3A_740 = arith.constant 1344 : index
    %get3A_741 = tpu.vector_load %arg14[%get3A_740] {strides = array<i32>} : memref<1680xi32, #tpu.memory_space<vmem>>, vector<16xi32>,
    %get3A_742 = arith.constant 1360 : index
    %get3A_743 = tpu.vector_load %arg14[%get3A_742] {strides = array<i32>} : memref<1680xi32, #tpu.memory_space<vmem>>, vector<16xi32>,
    %get3A_744 = arith.constant 1376 : index
    %get3A_745 = tpu.vector_load %arg14[%get3A_744] {strides = array<i32>} : memref<1680xi32, #tpu.memory_space<vmem>>, vector<16xi32>,
    %get3A_746 = arith.constant 1392 : index
    %get3A_747 = tpu.vector_load %arg14[%get3A_746] {strides = array<i32>} : memref<1680xi32, #tpu.memory_space<vmem>>, vector<16xi32>,
    %get3A_748 = arith.constant 1408 : index
    %get3A_749 = tpu.vector_load %arg14[%get3A_748] {strides = array<i32>} : memref<1680xi32, #tpu.memory_space<vmem>>, vector<16xi32>,
    %get3A_750 = arith.constant 1424 : index
    %get3A_751 = tpu.vector_load %arg14[%get3A_750] {strides = array<i32>} : memref<1680xi32, #tpu.memory_space<vmem>>, vector<16xi32>,
    %get3A_752 = arith.constant 1440 : index
    %get3A_753 = tpu.vector_load %arg14[%get3A_752] {strides = array<i32>} : memref<1680xi32, #tpu.memory_space<vmem>>, vector<16xi32>,
    %get3A_754 = arith.constant 1456 : index
    %get3A_755 = tpu.vector_load %arg14[%get3A_754] {strides = array<i32>} : memref<1680xi32, #tpu.memory_space<vmem>>, vector<16xi32>,
    %get3A_756 = arith.constant 1472 : index
    %get3A_757 = tpu.vector_load %arg14[%get3A_756] {strides = array<i32>} : memref<1680xi32, #tpu.memory_space<vmem>>, vector<16xi32>,
    %get3A_758 = arith.constant 1488 : index
    %get3A_759 = tpu.vector_load %arg14[%get3A_758] {strides = array<i32>} : memref<1680xi32, #tpu.memory_space<vmem>>, vector<16xi32>,
    %get3A_760 = arith.constant 1504 : index
    %get3A_761 = tpu.vector_load %arg14[%get3A_760] {strides = array<i32>} : memref<1680xi32, #tpu.memory_space<vmem>>, vector<16xi32>,
    %get3A_762 = arith.constant 1520 : index
    %get3A_763 = tpu.vector_load %arg14[%get3A_762] {strides = array<i32>} : memref<1680xi32, #tpu.memory_space<vmem>>, vector<16xi32>,
    %scan3A_764 = arith.constant 0 : i32
    %scan3A_765 = arith.constant 8 : i32
    %scan3A_766 = arith.constant 8 : i32
    %scan3A_767 = arith.addi %scan3A_765, %scan3A_766 : i32
    %scan3A_768 = arith.constant 1 : i32
    scf.for %scan3A_1282 = %scan3A_765 to %scan3A_767 step %scan3A_768  : i32 {
      %mul3A_1283 = arith.constant 3072 : i32
      %mul3A_1284 = arith.muli %scan3A_1282, %mul3A_1283 : i32
      %add3A_1285 = arith.constant 384 : i32
      %add3A_1286 = arith.addi %mul3A_1284, %add3A_1285 : i32
      %mul3A_1287 = arith.constant 1024 : i32
      %mul3A_1288 = arith.muli %scan3A_1282, %mul3A_1287 : i32
      %gather3A_1289 = tpu.memref_slice %arg10[%mul3A_1288] : memref<32784xf32, #tpu.memory_space<vmem>> -> memref<17424xf32, #tpu.memory_space<vmem>>
      %gather3A_1290 = tpu.vector_load_idx %gather3A_1289[%get3A_717] : memref<17424xf32, #tpu.memory_space<vmem>>[vector<16xi32>], vector<16xf32>,
      %add3A_1291 = arith.constant 0 : i32
      %add3A_1292 = arith.addi %add3A_1286, %add3A_1291 : i32
      %add3A_1293 = arith.constant 0 : i32
      %add3A_1294 = arith.addi %add3A_1292, %add3A_1293 : i32
      %swap3A = arith.index_cast %add3A_1294 : i32 to index
      %swap3A_1295 = tpu.vector_load %arg11[%swap3A] {strides = array<i32>} : memref<49152xf32, #tpu.memory_space<vmem>>, vector<16xf32>,
      tpu.vector_store %arg11[%swap3A], %gather3A_1290 {strides = array<i32>} : memref<49152xf32, #tpu.memory_space<vmem>>, vector<16xf32>,
      %gather3A_1296 = tpu.memref_slice %arg10[%mul3A_1288] : memref<32784xf32, #tpu.memory_space<vmem>> -> memref<17424xf32, #tpu.memory_space<vmem>>
      %gather3A_1297 = tpu.vector_load_idx %gather3A_1296[%get3A_719] : memref<17424xf32, #tpu.memory_space<vmem>>[vector<16xi32>], vector<16xf32>,
      %add3A_1298 = arith.constant 0 : i32
      %add3A_1299 = arith.addi %add3A_1286, %add3A_1298 : i32
      %add3A_1300 = arith.constant 16 : i32
      %add3A_1301 = arith.addi %add3A_1299, %add3A_1300 : i32
      %swap3A_1302 = arith.index_cast %add3A_1301 : i32 to index
      %swap3A_1303 = tpu.vector_load %arg11[%swap3A_1302] {strides = array<i32>} : memref<49152xf32, #tpu.memory_space<vmem>>, vector<16xf32>,
      tpu.vector_store %arg11[%swap3A_1302], %gather3A_1297 {strides = array<i32>} : memref<49152xf32, #tpu.memory_space<vmem>>, vector<16xf32>,
      %gather3A_1304 = tpu.memref_slice %arg10[%mul3A_1288] : memref<32784xf32, #tpu.memory_space<vmem>> -> memref<17424xf32, #tpu.memory_space<vmem>>
      %gather3A_1305 = tpu.vector_load_idx %gather3A_1304[%get3A_721] : memref<17424xf32, #tpu.memory_space<vmem>>[vector<16xi32>], vector<16xf32>,
      %add3A_1306 = arith.constant 0 : i32
      %add3A_1307 = arith.addi %add3A_1286, %add3A_1306 : i32
      %add3A_1308 = arith.constant 32 : i32
      %add3A_1309 = arith.addi %add3A_1307, %add3A_1308 : i32
      %swap3A_1310 = arith.index_cast %add3A_1309 : i32 to index
      %swap3A_1311 = tpu.vector_load %arg11[%swap3A_1310] {strides = array<i32>} : memref<49152xf32, #tpu.memory_space<vmem>>, vector<16xf32>,
      tpu.vector_store %arg11[%swap3A_1310], %gather3A_1305 {strides = array<i32>} : memref<49152xf32, #tpu.memory_space<vmem>>, vector<16xf32>,
      %gather3A_1312 = tpu.memref_slice %arg10[%mul3A_1288] : memref<32784xf32, #tpu.memory_space<vmem>> -> memref<17424xf32, #tpu.memory_space<vmem>>
      %gather3A_1313 = tpu.vector_load_idx %gather3A_1312[%get3A_723] : memref<17424xf32, #tpu.memory_space<vmem>>[vector<16xi32>], vector<16xf32>,
      %add3A_1314 = arith.constant 0 : i32
      %add3A_1315 = arith.addi %add3A_1286, %add3A_1314 : i32
      %add3A_1316 = arith.constant 48 : i32
      %add3A_1317 = arith.addi %add3A_1315, %add3A_1316 : i32
      %swap3A_1318 = arith.index_cast %add3A_1317 : i32 to index
      %swap3A_1319 = tpu.vector_load %arg11[%swap3A_1318] {strides = array<i32>} : memref<49152xf32, #tpu.memory_space<vmem>>, vector<16xf32>,
      tpu.vector_store %arg11[%swap3A_1318], %gather3A_1313 {strides = array<i32>} : memref<49152xf32, #tpu.memory_space<vmem>>, vector<16xf32>,
      %gather3A_1320 = tpu.memref_slice %arg10[%mul3A_1288] : memref<32784xf32, #tpu.memory_space<vmem>> -> memref<17424xf32, #tpu.memory_space<vmem>>
      %gather3A_1321 = tpu.vector_load_idx %gather3A_1320[%get3A_725] : memref<17424xf32, #tpu.memory_space<vmem>>[vector<16xi32>], vector<16xf32>,
      %add3A_1322 = arith.constant 0 : i32
      %add3A_1323 = arith.addi %add3A_1286, %add3A_1322 : i32
      %add3A_1324 = arith.constant 64 : i32
      %add3A_1325 = arith.addi %add3A_1323, %add3A_1324 : i32
      %swap3A_1326 = arith.index_cast %add3A_1325 : i32 to index
      %swap3A_1327 = tpu.vector_load %arg11[%swap3A_1326] {strides = array<i32>} : memref<49152xf32, #tpu.memory_space<vmem>>, vector<16xf32>,
      tpu.vector_store %arg11[%swap3A_1326], %gather3A_1321 {strides = array<i32>} : memref<49152xf32, #tpu.memory_space<vmem>>, vector<16xf32>,
      %gather3A_1328 = tpu.memref_slice %arg10[%mul3A_1288] : memref<32784xf32, #tpu.memory_space<vmem>> -> memref<17424xf32, #tpu.memory_space<vmem>>
      %gather3A_1329 = tpu.vector_load_idx %gather3A_1328[%get3A_727] : memref<17424xf32, #tpu.memory_space<vmem>>[vector<16xi32>], vector<16xf32>,
      %add3A_1330 = arith.constant 0 : i32
      %add3A_1331 = arith.addi %add3A_1286, %add3A_1330 : i32
      %add3A_1332 = arith.constant 80 : i32
      %add3A_1333 = arith.addi %add3A_1331, %add3A_1332 : i32
      %swap3A_1334 = arith.index_cast %add3A_1333 : i32 to index
      %swap3A_1335 = tpu.vector_load %arg11[%swap3A_1334] {strides = array<i32>} : memref<49152xf32, #tpu.memory_space<vmem>>, vector<16xf32>,
      tpu.vector_store %arg11[%swap3A_1334], %gather3A_1329 {strides = array<i32>} : memref<49152xf32, #tpu.memory_space<vmem>>, vector<16xf32>,
      %gather3A_1336 = tpu.memref_slice %arg10[%mul3A_1288] : memref<32784xf32, #tpu.memory_space<vmem>> -> memref<17424xf32, #tpu.memory_space<vmem>>
      %gather3A_1337 = tpu.vector_load_idx %gather3A_1336[%get3A_729] : memref<17424xf32, #tpu.memory_space<vmem>>[vector<16xi32>], vector<16xf32>,
      %add3A_1338 = arith.constant 0 : i32
      %add3A_1339 = arith.addi %add3A_1286, %add3A_1338 : i32
      %add3A_1340 = arith.constant 96 : i32
      %add3A_1341 = arith.addi %add3A_1339, %add3A_1340 : i32
      %swap3A_1342 = arith.index_cast %add3A_1341 : i32 to index
      %swap3A_1343 = tpu.vector_load %arg11[%swap3A_1342] {strides = array<i32>} : memref<49152xf32, #tpu.memory_space<vmem>>, vector<16xf32>,
      tpu.vector_store %arg11[%swap3A_1342], %gather3A_1337 {strides = array<i32>} : memref<49152xf32, #tpu.memory_space<vmem>>, vector<16xf32>,
      %gather3A_1344 = tpu.memref_slice %arg10[%mul3A_1288] : memref<32784xf32, #tpu.memory_space<vmem>> -> memref<17424xf32, #tpu.memory_space<vmem>>
      %gather3A_1345 = tpu.vector_load_idx %gather3A_1344[%get3A_731] : memref<17424xf32, #tpu.memory_space<vmem>>[vector<16xi32>], vector<16xf32>,
      %add3A_1346 = arith.constant 0 : i32
      %add3A_1347 = arith.addi %add3A_1286, %add3A_1346 : i32
      %add3A_1348 = arith.constant 112 : i32
      %add3A_1349 = arith.addi %add3A_1347, %add3A_1348 : i32
      %swap3A_1350 = arith.index_cast %add3A_1349 : i32 to index
      %swap3A_1351 = tpu.vector_load %arg11[%swap3A_1350] {strides = array<i32>} : memref<49152xf32, #tpu.memory_space<vmem>>, vector<16xf32>,
      tpu.vector_store %arg11[%swap3A_1350], %gather3A_1345 {strides = array<i32>} : memref<49152xf32, #tpu.memory_space<vmem>>, vector<16xf32>,
      %gather3A_1352 = tpu.memref_slice %arg10[%mul3A_1288] : memref<32784xf32, #tpu.memory_space<vmem>> -> memref<17424xf32, #tpu.memory_space<vmem>>
      %gather3A_1353 = tpu.vector_load_idx %gather3A_1352[%get3A_733] : memref<17424xf32, #tpu.memory_space<vmem>>[vector<16xi32>], vector<16xf32>,
      %add3A_1354 = arith.constant 1024 : i32
      %add3A_1355 = arith.addi %add3A_1286, %add3A_1354 : i32
      %add3A_1356 = arith.constant 0 : i32
      %add3A_1357 = arith.addi %add3A_1355, %add3A_1356 : i32
      %swap3A_1358 = arith.index_cast %add3A_1357 : i32 to index
      %swap3A_1359 = tpu.vector_load %arg11[%swap3A_1358] {strides = array<i32>} : memref<49152xf32, #tpu.memory_space<vmem>>, vector<16xf32>,
      tpu.vector_store %arg11[%swap3A_1358], %gather3A_1353 {strides = array<i32>} : memref<49152xf32, #tpu.memory_space<vmem>>, vector<16xf32>,
      %gather3A_1360 = tpu.memref_slice %arg10[%mul3A_1288] : memref<32784xf32, #tpu.memory_space<vmem>> -> memref<17424xf32, #tpu.memory_space<vmem>>
      %gather3A_1361 = tpu.vector_load_idx %gather3A_1360[%get3A_735] : memref<17424xf32, #tpu.memory_space<vmem>>[vector<16xi32>], vector<16xf32>,
      %add3A_1362 = arith.constant 1024 : i32
      %add3A_1363 = arith.addi %add3A_1286, %add3A_1362 : i32
      %add3A_1364 = arith.constant 16 : i32
      %add3A_1365 = arith.addi %add3A_1363, %add3A_1364 : i32
      %swap3A_1366 = arith.index_cast %add3A_1365 : i32 to index
      %swap3A_1367 = tpu.vector_load %arg11[%swap3A_1366] {strides = array<i32>} : memref<49152xf32, #tpu.memory_space<vmem>>, vector<16xf32>,
      tpu.vector_store %arg11[%swap3A_1366], %gather3A_1361 {strides = array<i32>} : memref<49152xf32, #tpu.memory_space<vmem>>, vector<16xf32>,
      %gather3A_1368 = tpu.memref_slice %arg10[%mul3A_1288] : memref<32784xf32, #tpu.memory_space<vmem>> -> memref<17424xf32, #tpu.memory_space<vmem>>
      %gather3A_1369 = tpu.vector_load_idx %gather3A_1368[%get3A_737] : memref<17424xf32, #tpu.memory_space<vmem>>[vector<16xi32>], vector<16xf32>,
      %add3A_1370 = arith.constant 1024 : i32
      %add3A_1371 = arith.addi %add3A_1286, %add3A_1370 : i32
      %add3A_1372 = arith.constant 32 : i32
      %add3A_1373 = arith.addi %add3A_1371, %add3A_1372 : i32
      %swap3A_1374 = arith.index_cast %add3A_1373 : i32 to index
      %swap3A_1375 = tpu.vector_load %arg11[%swap3A_1374] {strides = array<i32>} : memref<49152xf32, #tpu.memory_space<vmem>>, vector<16xf32>,
      tpu.vector_store %arg11[%swap3A_1374], %gather3A_1369 {strides = array<i32>} : memref<49152xf32, #tpu.memory_space<vmem>>, vector<16xf32>,
      %gather3A_1376 = tpu.memref_slice %arg10[%mul3A_1288] : memref<32784xf32, #tpu.memory_space<vmem>> -> memref<17424xf32, #tpu.memory_space<vmem>>
      %gather3A_1377 = tpu.vector_load_idx %gather3A_1376[%get3A_739] : memref<17424xf32, #tpu.memory_space<vmem>>[vector<16xi32>], vector<16xf32>,
      %add3A_1378 = arith.constant 1024 : i32
      %add3A_1379 = arith.addi %add3A_1286, %add3A_1378 : i32
      %add3A_1380 = arith.constant 48 : i32
      %add3A_1381 = arith.addi %add3A_1379, %add3A_1380 : i32
      %swap3A_1382 = arith.index_cast %add3A_1381 : i32 to index
      %swap3A_1383 = tpu.vector_load %arg11[%swap3A_1382] {strides = array<i32>} : memref<49152xf32, #tpu.memory_space<vmem>>, vector<16xf32>,
      tpu.vector_store %arg11[%swap3A_1382], %gather3A_1377 {strides = array<i32>} : memref<49152xf32, #tpu.memory_space<vmem>>, vector<16xf32>,
      %gather3A_1384 = tpu.memref_slice %arg10[%mul3A_1288] : memref<32784xf32, #tpu.memory_space<vmem>> -> memref<17424xf32, #tpu.memory_space<vmem>>
      %gather3A_1385 = tpu.vector_load_idx %gather3A_1384[%get3A_741] : memref<17424xf32, #tpu.memory_space<vmem>>[vector<16xi32>], vector<16xf32>,
      %add3A_1386 = arith.constant 1024 : i32
      %add3A_1387 = arith.addi %add3A_1286, %add3A_1386 : i32
      %add3A_1388 = arith.constant 64 : i32
      %add3A_1389 = arith.addi %add3A_1387, %add3A_1388 : i32
      %swap3A_1390 = arith.index_cast %add3A_1389 : i32 to index
      %swap3A_1391 = tpu.vector_load %arg11[%swap3A_1390] {strides = array<i32>} : memref<49152xf32, #tpu.memory_space<vmem>>, vector<16xf32>,
      tpu.vector_store %arg11[%swap3A_1390], %gather3A_1385 {strides = array<i32>} : memref<49152xf32, #tpu.memory_space<vmem>>, vector<16xf32>,
      %gather3A_1392 = tpu.memref_slice %arg10[%mul3A_1288] : memref<32784xf32, #tpu.memory_space<vmem>> -> memref<17424xf32, #tpu.memory_space<vmem>>
      %gather3A_1393 = tpu.vector_load_idx %gather3A_1392[%get3A_743] : memref<17424xf32, #tpu.memory_space<vmem>>[vector<16xi32>], vector<16xf32>,
      %add3A_1394 = arith.constant 1024 : i32
      %add3A_1395 = arith.addi %add3A_1286, %add3A_1394 : i32
      %add3A_1396 = arith.constant 80 : i32
      %add3A_1397 = arith.addi %add3A_1395, %add3A_1396 : i32
      %swap3A_1398 = arith.index_cast %add3A_1397 : i32 to index
      %swap3A_1399 = tpu.vector_load %arg11[%swap3A_1398] {strides = array<i32>} : memref<49152xf32, #tpu.memory_space<vmem>>, vector<16xf32>,
      tpu.vector_store %arg11[%swap3A_1398], %gather3A_1393 {strides = array<i32>} : memref<49152xf32, #tpu.memory_space<vmem>>, vector<16xf32>,
      %gather3A_1400 = tpu.memref_slice %arg10[%mul3A_1288] : memref<32784xf32, #tpu.memory_space<vmem>> -> memref<17424xf32, #tpu.memory_space<vmem>>
      %gather3A_1401 = tpu.vector_load_idx %gather3A_1400[%get3A_745] : memref<17424xf32, #tpu.memory_space<vmem>>[vector<16xi32>], vector<16xf32>,
      %add3A_1402 = arith.constant 1024 : i32
      %add3A_1403 = arith.addi %add3A_1286, %add3A_1402 : i32
      %add3A_1404 = arith.constant 96 : i32
      %add3A_1405 = arith.addi %add3A_1403, %add3A_1404 : i32
      %swap3A_1406 = arith.index_cast %add3A_1405 : i32 to index
      %swap3A_1407 = tpu.vector_load %arg11[%swap3A_1406] {strides = array<i32>} : memref<49152xf32, #tpu.memory_space<vmem>>, vector<16xf32>,
      tpu.vector_store %arg11[%swap3A_1406], %gather3A_1401 {strides = array<i32>} : memref<49152xf32, #tpu.memory_space<vmem>>, vector<16xf32>,
      %gather3A_1408 = tpu.memref_slice %arg10[%mul3A_1288] : memref<32784xf32, #tpu.memory_space<vmem>> -> memref<17424xf32, #tpu.memory_space<vmem>>
      %gather3A_1409 = tpu.vector_load_idx %gather3A_1408[%get3A_747] : memref<17424xf32, #tpu.memory_space<vmem>>[vector<16xi32>], vector<16xf32>,
      %add3A_1410 = arith.constant 1024 : i32
      %add3A_1411 = arith.addi %add3A_1286, %add3A_1410 : i32
      %add3A_1412 = arith.constant 112 : i32
      %add3A_1413 = arith.addi %add3A_1411, %add3A_1412 : i32
      %swap3A_1414 = arith.index_cast %add3A_1413 : i32 to index
      %swap3A_1415 = tpu.vector_load %arg11[%swap3A_1414] {strides = array<i32>} : memref<49152xf32, #tpu.memory_space<vmem>>, vector<16xf32>,
      tpu.vector_store %arg11[%swap3A_1414], %gather3A_1409 {strides = array<i32>} : memref<49152xf32, #tpu.memory_space<vmem>>, vector<16xf32>,
      %gather3A_1416 = tpu.memref_slice %arg10[%mul3A_1288] : memref<32784xf32, #tpu.memory_space<vmem>> -> memref<17424xf32, #tpu.memory_space<vmem>>
      %gather3A_1417 = tpu.vector_load_idx %gather3A_1416[%get3A_749] : memref<17424xf32, #tpu.memory_space<vmem>>[vector<16xi32>], vector<16xf32>,
      %add3A_1418 = arith.constant 2048 : i32
      %add3A_1419 = arith.addi %add3A_1286, %add3A_1418 : i32
      %add3A_1420 = arith.constant 0 : i32
      %add3A_1421 = arith.addi %add3A_1419, %add3A_1420 : i32
      %swap3A_1422 = arith.index_cast %add3A_1421 : i32 to index
      %swap3A_1423 = tpu.vector_load %arg11[%swap3A_1422] {strides = array<i32>} : memref<49152xf32, #tpu.memory_space<vmem>>, vector<16xf32>,
      tpu.vector_store %arg11[%swap3A_1422], %gather3A_1417 {strides = array<i32>} : memref<49152xf32, #tpu.memory_space<vmem>>, vector<16xf32>,
      %gather3A_1424 = tpu.memref_slice %arg10[%mul3A_1288] : memref<32784xf32, #tpu.memory_space<vmem>> -> memref<17424xf32, #tpu.memory_space<vmem>>
      %gather3A_1425 = tpu.vector_load_idx %gather3A_1424[%get3A_751] : memref<17424xf32, #tpu.memory_space<vmem>>[vector<16xi32>], vector<16xf32>,
      %add3A_1426 = arith.constant 2048 : i32
      %add3A_1427 = arith.addi %add3A_1286, %add3A_1426 : i32
      %add3A_1428 = arith.constant 16 : i32
      %add3A_1429 = arith.addi %add3A_1427, %add3A_1428 : i32
      %swap3A_1430 = arith.index_cast %add3A_1429 : i32 to index
      %swap3A_1431 = tpu.vector_load %arg11[%swap3A_1430] {strides = array<i32>} : memref<49152xf32, #tpu.memory_space<vmem>>, vector<16xf32>,
      tpu.vector_store %arg11[%swap3A_1430], %gather3A_1425 {strides = array<i32>} : memref<49152xf32, #tpu.memory_space<vmem>>, vector<16xf32>,
      %gather3A_1432 = tpu.memref_slice %arg10[%mul3A_1288] : memref<32784xf32, #tpu.memory_space<vmem>> -> memref<17424xf32, #tpu.memory_space<vmem>>
      %gather3A_1433 = tpu.vector_load_idx %gather3A_1432[%get3A_753] : memref<17424xf32, #tpu.memory_space<vmem>>[vector<16xi32>], vector<16xf32>,
      %add3A_1434 = arith.constant 2048 : i32
      %add3A_1435 = arith.addi %add3A_1286, %add3A_1434 : i32
      %add3A_1436 = arith.constant 32 : i32
      %add3A_1437 = arith.addi %add3A_1435, %add3A_1436 : i32
      %swap3A_1438 = arith.index_cast %add3A_1437 : i32 to index
      %swap3A_1439 = tpu.vector_load %arg11[%swap3A_1438] {strides = array<i32>} : memref<49152xf32, #tpu.memory_space<vmem>>, vector<16xf32>,
      tpu.vector_store %arg11[%swap3A_1438], %gather3A_1433 {strides = array<i32>} : memref<49152xf32, #tpu.memory_space<vmem>>, vector<16xf32>,
      %gather3A_1440 = tpu.memref_slice %arg10[%mul3A_1288] : memref<32784xf32, #tpu.memory_space<vmem>> -> memref<17424xf32, #tpu.memory_space<vmem>>
      %gather3A_1441 = tpu.vector_load_idx %gather3A_1440[%get3A_755] : memref<17424xf32, #tpu.memory_space<vmem>>[vector<16xi32>], vector<16xf32>,
      %add3A_1442 = arith.constant 2048 : i32
      %add3A_1443 = arith.addi %add3A_1286, %add3A_1442 : i32
      %add3A_1444 = arith.constant 48 : i32
      %add3A_1445 = arith.addi %add3A_1443, %add3A_1444 : i32
      %swap3A_1446 = arith.index_cast %add3A_1445 : i32 to index
      %swap3A_1447 = tpu.vector_load %arg11[%swap3A_1446] {strides = array<i32>} : memref<49152xf32, #tpu.memory_space<vmem>>, vector<16xf32>,
      tpu.vector_store %arg11[%swap3A_1446], %gather3A_1441 {strides = array<i32>} : memref<49152xf32, #tpu.memory_space<vmem>>, vector<16xf32>,
      %gather3A_1448 = tpu.memref_slice %arg10[%mul3A_1288] : memref<32784xf32, #tpu.memory_space<vmem>> -> memref<17424xf32, #tpu.memory_space<vmem>>
      %gather3A_1449 = tpu.vector_load_idx %gather3A_1448[%get3A_757] : memref<17424xf32, #tpu.memory_space<vmem>>[vector<16xi32>], vector<16xf32>,
      %add3A_1450 = arith.constant 2048 : i32
      %add3A_1451 = arith.addi %add3A_1286, %add3A_1450 : i32
      %add3A_1452 = arith.constant 64 : i32
      %add3A_1453 = arith.addi %add3A_1451, %add3A_1452 : i32
      %swap3A_1454 = arith.index_cast %add3A_1453 : i32 to index
      %swap3A_1455 = tpu.vector_load %arg11[%swap3A_1454] {strides = array<i32>} : memref<49152xf32, #tpu.memory_space<vmem>>, vector<16xf32>,
      tpu.vector_store %arg11[%swap3A_1454], %gather3A_1449 {strides = array<i32>} : memref<49152xf32, #tpu.memory_space<vmem>>, vector<16xf32>,
      %gather3A_1456 = tpu.memref_slice %arg10[%mul3A_1288] : memref<32784xf32, #tpu.memory_space<vmem>> -> memref<17424xf32, #tpu.memory_space<vmem>>
      %gather3A_1457 = tpu.vector_load_idx %gather3A_1456[%get3A_759] : memref<17424xf32, #tpu.memory_space<vmem>>[vector<16xi32>], vector<16xf32>,
      %add3A_1458 = arith.constant 2048 : i32
      %add3A_1459 = arith.addi %add3A_1286, %add3A_1458 : i32
      %add3A_1460 = arith.constant 80 : i32
      %add3A_1461 = arith.addi %add3A_1459, %add3A_1460 : i32
      %swap3A_1462 = arith.index_cast %add3A_1461 : i32 to index
      %swap3A_1463 = tpu.vector_load %arg11[%swap3A_1462] {strides = array<i32>} : memref<49152xf32, #tpu.memory_space<vmem>>, vector<16xf32>,
      tpu.vector_store %arg11[%swap3A_1462], %gather3A_1457 {strides = array<i32>} : memref<49152xf32, #tpu.memory_space<vmem>>, vector<16xf32>,
      %gather3A_1464 = tpu.memref_slice %arg10[%mul3A_1288] : memref<32784xf32, #tpu.memory_space<vmem>> -> memref<17424xf32, #tpu.memory_space<vmem>>
      %gather3A_1465 = tpu.vector_load_idx %gather3A_1464[%get3A_761] : memref<17424xf32, #tpu.memory_space<vmem>>[vector<16xi32>], vector<16xf32>,
      %add3A_1466 = arith.constant 2048 : i32
      %add3A_1467 = arith.addi %add3A_1286, %add3A_1466 : i32
      %add3A_1468 = arith.constant 96 : i32
      %add3A_1469 = arith.addi %add3A_1467, %add3A_1468 : i32
      %swap3A_1470 = arith.index_cast %add3A_1469 : i32 to index
      %swap3A_1471 = tpu.vector_load %arg11[%swap3A_1470] {strides = array<i32>} : memref<49152xf32, #tpu.memory_space<vmem>>, vector<16xf32>,
      tpu.vector_store %arg11[%swap3A_1470], %gather3A_1465 {strides = array<i32>} : memref<49152xf32, #tpu.memory_space<vmem>>, vector<16xf32>,
      %gather3A_1472 = tpu.memref_slice %arg10[%mul3A_1288] : memref<32784xf32, #tpu.memory_space<vmem>> -> memref<17424xf32, #tpu.memory_space<vmem>>
      %gather3A_1473 = tpu.vector_load_idx %gather3A_1472[%get3A_763] : memref<17424xf32, #tpu.memory_space<vmem>>[vector<16xi32>], vector<16xf32>,
      %add3A_1474 = arith.constant 2048 : i32
      %add3A_1475 = arith.addi %add3A_1286, %add3A_1474 : i32
      %add3A_1476 = arith.constant 112 : i32
      %add3A_1477 = arith.addi %add3A_1475, %add3A_1476 : i32
      %swap3A_1478 = arith.index_cast %add3A_1477 : i32 to index
      %swap3A_1479 = tpu.vector_load %arg11[%swap3A_1478] {strides = array<i32>} : memref<49152xf32, #tpu.memory_space<vmem>>, vector<16xf32>,
      tpu.vector_store %arg11[%swap3A_1478], %gather3A_1473 {strides = array<i32>} : memref<49152xf32, #tpu.memory_space<vmem>>, vector<16xf32>,
    }
    %scan3A_769 = arith.constant 8 : i32
    %get3A_770 = arith.constant 1536 : index
    %get3A_771 = tpu.vector_load %arg14[%get3A_770] {strides = array<i32>} : memref<1680xi32, #tpu.memory_space<vmem>>, vector<16xi32>,
    %gather3A_772 = tpu.vector_load_idx %arg10[%get3A_771] : memref<32784xf32, #tpu.memory_space<vmem>>[vector<16xi32>], vector<16xf32>,
    %get3A_773 = arith.constant 1552 : index
    %get3A_774 = tpu.vector_load %arg14[%get3A_773] {strides = array<i32>} : memref<1680xi32, #tpu.memory_space<vmem>>, vector<16xi32>,
    %gather3A_775 = tpu.vector_load_idx %arg10[%get3A_774] : memref<32784xf32, #tpu.memory_space<vmem>>[vector<16xi32>], vector<16xf32>,
    %get3A_776 = arith.constant 1568 : index
    %get3A_777 = tpu.vector_load %arg14[%get3A_776] {strides = array<i32>} : memref<1680xi32, #tpu.memory_space<vmem>>, vector<16xi32>,
    %gather3A_778 = tpu.vector_load_idx %arg10[%get3A_777] : memref<32784xf32, #tpu.memory_space<vmem>>[vector<16xi32>], vector<16xf32>,
    %scan3A_779 = arith.constant 0 : i32
    %scan3A_780 = arith.constant 8 : i32
    %scan3A_781 = arith.constant 8 : i32
    %scan3A_782 = arith.addi %scan3A_780, %scan3A_781 : i32
    %scan3A_783 = arith.constant 1 : i32
    scf.for %scan3A_1282 = %scan3A_780 to %scan3A_782 step %scan3A_783  : i32 {
      %mul3A_1283 = arith.constant 3072 : i32
      %mul3A_1284 = arith.muli %scan3A_1282, %mul3A_1283 : i32
      %add3A_1285 = arith.constant 512 : i32
      %add3A_1286 = arith.addi %mul3A_1284, %add3A_1285 : i32
      %add3A_1287 = arith.constant 0 : i32
      %add3A_1288 = arith.addi %add3A_1286, %add3A_1287 : i32
      %add3A_1289 = arith.constant 0 : i32
      %add3A_1290 = arith.addi %add3A_1288, %add3A_1289 : i32
      %swap3A = arith.index_cast %add3A_1290 : i32 to index
      %swap3A_1291 = tpu.vector_load %arg11[%swap3A] {strides = array<i32>} : memref<49152xf32, #tpu.memory_space<vmem>>, vector<16xf32>,
      tpu.vector_store %arg11[%swap3A], %gather3A_772 {strides = array<i32>} : memref<49152xf32, #tpu.memory_space<vmem>>, vector<16xf32>,
      %add3A_1292 = arith.constant 0 : i32
      %add3A_1293 = arith.addi %add3A_1286, %add3A_1292 : i32
      %add3A_1294 = arith.constant 16 : i32
      %add3A_1295 = arith.addi %add3A_1293, %add3A_1294 : i32
      %swap3A_1296 = arith.index_cast %add3A_1295 : i32 to index
      %swap3A_1297 = tpu.vector_load %arg11[%swap3A_1296] {strides = array<i32>} : memref<49152xf32, #tpu.memory_space<vmem>>, vector<16xf32>,
      tpu.vector_store %arg11[%swap3A_1296], %gather3A_775 {strides = array<i32>} : memref<49152xf32, #tpu.memory_space<vmem>>, vector<16xf32>,
      %add3A_1298 = arith.constant 0 : i32
      %add3A_1299 = arith.addi %add3A_1286, %add3A_1298 : i32
      %add3A_1300 = arith.constant 32 : i32
      %add3A_1301 = arith.addi %add3A_1299, %add3A_1300 : i32
      %swap3A_1302 = arith.index_cast %add3A_1301 : i32 to index
      %swap3A_1303 = tpu.vector_load %arg11[%swap3A_1302] {strides = array<i32>} : memref<49152xf32, #tpu.memory_space<vmem>>, vector<16xf32>,
      tpu.vector_store %arg11[%swap3A_1302], %gather3A_778 {strides = array<i32>} : memref<49152xf32, #tpu.memory_space<vmem>>, vector<16xf32>,
      %add3A_1304 = arith.constant 0 : i32
      %add3A_1305 = arith.addi %add3A_1286, %add3A_1304 : i32
      %add3A_1306 = arith.constant 48 : i32
      %add3A_1307 = arith.addi %add3A_1305, %add3A_1306 : i32
      %swap3A_1308 = arith.index_cast %add3A_1307 : i32 to index
      %swap3A_1309 = tpu.vector_load %arg11[%swap3A_1308] {strides = array<i32>} : memref<49152xf32, #tpu.memory_space<vmem>>, vector<16xf32>,
      tpu.vector_store %arg11[%swap3A_1308], %gather3A_772 {strides = array<i32>} : memref<49152xf32, #tpu.memory_space<vmem>>, vector<16xf32>,
      %add3A_1310 = arith.constant 0 : i32
      %add3A_1311 = arith.addi %add3A_1286, %add3A_1310 : i32
      %add3A_1312 = arith.constant 64 : i32
      %add3A_1313 = arith.addi %add3A_1311, %add3A_1312 : i32
      %swap3A_1314 = arith.index_cast %add3A_1313 : i32 to index
      %swap3A_1315 = tpu.vector_load %arg11[%swap3A_1314] {strides = array<i32>} : memref<49152xf32, #tpu.memory_space<vmem>>, vector<16xf32>,
      tpu.vector_store %arg11[%swap3A_1314], %gather3A_775 {strides = array<i32>} : memref<49152xf32, #tpu.memory_space<vmem>>, vector<16xf32>,
      %add3A_1316 = arith.constant 0 : i32
      %add3A_1317 = arith.addi %add3A_1286, %add3A_1316 : i32
      %add3A_1318 = arith.constant 80 : i32
      %add3A_1319 = arith.addi %add3A_1317, %add3A_1318 : i32
      %swap3A_1320 = arith.index_cast %add3A_1319 : i32 to index
      %swap3A_1321 = tpu.vector_load %arg11[%swap3A_1320] {strides = array<i32>} : memref<49152xf32, #tpu.memory_space<vmem>>, vector<16xf32>,
      tpu.vector_store %arg11[%swap3A_1320], %gather3A_778 {strides = array<i32>} : memref<49152xf32, #tpu.memory_space<vmem>>, vector<16xf32>,
      %add3A_1322 = arith.constant 0 : i32
      %add3A_1323 = arith.addi %add3A_1286, %add3A_1322 : i32
      %add3A_1324 = arith.constant 96 : i32
      %add3A_1325 = arith.addi %add3A_1323, %add3A_1324 : i32
      %swap3A_1326 = arith.index_cast %add3A_1325 : i32 to index
      %swap3A_1327 = tpu.vector_load %arg11[%swap3A_1326] {strides = array<i32>} : memref<49152xf32, #tpu.memory_space<vmem>>, vector<16xf32>,
      tpu.vector_store %arg11[%swap3A_1326], %gather3A_772 {strides = array<i32>} : memref<49152xf32, #tpu.memory_space<vmem>>, vector<16xf32>,
      %add3A_1328 = arith.constant 0 : i32
      %add3A_1329 = arith.addi %add3A_1286, %add3A_1328 : i32
      %add3A_1330 = arith.constant 112 : i32
      %add3A_1331 = arith.addi %add3A_1329, %add3A_1330 : i32
      %swap3A_1332 = arith.index_cast %add3A_1331 : i32 to index
      %swap3A_1333 = tpu.vector_load %arg11[%swap3A_1332] {strides = array<i32>} : memref<49152xf32, #tpu.memory_space<vmem>>, vector<16xf32>,
      tpu.vector_store %arg11[%swap3A_1332], %gather3A_775 {strides = array<i32>} : memref<49152xf32, #tpu.memory_space<vmem>>, vector<16xf32>,
      %add3A_1334 = arith.constant 1024 : i32
      %add3A_1335 = arith.addi %add3A_1286, %add3A_1334 : i32
      %add3A_1336 = arith.constant 0 : i32
      %add3A_1337 = arith.addi %add3A_1335, %add3A_1336 : i32
      %swap3A_1338 = arith.index_cast %add3A_1337 : i32 to index
      %swap3A_1339 = tpu.vector_load %arg11[%swap3A_1338] {strides = array<i32>} : memref<49152xf32, #tpu.memory_space<vmem>>, vector<16xf32>,
      tpu.vector_store %arg11[%swap3A_1338], %gather3A_778 {strides = array<i32>} : memref<49152xf32, #tpu.memory_space<vmem>>, vector<16xf32>,
      %add3A_1340 = arith.constant 1024 : i32
      %add3A_1341 = arith.addi %add3A_1286, %add3A_1340 : i32
      %add3A_1342 = arith.constant 16 : i32
      %add3A_1343 = arith.addi %add3A_1341, %add3A_1342 : i32
      %swap3A_1344 = arith.index_cast %add3A_1343 : i32 to index
      %swap3A_1345 = tpu.vector_load %arg11[%swap3A_1344] {strides = array<i32>} : memref<49152xf32, #tpu.memory_space<vmem>>, vector<16xf32>,
      tpu.vector_store %arg11[%swap3A_1344], %gather3A_772 {strides = array<i32>} : memref<49152xf32, #tpu.memory_space<vmem>>, vector<16xf32>,
      %add3A_1346 = arith.constant 1024 : i32
      %add3A_1347 = arith.addi %add3A_1286, %add3A_1346 : i32
      %add3A_1348 = arith.constant 32 : i32
      %add3A_1349 = arith.addi %add3A_1347, %add3A_1348 : i32
      %swap3A_1350 = arith.index_cast %add3A_1349 : i32 to index
      %swap3A_1351 = tpu.vector_load %arg11[%swap3A_1350] {strides = array<i32>} : memref<49152xf32, #tpu.memory_space<vmem>>, vector<16xf32>,
      tpu.vector_store %arg11[%swap3A_1350], %gather3A_775 {strides = array<i32>} : memref<49152xf32, #tpu.memory_space<vmem>>, vector<16xf32>,
      %add3A_1352 = arith.constant 1024 : i32
      %add3A_1353 = arith.addi %add3A_1286, %add3A_1352 : i32
      %add3A_1354 = arith.constant 48 : i32
      %add3A_1355 = arith.addi %add3A_1353, %add3A_1354 : i32
      %swap3A_1356 = arith.index_cast %add3A_1355 : i32 to index
      %swap3A_1357 = tpu.vector_load %arg11[%swap3A_1356] {strides = array<i32>} : memref<49152xf32, #tpu.memory_space<vmem>>, vector<16xf32>,
      tpu.vector_store %arg11[%swap3A_1356], %gather3A_778 {strides = array<i32>} : memref<49152xf32, #tpu.memory_space<vmem>>, vector<16xf32>,
      %add3A_1358 = arith.constant 1024 : i32
      %add3A_1359 = arith.addi %add3A_1286, %add3A_1358 : i32
      %add3A_1360 = arith.constant 64 : i32
      %add3A_1361 = arith.addi %add3A_1359, %add3A_1360 : i32
      %swap3A_1362 = arith.index_cast %add3A_1361 : i32 to index
      %swap3A_1363 = tpu.vector_load %arg11[%swap3A_1362] {strides = array<i32>} : memref<49152xf32, #tpu.memory_space<vmem>>, vector<16xf32>,
      tpu.vector_store %arg11[%swap3A_1362], %gather3A_772 {strides = array<i32>} : memref<49152xf32, #tpu.memory_space<vmem>>, vector<16xf32>,
      %add3A_1364 = arith.constant 1024 : i32
      %add3A_1365 = arith.addi %add3A_1286, %add3A_1364 : i32
      %add3A_1366 = arith.constant 80 : i32
      %add3A_1367 = arith.addi %add3A_1365, %add3A_1366 : i32
      %swap3A_1368 = arith.index_cast %add3A_1367 : i32 to index
      %swap3A_1369 = tpu.vector_load %arg11[%swap3A_1368] {strides = array<i32>} : memref<49152xf32, #tpu.memory_space<vmem>>, vector<16xf32>,
      tpu.vector_store %arg11[%swap3A_1368], %gather3A_775 {strides = array<i32>} : memref<49152xf32, #tpu.memory_space<vmem>>, vector<16xf32>,
      %add3A_1370 = arith.constant 1024 : i32
      %add3A_1371 = arith.addi %add3A_1286, %add3A_1370 : i32
      %add3A_1372 = arith.constant 96 : i32
      %add3A_1373 = arith.addi %add3A_1371, %add3A_1372 : i32
      %swap3A_1374 = arith.index_cast %add3A_1373 : i32 to index
      %swap3A_1375 = tpu.vector_load %arg11[%swap3A_1374] {strides = array<i32>} : memref<49152xf32, #tpu.memory_space<vmem>>, vector<16xf32>,
      tpu.vector_store %arg11[%swap3A_1374], %gather3A_778 {strides = array<i32>} : memref<49152xf32, #tpu.memory_space<vmem>>, vector<16xf32>,
      %add3A_1376 = arith.constant 1024 : i32
      %add3A_1377 = arith.addi %add3A_1286, %add3A_1376 : i32
      %add3A_1378 = arith.constant 112 : i32
      %add3A_1379 = arith.addi %add3A_1377, %add3A_1378 : i32
      %swap3A_1380 = arith.index_cast %add3A_1379 : i32 to index
      %swap3A_1381 = tpu.vector_load %arg11[%swap3A_1380] {strides = array<i32>} : memref<49152xf32, #tpu.memory_space<vmem>>, vector<16xf32>,
      tpu.vector_store %arg11[%swap3A_1380], %gather3A_772 {strides = array<i32>} : memref<49152xf32, #tpu.memory_space<vmem>>, vector<16xf32>,
      %add3A_1382 = arith.constant 2048 : i32
      %add3A_1383 = arith.addi %add3A_1286, %add3A_1382 : i32
      %add3A_1384 = arith.constant 0 : i32
      %add3A_1385 = arith.addi %add3A_1383, %add3A_1384 : i32
      %swap3A_1386 = arith.index_cast %add3A_1385 : i32 to index
      %swap3A_1387 = tpu.vector_load %arg11[%swap3A_1386] {strides = array<i32>} : memref<49152xf32, #tpu.memory_space<vmem>>, vector<16xf32>,
      tpu.vector_store %arg11[%swap3A_1386], %gather3A_775 {strides = array<i32>} : memref<49152xf32, #tpu.memory_space<vmem>>, vector<16xf32>,
      %add3A_1388 = arith.constant 2048 : i32
      %add3A_1389 = arith.addi %add3A_1286, %add3A_1388 : i32
      %add3A_1390 = arith.constant 16 : i32
      %add3A_1391 = arith.addi %add3A_1389, %add3A_1390 : i32
      %swap3A_1392 = arith.index_cast %add3A_1391 : i32 to index
      %swap3A_1393 = tpu.vector_load %arg11[%swap3A_1392] {strides = array<i32>} : memref<49152xf32, #tpu.memory_space<vmem>>, vector<16xf32>,
      tpu.vector_store %arg11[%swap3A_1392], %gather3A_778 {strides = array<i32>} : memref<49152xf32, #tpu.memory_space<vmem>>, vector<16xf32>,
      %add3A_1394 = arith.constant 2048 : i32
      %add3A_1395 = arith.addi %add3A_1286, %add3A_1394 : i32
      %add3A_1396 = arith.constant 32 : i32
      %add3A_1397 = arith.addi %add3A_1395, %add3A_1396 : i32
      %swap3A_1398 = arith.index_cast %add3A_1397 : i32 to index
      %swap3A_1399 = tpu.vector_load %arg11[%swap3A_1398] {strides = array<i32>} : memref<49152xf32, #tpu.memory_space<vmem>>, vector<16xf32>,
      tpu.vector_store %arg11[%swap3A_1398], %gather3A_772 {strides = array<i32>} : memref<49152xf32, #tpu.memory_space<vmem>>, vector<16xf32>,
      %add3A_1400 = arith.constant 2048 : i32
      %add3A_1401 = arith.addi %add3A_1286, %add3A_1400 : i32
      %add3A_1402 = arith.constant 48 : i32
      %add3A_1403 = arith.addi %add3A_1401, %add3A_1402 : i32
      %swap3A_1404 = arith.index_cast %add3A_1403 : i32 to index
      %swap3A_1405 = tpu.vector_load %arg11[%swap3A_1404] {strides = array<i32>} : memref<49152xf32, #tpu.memory_space<vmem>>, vector<16xf32>,
      tpu.vector_store %arg11[%swap3A_1404], %gather3A_775 {strides = array<i32>} : memref<49152xf32, #tpu.memory_space<vmem>>, vector<16xf32>,
      %add3A_1406 = arith.constant 2048 : i32
      %add3A_1407 = arith.addi %add3A_1286, %add3A_1406 : i32
      %add3A_1408 = arith.constant 64 : i32
      %add3A_1409 = arith.addi %add3A_1407, %add3A_1408 : i32
      %swap3A_1410 = arith.index_cast %add3A_1409 : i32 to index
      %swap3A_1411 = tpu.vector_load %arg11[%swap3A_1410] {strides = array<i32>} : memref<49152xf32, #tpu.memory_space<vmem>>, vector<16xf32>,
      tpu.vector_store %arg11[%swap3A_1410], %gather3A_778 {strides = array<i32>} : memref<49152xf32, #tpu.memory_space<vmem>>, vector<16xf32>,
      %add3A_1412 = arith.constant 2048 : i32
      %add3A_1413 = arith.addi %add3A_1286, %add3A_1412 : i32
      %add3A_1414 = arith.constant 80 : i32
      %add3A_1415 = arith.addi %add3A_1413, %add3A_1414 : i32
      %swap3A_1416 = arith.index_cast %add3A_1415 : i32 to index
      %swap3A_1417 = tpu.vector_load %arg11[%swap3A_1416] {strides = array<i32>} : memref<49152xf32, #tpu.memory_space<vmem>>, vector<16xf32>,
      tpu.vector_store %arg11[%swap3A_1416], %gather3A_772 {strides = array<i32>} : memref<49152xf32, #tpu.memory_space<vmem>>, vector<16xf32>,
      %add3A_1418 = arith.constant 2048 : i32
      %add3A_1419 = arith.addi %add3A_1286, %add3A_1418 : i32
      %add3A_1420 = arith.constant 96 : i32
      %add3A_1421 = arith.addi %add3A_1419, %add3A_1420 : i32
      %swap3A_1422 = arith.index_cast %add3A_1421 : i32 to index
      %swap3A_1423 = tpu.vector_load %arg11[%swap3A_1422] {strides = array<i32>} : memref<49152xf32, #tpu.memory_space<vmem>>, vector<16xf32>,
      tpu.vector_store %arg11[%swap3A_1422], %gather3A_775 {strides = array<i32>} : memref<49152xf32, #tpu.memory_space<vmem>>, vector<16xf32>,
      %add3A_1424 = arith.constant 2048 : i32
      %add3A_1425 = arith.addi %add3A_1286, %add3A_1424 : i32
      %add3A_1426 = arith.constant 112 : i32
      %add3A_1427 = arith.addi %add3A_1425, %add3A_1426 : i32
      %swap3A_1428 = arith.index_cast %add3A_1427 : i32 to index
      %swap3A_1429 = tpu.vector_load %arg11[%swap3A_1428] {strides = array<i32>} : memref<49152xf32, #tpu.memory_space<vmem>>, vector<16xf32>,
      tpu.vector_store %arg11[%swap3A_1428], %gather3A_778 {strides = array<i32>} : memref<49152xf32, #tpu.memory_space<vmem>>, vector<16xf32>,
    }
    %scan3A_784 = arith.constant 8 : i32
    %get3A_785 = arith.constant 1584 : index
    %get3A_786 = tpu.vector_load %arg14[%get3A_785] {strides = array<i32>} : memref<1680xi32, #tpu.memory_space<vmem>>, vector<16xi32>,
    %gather3A_787 = tpu.vector_load_idx %arg10[%get3A_786] : memref<32784xf32, #tpu.memory_space<vmem>>[vector<16xi32>], vector<16xf32>,
    %get3A_788 = arith.constant 1600 : index
    %get3A_789 = tpu.vector_load %arg14[%get3A_788] {strides = array<i32>} : memref<1680xi32, #tpu.memory_space<vmem>>, vector<16xi32>,
    %gather3A_790 = tpu.vector_load_idx %arg10[%get3A_789] : memref<32784xf32, #tpu.memory_space<vmem>>[vector<16xi32>], vector<16xf32>,
    %get3A_791 = arith.constant 1616 : index
    %get3A_792 = tpu.vector_load %arg14[%get3A_791] {strides = array<i32>} : memref<1680xi32, #tpu.memory_space<vmem>>, vector<16xi32>,
    %gather3A_793 = tpu.vector_load_idx %arg10[%get3A_792] : memref<32784xf32, #tpu.memory_space<vmem>>[vector<16xi32>], vector<16xf32>,
    %scan3A_794 = arith.constant 0 : i32
    %scan3A_795 = arith.constant 8 : i32
    %scan3A_796 = arith.constant 8 : i32
    %scan3A_797 = arith.addi %scan3A_795, %scan3A_796 : i32
    %scan3A_798 = arith.constant 1 : i32
    scf.for %scan3A_1282 = %scan3A_795 to %scan3A_797 step %scan3A_798  : i32 {
      %mul3A_1283 = arith.constant 3072 : i32
      %mul3A_1284 = arith.muli %scan3A_1282, %mul3A_1283 : i32
      %add3A_1285 = arith.constant 640 : i32
      %add3A_1286 = arith.addi %mul3A_1284, %add3A_1285 : i32
      %add3A_1287 = arith.constant 0 : i32
      %add3A_1288 = arith.addi %add3A_1286, %add3A_1287 : i32
      %add3A_1289 = arith.constant 0 : i32
      %add3A_1290 = arith.addi %add3A_1288, %add3A_1289 : i32
      %swap3A = arith.index_cast %add3A_1290 : i32 to index
      %swap3A_1291 = tpu.vector_load %arg11[%swap3A] {strides = array<i32>} : memref<49152xf32, #tpu.memory_space<vmem>>, vector<16xf32>,
      tpu.vector_store %arg11[%swap3A], %gather3A_787 {strides = array<i32>} : memref<49152xf32, #tpu.memory_space<vmem>>, vector<16xf32>,
      %add3A_1292 = arith.constant 0 : i32
      %add3A_1293 = arith.addi %add3A_1286, %add3A_1292 : i32
      %add3A_1294 = arith.constant 16 : i32
      %add3A_1295 = arith.addi %add3A_1293, %add3A_1294 : i32
      %swap3A_1296 = arith.index_cast %add3A_1295 : i32 to index
      %swap3A_1297 = tpu.vector_load %arg11[%swap3A_1296] {strides = array<i32>} : memref<49152xf32, #tpu.memory_space<vmem>>, vector<16xf32>,
      tpu.vector_store %arg11[%swap3A_1296], %gather3A_790 {strides = array<i32>} : memref<49152xf32, #tpu.memory_space<vmem>>, vector<16xf32>,
      %add3A_1298 = arith.constant 0 : i32
      %add3A_1299 = arith.addi %add3A_1286, %add3A_1298 : i32
      %add3A_1300 = arith.constant 32 : i32
      %add3A_1301 = arith.addi %add3A_1299, %add3A_1300 : i32
      %swap3A_1302 = arith.index_cast %add3A_1301 : i32 to index
      %swap3A_1303 = tpu.vector_load %arg11[%swap3A_1302] {strides = array<i32>} : memref<49152xf32, #tpu.memory_space<vmem>>, vector<16xf32>,
      tpu.vector_store %arg11[%swap3A_1302], %gather3A_793 {strides = array<i32>} : memref<49152xf32, #tpu.memory_space<vmem>>, vector<16xf32>,
      %add3A_1304 = arith.constant 0 : i32
      %add3A_1305 = arith.addi %add3A_1286, %add3A_1304 : i32
      %add3A_1306 = arith.constant 48 : i32
      %add3A_1307 = arith.addi %add3A_1305, %add3A_1306 : i32
      %swap3A_1308 = arith.index_cast %add3A_1307 : i32 to index
      %swap3A_1309 = tpu.vector_load %arg11[%swap3A_1308] {strides = array<i32>} : memref<49152xf32, #tpu.memory_space<vmem>>, vector<16xf32>,
      tpu.vector_store %arg11[%swap3A_1308], %gather3A_787 {strides = array<i32>} : memref<49152xf32, #tpu.memory_space<vmem>>, vector<16xf32>,
      %add3A_1310 = arith.constant 0 : i32
      %add3A_1311 = arith.addi %add3A_1286, %add3A_1310 : i32
      %add3A_1312 = arith.constant 64 : i32
      %add3A_1313 = arith.addi %add3A_1311, %add3A_1312 : i32
      %swap3A_1314 = arith.index_cast %add3A_1313 : i32 to index
      %swap3A_1315 = tpu.vector_load %arg11[%swap3A_1314] {strides = array<i32>} : memref<49152xf32, #tpu.memory_space<vmem>>, vector<16xf32>,
      tpu.vector_store %arg11[%swap3A_1314], %gather3A_790 {strides = array<i32>} : memref<49152xf32, #tpu.memory_space<vmem>>, vector<16xf32>,
      %add3A_1316 = arith.constant 0 : i32
      %add3A_1317 = arith.addi %add3A_1286, %add3A_1316 : i32
      %add3A_1318 = arith.constant 80 : i32
      %add3A_1319 = arith.addi %add3A_1317, %add3A_1318 : i32
      %swap3A_1320 = arith.index_cast %add3A_1319 : i32 to index
      %swap3A_1321 = tpu.vector_load %arg11[%swap3A_1320] {strides = array<i32>} : memref<49152xf32, #tpu.memory_space<vmem>>, vector<16xf32>,
      tpu.vector_store %arg11[%swap3A_1320], %gather3A_793 {strides = array<i32>} : memref<49152xf32, #tpu.memory_space<vmem>>, vector<16xf32>,
      %add3A_1322 = arith.constant 0 : i32
      %add3A_1323 = arith.addi %add3A_1286, %add3A_1322 : i32
      %add3A_1324 = arith.constant 96 : i32
      %add3A_1325 = arith.addi %add3A_1323, %add3A_1324 : i32
      %swap3A_1326 = arith.index_cast %add3A_1325 : i32 to index
      %swap3A_1327 = tpu.vector_load %arg11[%swap3A_1326] {strides = array<i32>} : memref<49152xf32, #tpu.memory_space<vmem>>, vector<16xf32>,
      tpu.vector_store %arg11[%swap3A_1326], %gather3A_787 {strides = array<i32>} : memref<49152xf32, #tpu.memory_space<vmem>>, vector<16xf32>,
      %add3A_1328 = arith.constant 0 : i32
      %add3A_1329 = arith.addi %add3A_1286, %add3A_1328 : i32
      %add3A_1330 = arith.constant 112 : i32
      %add3A_1331 = arith.addi %add3A_1329, %add3A_1330 : i32
      %swap3A_1332 = arith.index_cast %add3A_1331 : i32 to index
      %swap3A_1333 = tpu.vector_load %arg11[%swap3A_1332] {strides = array<i32>} : memref<49152xf32, #tpu.memory_space<vmem>>, vector<16xf32>,
      tpu.vector_store %arg11[%swap3A_1332], %gather3A_790 {strides = array<i32>} : memref<49152xf32, #tpu.memory_space<vmem>>, vector<16xf32>,
      %add3A_1334 = arith.constant 1024 : i32
      %add3A_1335 = arith.addi %add3A_1286, %add3A_1334 : i32
      %add3A_1336 = arith.constant 0 : i32
      %add3A_1337 = arith.addi %add3A_1335, %add3A_1336 : i32
      %swap3A_1338 = arith.index_cast %add3A_1337 : i32 to index
      %swap3A_1339 = tpu.vector_load %arg11[%swap3A_1338] {strides = array<i32>} : memref<49152xf32, #tpu.memory_space<vmem>>, vector<16xf32>,
      tpu.vector_store %arg11[%swap3A_1338], %gather3A_793 {strides = array<i32>} : memref<49152xf32, #tpu.memory_space<vmem>>, vector<16xf32>,
      %add3A_1340 = arith.constant 1024 : i32
      %add3A_1341 = arith.addi %add3A_1286, %add3A_1340 : i32
      %add3A_1342 = arith.constant 16 : i32
      %add3A_1343 = arith.addi %add3A_1341, %add3A_1342 : i32
      %swap3A_1344 = arith.index_cast %add3A_1343 : i32 to index
      %swap3A_1345 = tpu.vector_load %arg11[%swap3A_1344] {strides = array<i32>} : memref<49152xf32, #tpu.memory_space<vmem>>, vector<16xf32>,
      tpu.vector_store %arg11[%swap3A_1344], %gather3A_787 {strides = array<i32>} : memref<49152xf32, #tpu.memory_space<vmem>>, vector<16xf32>,
      %add3A_1346 = arith.constant 1024 : i32
      %add3A_1347 = arith.addi %add3A_1286, %add3A_1346 : i32
      %add3A_1348 = arith.constant 32 : i32
      %add3A_1349 = arith.addi %add3A_1347, %add3A_1348 : i32
      %swap3A_1350 = arith.index_cast %add3A_1349 : i32 to index
      %swap3A_1351 = tpu.vector_load %arg11[%swap3A_1350] {strides = array<i32>} : memref<49152xf32, #tpu.memory_space<vmem>>, vector<16xf32>,
      tpu.vector_store %arg11[%swap3A_1350], %gather3A_790 {strides = array<i32>} : memref<49152xf32, #tpu.memory_space<vmem>>, vector<16xf32>,
      %add3A_1352 = arith.constant 1024 : i32
      %add3A_1353 = arith.addi %add3A_1286, %add3A_1352 : i32
      %add3A_1354 = arith.constant 48 : i32
      %add3A_1355 = arith.addi %add3A_1353, %add3A_1354 : i32
      %swap3A_1356 = arith.index_cast %add3A_1355 : i32 to index
      %swap3A_1357 = tpu.vector_load %arg11[%swap3A_1356] {strides = array<i32>} : memref<49152xf32, #tpu.memory_space<vmem>>, vector<16xf32>,
      tpu.vector_store %arg11[%swap3A_1356], %gather3A_793 {strides = array<i32>} : memref<49152xf32, #tpu.memory_space<vmem>>, vector<16xf32>,
      %add3A_1358 = arith.constant 1024 : i32
      %add3A_1359 = arith.addi %add3A_1286, %add3A_1358 : i32
      %add3A_1360 = arith.constant 64 : i32
      %add3A_1361 = arith.addi %add3A_1359, %add3A_1360 : i32
      %swap3A_1362 = arith.index_cast %add3A_1361 : i32 to index
      %swap3A_1363 = tpu.vector_load %arg11[%swap3A_1362] {strides = array<i32>} : memref<49152xf32, #tpu.memory_space<vmem>>, vector<16xf32>,
      tpu.vector_store %arg11[%swap3A_1362], %gather3A_787 {strides = array<i32>} : memref<49152xf32, #tpu.memory_space<vmem>>, vector<16xf32>,
      %add3A_1364 = arith.constant 1024 : i32
      %add3A_1365 = arith.addi %add3A_1286, %add3A_1364 : i32
      %add3A_1366 = arith.constant 80 : i32
      %add3A_1367 = arith.addi %add3A_1365, %add3A_1366 : i32
      %swap3A_1368 = arith.index_cast %add3A_1367 : i32 to index
      %swap3A_1369 = tpu.vector_load %arg11[%swap3A_1368] {strides = array<i32>} : memref<49152xf32, #tpu.memory_space<vmem>>, vector<16xf32>,
      tpu.vector_store %arg11[%swap3A_1368], %gather3A_790 {strides = array<i32>} : memref<49152xf32, #tpu.memory_space<vmem>>, vector<16xf32>,
      %add3A_1370 = arith.constant 1024 : i32
      %add3A_1371 = arith.addi %add3A_1286, %add3A_1370 : i32
      %add3A_1372 = arith.constant 96 : i32
      %add3A_1373 = arith.addi %add3A_1371, %add3A_1372 : i32
      %swap3A_1374 = arith.index_cast %add3A_1373 : i32 to index
      %swap3A_1375 = tpu.vector_load %arg11[%swap3A_1374] {strides = array<i32>} : memref<49152xf32, #tpu.memory_space<vmem>>, vector<16xf32>,
      tpu.vector_store %arg11[%swap3A_1374], %gather3A_793 {strides = array<i32>} : memref<49152xf32, #tpu.memory_space<vmem>>, vector<16xf32>,
      %add3A_1376 = arith.constant 1024 : i32
      %add3A_1377 = arith.addi %add3A_1286, %add3A_1376 : i32
      %add3A_1378 = arith.constant 112 : i32
      %add3A_1379 = arith.addi %add3A_1377, %add3A_1378 : i32
      %swap3A_1380 = arith.index_cast %add3A_1379 : i32 to index
      %swap3A_1381 = tpu.vector_load %arg11[%swap3A_1380] {strides = array<i32>} : memref<49152xf32, #tpu.memory_space<vmem>>, vector<16xf32>,
      tpu.vector_store %arg11[%swap3A_1380], %gather3A_787 {strides = array<i32>} : memref<49152xf32, #tpu.memory_space<vmem>>, vector<16xf32>,
      %add3A_1382 = arith.constant 2048 : i32
      %add3A_1383 = arith.addi %add3A_1286, %add3A_1382 : i32
      %add3A_1384 = arith.constant 0 : i32
      %add3A_1385 = arith.addi %add3A_1383, %add3A_1384 : i32
      %swap3A_1386 = arith.index_cast %add3A_1385 : i32 to index
      %swap3A_1387 = tpu.vector_load %arg11[%swap3A_1386] {strides = array<i32>} : memref<49152xf32, #tpu.memory_space<vmem>>, vector<16xf32>,
      tpu.vector_store %arg11[%swap3A_1386], %gather3A_790 {strides = array<i32>} : memref<49152xf32, #tpu.memory_space<vmem>>, vector<16xf32>,
      %add3A_1388 = arith.constant 2048 : i32
      %add3A_1389 = arith.addi %add3A_1286, %add3A_1388 : i32
      %add3A_1390 = arith.constant 16 : i32
      %add3A_1391 = arith.addi %add3A_1389, %add3A_1390 : i32
      %swap3A_1392 = arith.index_cast %add3A_1391 : i32 to index
      %swap3A_1393 = tpu.vector_load %arg11[%swap3A_1392] {strides = array<i32>} : memref<49152xf32, #tpu.memory_space<vmem>>, vector<16xf32>,
      tpu.vector_store %arg11[%swap3A_1392], %gather3A_793 {strides = array<i32>} : memref<49152xf32, #tpu.memory_space<vmem>>, vector<16xf32>,
      %add3A_1394 = arith.constant 2048 : i32
      %add3A_1395 = arith.addi %add3A_1286, %add3A_1394 : i32
      %add3A_1396 = arith.constant 32 : i32
      %add3A_1397 = arith.addi %add3A_1395, %add3A_1396 : i32
      %swap3A_1398 = arith.index_cast %add3A_1397 : i32 to index
      %swap3A_1399 = tpu.vector_load %arg11[%swap3A_1398] {strides = array<i32>} : memref<49152xf32, #tpu.memory_space<vmem>>, vector<16xf32>,
      tpu.vector_store %arg11[%swap3A_1398], %gather3A_787 {strides = array<i32>} : memref<49152xf32, #tpu.memory_space<vmem>>, vector<16xf32>,
      %add3A_1400 = arith.constant 2048 : i32
      %add3A_1401 = arith.addi %add3A_1286, %add3A_1400 : i32
      %add3A_1402 = arith.constant 48 : i32
      %add3A_1403 = arith.addi %add3A_1401, %add3A_1402 : i32
      %swap3A_1404 = arith.index_cast %add3A_1403 : i32 to index
      %swap3A_1405 = tpu.vector_load %arg11[%swap3A_1404] {strides = array<i32>} : memref<49152xf32, #tpu.memory_space<vmem>>, vector<16xf32>,
      tpu.vector_store %arg11[%swap3A_1404], %gather3A_790 {strides = array<i32>} : memref<49152xf32, #tpu.memory_space<vmem>>, vector<16xf32>,
      %add3A_1406 = arith.constant 2048 : i32
      %add3A_1407 = arith.addi %add3A_1286, %add3A_1406 : i32
      %add3A_1408 = arith.constant 64 : i32
      %add3A_1409 = arith.addi %add3A_1407, %add3A_1408 : i32
      %swap3A_1410 = arith.index_cast %add3A_1409 : i32 to index
      %swap3A_1411 = tpu.vector_load %arg11[%swap3A_1410] {strides = array<i32>} : memref<49152xf32, #tpu.memory_space<vmem>>, vector<16xf32>,
      tpu.vector_store %arg11[%swap3A_1410], %gather3A_793 {strides = array<i32>} : memref<49152xf32, #tpu.memory_space<vmem>>, vector<16xf32>,
      %add3A_1412 = arith.constant 2048 : i32
      %add3A_1413 = arith.addi %add3A_1286, %add3A_1412 : i32
      %add3A_1414 = arith.constant 80 : i32
      %add3A_1415 = arith.addi %add3A_1413, %add3A_1414 : i32
      %swap3A_1416 = arith.index_cast %add3A_1415 : i32 to index
      %swap3A_1417 = tpu.vector_load %arg11[%swap3A_1416] {strides = array<i32>} : memref<49152xf32, #tpu.memory_space<vmem>>, vector<16xf32>,
      tpu.vector_store %arg11[%swap3A_1416], %gather3A_787 {strides = array<i32>} : memref<49152xf32, #tpu.memory_space<vmem>>, vector<16xf32>,
      %add3A_1418 = arith.constant 2048 : i32
      %add3A_1419 = arith.addi %add3A_1286, %add3A_1418 : i32
      %add3A_1420 = arith.constant 96 : i32
      %add3A_1421 = arith.addi %add3A_1419, %add3A_1420 : i32
      %swap3A_1422 = arith.index_cast %add3A_1421 : i32 to index
      %swap3A_1423 = tpu.vector_load %arg11[%swap3A_1422] {strides = array<i32>} : memref<49152xf32, #tpu.memory_space<vmem>>, vector<16xf32>,
      tpu.vector_store %arg11[%swap3A_1422], %gather3A_790 {strides = array<i32>} : memref<49152xf32, #tpu.memory_space<vmem>>, vector<16xf32>,
      %add3A_1424 = arith.constant 2048 : i32
      %add3A_1425 = arith.addi %add3A_1286, %add3A_1424 : i32
      %add3A_1426 = arith.constant 112 : i32
      %add3A_1427 = arith.addi %add3A_1425, %add3A_1426 : i32
      %swap3A_1428 = arith.index_cast %add3A_1427 : i32 to index
      %swap3A_1429 = tpu.vector_load %arg11[%swap3A_1428] {strides = array<i32>} : memref<49152xf32, #tpu.memory_space<vmem>>, vector<16xf32>,
      tpu.vector_store %arg11[%swap3A_1428], %gather3A_793 {strides = array<i32>} : memref<49152xf32, #tpu.memory_space<vmem>>, vector<16xf32>,
    }
    %scan3A_799 = arith.constant 8 : i32
    %add3A_800 = arith.constant 24576 : i32
    %add3A_801 = arith.addi %mul3A_115, %add3A_800 : i32
    %dma_start3A_802 = arith.constant 24576 : i32
    %dma_start3A_803 = tpu.memref_slice %arg11[%dma_start3A_802] : memref<49152xf32, #tpu.memory_space<vmem>> -> memref<768xf32, #tpu.memory_space<vmem>>
    %dma_start3A_804 = tpu.memref_slice %arg8[%add3A_801] : memref<1572864xf32, #tpu.memory_space<hbm>> -> memref<768xf32, #tpu.memory_space<hbm>>
    %dma_start3A_805 = tpu.memref_slice %arg8[%add3A_801] : memref<1572864xf32, #tpu.memory_space<hbm>> -> memref<768xf32, #tpu.memory_space<hbm>>
    %dma_start3A_806 = arith.constant 24576 : i32
    %dma_start3A_807 = tpu.memref_slice %arg11[%dma_start3A_806] : memref<49152xf32, #tpu.memory_space<vmem>> -> memref<768xf32, #tpu.memory_space<vmem>>
    tpu.enqueue_dma source(%dma_start3A_807 : memref<768xf32, #tpu.memory_space<vmem>>) target(%dma_start3A_805 : memref<768xf32, #tpu.memory_space<hbm>>) target_semaphore(%arg17 : memref<!tpu.dma_semaphore, #tpu.memory_space<semaphore_mem>>)
    %add3A_808 = arith.constant 25600 : i32
    %add3A_809 = arith.addi %mul3A_115, %add3A_808 : i32
    %dma_start3A_810 = arith.constant 25600 : i32
    %dma_start3A_811 = tpu.memref_slice %arg11[%dma_start3A_810] : memref<49152xf32, #tpu.memory_space<vmem>> -> memref<768xf32, #tpu.memory_space<vmem>>
    %dma_start3A_812 = tpu.memref_slice %arg8[%add3A_809] : memref<1572864xf32, #tpu.memory_space<hbm>> -> memref<768xf32, #tpu.memory_space<hbm>>
    %dma_start3A_813 = tpu.memref_slice %arg8[%add3A_809] : memref<1572864xf32, #tpu.memory_space<hbm>> -> memref<768xf32, #tpu.memory_space<hbm>>
    %dma_start3A_814 = arith.constant 25600 : i32
    %dma_start3A_815 = tpu.memref_slice %arg11[%dma_start3A_814] : memref<49152xf32, #tpu.memory_space<vmem>> -> memref<768xf32, #tpu.memory_space<vmem>>
    tpu.enqueue_dma source(%dma_start3A_815 : memref<768xf32, #tpu.memory_space<vmem>>) target(%dma_start3A_813 : memref<768xf32, #tpu.memory_space<hbm>>) target_semaphore(%arg17 : memref<!tpu.dma_semaphore, #tpu.memory_space<semaphore_mem>>)
    %add3A_816 = arith.constant 26624 : i32
    %add3A_817 = arith.addi %mul3A_115, %add3A_816 : i32
    %dma_start3A_818 = arith.constant 26624 : i32
    %dma_start3A_819 = tpu.memref_slice %arg11[%dma_start3A_818] : memref<49152xf32, #tpu.memory_space<vmem>> -> memref<768xf32, #tpu.memory_space<vmem>>
    %dma_start3A_820 = tpu.memref_slice %arg8[%add3A_817] : memref<1572864xf32, #tpu.memory_space<hbm>> -> memref<768xf32, #tpu.memory_space<hbm>>
    %dma_start3A_821 = tpu.memref_slice %arg8[%add3A_817] : memref<1572864xf32, #tpu.memory_space<hbm>> -> memref<768xf32, #tpu.memory_space<hbm>>
    %dma_start3A_822 = arith.constant 26624 : i32
    %dma_start3A_823 = tpu.memref_slice %arg11[%dma_start3A_822] : memref<49152xf32, #tpu.memory_space<vmem>> -> memref<768xf32, #tpu.memory_space<vmem>>
    tpu.enqueue_dma source(%dma_start3A_823 : memref<768xf32, #tpu.memory_space<vmem>>) target(%dma_start3A_821 : memref<768xf32, #tpu.memory_space<hbm>>) target_semaphore(%arg17 : memref<!tpu.dma_semaphore, #tpu.memory_space<semaphore_mem>>)
    %add3A_824 = arith.constant 27648 : i32
    %add3A_825 = arith.addi %mul3A_115, %add3A_824 : i32
    %dma_start3A_826 = arith.constant 27648 : i32
    %dma_start3A_827 = tpu.memref_slice %arg11[%dma_start3A_826] : memref<49152xf32, #tpu.memory_space<vmem>> -> memref<768xf32, #tpu.memory_space<vmem>>
    %dma_start3A_828 = tpu.memref_slice %arg8[%add3A_825] : memref<1572864xf32, #tpu.memory_space<hbm>> -> memref<768xf32, #tpu.memory_space<hbm>>
    %dma_start3A_829 = tpu.memref_slice %arg8[%add3A_825] : memref<1572864xf32, #tpu.memory_space<hbm>> -> memref<768xf32, #tpu.memory_space<hbm>>
    %dma_start3A_830 = arith.constant 27648 : i32
    %dma_start3A_831 = tpu.memref_slice %arg11[%dma_start3A_830] : memref<49152xf32, #tpu.memory_space<vmem>> -> memref<768xf32, #tpu.memory_space<vmem>>
    tpu.enqueue_dma source(%dma_start3A_831 : memref<768xf32, #tpu.memory_space<vmem>>) target(%dma_start3A_829 : memref<768xf32, #tpu.memory_space<hbm>>) target_semaphore(%arg17 : memref<!tpu.dma_semaphore, #tpu.memory_space<semaphore_mem>>)
    %add3A_832 = arith.constant 28672 : i32
    %add3A_833 = arith.addi %mul3A_115, %add3A_832 : i32
    %dma_start3A_834 = arith.constant 28672 : i32
    %dma_start3A_835 = tpu.memref_slice %arg11[%dma_start3A_834] : memref<49152xf32, #tpu.memory_space<vmem>> -> memref<768xf32, #tpu.memory_space<vmem>>
    %dma_start3A_836 = tpu.memref_slice %arg8[%add3A_833] : memref<1572864xf32, #tpu.memory_space<hbm>> -> memref<768xf32, #tpu.memory_space<hbm>>
    %dma_start3A_837 = tpu.memref_slice %arg8[%add3A_833] : memref<1572864xf32, #tpu.memory_space<hbm>> -> memref<768xf32, #tpu.memory_space<hbm>>
    %dma_start3A_838 = arith.constant 28672 : i32
    %dma_start3A_839 = tpu.memref_slice %arg11[%dma_start3A_838] : memref<49152xf32, #tpu.memory_space<vmem>> -> memref<768xf32, #tpu.memory_space<vmem>>
    tpu.enqueue_dma source(%dma_start3A_839 : memref<768xf32, #tpu.memory_space<vmem>>) target(%dma_start3A_837 : memref<768xf32, #tpu.memory_space<hbm>>) target_semaphore(%arg17 : memref<!tpu.dma_semaphore, #tpu.memory_space<semaphore_mem>>)
    %add3A_840 = arith.constant 29696 : i32
    %add3A_841 = arith.addi %mul3A_115, %add3A_840 : i32
    %dma_start3A_842 = arith.constant 29696 : i32
    %dma_start3A_843 = tpu.memref_slice %arg11[%dma_start3A_842] : memref<49152xf32, #tpu.memory_space<vmem>> -> memref<768xf32, #tpu.memory_space<vmem>>
    %dma_start3A_844 = tpu.memref_slice %arg8[%add3A_841] : memref<1572864xf32, #tpu.memory_space<hbm>> -> memref<768xf32, #tpu.memory_space<hbm>>
    %dma_start3A_845 = tpu.memref_slice %arg8[%add3A_841] : memref<1572864xf32, #tpu.memory_space<hbm>> -> memref<768xf32, #tpu.memory_space<hbm>>
    %dma_start3A_846 = arith.constant 29696 : i32
    %dma_start3A_847 = tpu.memref_slice %arg11[%dma_start3A_846] : memref<49152xf32, #tpu.memory_space<vmem>> -> memref<768xf32, #tpu.memory_space<vmem>>
    tpu.enqueue_dma source(%dma_start3A_847 : memref<768xf32, #tpu.memory_space<vmem>>) target(%dma_start3A_845 : memref<768xf32, #tpu.memory_space<hbm>>) target_semaphore(%arg17 : memref<!tpu.dma_semaphore, #tpu.memory_space<semaphore_mem>>)
    %add3A_848 = arith.constant 30720 : i32
    %add3A_849 = arith.addi %mul3A_115, %add3A_848 : i32
    %dma_start3A_850 = arith.constant 30720 : i32
    %dma_start3A_851 = tpu.memref_slice %arg11[%dma_start3A_850] : memref<49152xf32, #tpu.memory_space<vmem>> -> memref<768xf32, #tpu.memory_space<vmem>>
    %dma_start3A_852 = tpu.memref_slice %arg8[%add3A_849] : memref<1572864xf32, #tpu.memory_space<hbm>> -> memref<768xf32, #tpu.memory_space<hbm>>
    %dma_start3A_853 = tpu.memref_slice %arg8[%add3A_849] : memref<1572864xf32, #tpu.memory_space<hbm>> -> memref<768xf32, #tpu.memory_space<hbm>>
    %dma_start3A_854 = arith.constant 30720 : i32
    %dma_start3A_855 = tpu.memref_slice %arg11[%dma_start3A_854] : memref<49152xf32, #tpu.memory_space<vmem>> -> memref<768xf32, #tpu.memory_space<vmem>>
    tpu.enqueue_dma source(%dma_start3A_855 : memref<768xf32, #tpu.memory_space<vmem>>) target(%dma_start3A_853 : memref<768xf32, #tpu.memory_space<hbm>>) target_semaphore(%arg17 : memref<!tpu.dma_semaphore, #tpu.memory_space<semaphore_mem>>)
    %add3A_856 = arith.constant 31744 : i32
    %add3A_857 = arith.addi %mul3A_115, %add3A_856 : i32
    %dma_start3A_858 = arith.constant 31744 : i32
    %dma_start3A_859 = tpu.memref_slice %arg11[%dma_start3A_858] : memref<49152xf32, #tpu.memory_space<vmem>> -> memref<768xf32, #tpu.memory_space<vmem>>
    %dma_start3A_860 = tpu.memref_slice %arg8[%add3A_857] : memref<1572864xf32, #tpu.memory_space<hbm>> -> memref<768xf32, #tpu.memory_space<hbm>>
    %dma_start3A_861 = tpu.memref_slice %arg8[%add3A_857] : memref<1572864xf32, #tpu.memory_space<hbm>> -> memref<768xf32, #tpu.memory_space<hbm>>
    %dma_start3A_862 = arith.constant 31744 : i32
    %dma_start3A_863 = tpu.memref_slice %arg11[%dma_start3A_862] : memref<49152xf32, #tpu.memory_space<vmem>> -> memref<768xf32, #tpu.memory_space<vmem>>
    tpu.enqueue_dma source(%dma_start3A_863 : memref<768xf32, #tpu.memory_space<vmem>>) target(%dma_start3A_861 : memref<768xf32, #tpu.memory_space<hbm>>) target_semaphore(%arg17 : memref<!tpu.dma_semaphore, #tpu.memory_space<semaphore_mem>>)
    %add3A_864 = arith.constant 32768 : i32
    %add3A_865 = arith.addi %mul3A_115, %add3A_864 : i32
    %dma_start3A_866 = arith.constant 32768 : i32
    %dma_start3A_867 = tpu.memref_slice %arg11[%dma_start3A_866] : memref<49152xf32, #tpu.memory_space<vmem>> -> memref<768xf32, #tpu.memory_space<vmem>>
    %dma_start3A_868 = tpu.memref_slice %arg8[%add3A_865] : memref<1572864xf32, #tpu.memory_space<hbm>> -> memref<768xf32, #tpu.memory_space<hbm>>
    %dma_start3A_869 = tpu.memref_slice %arg8[%add3A_865] : memref<1572864xf32, #tpu.memory_space<hbm>> -> memref<768xf32, #tpu.memory_space<hbm>>
    %dma_start3A_870 = arith.constant 32768 : i32
    %dma_start3A_871 = tpu.memref_slice %arg11[%dma_start3A_870] : memref<49152xf32, #tpu.memory_space<vmem>> -> memref<768xf32, #tpu.memory_space<vmem>>
    tpu.enqueue_dma source(%dma_start3A_871 : memref<768xf32, #tpu.memory_space<vmem>>) target(%dma_start3A_869 : memref<768xf32, #tpu.memory_space<hbm>>) target_semaphore(%arg17 : memref<!tpu.dma_semaphore, #tpu.memory_space<semaphore_mem>>)
    %add3A_872 = arith.constant 33792 : i32
    %add3A_873 = arith.addi %mul3A_115, %add3A_872 : i32
    %dma_start3A_874 = arith.constant 33792 : i32
    %dma_start3A_875 = tpu.memref_slice %arg11[%dma_start3A_874] : memref<49152xf32, #tpu.memory_space<vmem>> -> memref<768xf32, #tpu.memory_space<vmem>>
    %dma_start3A_876 = tpu.memref_slice %arg8[%add3A_873] : memref<1572864xf32, #tpu.memory_space<hbm>> -> memref<768xf32, #tpu.memory_space<hbm>>
    %dma_start3A_877 = tpu.memref_slice %arg8[%add3A_873] : memref<1572864xf32, #tpu.memory_space<hbm>> -> memref<768xf32, #tpu.memory_space<hbm>>
    %dma_start3A_878 = arith.constant 33792 : i32
    %dma_start3A_879 = tpu.memref_slice %arg11[%dma_start3A_878] : memref<49152xf32, #tpu.memory_space<vmem>> -> memref<768xf32, #tpu.memory_space<vmem>>
    tpu.enqueue_dma source(%dma_start3A_879 : memref<768xf32, #tpu.memory_space<vmem>>) target(%dma_start3A_877 : memref<768xf32, #tpu.memory_space<hbm>>) target_semaphore(%arg17 : memref<!tpu.dma_semaphore, #tpu.memory_space<semaphore_mem>>)
    %add3A_880 = arith.constant 34816 : i32
    %add3A_881 = arith.addi %mul3A_115, %add3A_880 : i32
    %dma_start3A_882 = arith.constant 34816 : i32
    %dma_start3A_883 = tpu.memref_slice %arg11[%dma_start3A_882] : memref<49152xf32, #tpu.memory_space<vmem>> -> memref<768xf32, #tpu.memory_space<vmem>>
    %dma_start3A_884 = tpu.memref_slice %arg8[%add3A_881] : memref<1572864xf32, #tpu.memory_space<hbm>> -> memref<768xf32, #tpu.memory_space<hbm>>
    %dma_start3A_885 = tpu.memref_slice %arg8[%add3A_881] : memref<1572864xf32, #tpu.memory_space<hbm>> -> memref<768xf32, #tpu.memory_space<hbm>>
    %dma_start3A_886 = arith.constant 34816 : i32
    %dma_start3A_887 = tpu.memref_slice %arg11[%dma_start3A_886] : memref<49152xf32, #tpu.memory_space<vmem>> -> memref<768xf32, #tpu.memory_space<vmem>>
    tpu.enqueue_dma source(%dma_start3A_887 : memref<768xf32, #tpu.memory_space<vmem>>) target(%dma_start3A_885 : memref<768xf32, #tpu.memory_space<hbm>>) target_semaphore(%arg17 : memref<!tpu.dma_semaphore, #tpu.memory_space<semaphore_mem>>)
    %add3A_888 = arith.constant 35840 : i32
    %add3A_889 = arith.addi %mul3A_115, %add3A_888 : i32
    %dma_start3A_890 = arith.constant 35840 : i32
    %dma_start3A_891 = tpu.memref_slice %arg11[%dma_start3A_890] : memref<49152xf32, #tpu.memory_space<vmem>> -> memref<768xf32, #tpu.memory_space<vmem>>
    %dma_start3A_892 = tpu.memref_slice %arg8[%add3A_889] : memref<1572864xf32, #tpu.memory_space<hbm>> -> memref<768xf32, #tpu.memory_space<hbm>>
    %dma_start3A_893 = tpu.memref_slice %arg8[%add3A_889] : memref<1572864xf32, #tpu.memory_space<hbm>> -> memref<768xf32, #tpu.memory_space<hbm>>
    %dma_start3A_894 = arith.constant 35840 : i32
    %dma_start3A_895 = tpu.memref_slice %arg11[%dma_start3A_894] : memref<49152xf32, #tpu.memory_space<vmem>> -> memref<768xf32, #tpu.memory_space<vmem>>
    tpu.enqueue_dma source(%dma_start3A_895 : memref<768xf32, #tpu.memory_space<vmem>>) target(%dma_start3A_893 : memref<768xf32, #tpu.memory_space<hbm>>) target_semaphore(%arg17 : memref<!tpu.dma_semaphore, #tpu.memory_space<semaphore_mem>>)
    %add3A_896 = arith.constant 36864 : i32
    %add3A_897 = arith.addi %mul3A_115, %add3A_896 : i32
    %dma_start3A_898 = arith.constant 36864 : i32
    %dma_start3A_899 = tpu.memref_slice %arg11[%dma_start3A_898] : memref<49152xf32, #tpu.memory_space<vmem>> -> memref<768xf32, #tpu.memory_space<vmem>>
    %dma_start3A_900 = tpu.memref_slice %arg8[%add3A_897] : memref<1572864xf32, #tpu.memory_space<hbm>> -> memref<768xf32, #tpu.memory_space<hbm>>
    %dma_start3A_901 = tpu.memref_slice %arg8[%add3A_897] : memref<1572864xf32, #tpu.memory_space<hbm>> -> memref<768xf32, #tpu.memory_space<hbm>>
    %dma_start3A_902 = arith.constant 36864 : i32
    %dma_start3A_903 = tpu.memref_slice %arg11[%dma_start3A_902] : memref<49152xf32, #tpu.memory_space<vmem>> -> memref<768xf32, #tpu.memory_space<vmem>>
    tpu.enqueue_dma source(%dma_start3A_903 : memref<768xf32, #tpu.memory_space<vmem>>) target(%dma_start3A_901 : memref<768xf32, #tpu.memory_space<hbm>>) target_semaphore(%arg17 : memref<!tpu.dma_semaphore, #tpu.memory_space<semaphore_mem>>)
    %add3A_904 = arith.constant 37888 : i32
    %add3A_905 = arith.addi %mul3A_115, %add3A_904 : i32
    %dma_start3A_906 = arith.constant 37888 : i32
    %dma_start3A_907 = tpu.memref_slice %arg11[%dma_start3A_906] : memref<49152xf32, #tpu.memory_space<vmem>> -> memref<768xf32, #tpu.memory_space<vmem>>
    %dma_start3A_908 = tpu.memref_slice %arg8[%add3A_905] : memref<1572864xf32, #tpu.memory_space<hbm>> -> memref<768xf32, #tpu.memory_space<hbm>>
    %dma_start3A_909 = tpu.memref_slice %arg8[%add3A_905] : memref<1572864xf32, #tpu.memory_space<hbm>> -> memref<768xf32, #tpu.memory_space<hbm>>
    %dma_start3A_910 = arith.constant 37888 : i32
    %dma_start3A_911 = tpu.memref_slice %arg11[%dma_start3A_910] : memref<49152xf32, #tpu.memory_space<vmem>> -> memref<768xf32, #tpu.memory_space<vmem>>
    tpu.enqueue_dma source(%dma_start3A_911 : memref<768xf32, #tpu.memory_space<vmem>>) target(%dma_start3A_909 : memref<768xf32, #tpu.memory_space<hbm>>) target_semaphore(%arg17 : memref<!tpu.dma_semaphore, #tpu.memory_space<semaphore_mem>>)
    %add3A_912 = arith.constant 38912 : i32
    %add3A_913 = arith.addi %mul3A_115, %add3A_912 : i32
    %dma_start3A_914 = arith.constant 38912 : i32
    %dma_start3A_915 = tpu.memref_slice %arg11[%dma_start3A_914] : memref<49152xf32, #tpu.memory_space<vmem>> -> memref<768xf32, #tpu.memory_space<vmem>>
    %dma_start3A_916 = tpu.memref_slice %arg8[%add3A_913] : memref<1572864xf32, #tpu.memory_space<hbm>> -> memref<768xf32, #tpu.memory_space<hbm>>
    %dma_start3A_917 = tpu.memref_slice %arg8[%add3A_913] : memref<1572864xf32, #tpu.memory_space<hbm>> -> memref<768xf32, #tpu.memory_space<hbm>>
    %dma_start3A_918 = arith.constant 38912 : i32
    %dma_start3A_919 = tpu.memref_slice %arg11[%dma_start3A_918] : memref<49152xf32, #tpu.memory_space<vmem>> -> memref<768xf32, #tpu.memory_space<vmem>>
    tpu.enqueue_dma source(%dma_start3A_919 : memref<768xf32, #tpu.memory_space<vmem>>) target(%dma_start3A_917 : memref<768xf32, #tpu.memory_space<hbm>>) target_semaphore(%arg17 : memref<!tpu.dma_semaphore, #tpu.memory_space<semaphore_mem>>)
    %add3A_920 = arith.constant 39936 : i32
    %add3A_921 = arith.addi %mul3A_115, %add3A_920 : i32
    %dma_start3A_922 = arith.constant 39936 : i32
    %dma_start3A_923 = tpu.memref_slice %arg11[%dma_start3A_922] : memref<49152xf32, #tpu.memory_space<vmem>> -> memref<768xf32, #tpu.memory_space<vmem>>
    %dma_start3A_924 = tpu.memref_slice %arg8[%add3A_921] : memref<1572864xf32, #tpu.memory_space<hbm>> -> memref<768xf32, #tpu.memory_space<hbm>>
    %dma_start3A_925 = tpu.memref_slice %arg8[%add3A_921] : memref<1572864xf32, #tpu.memory_space<hbm>> -> memref<768xf32, #tpu.memory_space<hbm>>
    %dma_start3A_926 = arith.constant 39936 : i32
    %dma_start3A_927 = tpu.memref_slice %arg11[%dma_start3A_926] : memref<49152xf32, #tpu.memory_space<vmem>> -> memref<768xf32, #tpu.memory_space<vmem>>
    tpu.enqueue_dma source(%dma_start3A_927 : memref<768xf32, #tpu.memory_space<vmem>>) target(%dma_start3A_925 : memref<768xf32, #tpu.memory_space<hbm>>) target_semaphore(%arg17 : memref<!tpu.dma_semaphore, #tpu.memory_space<semaphore_mem>>)
    %add3A_928 = arith.constant 40960 : i32
    %add3A_929 = arith.addi %mul3A_115, %add3A_928 : i32
    %dma_start3A_930 = arith.constant 40960 : i32
    %dma_start3A_931 = tpu.memref_slice %arg11[%dma_start3A_930] : memref<49152xf32, #tpu.memory_space<vmem>> -> memref<768xf32, #tpu.memory_space<vmem>>
    %dma_start3A_932 = tpu.memref_slice %arg8[%add3A_929] : memref<1572864xf32, #tpu.memory_space<hbm>> -> memref<768xf32, #tpu.memory_space<hbm>>
    %dma_start3A_933 = tpu.memref_slice %arg8[%add3A_929] : memref<1572864xf32, #tpu.memory_space<hbm>> -> memref<768xf32, #tpu.memory_space<hbm>>
    %dma_start3A_934 = arith.constant 40960 : i32
    %dma_start3A_935 = tpu.memref_slice %arg11[%dma_start3A_934] : memref<49152xf32, #tpu.memory_space<vmem>> -> memref<768xf32, #tpu.memory_space<vmem>>
    tpu.enqueue_dma source(%dma_start3A_935 : memref<768xf32, #tpu.memory_space<vmem>>) target(%dma_start3A_933 : memref<768xf32, #tpu.memory_space<hbm>>) target_semaphore(%arg17 : memref<!tpu.dma_semaphore, #tpu.memory_space<semaphore_mem>>)
    %add3A_936 = arith.constant 41984 : i32
    %add3A_937 = arith.addi %mul3A_115, %add3A_936 : i32
    %dma_start3A_938 = arith.constant 41984 : i32
    %dma_start3A_939 = tpu.memref_slice %arg11[%dma_start3A_938] : memref<49152xf32, #tpu.memory_space<vmem>> -> memref<768xf32, #tpu.memory_space<vmem>>
    %dma_start3A_940 = tpu.memref_slice %arg8[%add3A_937] : memref<1572864xf32, #tpu.memory_space<hbm>> -> memref<768xf32, #tpu.memory_space<hbm>>
    %dma_start3A_941 = tpu.memref_slice %arg8[%add3A_937] : memref<1572864xf32, #tpu.memory_space<hbm>> -> memref<768xf32, #tpu.memory_space<hbm>>
    %dma_start3A_942 = arith.constant 41984 : i32
    %dma_start3A_943 = tpu.memref_slice %arg11[%dma_start3A_942] : memref<49152xf32, #tpu.memory_space<vmem>> -> memref<768xf32, #tpu.memory_space<vmem>>
    tpu.enqueue_dma source(%dma_start3A_943 : memref<768xf32, #tpu.memory_space<vmem>>) target(%dma_start3A_941 : memref<768xf32, #tpu.memory_space<hbm>>) target_semaphore(%arg17 : memref<!tpu.dma_semaphore, #tpu.memory_space<semaphore_mem>>)
    %add3A_944 = arith.constant 43008 : i32
    %add3A_945 = arith.addi %mul3A_115, %add3A_944 : i32
    %dma_start3A_946 = arith.constant 43008 : i32
    %dma_start3A_947 = tpu.memref_slice %arg11[%dma_start3A_946] : memref<49152xf32, #tpu.memory_space<vmem>> -> memref<768xf32, #tpu.memory_space<vmem>>
    %dma_start3A_948 = tpu.memref_slice %arg8[%add3A_945] : memref<1572864xf32, #tpu.memory_space<hbm>> -> memref<768xf32, #tpu.memory_space<hbm>>
    %dma_start3A_949 = tpu.memref_slice %arg8[%add3A_945] : memref<1572864xf32, #tpu.memory_space<hbm>> -> memref<768xf32, #tpu.memory_space<hbm>>
    %dma_start3A_950 = arith.constant 43008 : i32
    %dma_start3A_951 = tpu.memref_slice %arg11[%dma_start3A_950] : memref<49152xf32, #tpu.memory_space<vmem>> -> memref<768xf32, #tpu.memory_space<vmem>>
    tpu.enqueue_dma source(%dma_start3A_951 : memref<768xf32, #tpu.memory_space<vmem>>) target(%dma_start3A_949 : memref<768xf32, #tpu.memory_space<hbm>>) target_semaphore(%arg17 : memref<!tpu.dma_semaphore, #tpu.memory_space<semaphore_mem>>)
    %add3A_952 = arith.constant 44032 : i32
    %add3A_953 = arith.addi %mul3A_115, %add3A_952 : i32
    %dma_start3A_954 = arith.constant 44032 : i32
    %dma_start3A_955 = tpu.memref_slice %arg11[%dma_start3A_954] : memref<49152xf32, #tpu.memory_space<vmem>> -> memref<768xf32, #tpu.memory_space<vmem>>
    %dma_start3A_956 = tpu.memref_slice %arg8[%add3A_953] : memref<1572864xf32, #tpu.memory_space<hbm>> -> memref<768xf32, #tpu.memory_space<hbm>>
    %dma_start3A_957 = tpu.memref_slice %arg8[%add3A_953] : memref<1572864xf32, #tpu.memory_space<hbm>> -> memref<768xf32, #tpu.memory_space<hbm>>
    %dma_start3A_958 = arith.constant 44032 : i32
    %dma_start3A_959 = tpu.memref_slice %arg11[%dma_start3A_958] : memref<49152xf32, #tpu.memory_space<vmem>> -> memref<768xf32, #tpu.memory_space<vmem>>
    tpu.enqueue_dma source(%dma_start3A_959 : memref<768xf32, #tpu.memory_space<vmem>>) target(%dma_start3A_957 : memref<768xf32, #tpu.memory_space<hbm>>) target_semaphore(%arg17 : memref<!tpu.dma_semaphore, #tpu.memory_space<semaphore_mem>>)
    %add3A_960 = arith.constant 45056 : i32
    %add3A_961 = arith.addi %mul3A_115, %add3A_960 : i32
    %dma_start3A_962 = arith.constant 45056 : i32
    %dma_start3A_963 = tpu.memref_slice %arg11[%dma_start3A_962] : memref<49152xf32, #tpu.memory_space<vmem>> -> memref<768xf32, #tpu.memory_space<vmem>>
    %dma_start3A_964 = tpu.memref_slice %arg8[%add3A_961] : memref<1572864xf32, #tpu.memory_space<hbm>> -> memref<768xf32, #tpu.memory_space<hbm>>
    %dma_start3A_965 = tpu.memref_slice %arg8[%add3A_961] : memref<1572864xf32, #tpu.memory_space<hbm>> -> memref<768xf32, #tpu.memory_space<hbm>>
    %dma_start3A_966 = arith.constant 45056 : i32
    %dma_start3A_967 = tpu.memref_slice %arg11[%dma_start3A_966] : memref<49152xf32, #tpu.memory_space<vmem>> -> memref<768xf32, #tpu.memory_space<vmem>>
    tpu.enqueue_dma source(%dma_start3A_967 : memref<768xf32, #tpu.memory_space<vmem>>) target(%dma_start3A_965 : memref<768xf32, #tpu.memory_space<hbm>>) target_semaphore(%arg17 : memref<!tpu.dma_semaphore, #tpu.memory_space<semaphore_mem>>)
    %add3A_968 = arith.constant 46080 : i32
    %add3A_969 = arith.addi %mul3A_115, %add3A_968 : i32
    %dma_start3A_970 = arith.constant 46080 : i32
    %dma_start3A_971 = tpu.memref_slice %arg11[%dma_start3A_970] : memref<49152xf32, #tpu.memory_space<vmem>> -> memref<768xf32, #tpu.memory_space<vmem>>
    %dma_start3A_972 = tpu.memref_slice %arg8[%add3A_969] : memref<1572864xf32, #tpu.memory_space<hbm>> -> memref<768xf32, #tpu.memory_space<hbm>>
    %dma_start3A_973 = tpu.memref_slice %arg8[%add3A_969] : memref<1572864xf32, #tpu.memory_space<hbm>> -> memref<768xf32, #tpu.memory_space<hbm>>
    %dma_start3A_974 = arith.constant 46080 : i32
    %dma_start3A_975 = tpu.memref_slice %arg11[%dma_start3A_974] : memref<49152xf32, #tpu.memory_space<vmem>> -> memref<768xf32, #tpu.memory_space<vmem>>
    tpu.enqueue_dma source(%dma_start3A_975 : memref<768xf32, #tpu.memory_space<vmem>>) target(%dma_start3A_973 : memref<768xf32, #tpu.memory_space<hbm>>) target_semaphore(%arg17 : memref<!tpu.dma_semaphore, #tpu.memory_space<semaphore_mem>>)
    %add3A_976 = arith.constant 47104 : i32
    %add3A_977 = arith.addi %mul3A_115, %add3A_976 : i32
    %dma_start3A_978 = arith.constant 47104 : i32
    %dma_start3A_979 = tpu.memref_slice %arg11[%dma_start3A_978] : memref<49152xf32, #tpu.memory_space<vmem>> -> memref<768xf32, #tpu.memory_space<vmem>>
    %dma_start3A_980 = tpu.memref_slice %arg8[%add3A_977] : memref<1572864xf32, #tpu.memory_space<hbm>> -> memref<768xf32, #tpu.memory_space<hbm>>
    %dma_start3A_981 = tpu.memref_slice %arg8[%add3A_977] : memref<1572864xf32, #tpu.memory_space<hbm>> -> memref<768xf32, #tpu.memory_space<hbm>>
    %dma_start3A_982 = arith.constant 47104 : i32
    %dma_start3A_983 = tpu.memref_slice %arg11[%dma_start3A_982] : memref<49152xf32, #tpu.memory_space<vmem>> -> memref<768xf32, #tpu.memory_space<vmem>>
    tpu.enqueue_dma source(%dma_start3A_983 : memref<768xf32, #tpu.memory_space<vmem>>) target(%dma_start3A_981 : memref<768xf32, #tpu.memory_space<hbm>>) target_semaphore(%arg17 : memref<!tpu.dma_semaphore, #tpu.memory_space<semaphore_mem>>)
    %add3A_984 = arith.constant 48128 : i32
    %add3A_985 = arith.addi %mul3A_115, %add3A_984 : i32
    %dma_start3A_986 = arith.constant 48128 : i32
    %dma_start3A_987 = tpu.memref_slice %arg11[%dma_start3A_986] : memref<49152xf32, #tpu.memory_space<vmem>> -> memref<768xf32, #tpu.memory_space<vmem>>
    %dma_start3A_988 = tpu.memref_slice %arg8[%add3A_985] : memref<1572864xf32, #tpu.memory_space<hbm>> -> memref<768xf32, #tpu.memory_space<hbm>>
    %dma_start3A_989 = tpu.memref_slice %arg8[%add3A_985] : memref<1572864xf32, #tpu.memory_space<hbm>> -> memref<768xf32, #tpu.memory_space<hbm>>
    %dma_start3A_990 = arith.constant 48128 : i32
    %dma_start3A_991 = tpu.memref_slice %arg11[%dma_start3A_990] : memref<49152xf32, #tpu.memory_space<vmem>> -> memref<768xf32, #tpu.memory_space<vmem>>
    tpu.enqueue_dma source(%dma_start3A_991 : memref<768xf32, #tpu.memory_space<vmem>>) target(%dma_start3A_989 : memref<768xf32, #tpu.memory_space<hbm>>) target_semaphore(%arg17 : memref<!tpu.dma_semaphore, #tpu.memory_space<semaphore_mem>>)
    %dma_wait3A_992 = tpu.memref_slice %arg9[%mul3A_99] : memref<524288xi32, #tpu.memory_space<hbm>> -> memref<16384xi32, #tpu.memory_space<hbm>>
    %dma_wait3A_993 = tpu.memref_slice %arg9[%mul3A_99] : memref<524288xi32, #tpu.memory_space<hbm>> -> memref<16384xi32, #tpu.memory_space<hbm>>
    tpu.wait_dma2 semaphore(%arg17 : memref<!tpu.dma_semaphore, #tpu.memory_space<semaphore_mem>>) src(%arg13 : memref<16384xi32, #tpu.memory_space<vmem>>) dst(%dma_wait3A_993 : memref<16384xi32, #tpu.memory_space<hbm>>)
    %dma_wait3A_994 = arith.constant 0 : i32
    %dma_wait3A_995 = tpu.memref_slice %arg11[%dma_wait3A_994] : memref<49152xf32, #tpu.memory_space<vmem>> -> memref<768xf32, #tpu.memory_space<vmem>>
    %dma_wait3A_996 = tpu.memref_slice %arg8[%add3A_363] : memref<1572864xf32, #tpu.memory_space<hbm>> -> memref<768xf32, #tpu.memory_space<hbm>>
    %dma_wait3A_997 = tpu.memref_slice %arg8[%add3A_363] : memref<1572864xf32, #tpu.memory_space<hbm>> -> memref<768xf32, #tpu.memory_space<hbm>>
    %dma_wait3A_998 = arith.constant 0 : i32
    %dma_wait3A_999 = tpu.memref_slice %arg11[%dma_wait3A_998] : memref<49152xf32, #tpu.memory_space<vmem>> -> memref<768xf32, #tpu.memory_space<vmem>>
    tpu.wait_dma2 semaphore(%arg17 : memref<!tpu.dma_semaphore, #tpu.memory_space<semaphore_mem>>) src(%dma_wait3A_999 : memref<768xf32, #tpu.memory_space<vmem>>) dst(%dma_wait3A_997 : memref<768xf32, #tpu.memory_space<hbm>>)
    %dma_wait3A_1000 = arith.constant 1024 : i32
    %dma_wait3A_1001 = tpu.memref_slice %arg11[%dma_wait3A_1000] : memref<49152xf32, #tpu.memory_space<vmem>> -> memref<768xf32, #tpu.memory_space<vmem>>
    %dma_wait3A_1002 = tpu.memref_slice %arg8[%add3A_371] : memref<1572864xf32, #tpu.memory_space<hbm>> -> memref<768xf32, #tpu.memory_space<hbm>>
    %dma_wait3A_1003 = tpu.memref_slice %arg8[%add3A_371] : memref<1572864xf32, #tpu.memory_space<hbm>> -> memref<768xf32, #tpu.memory_space<hbm>>
    %dma_wait3A_1004 = arith.constant 1024 : i32
    %dma_wait3A_1005 = tpu.memref_slice %arg11[%dma_wait3A_1004] : memref<49152xf32, #tpu.memory_space<vmem>> -> memref<768xf32, #tpu.memory_space<vmem>>
    tpu.wait_dma2 semaphore(%arg17 : memref<!tpu.dma_semaphore, #tpu.memory_space<semaphore_mem>>) src(%dma_wait3A_1005 : memref<768xf32, #tpu.memory_space<vmem>>) dst(%dma_wait3A_1003 : memref<768xf32, #tpu.memory_space<hbm>>)
    %dma_wait3A_1006 = arith.constant 2048 : i32
    %dma_wait3A_1007 = tpu.memref_slice %arg11[%dma_wait3A_1006] : memref<49152xf32, #tpu.memory_space<vmem>> -> memref<768xf32, #tpu.memory_space<vmem>>
    %dma_wait3A_1008 = tpu.memref_slice %arg8[%add3A_379] : memref<1572864xf32, #tpu.memory_space<hbm>> -> memref<768xf32, #tpu.memory_space<hbm>>
    %dma_wait3A_1009 = tpu.memref_slice %arg8[%add3A_379] : memref<1572864xf32, #tpu.memory_space<hbm>> -> memref<768xf32, #tpu.memory_space<hbm>>
    %dma_wait3A_1010 = arith.constant 2048 : i32
    %dma_wait3A_1011 = tpu.memref_slice %arg11[%dma_wait3A_1010] : memref<49152xf32, #tpu.memory_space<vmem>> -> memref<768xf32, #tpu.memory_space<vmem>>
    tpu.wait_dma2 semaphore(%arg17 : memref<!tpu.dma_semaphore, #tpu.memory_space<semaphore_mem>>) src(%dma_wait3A_1011 : memref<768xf32, #tpu.memory_space<vmem>>) dst(%dma_wait3A_1009 : memref<768xf32, #tpu.memory_space<hbm>>)
    %dma_wait3A_1012 = arith.constant 3072 : i32
    %dma_wait3A_1013 = tpu.memref_slice %arg11[%dma_wait3A_1012] : memref<49152xf32, #tpu.memory_space<vmem>> -> memref<768xf32, #tpu.memory_space<vmem>>
    %dma_wait3A_1014 = tpu.memref_slice %arg8[%add3A_387] : memref<1572864xf32, #tpu.memory_space<hbm>> -> memref<768xf32, #tpu.memory_space<hbm>>
    %dma_wait3A_1015 = tpu.memref_slice %arg8[%add3A_387] : memref<1572864xf32, #tpu.memory_space<hbm>> -> memref<768xf32, #tpu.memory_space<hbm>>
    %dma_wait3A_1016 = arith.constant 3072 : i32
    %dma_wait3A_1017 = tpu.memref_slice %arg11[%dma_wait3A_1016] : memref<49152xf32, #tpu.memory_space<vmem>> -> memref<768xf32, #tpu.memory_space<vmem>>
    tpu.wait_dma2 semaphore(%arg17 : memref<!tpu.dma_semaphore, #tpu.memory_space<semaphore_mem>>) src(%dma_wait3A_1017 : memref<768xf32, #tpu.memory_space<vmem>>) dst(%dma_wait3A_1015 : memref<768xf32, #tpu.memory_space<hbm>>)
    %dma_wait3A_1018 = arith.constant 4096 : i32
    %dma_wait3A_1019 = tpu.memref_slice %arg11[%dma_wait3A_1018] : memref<49152xf32, #tpu.memory_space<vmem>> -> memref<768xf32, #tpu.memory_space<vmem>>
    %dma_wait3A_1020 = tpu.memref_slice %arg8[%add3A_395] : memref<1572864xf32, #tpu.memory_space<hbm>> -> memref<768xf32, #tpu.memory_space<hbm>>
    %dma_wait3A_1021 = tpu.memref_slice %arg8[%add3A_395] : memref<1572864xf32, #tpu.memory_space<hbm>> -> memref<768xf32, #tpu.memory_space<hbm>>
    %dma_wait3A_1022 = arith.constant 4096 : i32
    %dma_wait3A_1023 = tpu.memref_slice %arg11[%dma_wait3A_1022] : memref<49152xf32, #tpu.memory_space<vmem>> -> memref<768xf32, #tpu.memory_space<vmem>>
    tpu.wait_dma2 semaphore(%arg17 : memref<!tpu.dma_semaphore, #tpu.memory_space<semaphore_mem>>) src(%dma_wait3A_1023 : memref<768xf32, #tpu.memory_space<vmem>>) dst(%dma_wait3A_1021 : memref<768xf32, #tpu.memory_space<hbm>>)
    %dma_wait3A_1024 = arith.constant 5120 : i32
    %dma_wait3A_1025 = tpu.memref_slice %arg11[%dma_wait3A_1024] : memref<49152xf32, #tpu.memory_space<vmem>> -> memref<768xf32, #tpu.memory_space<vmem>>
    %dma_wait3A_1026 = tpu.memref_slice %arg8[%add3A_403] : memref<1572864xf32, #tpu.memory_space<hbm>> -> memref<768xf32, #tpu.memory_space<hbm>>
    %dma_wait3A_1027 = tpu.memref_slice %arg8[%add3A_403] : memref<1572864xf32, #tpu.memory_space<hbm>> -> memref<768xf32, #tpu.memory_space<hbm>>
    %dma_wait3A_1028 = arith.constant 5120 : i32
    %dma_wait3A_1029 = tpu.memref_slice %arg11[%dma_wait3A_1028] : memref<49152xf32, #tpu.memory_space<vmem>> -> memref<768xf32, #tpu.memory_space<vmem>>
    tpu.wait_dma2 semaphore(%arg17 : memref<!tpu.dma_semaphore, #tpu.memory_space<semaphore_mem>>) src(%dma_wait3A_1029 : memref<768xf32, #tpu.memory_space<vmem>>) dst(%dma_wait3A_1027 : memref<768xf32, #tpu.memory_space<hbm>>)
    %dma_wait3A_1030 = arith.constant 6144 : i32
    %dma_wait3A_1031 = tpu.memref_slice %arg11[%dma_wait3A_1030] : memref<49152xf32, #tpu.memory_space<vmem>> -> memref<768xf32, #tpu.memory_space<vmem>>
    %dma_wait3A_1032 = tpu.memref_slice %arg8[%add3A_411] : memref<1572864xf32, #tpu.memory_space<hbm>> -> memref<768xf32, #tpu.memory_space<hbm>>
    %dma_wait3A_1033 = tpu.memref_slice %arg8[%add3A_411] : memref<1572864xf32, #tpu.memory_space<hbm>> -> memref<768xf32, #tpu.memory_space<hbm>>
    %dma_wait3A_1034 = arith.constant 6144 : i32
    %dma_wait3A_1035 = tpu.memref_slice %arg11[%dma_wait3A_1034] : memref<49152xf32, #tpu.memory_space<vmem>> -> memref<768xf32, #tpu.memory_space<vmem>>
    tpu.wait_dma2 semaphore(%arg17 : memref<!tpu.dma_semaphore, #tpu.memory_space<semaphore_mem>>) src(%dma_wait3A_1035 : memref<768xf32, #tpu.memory_space<vmem>>) dst(%dma_wait3A_1033 : memref<768xf32, #tpu.memory_space<hbm>>)
    %dma_wait3A_1036 = arith.constant 7168 : i32
    %dma_wait3A_1037 = tpu.memref_slice %arg11[%dma_wait3A_1036] : memref<49152xf32, #tpu.memory_space<vmem>> -> memref<768xf32, #tpu.memory_space<vmem>>
    %dma_wait3A_1038 = tpu.memref_slice %arg8[%add3A_419] : memref<1572864xf32, #tpu.memory_space<hbm>> -> memref<768xf32, #tpu.memory_space<hbm>>
    %dma_wait3A_1039 = tpu.memref_slice %arg8[%add3A_419] : memref<1572864xf32, #tpu.memory_space<hbm>> -> memref<768xf32, #tpu.memory_space<hbm>>
    %dma_wait3A_1040 = arith.constant 7168 : i32
    %dma_wait3A_1041 = tpu.memref_slice %arg11[%dma_wait3A_1040] : memref<49152xf32, #tpu.memory_space<vmem>> -> memref<768xf32, #tpu.memory_space<vmem>>
    tpu.wait_dma2 semaphore(%arg17 : memref<!tpu.dma_semaphore, #tpu.memory_space<semaphore_mem>>) src(%dma_wait3A_1041 : memref<768xf32, #tpu.memory_space<vmem>>) dst(%dma_wait3A_1039 : memref<768xf32, #tpu.memory_space<hbm>>)
    %dma_wait3A_1042 = arith.constant 8192 : i32
    %dma_wait3A_1043 = tpu.memref_slice %arg11[%dma_wait3A_1042] : memref<49152xf32, #tpu.memory_space<vmem>> -> memref<768xf32, #tpu.memory_space<vmem>>
    %dma_wait3A_1044 = tpu.memref_slice %arg8[%add3A_427] : memref<1572864xf32, #tpu.memory_space<hbm>> -> memref<768xf32, #tpu.memory_space<hbm>>
    %dma_wait3A_1045 = tpu.memref_slice %arg8[%add3A_427] : memref<1572864xf32, #tpu.memory_space<hbm>> -> memref<768xf32, #tpu.memory_space<hbm>>
    %dma_wait3A_1046 = arith.constant 8192 : i32
    %dma_wait3A_1047 = tpu.memref_slice %arg11[%dma_wait3A_1046] : memref<49152xf32, #tpu.memory_space<vmem>> -> memref<768xf32, #tpu.memory_space<vmem>>
    tpu.wait_dma2 semaphore(%arg17 : memref<!tpu.dma_semaphore, #tpu.memory_space<semaphore_mem>>) src(%dma_wait3A_1047 : memref<768xf32, #tpu.memory_space<vmem>>) dst(%dma_wait3A_1045 : memref<768xf32, #tpu.memory_space<hbm>>)
    %dma_wait3A_1048 = arith.constant 9216 : i32
    %dma_wait3A_1049 = tpu.memref_slice %arg11[%dma_wait3A_1048] : memref<49152xf32, #tpu.memory_space<vmem>> -> memref<768xf32, #tpu.memory_space<vmem>>
    %dma_wait3A_1050 = tpu.memref_slice %arg8[%add3A_435] : memref<1572864xf32, #tpu.memory_space<hbm>> -> memref<768xf32, #tpu.memory_space<hbm>>
    %dma_wait3A_1051 = tpu.memref_slice %arg8[%add3A_435] : memref<1572864xf32, #tpu.memory_space<hbm>> -> memref<768xf32, #tpu.memory_space<hbm>>
    %dma_wait3A_1052 = arith.constant 9216 : i32
    %dma_wait3A_1053 = tpu.memref_slice %arg11[%dma_wait3A_1052] : memref<49152xf32, #tpu.memory_space<vmem>> -> memref<768xf32, #tpu.memory_space<vmem>>
    tpu.wait_dma2 semaphore(%arg17 : memref<!tpu.dma_semaphore, #tpu.memory_space<semaphore_mem>>) src(%dma_wait3A_1053 : memref<768xf32, #tpu.memory_space<vmem>>) dst(%dma_wait3A_1051 : memref<768xf32, #tpu.memory_space<hbm>>)
    %dma_wait3A_1054 = arith.constant 10240 : i32
    %dma_wait3A_1055 = tpu.memref_slice %arg11[%dma_wait3A_1054] : memref<49152xf32, #tpu.memory_space<vmem>> -> memref<768xf32, #tpu.memory_space<vmem>>
    %dma_wait3A_1056 = tpu.memref_slice %arg8[%add3A_443] : memref<1572864xf32, #tpu.memory_space<hbm>> -> memref<768xf32, #tpu.memory_space<hbm>>
    %dma_wait3A_1057 = tpu.memref_slice %arg8[%add3A_443] : memref<1572864xf32, #tpu.memory_space<hbm>> -> memref<768xf32, #tpu.memory_space<hbm>>
    %dma_wait3A_1058 = arith.constant 10240 : i32
    %dma_wait3A_1059 = tpu.memref_slice %arg11[%dma_wait3A_1058] : memref<49152xf32, #tpu.memory_space<vmem>> -> memref<768xf32, #tpu.memory_space<vmem>>
    tpu.wait_dma2 semaphore(%arg17 : memref<!tpu.dma_semaphore, #tpu.memory_space<semaphore_mem>>) src(%dma_wait3A_1059 : memref<768xf32, #tpu.memory_space<vmem>>) dst(%dma_wait3A_1057 : memref<768xf32, #tpu.memory_space<hbm>>)
    %dma_wait3A_1060 = arith.constant 11264 : i32
    %dma_wait3A_1061 = tpu.memref_slice %arg11[%dma_wait3A_1060] : memref<49152xf32, #tpu.memory_space<vmem>> -> memref<768xf32, #tpu.memory_space<vmem>>
    %dma_wait3A_1062 = tpu.memref_slice %arg8[%add3A_451] : memref<1572864xf32, #tpu.memory_space<hbm>> -> memref<768xf32, #tpu.memory_space<hbm>>
    %dma_wait3A_1063 = tpu.memref_slice %arg8[%add3A_451] : memref<1572864xf32, #tpu.memory_space<hbm>> -> memref<768xf32, #tpu.memory_space<hbm>>
    %dma_wait3A_1064 = arith.constant 11264 : i32
    %dma_wait3A_1065 = tpu.memref_slice %arg11[%dma_wait3A_1064] : memref<49152xf32, #tpu.memory_space<vmem>> -> memref<768xf32, #tpu.memory_space<vmem>>
    tpu.wait_dma2 semaphore(%arg17 : memref<!tpu.dma_semaphore, #tpu.memory_space<semaphore_mem>>) src(%dma_wait3A_1065 : memref<768xf32, #tpu.memory_space<vmem>>) dst(%dma_wait3A_1063 : memref<768xf32, #tpu.memory_space<hbm>>)
    %dma_wait3A_1066 = arith.constant 12288 : i32
    %dma_wait3A_1067 = tpu.memref_slice %arg11[%dma_wait3A_1066] : memref<49152xf32, #tpu.memory_space<vmem>> -> memref<768xf32, #tpu.memory_space<vmem>>
    %dma_wait3A_1068 = tpu.memref_slice %arg8[%add3A_459] : memref<1572864xf32, #tpu.memory_space<hbm>> -> memref<768xf32, #tpu.memory_space<hbm>>
    %dma_wait3A_1069 = tpu.memref_slice %arg8[%add3A_459] : memref<1572864xf32, #tpu.memory_space<hbm>> -> memref<768xf32, #tpu.memory_space<hbm>>
    %dma_wait3A_1070 = arith.constant 12288 : i32
    %dma_wait3A_1071 = tpu.memref_slice %arg11[%dma_wait3A_1070] : memref<49152xf32, #tpu.memory_space<vmem>> -> memref<768xf32, #tpu.memory_space<vmem>>
    tpu.wait_dma2 semaphore(%arg17 : memref<!tpu.dma_semaphore, #tpu.memory_space<semaphore_mem>>) src(%dma_wait3A_1071 : memref<768xf32, #tpu.memory_space<vmem>>) dst(%dma_wait3A_1069 : memref<768xf32, #tpu.memory_space<hbm>>)
    %dma_wait3A_1072 = arith.constant 13312 : i32
    %dma_wait3A_1073 = tpu.memref_slice %arg11[%dma_wait3A_1072] : memref<49152xf32, #tpu.memory_space<vmem>> -> memref<768xf32, #tpu.memory_space<vmem>>
    %dma_wait3A_1074 = tpu.memref_slice %arg8[%add3A_467] : memref<1572864xf32, #tpu.memory_space<hbm>> -> memref<768xf32, #tpu.memory_space<hbm>>
    %dma_wait3A_1075 = tpu.memref_slice %arg8[%add3A_467] : memref<1572864xf32, #tpu.memory_space<hbm>> -> memref<768xf32, #tpu.memory_space<hbm>>
    %dma_wait3A_1076 = arith.constant 13312 : i32
    %dma_wait3A_1077 = tpu.memref_slice %arg11[%dma_wait3A_1076] : memref<49152xf32, #tpu.memory_space<vmem>> -> memref<768xf32, #tpu.memory_space<vmem>>
    tpu.wait_dma2 semaphore(%arg17 : memref<!tpu.dma_semaphore, #tpu.memory_space<semaphore_mem>>) src(%dma_wait3A_1077 : memref<768xf32, #tpu.memory_space<vmem>>) dst(%dma_wait3A_1075 : memref<768xf32, #tpu.memory_space<hbm>>)
    %dma_wait3A_1078 = arith.constant 14336 : i32
    %dma_wait3A_1079 = tpu.memref_slice %arg11[%dma_wait3A_1078] : memref<49152xf32, #tpu.memory_space<vmem>> -> memref<768xf32, #tpu.memory_space<vmem>>
    %dma_wait3A_1080 = tpu.memref_slice %arg8[%add3A_475] : memref<1572864xf32, #tpu.memory_space<hbm>> -> memref<768xf32, #tpu.memory_space<hbm>>
    %dma_wait3A_1081 = tpu.memref_slice %arg8[%add3A_475] : memref<1572864xf32, #tpu.memory_space<hbm>> -> memref<768xf32, #tpu.memory_space<hbm>>
    %dma_wait3A_1082 = arith.constant 14336 : i32
    %dma_wait3A_1083 = tpu.memref_slice %arg11[%dma_wait3A_1082] : memref<49152xf32, #tpu.memory_space<vmem>> -> memref<768xf32, #tpu.memory_space<vmem>>
    tpu.wait_dma2 semaphore(%arg17 : memref<!tpu.dma_semaphore, #tpu.memory_space<semaphore_mem>>) src(%dma_wait3A_1083 : memref<768xf32, #tpu.memory_space<vmem>>) dst(%dma_wait3A_1081 : memref<768xf32, #tpu.memory_space<hbm>>)
    %dma_wait3A_1084 = arith.constant 15360 : i32
    %dma_wait3A_1085 = tpu.memref_slice %arg11[%dma_wait3A_1084] : memref<49152xf32, #tpu.memory_space<vmem>> -> memref<768xf32, #tpu.memory_space<vmem>>
    %dma_wait3A_1086 = tpu.memref_slice %arg8[%add3A_483] : memref<1572864xf32, #tpu.memory_space<hbm>> -> memref<768xf32, #tpu.memory_space<hbm>>
    %dma_wait3A_1087 = tpu.memref_slice %arg8[%add3A_483] : memref<1572864xf32, #tpu.memory_space<hbm>> -> memref<768xf32, #tpu.memory_space<hbm>>
    %dma_wait3A_1088 = arith.constant 15360 : i32
    %dma_wait3A_1089 = tpu.memref_slice %arg11[%dma_wait3A_1088] : memref<49152xf32, #tpu.memory_space<vmem>> -> memref<768xf32, #tpu.memory_space<vmem>>
    tpu.wait_dma2 semaphore(%arg17 : memref<!tpu.dma_semaphore, #tpu.memory_space<semaphore_mem>>) src(%dma_wait3A_1089 : memref<768xf32, #tpu.memory_space<vmem>>) dst(%dma_wait3A_1087 : memref<768xf32, #tpu.memory_space<hbm>>)
    %dma_wait3A_1090 = arith.constant 16384 : i32
    %dma_wait3A_1091 = tpu.memref_slice %arg11[%dma_wait3A_1090] : memref<49152xf32, #tpu.memory_space<vmem>> -> memref<768xf32, #tpu.memory_space<vmem>>
    %dma_wait3A_1092 = tpu.memref_slice %arg8[%add3A_491] : memref<1572864xf32, #tpu.memory_space<hbm>> -> memref<768xf32, #tpu.memory_space<hbm>>
    %dma_wait3A_1093 = tpu.memref_slice %arg8[%add3A_491] : memref<1572864xf32, #tpu.memory_space<hbm>> -> memref<768xf32, #tpu.memory_space<hbm>>
    %dma_wait3A_1094 = arith.constant 16384 : i32
    %dma_wait3A_1095 = tpu.memref_slice %arg11[%dma_wait3A_1094] : memref<49152xf32, #tpu.memory_space<vmem>> -> memref<768xf32, #tpu.memory_space<vmem>>
    tpu.wait_dma2 semaphore(%arg17 : memref<!tpu.dma_semaphore, #tpu.memory_space<semaphore_mem>>) src(%dma_wait3A_1095 : memref<768xf32, #tpu.memory_space<vmem>>) dst(%dma_wait3A_1093 : memref<768xf32, #tpu.memory_space<hbm>>)
    %dma_wait3A_1096 = arith.constant 17408 : i32
    %dma_wait3A_1097 = tpu.memref_slice %arg11[%dma_wait3A_1096] : memref<49152xf32, #tpu.memory_space<vmem>> -> memref<768xf32, #tpu.memory_space<vmem>>
    %dma_wait3A_1098 = tpu.memref_slice %arg8[%add3A_499] : memref<1572864xf32, #tpu.memory_space<hbm>> -> memref<768xf32, #tpu.memory_space<hbm>>
    %dma_wait3A_1099 = tpu.memref_slice %arg8[%add3A_499] : memref<1572864xf32, #tpu.memory_space<hbm>> -> memref<768xf32, #tpu.memory_space<hbm>>
    %dma_wait3A_1100 = arith.constant 17408 : i32
    %dma_wait3A_1101 = tpu.memref_slice %arg11[%dma_wait3A_1100] : memref<49152xf32, #tpu.memory_space<vmem>> -> memref<768xf32, #tpu.memory_space<vmem>>
    tpu.wait_dma2 semaphore(%arg17 : memref<!tpu.dma_semaphore, #tpu.memory_space<semaphore_mem>>) src(%dma_wait3A_1101 : memref<768xf32, #tpu.memory_space<vmem>>) dst(%dma_wait3A_1099 : memref<768xf32, #tpu.memory_space<hbm>>)
    %dma_wait3A_1102 = arith.constant 18432 : i32
    %dma_wait3A_1103 = tpu.memref_slice %arg11[%dma_wait3A_1102] : memref<49152xf32, #tpu.memory_space<vmem>> -> memref<768xf32, #tpu.memory_space<vmem>>
    %dma_wait3A_1104 = tpu.memref_slice %arg8[%add3A_507] : memref<1572864xf32, #tpu.memory_space<hbm>> -> memref<768xf32, #tpu.memory_space<hbm>>
    %dma_wait3A_1105 = tpu.memref_slice %arg8[%add3A_507] : memref<1572864xf32, #tpu.memory_space<hbm>> -> memref<768xf32, #tpu.memory_space<hbm>>
    %dma_wait3A_1106 = arith.constant 18432 : i32
    %dma_wait3A_1107 = tpu.memref_slice %arg11[%dma_wait3A_1106] : memref<49152xf32, #tpu.memory_space<vmem>> -> memref<768xf32, #tpu.memory_space<vmem>>
    tpu.wait_dma2 semaphore(%arg17 : memref<!tpu.dma_semaphore, #tpu.memory_space<semaphore_mem>>) src(%dma_wait3A_1107 : memref<768xf32, #tpu.memory_space<vmem>>) dst(%dma_wait3A_1105 : memref<768xf32, #tpu.memory_space<hbm>>)
    %dma_wait3A_1108 = arith.constant 19456 : i32
    %dma_wait3A_1109 = tpu.memref_slice %arg11[%dma_wait3A_1108] : memref<49152xf32, #tpu.memory_space<vmem>> -> memref<768xf32, #tpu.memory_space<vmem>>
    %dma_wait3A_1110 = tpu.memref_slice %arg8[%add3A_515] : memref<1572864xf32, #tpu.memory_space<hbm>> -> memref<768xf32, #tpu.memory_space<hbm>>
    %dma_wait3A_1111 = tpu.memref_slice %arg8[%add3A_515] : memref<1572864xf32, #tpu.memory_space<hbm>> -> memref<768xf32, #tpu.memory_space<hbm>>
    %dma_wait3A_1112 = arith.constant 19456 : i32
    %dma_wait3A_1113 = tpu.memref_slice %arg11[%dma_wait3A_1112] : memref<49152xf32, #tpu.memory_space<vmem>> -> memref<768xf32, #tpu.memory_space<vmem>>
    tpu.wait_dma2 semaphore(%arg17 : memref<!tpu.dma_semaphore, #tpu.memory_space<semaphore_mem>>) src(%dma_wait3A_1113 : memref<768xf32, #tpu.memory_space<vmem>>) dst(%dma_wait3A_1111 : memref<768xf32, #tpu.memory_space<hbm>>)
    %dma_wait3A_1114 = arith.constant 20480 : i32
    %dma_wait3A_1115 = tpu.memref_slice %arg11[%dma_wait3A_1114] : memref<49152xf32, #tpu.memory_space<vmem>> -> memref<768xf32, #tpu.memory_space<vmem>>
    %dma_wait3A_1116 = tpu.memref_slice %arg8[%add3A_523] : memref<1572864xf32, #tpu.memory_space<hbm>> -> memref<768xf32, #tpu.memory_space<hbm>>
    %dma_wait3A_1117 = tpu.memref_slice %arg8[%add3A_523] : memref<1572864xf32, #tpu.memory_space<hbm>> -> memref<768xf32, #tpu.memory_space<hbm>>
    %dma_wait3A_1118 = arith.constant 20480 : i32
    %dma_wait3A_1119 = tpu.memref_slice %arg11[%dma_wait3A_1118] : memref<49152xf32, #tpu.memory_space<vmem>> -> memref<768xf32, #tpu.memory_space<vmem>>
    tpu.wait_dma2 semaphore(%arg17 : memref<!tpu.dma_semaphore, #tpu.memory_space<semaphore_mem>>) src(%dma_wait3A_1119 : memref<768xf32, #tpu.memory_space<vmem>>) dst(%dma_wait3A_1117 : memref<768xf32, #tpu.memory_space<hbm>>)
    %dma_wait3A_1120 = arith.constant 21504 : i32
    %dma_wait3A_1121 = tpu.memref_slice %arg11[%dma_wait3A_1120] : memref<49152xf32, #tpu.memory_space<vmem>> -> memref<768xf32, #tpu.memory_space<vmem>>
    %dma_wait3A_1122 = tpu.memref_slice %arg8[%add3A_531] : memref<1572864xf32, #tpu.memory_space<hbm>> -> memref<768xf32, #tpu.memory_space<hbm>>
    %dma_wait3A_1123 = tpu.memref_slice %arg8[%add3A_531] : memref<1572864xf32, #tpu.memory_space<hbm>> -> memref<768xf32, #tpu.memory_space<hbm>>
    %dma_wait3A_1124 = arith.constant 21504 : i32
    %dma_wait3A_1125 = tpu.memref_slice %arg11[%dma_wait3A_1124] : memref<49152xf32, #tpu.memory_space<vmem>> -> memref<768xf32, #tpu.memory_space<vmem>>
    tpu.wait_dma2 semaphore(%arg17 : memref<!tpu.dma_semaphore, #tpu.memory_space<semaphore_mem>>) src(%dma_wait3A_1125 : memref<768xf32, #tpu.memory_space<vmem>>) dst(%dma_wait3A_1123 : memref<768xf32, #tpu.memory_space<hbm>>)
    %dma_wait3A_1126 = arith.constant 22528 : i32
    %dma_wait3A_1127 = tpu.memref_slice %arg11[%dma_wait3A_1126] : memref<49152xf32, #tpu.memory_space<vmem>> -> memref<768xf32, #tpu.memory_space<vmem>>
    %dma_wait3A_1128 = tpu.memref_slice %arg8[%add3A_539] : memref<1572864xf32, #tpu.memory_space<hbm>> -> memref<768xf32, #tpu.memory_space<hbm>>
    %dma_wait3A_1129 = tpu.memref_slice %arg8[%add3A_539] : memref<1572864xf32, #tpu.memory_space<hbm>> -> memref<768xf32, #tpu.memory_space<hbm>>
    %dma_wait3A_1130 = arith.constant 22528 : i32
    %dma_wait3A_1131 = tpu.memref_slice %arg11[%dma_wait3A_1130] : memref<49152xf32, #tpu.memory_space<vmem>> -> memref<768xf32, #tpu.memory_space<vmem>>
    tpu.wait_dma2 semaphore(%arg17 : memref<!tpu.dma_semaphore, #tpu.memory_space<semaphore_mem>>) src(%dma_wait3A_1131 : memref<768xf32, #tpu.memory_space<vmem>>) dst(%dma_wait3A_1129 : memref<768xf32, #tpu.memory_space<hbm>>)
    %dma_wait3A_1132 = arith.constant 23552 : i32
    %dma_wait3A_1133 = tpu.memref_slice %arg11[%dma_wait3A_1132] : memref<49152xf32, #tpu.memory_space<vmem>> -> memref<768xf32, #tpu.memory_space<vmem>>
    %dma_wait3A_1134 = tpu.memref_slice %arg8[%add3A_547] : memref<1572864xf32, #tpu.memory_space<hbm>> -> memref<768xf32, #tpu.memory_space<hbm>>
    %dma_wait3A_1135 = tpu.memref_slice %arg8[%add3A_547] : memref<1572864xf32, #tpu.memory_space<hbm>> -> memref<768xf32, #tpu.memory_space<hbm>>
    %dma_wait3A_1136 = arith.constant 23552 : i32
    %dma_wait3A_1137 = tpu.memref_slice %arg11[%dma_wait3A_1136] : memref<49152xf32, #tpu.memory_space<vmem>> -> memref<768xf32, #tpu.memory_space<vmem>>
    tpu.wait_dma2 semaphore(%arg17 : memref<!tpu.dma_semaphore, #tpu.memory_space<semaphore_mem>>) src(%dma_wait3A_1137 : memref<768xf32, #tpu.memory_space<vmem>>) dst(%dma_wait3A_1135 : memref<768xf32, #tpu.memory_space<hbm>>)
    %dma_wait3A_1138 = arith.constant 24576 : i32
    %dma_wait3A_1139 = tpu.memref_slice %arg11[%dma_wait3A_1138] : memref<49152xf32, #tpu.memory_space<vmem>> -> memref<768xf32, #tpu.memory_space<vmem>>
    %dma_wait3A_1140 = tpu.memref_slice %arg8[%add3A_801] : memref<1572864xf32, #tpu.memory_space<hbm>> -> memref<768xf32, #tpu.memory_space<hbm>>
    %dma_wait3A_1141 = tpu.memref_slice %arg8[%add3A_801] : memref<1572864xf32, #tpu.memory_space<hbm>> -> memref<768xf32, #tpu.memory_space<hbm>>
    %dma_wait3A_1142 = arith.constant 24576 : i32
    %dma_wait3A_1143 = tpu.memref_slice %arg11[%dma_wait3A_1142] : memref<49152xf32, #tpu.memory_space<vmem>> -> memref<768xf32, #tpu.memory_space<vmem>>
    tpu.wait_dma2 semaphore(%arg17 : memref<!tpu.dma_semaphore, #tpu.memory_space<semaphore_mem>>) src(%dma_wait3A_1143 : memref<768xf32, #tpu.memory_space<vmem>>) dst(%dma_wait3A_1141 : memref<768xf32, #tpu.memory_space<hbm>>)
    %dma_wait3A_1144 = arith.constant 25600 : i32
    %dma_wait3A_1145 = tpu.memref_slice %arg11[%dma_wait3A_1144] : memref<49152xf32, #tpu.memory_space<vmem>> -> memref<768xf32, #tpu.memory_space<vmem>>
    %dma_wait3A_1146 = tpu.memref_slice %arg8[%add3A_809] : memref<1572864xf32, #tpu.memory_space<hbm>> -> memref<768xf32, #tpu.memory_space<hbm>>
    %dma_wait3A_1147 = tpu.memref_slice %arg8[%add3A_809] : memref<1572864xf32, #tpu.memory_space<hbm>> -> memref<768xf32, #tpu.memory_space<hbm>>
    %dma_wait3A_1148 = arith.constant 25600 : i32
    %dma_wait3A_1149 = tpu.memref_slice %arg11[%dma_wait3A_1148] : memref<49152xf32, #tpu.memory_space<vmem>> -> memref<768xf32, #tpu.memory_space<vmem>>
    tpu.wait_dma2 semaphore(%arg17 : memref<!tpu.dma_semaphore, #tpu.memory_space<semaphore_mem>>) src(%dma_wait3A_1149 : memref<768xf32, #tpu.memory_space<vmem>>) dst(%dma_wait3A_1147 : memref<768xf32, #tpu.memory_space<hbm>>)
    %dma_wait3A_1150 = arith.constant 26624 : i32
    %dma_wait3A_1151 = tpu.memref_slice %arg11[%dma_wait3A_1150] : memref<49152xf32, #tpu.memory_space<vmem>> -> memref<768xf32, #tpu.memory_space<vmem>>
    %dma_wait3A_1152 = tpu.memref_slice %arg8[%add3A_817] : memref<1572864xf32, #tpu.memory_space<hbm>> -> memref<768xf32, #tpu.memory_space<hbm>>
    %dma_wait3A_1153 = tpu.memref_slice %arg8[%add3A_817] : memref<1572864xf32, #tpu.memory_space<hbm>> -> memref<768xf32, #tpu.memory_space<hbm>>
    %dma_wait3A_1154 = arith.constant 26624 : i32
    %dma_wait3A_1155 = tpu.memref_slice %arg11[%dma_wait3A_1154] : memref<49152xf32, #tpu.memory_space<vmem>> -> memref<768xf32, #tpu.memory_space<vmem>>
    tpu.wait_dma2 semaphore(%arg17 : memref<!tpu.dma_semaphore, #tpu.memory_space<semaphore_mem>>) src(%dma_wait3A_1155 : memref<768xf32, #tpu.memory_space<vmem>>) dst(%dma_wait3A_1153 : memref<768xf32, #tpu.memory_space<hbm>>)
    %dma_wait3A_1156 = arith.constant 27648 : i32
    %dma_wait3A_1157 = tpu.memref_slice %arg11[%dma_wait3A_1156] : memref<49152xf32, #tpu.memory_space<vmem>> -> memref<768xf32, #tpu.memory_space<vmem>>
    %dma_wait3A_1158 = tpu.memref_slice %arg8[%add3A_825] : memref<1572864xf32, #tpu.memory_space<hbm>> -> memref<768xf32, #tpu.memory_space<hbm>>
    %dma_wait3A_1159 = tpu.memref_slice %arg8[%add3A_825] : memref<1572864xf32, #tpu.memory_space<hbm>> -> memref<768xf32, #tpu.memory_space<hbm>>
    %dma_wait3A_1160 = arith.constant 27648 : i32
    %dma_wait3A_1161 = tpu.memref_slice %arg11[%dma_wait3A_1160] : memref<49152xf32, #tpu.memory_space<vmem>> -> memref<768xf32, #tpu.memory_space<vmem>>
    tpu.wait_dma2 semaphore(%arg17 : memref<!tpu.dma_semaphore, #tpu.memory_space<semaphore_mem>>) src(%dma_wait3A_1161 : memref<768xf32, #tpu.memory_space<vmem>>) dst(%dma_wait3A_1159 : memref<768xf32, #tpu.memory_space<hbm>>)
    %dma_wait3A_1162 = arith.constant 28672 : i32
    %dma_wait3A_1163 = tpu.memref_slice %arg11[%dma_wait3A_1162] : memref<49152xf32, #tpu.memory_space<vmem>> -> memref<768xf32, #tpu.memory_space<vmem>>
    %dma_wait3A_1164 = tpu.memref_slice %arg8[%add3A_833] : memref<1572864xf32, #tpu.memory_space<hbm>> -> memref<768xf32, #tpu.memory_space<hbm>>
    %dma_wait3A_1165 = tpu.memref_slice %arg8[%add3A_833] : memref<1572864xf32, #tpu.memory_space<hbm>> -> memref<768xf32, #tpu.memory_space<hbm>>
    %dma_wait3A_1166 = arith.constant 28672 : i32
    %dma_wait3A_1167 = tpu.memref_slice %arg11[%dma_wait3A_1166] : memref<49152xf32, #tpu.memory_space<vmem>> -> memref<768xf32, #tpu.memory_space<vmem>>
    tpu.wait_dma2 semaphore(%arg17 : memref<!tpu.dma_semaphore, #tpu.memory_space<semaphore_mem>>) src(%dma_wait3A_1167 : memref<768xf32, #tpu.memory_space<vmem>>) dst(%dma_wait3A_1165 : memref<768xf32, #tpu.memory_space<hbm>>)
    %dma_wait3A_1168 = arith.constant 29696 : i32
    %dma_wait3A_1169 = tpu.memref_slice %arg11[%dma_wait3A_1168] : memref<49152xf32, #tpu.memory_space<vmem>> -> memref<768xf32, #tpu.memory_space<vmem>>
    %dma_wait3A_1170 = tpu.memref_slice %arg8[%add3A_841] : memref<1572864xf32, #tpu.memory_space<hbm>> -> memref<768xf32, #tpu.memory_space<hbm>>
    %dma_wait3A_1171 = tpu.memref_slice %arg8[%add3A_841] : memref<1572864xf32, #tpu.memory_space<hbm>> -> memref<768xf32, #tpu.memory_space<hbm>>
    %dma_wait3A_1172 = arith.constant 29696 : i32
    %dma_wait3A_1173 = tpu.memref_slice %arg11[%dma_wait3A_1172] : memref<49152xf32, #tpu.memory_space<vmem>> -> memref<768xf32, #tpu.memory_space<vmem>>
    tpu.wait_dma2 semaphore(%arg17 : memref<!tpu.dma_semaphore, #tpu.memory_space<semaphore_mem>>) src(%dma_wait3A_1173 : memref<768xf32, #tpu.memory_space<vmem>>) dst(%dma_wait3A_1171 : memref<768xf32, #tpu.memory_space<hbm>>)
    %dma_wait3A_1174 = arith.constant 30720 : i32
    %dma_wait3A_1175 = tpu.memref_slice %arg11[%dma_wait3A_1174] : memref<49152xf32, #tpu.memory_space<vmem>> -> memref<768xf32, #tpu.memory_space<vmem>>
    %dma_wait3A_1176 = tpu.memref_slice %arg8[%add3A_849] : memref<1572864xf32, #tpu.memory_space<hbm>> -> memref<768xf32, #tpu.memory_space<hbm>>
    %dma_wait3A_1177 = tpu.memref_slice %arg8[%add3A_849] : memref<1572864xf32, #tpu.memory_space<hbm>> -> memref<768xf32, #tpu.memory_space<hbm>>
    %dma_wait3A_1178 = arith.constant 30720 : i32
    %dma_wait3A_1179 = tpu.memref_slice %arg11[%dma_wait3A_1178] : memref<49152xf32, #tpu.memory_space<vmem>> -> memref<768xf32, #tpu.memory_space<vmem>>
    tpu.wait_dma2 semaphore(%arg17 : memref<!tpu.dma_semaphore, #tpu.memory_space<semaphore_mem>>) src(%dma_wait3A_1179 : memref<768xf32, #tpu.memory_space<vmem>>) dst(%dma_wait3A_1177 : memref<768xf32, #tpu.memory_space<hbm>>)
    %dma_wait3A_1180 = arith.constant 31744 : i32
    %dma_wait3A_1181 = tpu.memref_slice %arg11[%dma_wait3A_1180] : memref<49152xf32, #tpu.memory_space<vmem>> -> memref<768xf32, #tpu.memory_space<vmem>>
    %dma_wait3A_1182 = tpu.memref_slice %arg8[%add3A_857] : memref<1572864xf32, #tpu.memory_space<hbm>> -> memref<768xf32, #tpu.memory_space<hbm>>
    %dma_wait3A_1183 = tpu.memref_slice %arg8[%add3A_857] : memref<1572864xf32, #tpu.memory_space<hbm>> -> memref<768xf32, #tpu.memory_space<hbm>>
    %dma_wait3A_1184 = arith.constant 31744 : i32
    %dma_wait3A_1185 = tpu.memref_slice %arg11[%dma_wait3A_1184] : memref<49152xf32, #tpu.memory_space<vmem>> -> memref<768xf32, #tpu.memory_space<vmem>>
    tpu.wait_dma2 semaphore(%arg17 : memref<!tpu.dma_semaphore, #tpu.memory_space<semaphore_mem>>) src(%dma_wait3A_1185 : memref<768xf32, #tpu.memory_space<vmem>>) dst(%dma_wait3A_1183 : memref<768xf32, #tpu.memory_space<hbm>>)
    %dma_wait3A_1186 = arith.constant 32768 : i32
    %dma_wait3A_1187 = tpu.memref_slice %arg11[%dma_wait3A_1186] : memref<49152xf32, #tpu.memory_space<vmem>> -> memref<768xf32, #tpu.memory_space<vmem>>
    %dma_wait3A_1188 = tpu.memref_slice %arg8[%add3A_865] : memref<1572864xf32, #tpu.memory_space<hbm>> -> memref<768xf32, #tpu.memory_space<hbm>>
    %dma_wait3A_1189 = tpu.memref_slice %arg8[%add3A_865] : memref<1572864xf32, #tpu.memory_space<hbm>> -> memref<768xf32, #tpu.memory_space<hbm>>
    %dma_wait3A_1190 = arith.constant 32768 : i32
    %dma_wait3A_1191 = tpu.memref_slice %arg11[%dma_wait3A_1190] : memref<49152xf32, #tpu.memory_space<vmem>> -> memref<768xf32, #tpu.memory_space<vmem>>
    tpu.wait_dma2 semaphore(%arg17 : memref<!tpu.dma_semaphore, #tpu.memory_space<semaphore_mem>>) src(%dma_wait3A_1191 : memref<768xf32, #tpu.memory_space<vmem>>) dst(%dma_wait3A_1189 : memref<768xf32, #tpu.memory_space<hbm>>)
    %dma_wait3A_1192 = arith.constant 33792 : i32
    %dma_wait3A_1193 = tpu.memref_slice %arg11[%dma_wait3A_1192] : memref<49152xf32, #tpu.memory_space<vmem>> -> memref<768xf32, #tpu.memory_space<vmem>>
    %dma_wait3A_1194 = tpu.memref_slice %arg8[%add3A_873] : memref<1572864xf32, #tpu.memory_space<hbm>> -> memref<768xf32, #tpu.memory_space<hbm>>
    %dma_wait3A_1195 = tpu.memref_slice %arg8[%add3A_873] : memref<1572864xf32, #tpu.memory_space<hbm>> -> memref<768xf32, #tpu.memory_space<hbm>>
    %dma_wait3A_1196 = arith.constant 33792 : i32
    %dma_wait3A_1197 = tpu.memref_slice %arg11[%dma_wait3A_1196] : memref<49152xf32, #tpu.memory_space<vmem>> -> memref<768xf32, #tpu.memory_space<vmem>>
    tpu.wait_dma2 semaphore(%arg17 : memref<!tpu.dma_semaphore, #tpu.memory_space<semaphore_mem>>) src(%dma_wait3A_1197 : memref<768xf32, #tpu.memory_space<vmem>>) dst(%dma_wait3A_1195 : memref<768xf32, #tpu.memory_space<hbm>>)
    %dma_wait3A_1198 = arith.constant 34816 : i32
    %dma_wait3A_1199 = tpu.memref_slice %arg11[%dma_wait3A_1198] : memref<49152xf32, #tpu.memory_space<vmem>> -> memref<768xf32, #tpu.memory_space<vmem>>
    %dma_wait3A_1200 = tpu.memref_slice %arg8[%add3A_881] : memref<1572864xf32, #tpu.memory_space<hbm>> -> memref<768xf32, #tpu.memory_space<hbm>>
    %dma_wait3A_1201 = tpu.memref_slice %arg8[%add3A_881] : memref<1572864xf32, #tpu.memory_space<hbm>> -> memref<768xf32, #tpu.memory_space<hbm>>
    %dma_wait3A_1202 = arith.constant 34816 : i32
    %dma_wait3A_1203 = tpu.memref_slice %arg11[%dma_wait3A_1202] : memref<49152xf32, #tpu.memory_space<vmem>> -> memref<768xf32, #tpu.memory_space<vmem>>
    tpu.wait_dma2 semaphore(%arg17 : memref<!tpu.dma_semaphore, #tpu.memory_space<semaphore_mem>>) src(%dma_wait3A_1203 : memref<768xf32, #tpu.memory_space<vmem>>) dst(%dma_wait3A_1201 : memref<768xf32, #tpu.memory_space<hbm>>)
    %dma_wait3A_1204 = arith.constant 35840 : i32
    %dma_wait3A_1205 = tpu.memref_slice %arg11[%dma_wait3A_1204] : memref<49152xf32, #tpu.memory_space<vmem>> -> memref<768xf32, #tpu.memory_space<vmem>>
    %dma_wait3A_1206 = tpu.memref_slice %arg8[%add3A_889] : memref<1572864xf32, #tpu.memory_space<hbm>> -> memref<768xf32, #tpu.memory_space<hbm>>
    %dma_wait3A_1207 = tpu.memref_slice %arg8[%add3A_889] : memref<1572864xf32, #tpu.memory_space<hbm>> -> memref<768xf32, #tpu.memory_space<hbm>>
    %dma_wait3A_1208 = arith.constant 35840 : i32
    %dma_wait3A_1209 = tpu.memref_slice %arg11[%dma_wait3A_1208] : memref<49152xf32, #tpu.memory_space<vmem>> -> memref<768xf32, #tpu.memory_space<vmem>>
    tpu.wait_dma2 semaphore(%arg17 : memref<!tpu.dma_semaphore, #tpu.memory_space<semaphore_mem>>) src(%dma_wait3A_1209 : memref<768xf32, #tpu.memory_space<vmem>>) dst(%dma_wait3A_1207 : memref<768xf32, #tpu.memory_space<hbm>>)
    %dma_wait3A_1210 = arith.constant 36864 : i32
    %dma_wait3A_1211 = tpu.memref_slice %arg11[%dma_wait3A_1210] : memref<49152xf32, #tpu.memory_space<vmem>> -> memref<768xf32, #tpu.memory_space<vmem>>
    %dma_wait3A_1212 = tpu.memref_slice %arg8[%add3A_897] : memref<1572864xf32, #tpu.memory_space<hbm>> -> memref<768xf32, #tpu.memory_space<hbm>>
    %dma_wait3A_1213 = tpu.memref_slice %arg8[%add3A_897] : memref<1572864xf32, #tpu.memory_space<hbm>> -> memref<768xf32, #tpu.memory_space<hbm>>
    %dma_wait3A_1214 = arith.constant 36864 : i32
    %dma_wait3A_1215 = tpu.memref_slice %arg11[%dma_wait3A_1214] : memref<49152xf32, #tpu.memory_space<vmem>> -> memref<768xf32, #tpu.memory_space<vmem>>
    tpu.wait_dma2 semaphore(%arg17 : memref<!tpu.dma_semaphore, #tpu.memory_space<semaphore_mem>>) src(%dma_wait3A_1215 : memref<768xf32, #tpu.memory_space<vmem>>) dst(%dma_wait3A_1213 : memref<768xf32, #tpu.memory_space<hbm>>)
    %dma_wait3A_1216 = arith.constant 37888 : i32
    %dma_wait3A_1217 = tpu.memref_slice %arg11[%dma_wait3A_1216] : memref<49152xf32, #tpu.memory_space<vmem>> -> memref<768xf32, #tpu.memory_space<vmem>>
    %dma_wait3A_1218 = tpu.memref_slice %arg8[%add3A_905] : memref<1572864xf32, #tpu.memory_space<hbm>> -> memref<768xf32, #tpu.memory_space<hbm>>
    %dma_wait3A_1219 = tpu.memref_slice %arg8[%add3A_905] : memref<1572864xf32, #tpu.memory_space<hbm>> -> memref<768xf32, #tpu.memory_space<hbm>>
    %dma_wait3A_1220 = arith.constant 37888 : i32
    %dma_wait3A_1221 = tpu.memref_slice %arg11[%dma_wait3A_1220] : memref<49152xf32, #tpu.memory_space<vmem>> -> memref<768xf32, #tpu.memory_space<vmem>>
    tpu.wait_dma2 semaphore(%arg17 : memref<!tpu.dma_semaphore, #tpu.memory_space<semaphore_mem>>) src(%dma_wait3A_1221 : memref<768xf32, #tpu.memory_space<vmem>>) dst(%dma_wait3A_1219 : memref<768xf32, #tpu.memory_space<hbm>>)
    %dma_wait3A_1222 = arith.constant 38912 : i32
    %dma_wait3A_1223 = tpu.memref_slice %arg11[%dma_wait3A_1222] : memref<49152xf32, #tpu.memory_space<vmem>> -> memref<768xf32, #tpu.memory_space<vmem>>
    %dma_wait3A_1224 = tpu.memref_slice %arg8[%add3A_913] : memref<1572864xf32, #tpu.memory_space<hbm>> -> memref<768xf32, #tpu.memory_space<hbm>>
    %dma_wait3A_1225 = tpu.memref_slice %arg8[%add3A_913] : memref<1572864xf32, #tpu.memory_space<hbm>> -> memref<768xf32, #tpu.memory_space<hbm>>
    %dma_wait3A_1226 = arith.constant 38912 : i32
    %dma_wait3A_1227 = tpu.memref_slice %arg11[%dma_wait3A_1226] : memref<49152xf32, #tpu.memory_space<vmem>> -> memref<768xf32, #tpu.memory_space<vmem>>
    tpu.wait_dma2 semaphore(%arg17 : memref<!tpu.dma_semaphore, #tpu.memory_space<semaphore_mem>>) src(%dma_wait3A_1227 : memref<768xf32, #tpu.memory_space<vmem>>) dst(%dma_wait3A_1225 : memref<768xf32, #tpu.memory_space<hbm>>)
    %dma_wait3A_1228 = arith.constant 39936 : i32
    %dma_wait3A_1229 = tpu.memref_slice %arg11[%dma_wait3A_1228] : memref<49152xf32, #tpu.memory_space<vmem>> -> memref<768xf32, #tpu.memory_space<vmem>>
    %dma_wait3A_1230 = tpu.memref_slice %arg8[%add3A_921] : memref<1572864xf32, #tpu.memory_space<hbm>> -> memref<768xf32, #tpu.memory_space<hbm>>
    %dma_wait3A_1231 = tpu.memref_slice %arg8[%add3A_921] : memref<1572864xf32, #tpu.memory_space<hbm>> -> memref<768xf32, #tpu.memory_space<hbm>>
    %dma_wait3A_1232 = arith.constant 39936 : i32
    %dma_wait3A_1233 = tpu.memref_slice %arg11[%dma_wait3A_1232] : memref<49152xf32, #tpu.memory_space<vmem>> -> memref<768xf32, #tpu.memory_space<vmem>>
    tpu.wait_dma2 semaphore(%arg17 : memref<!tpu.dma_semaphore, #tpu.memory_space<semaphore_mem>>) src(%dma_wait3A_1233 : memref<768xf32, #tpu.memory_space<vmem>>) dst(%dma_wait3A_1231 : memref<768xf32, #tpu.memory_space<hbm>>)
    %dma_wait3A_1234 = arith.constant 40960 : i32
    %dma_wait3A_1235 = tpu.memref_slice %arg11[%dma_wait3A_1234] : memref<49152xf32, #tpu.memory_space<vmem>> -> memref<768xf32, #tpu.memory_space<vmem>>
    %dma_wait3A_1236 = tpu.memref_slice %arg8[%add3A_929] : memref<1572864xf32, #tpu.memory_space<hbm>> -> memref<768xf32, #tpu.memory_space<hbm>>
    %dma_wait3A_1237 = tpu.memref_slice %arg8[%add3A_929] : memref<1572864xf32, #tpu.memory_space<hbm>> -> memref<768xf32, #tpu.memory_space<hbm>>
    %dma_wait3A_1238 = arith.constant 40960 : i32
    %dma_wait3A_1239 = tpu.memref_slice %arg11[%dma_wait3A_1238] : memref<49152xf32, #tpu.memory_space<vmem>> -> memref<768xf32, #tpu.memory_space<vmem>>
    tpu.wait_dma2 semaphore(%arg17 : memref<!tpu.dma_semaphore, #tpu.memory_space<semaphore_mem>>) src(%dma_wait3A_1239 : memref<768xf32, #tpu.memory_space<vmem>>) dst(%dma_wait3A_1237 : memref<768xf32, #tpu.memory_space<hbm>>)
    %dma_wait3A_1240 = arith.constant 41984 : i32
    %dma_wait3A_1241 = tpu.memref_slice %arg11[%dma_wait3A_1240] : memref<49152xf32, #tpu.memory_space<vmem>> -> memref<768xf32, #tpu.memory_space<vmem>>
    %dma_wait3A_1242 = tpu.memref_slice %arg8[%add3A_937] : memref<1572864xf32, #tpu.memory_space<hbm>> -> memref<768xf32, #tpu.memory_space<hbm>>
    %dma_wait3A_1243 = tpu.memref_slice %arg8[%add3A_937] : memref<1572864xf32, #tpu.memory_space<hbm>> -> memref<768xf32, #tpu.memory_space<hbm>>
    %dma_wait3A_1244 = arith.constant 41984 : i32
    %dma_wait3A_1245 = tpu.memref_slice %arg11[%dma_wait3A_1244] : memref<49152xf32, #tpu.memory_space<vmem>> -> memref<768xf32, #tpu.memory_space<vmem>>
    tpu.wait_dma2 semaphore(%arg17 : memref<!tpu.dma_semaphore, #tpu.memory_space<semaphore_mem>>) src(%dma_wait3A_1245 : memref<768xf32, #tpu.memory_space<vmem>>) dst(%dma_wait3A_1243 : memref<768xf32, #tpu.memory_space<hbm>>)
    %dma_wait3A_1246 = arith.constant 43008 : i32
    %dma_wait3A_1247 = tpu.memref_slice %arg11[%dma_wait3A_1246] : memref<49152xf32, #tpu.memory_space<vmem>> -> memref<768xf32, #tpu.memory_space<vmem>>
    %dma_wait3A_1248 = tpu.memref_slice %arg8[%add3A_945] : memref<1572864xf32, #tpu.memory_space<hbm>> -> memref<768xf32, #tpu.memory_space<hbm>>
    %dma_wait3A_1249 = tpu.memref_slice %arg8[%add3A_945] : memref<1572864xf32, #tpu.memory_space<hbm>> -> memref<768xf32, #tpu.memory_space<hbm>>
    %dma_wait3A_1250 = arith.constant 43008 : i32
    %dma_wait3A_1251 = tpu.memref_slice %arg11[%dma_wait3A_1250] : memref<49152xf32, #tpu.memory_space<vmem>> -> memref<768xf32, #tpu.memory_space<vmem>>
    tpu.wait_dma2 semaphore(%arg17 : memref<!tpu.dma_semaphore, #tpu.memory_space<semaphore_mem>>) src(%dma_wait3A_1251 : memref<768xf32, #tpu.memory_space<vmem>>) dst(%dma_wait3A_1249 : memref<768xf32, #tpu.memory_space<hbm>>)
    %dma_wait3A_1252 = arith.constant 44032 : i32
    %dma_wait3A_1253 = tpu.memref_slice %arg11[%dma_wait3A_1252] : memref<49152xf32, #tpu.memory_space<vmem>> -> memref<768xf32, #tpu.memory_space<vmem>>
    %dma_wait3A_1254 = tpu.memref_slice %arg8[%add3A_953] : memref<1572864xf32, #tpu.memory_space<hbm>> -> memref<768xf32, #tpu.memory_space<hbm>>
    %dma_wait3A_1255 = tpu.memref_slice %arg8[%add3A_953] : memref<1572864xf32, #tpu.memory_space<hbm>> -> memref<768xf32, #tpu.memory_space<hbm>>
    %dma_wait3A_1256 = arith.constant 44032 : i32
    %dma_wait3A_1257 = tpu.memref_slice %arg11[%dma_wait3A_1256] : memref<49152xf32, #tpu.memory_space<vmem>> -> memref<768xf32, #tpu.memory_space<vmem>>
    tpu.wait_dma2 semaphore(%arg17 : memref<!tpu.dma_semaphore, #tpu.memory_space<semaphore_mem>>) src(%dma_wait3A_1257 : memref<768xf32, #tpu.memory_space<vmem>>) dst(%dma_wait3A_1255 : memref<768xf32, #tpu.memory_space<hbm>>)
    %dma_wait3A_1258 = arith.constant 45056 : i32
    %dma_wait3A_1259 = tpu.memref_slice %arg11[%dma_wait3A_1258] : memref<49152xf32, #tpu.memory_space<vmem>> -> memref<768xf32, #tpu.memory_space<vmem>>
    %dma_wait3A_1260 = tpu.memref_slice %arg8[%add3A_961] : memref<1572864xf32, #tpu.memory_space<hbm>> -> memref<768xf32, #tpu.memory_space<hbm>>
    %dma_wait3A_1261 = tpu.memref_slice %arg8[%add3A_961] : memref<1572864xf32, #tpu.memory_space<hbm>> -> memref<768xf32, #tpu.memory_space<hbm>>
    %dma_wait3A_1262 = arith.constant 45056 : i32
    %dma_wait3A_1263 = tpu.memref_slice %arg11[%dma_wait3A_1262] : memref<49152xf32, #tpu.memory_space<vmem>> -> memref<768xf32, #tpu.memory_space<vmem>>
    tpu.wait_dma2 semaphore(%arg17 : memref<!tpu.dma_semaphore, #tpu.memory_space<semaphore_mem>>) src(%dma_wait3A_1263 : memref<768xf32, #tpu.memory_space<vmem>>) dst(%dma_wait3A_1261 : memref<768xf32, #tpu.memory_space<hbm>>)
    %dma_wait3A_1264 = arith.constant 46080 : i32
    %dma_wait3A_1265 = tpu.memref_slice %arg11[%dma_wait3A_1264] : memref<49152xf32, #tpu.memory_space<vmem>> -> memref<768xf32, #tpu.memory_space<vmem>>
    %dma_wait3A_1266 = tpu.memref_slice %arg8[%add3A_969] : memref<1572864xf32, #tpu.memory_space<hbm>> -> memref<768xf32, #tpu.memory_space<hbm>>
    %dma_wait3A_1267 = tpu.memref_slice %arg8[%add3A_969] : memref<1572864xf32, #tpu.memory_space<hbm>> -> memref<768xf32, #tpu.memory_space<hbm>>
    %dma_wait3A_1268 = arith.constant 46080 : i32
    %dma_wait3A_1269 = tpu.memref_slice %arg11[%dma_wait3A_1268] : memref<49152xf32, #tpu.memory_space<vmem>> -> memref<768xf32, #tpu.memory_space<vmem>>
    tpu.wait_dma2 semaphore(%arg17 : memref<!tpu.dma_semaphore, #tpu.memory_space<semaphore_mem>>) src(%dma_wait3A_1269 : memref<768xf32, #tpu.memory_space<vmem>>) dst(%dma_wait3A_1267 : memref<768xf32, #tpu.memory_space<hbm>>)
    %dma_wait3A_1270 = arith.constant 47104 : i32
    %dma_wait3A_1271 = tpu.memref_slice %arg11[%dma_wait3A_1270] : memref<49152xf32, #tpu.memory_space<vmem>> -> memref<768xf32, #tpu.memory_space<vmem>>
    %dma_wait3A_1272 = tpu.memref_slice %arg8[%add3A_977] : memref<1572864xf32, #tpu.memory_space<hbm>> -> memref<768xf32, #tpu.memory_space<hbm>>
    %dma_wait3A_1273 = tpu.memref_slice %arg8[%add3A_977] : memref<1572864xf32, #tpu.memory_space<hbm>> -> memref<768xf32, #tpu.memory_space<hbm>>
    %dma_wait3A_1274 = arith.constant 47104 : i32
    %dma_wait3A_1275 = tpu.memref_slice %arg11[%dma_wait3A_1274] : memref<49152xf32, #tpu.memory_space<vmem>> -> memref<768xf32, #tpu.memory_space<vmem>>
    tpu.wait_dma2 semaphore(%arg17 : memref<!tpu.dma_semaphore, #tpu.memory_space<semaphore_mem>>) src(%dma_wait3A_1275 : memref<768xf32, #tpu.memory_space<vmem>>) dst(%dma_wait3A_1273 : memref<768xf32, #tpu.memory_space<hbm>>)
    %dma_wait3A_1276 = arith.constant 48128 : i32
    %dma_wait3A_1277 = tpu.memref_slice %arg11[%dma_wait3A_1276] : memref<49152xf32, #tpu.memory_space<vmem>> -> memref<768xf32, #tpu.memory_space<vmem>>
    %dma_wait3A_1278 = tpu.memref_slice %arg8[%add3A_985] : memref<1572864xf32, #tpu.memory_space<hbm>> -> memref<768xf32, #tpu.memory_space<hbm>>
    %dma_wait3A_1279 = tpu.memref_slice %arg8[%add3A_985] : memref<1572864xf32, #tpu.memory_space<hbm>> -> memref<768xf32, #tpu.memory_space<hbm>>
    %dma_wait3A_1280 = arith.constant 48128 : i32
    %dma_wait3A_1281 = tpu.memref_slice %arg11[%dma_wait3A_1280] : memref<49152xf32, #tpu.memory_space<vmem>> -> memref<768xf32, #tpu.memory_space<vmem>>
    tpu.wait_dma2 semaphore(%arg17 : memref<!tpu.dma_semaphore, #tpu.memory_space<semaphore_mem>>) src(%dma_wait3A_1281 : memref<768xf32, #tpu.memory_space<vmem>>) dst(%dma_wait3A_1279 : memref<768xf32, #tpu.memory_space<hbm>>)
    return
  }
}

</mosaic_0001>

<sc_bundles>
// kernel: kernel.3.cloned.1.call-start
scs
__scs_entry_jumppad:
0x0: {  	(pc) =	sbr.rel $0x88, $3  }
0x1: {  	(tag) =	ssettag $0x0;
	lr =	simm.s32 $0x1  }
0x2: {  	[smem:$0x3F9D] =	sst lr;
	_ =	strace $0xD0000000  }
0x3: {  	_ = 	snop  }
0x4: {  	_ = 	snop  }
0x5: {  	_ = 	snop  }
0x6: {  	_ = 	snop  }
0x7: {  	_ = 	snop  }
__scs_overlays_trampoline_lowered:
0x8: {  	[smem:$0x3FAC] =	sst s0  }
0x9: {  	[smem:$0x3FAD] =	sst s1  }
0xa: {  	[smem:$0x3FAE] =	sst s2  }
0xb: {  	[smem:$0x3FAF] =	sst s3  }
0xc: {  	[smem:$0x3FB0] =	sst s4  }
0xd: {  	[smem:$0x3FB1] =	sst s5  }
0xe: {  	[smem:$0x3FB2] =	sst s6  }
0xf: {  	[smem:$0x3FB3] =	sst s7  }
0x10: {  	[smem:$0x3FB4] =	sst s8  }
0x11: {  	[smem:$0x3FB5] =	sst s9;
	s0 =	simm.s32 @!p0 $0x0  }
0x12: {  	s1 =	sld [smem:$0x3F9B];
	s0 =	simm.s32 @p0 $0x1  }
0x13: {  	[smem:$0x3FB6] =	sst s0;
	s0 =	simm.s32 @!p1 $0x0  }
0x14: {  	s2 =	sld [smem:$0x3F9A];
	s0 =	simm.s32 @p1 $0x1  }
0x15: {  	[smem:$0x3FB7] =	sst s0;
	s0 =	simm.s32 @!p2 $0x0  }
0x16: {  	s3 =	sld [smem:$0x3FDB];
	s0 =	simm.s32 @p2 $0x1  }
0x17: {  	s4 =	simm.s32 $0x1BF5;
	[smem:$0x3FB9] =	sst s0  }
0x18: {  	s0 =	sld [smem:$0x3F9C];
	_ =	swait.ge [sflag:s4], $0x0  }
0x19: {  	s7 =	sld [smem:$0x3F9D]  }
0x1a: {  	s8 =	sadd.s32 $0xFFFFE003, lr  }
0x1b: {  	s9 =	sadd.s32 $0xFFFFFEF7, lr;
	s5 =	simm.s32 $0xFFFFFFFF;
	p2 =	slt.u32 s8, $0xFFFFF086  }
0x1c: {  	p1 =	slt.u32 s9, $0xF7A;
	s5 =	simm.s32 @!p2 $0x0  }
0x1d: {  	s5 =	simm.s32 @p1 $0x1;
	p0 =	seq.s32 s7, s2  }
0x1e: {  	s7 =	smul.u32 @!p0 $0xF7A, s2;
	p2 =	seq.s32 @!p0 s5, $0x0  }
0x1f: {  	s9 =	smul.u32 $0xF7A, s1;
	s8 =	simm.s32 @!p0 $0x1BF5;
	p2 =	por !p2, p0  }
0x20: {  	[sflag:s8] =	ssyncset.s32 @!p0 $0xFFFFF086;
	s6 =	sadd.s32 @!p0 s3, s7;
	s7 =	simm.s32 @!p0 $0x108  }
0x21: {  	s3 =	sadd.s32 s3, s9;
	s6 =	sadd.s32 @!p0 $0x88, s6;
	s7 =	simm.s32 @p2 $0x1082  }
0x22: {  	[simem:s7], [sflag:s8] =	dma.local @!p0 [hbm:s6], $0xF7A  }
0x23: {  	s9 =	sor.u32 $0xD0000000, s2;
	s6 =	simm.s32 $0x108;
	_ =	swait.ge @!p0 [sflag:s8], $0x0  }
0x24: {  	s3 =	sadd.s32 $0x88, s3;
	s6 =	simm.s32 @!p1 $0x1082;
	[sflag:s4] =	ssyncset.s32 $0xFFFFF086  }
0x25: {  	[simem:s6], [sflag:s4] =	dma.local [hbm:s3], $0xF7A  }
0x26: {  	[smem:$0x3F9D] =	sst s1;
	(tag) =	ssettag s2;
	_ =	strace s9  }
0x27: {  	s1 =	sld [smem:$0x3FAD]  }
0x28: {  	s2 =	sld [smem:$0x3FAE]  }
0x29: {  	s4 =	sld [smem:$0x3FB0]  }
0x2a: {  	p0 =	seq.s32 s5, $0x0;
	s5 =	sld [smem:$0x3FB1]  }
0x2b: {  	s6 =	sld [smem:$0x3FB2]  }
0x2c: {  	s7 =	sld [smem:$0x3FB3]  }
0x2d: {  	s3 =	simm.s32 $0x108;
	s8 =	sld [smem:$0x3FB4]  }
0x2e: {  	s3 =	simm.s32 @!p0 $0x1082;
	s9 =	sld [smem:$0x3FB5]  }
0x2f: {  	lr =	sadd.s32 s0, s3;
	s0 =	sld [smem:$0x3FAC]  }
0x30: {  	s3 =	sld [smem:$0x3FAF]  }
0x31: {  	[smem:$0x3FB8] =	sst s10  }
0x32: {  	s10 =	sld [smem:$0x3FB6];
	_ =	sdelay $0x3  }
0x33: {  	p0 =	seq.s32 s10, $0x1;
	s10 =	sld [smem:$0x3FB8];
	_ =	sdelay $0x3  }
0x34: {  	[smem:$0x3FB8] =	sst s10  }
0x35: {  	s10 =	sld [smem:$0x3FB7];
	_ =	sdelay $0x3  }
0x36: {  	p1 =	seq.s32 s10, $0x1;
	s10 =	sld [smem:$0x3FB8];
	_ =	sdelay $0x3  }
0x37: {  	[smem:$0x3FB8] =	sst s10  }
0x38: {  	s10 =	sld [smem:$0x3FB9]  }
0x39: {  	_ = 	snop;
	(pc) =	sbr.ind lr, $3  }
0x3a: {  	_ = 	snop  }
0x3b: {  	_ = 	snop  }
0x3c: {  	p2 =	seq.s32 s10, $0x1;
	s10 =	sld [smem:$0x3FB8]  }
0x3d: {  	_ =	shalt  }
0x3e: {  	_ =	shalt  }
0x3f: {  	_ =	shalt  }
0x40: {  	_ =	shalt  }
0x41: {  	_ =	shalt  }
0x42: {  	_ =	shalt  }
0x43: {  	_ =	shalt  }
0x44: {  	_ =	shalt  }
0x45: {  	_ =	shalt  }
0x46: {  	_ =	shalt  }
0x47: {  	_ =	shalt  }
0x48: {  	_ =	shalt  }
0x49: {  	_ =	shalt  }
0x4a: {  	_ =	shalt  }
0x4b: {  	_ =	shalt  }
0x4c: {  	_ =	shalt  }
0x4d: {  	_ =	shalt  }
0x4e: {  	_ =	shalt  }
0x4f: {  	_ =	shalt  }
0x50: {  	_ =	shalt  }
0x51: {  	_ =	shalt  }
0x52: {  	_ =	shalt  }
0x53: {  	_ =	shalt  }
0x54: {  	_ =	shalt  }
0x55: {  	_ =	shalt  }
0x56: {  	_ =	shalt  }
0x57: {  	_ =	shalt  }
0x58: {  	_ =	shalt  }
0x59: {  	_ =	shalt  }
0x5a: {  	_ =	shalt  }
0x5b: {  	_ =	shalt  }
0x5c: {  	_ =	shalt  }
0x5d: {  	_ =	shalt  }
0x5e: {  	_ =	shalt  }
0x5f: {  	_ =	shalt  }
0x60: {  	_ =	shalt  }
0x61: {  	_ =	shalt  }
0x62: {  	_ =	shalt  }
0x63: {  	_ =	shalt  }
0x64: {  	_ =	shalt  }
0x65: {  	_ =	shalt  }
0x66: {  	_ =	shalt  }
0x67: {  	_ =	shalt  }
0x68: {  	_ =	shalt  }
0x69: {  	_ =	shalt  }
0x6a: {  	_ =	shalt  }
0x6b: {  	_ =	shalt  }
0x6c: {  	_ =	shalt  }
0x6d: {  	_ =	shalt  }
0x6e: {  	_ =	shalt  }
0x6f: {  	_ =	shalt  }
0x70: {  	_ =	shalt  }
0x71: {  	_ =	shalt  }
0x72: {  	_ =	shalt  }
0x73: {  	_ =	shalt  }
0x74: {  	_ =	shalt  }
0x75: {  	_ =	shalt  }
0x76: {  	_ =	shalt  }
0x77: {  	_ =	shalt  }
0x78: {  	_ =	shalt  }
0x79: {  	_ =	shalt  }
0x7a: {  	_ =	shalt  }
0x7b: {  	_ =	shalt  }
0x7c: {  	_ =	shalt  }
0x7d: {  	_ =	shalt  }
0x7e: {  	_ =	shalt  }
0x7f: {  	_ =	shalt  }
0x80: {  	_ =	shalt  }
0x81: {  	_ =	shalt  }
0x82: {  	_ =	shalt  }
0x83: {  	_ =	shalt  }
0x84: {  	_ =	shalt  }
0x85: {  	_ =	shalt  }
0x86: {  	_ =	shalt  }
0x87: {  	_ =	shalt  }
.Lfunc_end0:
.L_simem_size_0:
called_computation_lowered:
.L_overlay_start_0:
0x88: {  	s2 =	sld [smem:$0x3FD9]  }
0x89: {  	s3 =	sld [smem:$0x3FFE];
	_ =	sdelay $0x1  }
0x8a: {  	s1 =	srdreg.scid  }
0x8b: {  	s0 =	sand.u32 $0x1, s1  }
0x8c: {  	s14 =	sshll.u32 s0, $0xA;
	s2 =	sadd.s32 s3, s2  }
0x8d: {  	s2 =	sadd.s32 s2, s14  }
0x8e: {  	[smem:$0x3FC4] =	sst s2  }
0x8f: {  	_ = 	snop  }
0x90: {  	s2 =	sld [smem:$0x3FD0];
	_ =	sdelay $0x1  }
0x91: {  	s15 =	sld [smem:$0x3FC8]  }
0x92: {  	s5 =	simm.s32 $0xA;
	s6 =	simm.s32 $0x10;
	s4 =	sld [smem:$0x3FC7]  }
0x93: {  	[smem:s6], [sflag:s5] =	dma.local [hbm:s2], $0x1  }
0x94: {  	_ =	swait.eq [sflag:s5], $0x1  }
0x95: {  	[sflag:s5] =	ssyncset.done $0x0  }
0x96: {  	s16 =	sld [smem:$0x10];
	[sflag:s5] =	ssyncadd.s32 $0xFFFFFFFF  }
0x97: {  	s17 =	sld [smem:$0x11];
	(tm) =	ssettm $0x1  }
0x98: {  	s18 =	sld [smem:$0x3FFB];
	_ =	sdelay $0x3  }
0x99: {  	_ =	strace s18  }
0x9a: {  	s6 =	sld [smem:$0x3FFC];
	_ =	sdelay $0x3  }
0x9b: {  	_ =	strace s6  }
0x9c: {  	s6 =	sld [smem:$0x3FFD];
	_ =	sdelay $0x3  }
0x9d: {  	_ =	strace s6  }
0x9e: {  	_ =	strace $0x8FFFFFFF  }
0x9f: {  	s19 =	sld [smem:$0x3FDB];
	_ =	sdelay $0x1  }
0xa0: {  	s7 =	simm.s32 $_scs_section_size  }
0xa1: {  	s8 =	simm.s32 $_size__tile_overlayer_lowered;
	s9 =	simm.s32 $_tile_overlayer_lowered  }
0xa2: {  	s22 =	simm.s32 $0x1BFF;
	s21 =	sshll.u32 s9, $0x1;
	s6 =	sadd.s32 s7, s19  }
0xa3: {  	s10 =	simm.s32 $0x0;
	s20 =	sshll.u32 s8, $0x1;
	s8 =	sadd.s32 s21, s6  }
0xa4: {  	[timem:s10], [sflag:s22] =	dma.local [hbm:s8], s20  }
0xa5: {  	_ =	swait.ge [sflag:s22], s20  }
0xa6: {  	s7 =	ssub.s32 $0x0, s20;
	[sflag:s22] =	ssyncset.done $0x0  }
0xa7: {  	[sflag:s22] =	ssyncadd.s32 s7;
	_ =	sdelay $0x1  }
0xa8: {  	s23 =	simm.s32 $0x1B8B  }
0xa9: {  	_ =	swait.ge [sflag:s23], $0x1  }
0xaa: {  	[sflag:s23] =	ssyncset.done $0x0  }
0xab: {  	s25 =	simm.s32 $0x1B8E;
	s24 =	sld [smem:$0x3FFE];
	[sflag:s23] =	ssyncadd.s32 $0xFFFFFFFF  }
0xac: {  	s26 =	simm.s32 $execute0_lowered;
	[smem:$0x3FD2] =	sst s25  }
0xad: {  	s8 =	sshll.u32 s26, $0x1;
	_ =	strace $0x80000046;
	[dreg:$0x1] =	wrdreg $0xFFFFFFFF  }
0xae: {  	s28 =	simm.s32 $_size_execute0_lowered;
	s6 =	sadd.s32 s6, s8;
	[dreg:$0x0] =	wrdreg $0x0  }
0xaf: {  	s8 =	sshll.u32 s28, $0x1;
	[dreg:$0x2] =	wrdreg s6  }
0xb0: {  	[dreg:$0x3] =	wrdreg s8  }
0xb1: {  	[dreg:$0x4] =	wrdreg $0xC0  }
0xb2: {  	_ =	task [dreg:s10], $0x5FFFF  }
0xb3: {  	[dreg:$0x1] =	wrdreg $0xFFFFFFFF  }
0xb4: {  	[dreg:$0x0] =	wrdreg $0x60  }
0xb5: {  	[dreg:$0x2] =	wrdreg s16  }
0xb6: {  	[dreg:$0x3] =	wrdreg s24  }
0xb7: {  	[dreg:$0x4] =	wrdreg s15  }
0xb8: {  	[dreg:$0x5] =	wrdreg s4  }
0xb9: {  	[dreg:$0x6] =	wrdreg s17  }
0xba: {  	[dreg:$0x7] =	wrdreg $0x9  }
0xbb: {  	_ =	task.clear_ibuf [dreg:s10], $0x8FFFF;
	_ =	strace $0x90000046  }
0xbc: {  	s29 =	simm.s32 $0x9;
	_ =	strace $0x80000048  }
0xbd: {  	_ =	swait.ge [sflag:s29], $0x1  }
0xbe: {  	[sflag:s29] =	ssyncadd.s32 $0xFFFFFFFF  }
0xbf: {  	_ =	strace $0x90000048  }
0xc0: {  	_ =	sfence  }
0xc1: {  	s30 =	sld [smem:$0x0];
	_ =	sdelay $0x2  }
0xc2: {  	s31 =	sshll.u32 s1, $0xD;
	s1 =	sshrl.u32 s1, $0x2  }
0xc3: {  	s3 =	sand.u32 $0x4000, s31;
	s1 =	sadd.s32 s1, s30  }
0xc4: {  	s0 =	sor.u32 s3, s0;
	s1 =	sshll.u32 s1, $0x11  }
0xc5: {  	s0 =	sor.u32 s1, s0  }
0xc6: {  	s0 =	sadd.s32 $0x8F2B, s0  }
0xc7: {  	[sflag:s0] =	ssyncadd.remote.s32 $0x1  }
0xc8: {  	_ =	sfence.sel $0xFFFF  }
0xc9: {  	[dreg:$0x0] =	wrdreg $0xFFFFFFFF;
	(pc) =	sbr.abs _section_cstart, $3  }
0xca: {  	[dreg:$0x1] =	wrdreg $0xFFFFFFFF  }
0xcb: {  	_ =	task.clear_ibuf [dreg:s10], $0x2FFFF;
	_ =	strace $0x9FFFFFFF  }
0xcc: {  	(tm) =	ssettm $0x7FFFFFFF  }
0xcd: {  	_ =	shalt  }
tec
execute0_lowered:
.L_overlay_start_1:
0x0: {  	(tag) =	ssettag $0x1  }
0x1: {  	s0 =	rddreg [dreg:$0x0]  }
0x2: {  	s1 =	rddreg [dreg:$0x1]  }
0x3: {  	s2 =	srdreg.scid;
	s4 =	stileid.u32  }
0x4: {  	s3 =	rddreg [dreg:$0x4];
	s2 =	sand.u32 $0x1, s2;
	s5 =	sshll.u32 s4, $0x1  }
0x5: {  	s4 =	simm.s32 $0x0;
	s9 =	sadd.s32 $0xC00, s1;
	s5 =	sor.u32 s2, s5  }
0x6: {  	s10 =	sadd.s32 $0x10E00, s1;
	[smem:$0x7FF] =	sst s4;
	s6 =	sshll.u32 s5, $0xB  }
0x7: {  	s7 =	smul.u32 $0xC000, s5;
	_ =	strace $0x80000047;
	[dreg:$0x6] =	wrdreg s9  }
0x8: {  	[dreg:$0x7] =	wrdreg s10;
	s8 =	sadd.s32 s6, s1;
	s0 =	sadd.s32 s0, s6  }
0x9: {  	s3 =	sadd.s32 s3, s6;
	s7 =	sshrl.u32 s7, $0x3;
	[dreg:$0x8] =	wrdreg s0  }
0xa: {  	s20 =	sadd.s32 $0xE00, s8;
	[dreg:$0xa] =	wrdreg s3;
	s1 =	sadd.s32 s7, s1  }
0xb: {  	[dreg:$0x9] =	wrdreg s20;
	s21 =	sadd.s32 $0x11000, s1  }
0xc: {  	s22 =	sadd.s32 $0x11080, s1;
	[dreg:$0xb] =	wrdreg s21  }
0xd: {  	s23 =	sadd.s32 $0x11100, s1;
	[dreg:$0xc] =	wrdreg s22  }
0xe: {  	s24 =	sadd.s32 $0x11180, s1;
	[dreg:$0xd] =	wrdreg s23  }
0xf: {  	s25 =	sadd.s32 $0x11200, s1;
	[dreg:$0xe] =	wrdreg s24  }
0x10: {  	s26 =	sadd.s32 $0x11280, s1;
	[dreg:$0xf] =	wrdreg s25  }
0x11: {  	s0 =	smul.u32 $0x1800, s5;
	s5 =	sadd.s32 $0x11300, s1;
	[dreg:$0x10] =	wrdreg s26  }
0x12: {  	s6 =	sadd.s32 $0x11380, s1;
	[dreg:$0x11] =	wrdreg s5  }
0x13: {  	s7 =	sadd.s32 $0x11400, s1;
	[dreg:$0x12] =	wrdreg s6  }
0x14: {  	s8 =	sadd.s32 $0x11480, s1;
	[dreg:$0x13] =	wrdreg s7  }
0x15: {  	s9 =	sadd.s32 $0x11500, s1;
	[dreg:$0x14] =	wrdreg s8  }
0x16: {  	s10 =	sadd.s32 $0x11580, s1;
	[dreg:$0x15] =	wrdreg s9  }
0x17: {  	s11 =	sadd.s32 $0x11600, s1;
	[dreg:$0x16] =	wrdreg s10  }
0x18: {  	s30 =	simm.s32 $0x14080;
	s12 =	sadd.s32 $0x11680, s1;
	[dreg:$0x17] =	wrdreg s11  }
0x19: {  	s31 =	simm.s32 $0x1;
	s13 =	sadd.s32 $0x11700, s1;
	[dreg:$0x18] =	wrdreg s12  }
0x1a: {  	s2 =	ssub.s32 $0x2, s2;
	s14 =	sadd.s32 $0x11780, s1;
	[dreg:$0x19] =	wrdreg s13  }
0x1b: {  	s19 =	sshrl.u32 s2, $0x1;
	s15 =	sadd.s32 $0x11800, s1;
	[dreg:$0x1a] =	wrdreg s14  }
0x1c: {  	s2 =	ssub.s32 s2, s19;
	s16 =	sadd.s32 $0x11880, s1;
	[dreg:$0x1b] =	wrdreg s15  }
0x1d: {  	s29 =	smax.u32 s2, $0x1;
	s17 =	sadd.s32 $0x11900, s1;
	[dreg:$0x1c] =	wrdreg s16  }
0x1e: {  	s2 =	simm.s32 $0x2;
	s18 =	sadd.s32 $0x11980, s1;
	[dreg:$0x1d] =	wrdreg s17  }
0x1f: {  	s19 =	sadd.s32 $0x11A00, s1;
	s20 =	sadd.s32 $0x11A80, s1;
	[dreg:$0x1e] =	wrdreg s18  }
0x20: {  	s28 =	sadd.s32 $0x12780, s1;
	v0 =	vmov s0;
	s0 =	simm.s32 $0x3;
	[dreg:$0x1f] =	wrdreg s19  }
0x21: {  	[smem:$0x7F7] =	sst s20;
	s21 =	sadd.s32 $0x11B00, s1;
	s22 =	sadd.s32 $0x11B80, s1  }
0x22: {  	s23 =	sadd.s32 $0x11C00, s1;
	s24 =	sadd.s32 $0x11C80, s1;
	s25 =	sadd.s32 $0x11D00, s1  }
0x23: {  	s26 =	sadd.s32 $0x11D80, s1;
	s8 =	sadd.s32 $0x11E00, s1;
	s9 =	sadd.s32 $0x11E80, s1  }
0x24: {  	s10 =	sadd.s32 $0x11F00, s1;
	s11 =	sadd.s32 $0x11F80, s1;
	[smem:$0x7F8] =	sst s21  }
0x25: {  	s12 =	sadd.s32 $0x12000, s1;
	s13 =	sadd.s32 $0x12080, s1;
	[smem:$0x7F9] =	sst s22  }
0x26: {  	s14 =	sadd.s32 $0x12100, s1;
	s15 =	sadd.s32 $0x12180, s1;
	[smem:$0x7FA] =	sst s23  }
0x27: {  	s16 =	sadd.s32 $0x12200, s1;
	s17 =	sadd.s32 $0x12280, s1;
	[smem:$0x7FB] =	sst s24  }
0x28: {  	s18 =	sadd.s32 $0x12300, s1;
	s19 =	sadd.s32 $0x12380, s1;
	[smem:$0x7FC] =	sst s25  }
0x29: {  	s20 =	sadd.s32 $0x12400, s1;
	[smem:$0x7FD] =	sst s26;
	s21 =	sadd.s32 $0x12480, s1  }
0x2a: {  	s22 =	sadd.s32 $0x12500, s1;
	s23 =	sadd.s32 $0x12580, s1;
	s24 =	sadd.s32 $0x12600, s1  }
0x2b: {  	s25 =	sadd.s32 $0x12680, s1;
	s26 =	sadd.s32 $0x12700, s1;
	s1 =	simm.s32 $0x0  }
.LBB2_1:
0x2c: {  	s3 =	rddreg [dreg:$0x2]  }
0x2d: {  	[tilespmem:s4], [sflag:$0x1] =	stream.linear.gather [hbm4b:s3+s4], $0x2, $0x38;
	[tilespmem:$0x18800] =	vst v63  }
0x2e: {  	s7 =	rddreg [dreg:$0x3];
	s5 =	simm.s32 $0x8  }
0x2f: {  	[tilespmem:s5], [sflag:$0x1] =	stream.linear.gather [hbm4b:s7+s4], $0x2, $0x38;
	[tilespmem:$0x18800] =	vst v63  }
0x30: {  	s5 =	rddreg [dreg:$0x6]  }
0x31: {  	[tilespmem:s30], [sflag:$0x1] =	stream.linear.gather [hbm4b:s5+s4], $0x80, $0x38;
	[tilespmem:$0x18800] =	vst v63  }
0x32: {  	s6 =	rddreg [dreg:$0x7];
	s7 =	simm.s32 $0x18100  }
0x33: {  	[tilespmem:s7], [sflag:$0x1] =	stream.linear.gather [hbm4b:s6+s4], $0x700, $0x38;
	[tilespmem:$0x18800] =	vst v63  }
0x34: {  	s6 =	rddreg [dreg:$0x8];
	s7 =	simm.s32 $0x10  }
0x35: {  	[tilespmem:s7], [sflag:$0x2] =	stream.linear.gather [hbm4b:s6+s4], $0x4000, $0x38;
	[tilespmem:$0x18800] =	vst v63  }
0x36: {  	s6 =	rddreg [dreg:$0x9];
	s7 =	simm.s32 $0x4010  }
0x37: {  	[tilespmem:s7], [sflag:$0x2] =	stream.linear.gather [hbm4b:s6+s4], $0x4000, $0x38;
	[tilespmem:$0x18800] =	vst v63  }
0x38: {  	_ =	swait.ge [sflag:s31], $0x2  }
0x39: {  	[sflag:s31] =	ssyncset.done $0x0  }
0x3a: {  	[sflag:s31] =	ssyncadd.s32 $0xFFFFFFFE  }
0x3b: {  	_ =	swait.ge [sflag:s31], $0x2  }
0x3c: {  	[sflag:s31] =	ssyncset.done $0x0  }
0x3d: {  	[sflag:s31] =	ssyncadd.s32 $0xFFFFFFFE  }
0x3e: {  	_ =	swait.ge [sflag:s31], $0x80  }
0x3f: {  	[sflag:s31] =	ssyncset.done $0x0  }
0x40: {  	[sflag:s31] =	ssyncadd.s32 $0xFFFFFF80  }
0x41: {  	_ =	swait.ge [sflag:s31], $0x700  }
0x42: {  	[sflag:s31] =	ssyncset.done $0x0  }
0x43: {  	[sflag:s31] =	ssyncadd.s32 $0xFFFFF900  }
0x44: {  	v1 =	vld [tilespmem:$0x18770]  }
0x45: {  	v2 =	vld [tilespmem:$0x18780];
	_ =	sdelay $0x5  }
0x46: {  	v3 =	vld [tilespmem:$0x18760]  }
0x47: {  	v1 =	vld.idx.msk [tilespmem:v1+s30+$0x0], $0xffff  }
0x48: {  	v2 =	vld.idx.msk [tilespmem:v2+s30+$0x0], $0xffff;
	_ =	sdelay $0x3  }
0x49: {  	v3 =	vadd.s32 v0, v3  }
0x4a: {  	v15 =	vadd.s32 v3, v1;
	v14 =	vadd.s32 v3, v2  }
0x4b: {  	v13 =	vadd.s32 $0xC, v15;
	v12 =	vadd.s32 $0xC, v14;
	v11 =	vadd.s32 $0x18, v15  }
0x4c: {  	v10 =	vadd.s32 $0x18, v14;
	v9 =	vadd.s32 $0x24, v15;
	v8 =	vadd.s32 $0x24, v14  }
0x4d: {  	v7 =	vadd.s32 $0x30, v15;
	v6 =	vadd.s32 $0x30, v14;
	v5 =	vadd.s32 $0x3C, v15  }
0x4e: {  	v4 =	vadd.s32 $0x3C, v14;
	v2 =	vadd.s32 $0x48, v15;
	v16 =	vadd.s32 $0x54, v14  }
0x4f: {  	s3 =	simm.s32 $0x14180;
	s5 =	simm.s32 $0x0;
	s6 =	simm.s32 $0x60;
	v3 =	vadd.s32 $0x48, v14;
	v1 =	vadd.s32 $0x54, v15;
	v17 =	vadd.s32 s4, v16  }
.LBB2_2:
0x50: {  	p0 =	sne.s32 s6, $0x17A0;
	v18 =	vadd.s32 s5, v15;
	[tilespmem:s3+$0x70] =	vst v17  }
0x51: {  	v17 =	vadd.s32 s5, v14;
	[tilespmem:s3+$0xFFFFFF80] =	vst v18  }
0x52: {  	[tilespmem:s3+$0x0] =	vst v17;
	v17 =	vadd.s32 s5, v13  }
0x53: {  	[tilespmem:s3+$0xFFFFFF90] =	vst v17;
	v17 =	vadd.s32 s5, v12  }
0x54: {  	[tilespmem:s3+$0x10] =	vst v17;
	v17 =	vadd.s32 s5, v11  }
0x55: {  	[tilespmem:s3+$0xFFFFFFA0] =	vst v17;
	v17 =	vadd.s32 s5, v10  }
0x56: {  	[tilespmem:s3+$0x20] =	vst v17;
	v17 =	vadd.s32 s5, v9  }
0x57: {  	[tilespmem:s3+$0xFFFFFFB0] =	vst v17;
	v17 =	vadd.s32 s5, v8  }
0x58: {  	[tilespmem:s3+$0x30] =	vst v17;
	v17 =	vadd.s32 s5, v7  }
0x59: {  	[tilespmem:s3+$0xFFFFFFC0] =	vst v17;
	v17 =	vadd.s32 s5, v6  }
0x5a: {  	[tilespmem:s3+$0x40] =	vst v17;
	v17 =	vadd.s32 s5, v5  }
.Ltmp0:
0x5b: {  	[tilespmem:s3+$0xFFFFFFD0] =	vst v17;
	v17 =	vadd.s32 s5, v4;
	(pc) =	sbr.rel @p0 .LBB2_2-.Ltmp0, $4  }
0x5c: {  	[tilespmem:s3+$0x50] =	vst v17;
	v17 =	vadd.s32 s5, v2  }
0x5d: {  	[tilespmem:s3+$0xFFFFFFE0] =	vst v17;
	v17 =	vadd.s32 s5, v3  }
0x5e: {  	v18 =	vadd.s32 s5, v1;
	s5 =	smov.u32 s6;
	[tilespmem:s3+$0x60] =	vst v17  }
0x5f: {  	s6 =	sadd.s32 $0x60, s6;
	v17 =	vadd.s32 s5, v16;
	[tilespmem:s3+$0xFFFFFFF0] =	vst v18;
	s3 =	sadd.s32 $0x100, s3  }
0x60: {  	v15 =	vadd.s32 s5, v15;
	[tilespmem:s3+$0x70] =	vst v17  }
0x61: {  	v14 =	vadd.s32 s5, v14;
	[tilespmem:s3+$0xFFFFFF80] =	vst v15  }
0x62: {  	v13 =	vadd.s32 s5, v13;
	[tilespmem:s3+$0x0] =	vst v14  }
0x63: {  	v12 =	vadd.s32 s5, v12;
	[tilespmem:s3+$0xFFFFFF90] =	vst v13  }
0x64: {  	v11 =	vadd.s32 s5, v11;
	[tilespmem:s3+$0x10] =	vst v12  }
0x65: {  	v10 =	vadd.s32 s5, v10;
	[tilespmem:s3+$0xFFFFFFA0] =	vst v11  }
0x66: {  	v9 =	vadd.s32 s5, v9;
	[tilespmem:s3+$0x20] =	vst v10  }
0x67: {  	v8 =	vadd.s32 s5, v8;
	[tilespmem:s3+$0xFFFFFFB0] =	vst v9  }
0x68: {  	v7 =	vadd.s32 s5, v7;
	[tilespmem:s3+$0x30] =	vst v8  }
0x69: {  	v6 =	vadd.s32 s5, v6;
	[tilespmem:s3+$0xFFFFFFC0] =	vst v7  }
0x6a: {  	v5 =	vadd.s32 s5, v5;
	[tilespmem:s3+$0x40] =	vst v6  }
0x6b: {  	v4 =	vadd.s32 s5, v4;
	[tilespmem:s3+$0xFFFFFFD0] =	vst v5  }
0x6c: {  	v2 =	vadd.s32 s5, v2;
	[tilespmem:s3+$0x50] =	vst v4  }
0x6d: {  	v1 =	vadd.s32 s5, v1;
	[tilespmem:s3+$0xFFFFFFE0] =	vst v2  }
0x6e: {  	v2 =	vadd.s32 s5, v3;
	[tilespmem:s3+$0xFFFFFFF0] =	vst v1  }
0x6f: {  	s7 =	rddreg [dreg:$0xa];
	s6 =	simm.s32 $0x14100;
	s5 =	simm.s32 $0x0;
	[tilespmem:s3+$0x60] =	vst v2  }
0x70: {  	[hbm4b:s7+s5] =	stream.linear.scatter [tilespmem:s6], [sflag:$0x3], $0x4000, $0x38;
	[tilespmem:$0x18800] =	vst v63  }
0x71: {  	_ =	swait.ge [sflag:s2], $0x4000  }
0x72: {  	[sflag:s2] =	ssyncset.done $0x0  }
0x73: {  	[sflag:s2] =	ssyncadd.s32 $0xFFFFC000  }
0x74: {  	_ =	swait.ge [sflag:s2], $0x4000  }
0x75: {  	[sflag:s2] =	ssyncset.done $0x0  }
0x76: {  	[sflag:s2] =	ssyncadd.s32 $0xFFFFC000  }
0x77: {  	v24 =	vld [tilespmem:$0x18100]  }
0x78: {  	v23 =	vld [tilespmem:$0x18110]  }
0x79: {  	v22 =	vld [tilespmem:$0x18120]  }
0x7a: {  	v21 =	vld [tilespmem:$0x18130]  }
0x7b: {  	v20 =	vld [tilespmem:$0x18140]  }
0x7c: {  	v19 =	vld [tilespmem:$0x18150]  }
0x7d: {  	v18 =	vld [tilespmem:$0x18160]  }
0x7e: {  	v17 =	vld [tilespmem:$0x18170]  }
0x7f: {  	v16 =	vld [tilespmem:$0x18180]  }
0x80: {  	v15 =	vld [tilespmem:$0x18190]  }
0x81: {  	v14 =	vld [tilespmem:$0x181A0]  }
0x82: {  	v13 =	vld [tilespmem:$0x181B0]  }
0x83: {  	v12 =	vld [tilespmem:$0x181C0]  }
0x84: {  	v11 =	vld [tilespmem:$0x181D0]  }
0x85: {  	v10 =	vld [tilespmem:$0x181E0]  }
0x86: {  	v9 =	vld [tilespmem:$0x181F0]  }
0x87: {  	v8 =	vld [tilespmem:$0x18200]  }
0x88: {  	v7 =	vld [tilespmem:$0x18210]  }
0x89: {  	s7 =	simm.s32 $0x0;
	v5 =	vld [tilespmem:$0x18220]  }
0x8a: {  	v25 =	vld.idx.msk [tilespmem:v24+s7+$0x0], $0xffff  }
0x8b: {  	v3 =	vld [tilespmem:$0x18230]  }
0x8c: {  	v6 =	vld [tilespmem:$0x18240]  }
0x8d: {  	v4 =	vld [tilespmem:$0x18250]  }
0x8e: {  	s3 =	simm.s32 $0x84C0;
	v1 =	vld [tilespmem:$0x18260]  }
0x8f: {  	v2 =	vld [tilespmem:$0x18270];
	[tilespmem:s3+$0xFFFFFBC0] =	vst v25  }
0x90: {  	v25 =	vld.idx.msk [tilespmem:v23+s7+$0x0], $0xffff;
	_ =	sdelay $0x4  }
0x91: {  	[tilespmem:s3+$0xFFFFFBD0] =	vst v25  }
0x92: {  	v25 =	vld.idx.msk [tilespmem:v22+s7+$0x0], $0xffff;
	_ =	sdelay $0x4  }
0x93: {  	[tilespmem:s3+$0xFFFFFBE0] =	vst v25  }
0x94: {  	v25 =	vld.idx.msk [tilespmem:v21+s7+$0x0], $0xffff;
	_ =	sdelay $0x4  }
0x95: {  	[tilespmem:s3+$0xFFFFFBF0] =	vst v25  }
0x96: {  	v25 =	vld.idx.msk [tilespmem:v20+s7+$0x0], $0xffff;
	_ =	sdelay $0x4  }
0x97: {  	[tilespmem:s3+$0xFFFFFC00] =	vst v25  }
0x98: {  	v25 =	vld.idx.msk [tilespmem:v19+s7+$0x0], $0xffff;
	_ =	sdelay $0x4  }
0x99: {  	[tilespmem:s3+$0xFFFFFC10] =	vst v25  }
0x9a: {  	v25 =	vld.idx.msk [tilespmem:v18+s7+$0x0], $0xffff;
	_ =	sdelay $0x4  }
0x9b: {  	[tilespmem:s3+$0xFFFFFC20] =	vst v25  }
0x9c: {  	v25 =	vld.idx.msk [tilespmem:v17+s7+$0x0], $0xffff;
	_ =	sdelay $0x4  }
0x9d: {  	[tilespmem:s3+$0xFFFFFC30] =	vst v25  }
0x9e: {  	v25 =	vld.idx.msk [tilespmem:v16+s7+$0x0], $0xffff;
	_ =	sdelay $0x4  }
0x9f: {  	[tilespmem:s3+$0xFFFFFFC0] =	vst v25  }
0xa0: {  	v25 =	vld.idx.msk [tilespmem:v15+s7+$0x0], $0xffff;
	_ =	sdelay $0x4  }
0xa1: {  	[tilespmem:s3+$0xFFFFFFD0] =	vst v25  }
0xa2: {  	v25 =	vld.idx.msk [tilespmem:v14+s7+$0x0], $0xffff;
	_ =	sdelay $0x4  }
0xa3: {  	[tilespmem:s3+$0xFFFFFFE0] =	vst v25  }
0xa4: {  	v25 =	vld.idx.msk [tilespmem:v13+s7+$0x0], $0xffff;
	_ =	sdelay $0x4  }
0xa5: {  	[tilespmem:s3+$0xFFFFFFF0] =	vst v25  }
0xa6: {  	v25 =	vld.idx.msk [tilespmem:v12+s7+$0x0], $0xffff;
	_ =	sdelay $0x4  }
0xa7: {  	[tilespmem:s3+$0x0] =	vst v25  }
0xa8: {  	v25 =	vld.idx.msk [tilespmem:v11+s7+$0x0], $0xffff;
	_ =	sdelay $0x4  }
0xa9: {  	[tilespmem:s3+$0x10] =	vst v25  }
0xaa: {  	v25 =	vld.idx.msk [tilespmem:v10+s7+$0x0], $0xffff;
	_ =	sdelay $0x4  }
0xab: {  	[tilespmem:s3+$0x20] =	vst v25  }
0xac: {  	v25 =	vld.idx.msk [tilespmem:v9+s7+$0x0], $0xffff;
	_ =	sdelay $0x4  }
0xad: {  	[tilespmem:s3+$0x30] =	vst v25  }
0xae: {  	v25 =	vld.idx.msk [tilespmem:v8+s7+$0x0], $0xffff;
	_ =	sdelay $0x4  }
0xaf: {  	[tilespmem:s3+$0x3C0] =	vst v25  }
0xb0: {  	v25 =	vld.idx.msk [tilespmem:v7+s7+$0x0], $0xffff;
	_ =	sdelay $0x4  }
0xb1: {  	[tilespmem:s3+$0x3D0] =	vst v25  }
0xb2: {  	v25 =	vld.idx.msk [tilespmem:v5+s7+$0x0], $0xffff;
	_ =	sdelay $0x4  }
0xb3: {  	[tilespmem:s3+$0x3E0] =	vst v25  }
0xb4: {  	v25 =	vld.idx.msk [tilespmem:v3+s7+$0x0], $0xffff;
	_ =	sdelay $0x4  }
0xb5: {  	[tilespmem:s3+$0x3F0] =	vst v25  }
0xb6: {  	v25 =	vld.idx.msk [tilespmem:v6+s7+$0x0], $0xffff;
	_ =	sdelay $0x4  }
0xb7: {  	[tilespmem:s3+$0x400] =	vst v25  }
0xb8: {  	v25 =	vld.idx.msk [tilespmem:v4+s7+$0x0], $0xffff;
	_ =	sdelay $0x4  }
0xb9: {  	[tilespmem:s3+$0x410] =	vst v25  }
0xba: {  	v25 =	vld.idx.msk [tilespmem:v1+s7+$0x0], $0xffff;
	_ =	sdelay $0x4  }
0xbb: {  	[tilespmem:s3+$0x420] =	vst v25  }
0xbc: {  	v25 =	vld.idx.msk [tilespmem:v2+s7+$0x0], $0xffff;
	_ =	sdelay $0x4  }
0xbd: {  	s5 =	simm.s32 $0x400;
	s6 =	simm.s32 $0x2000;
	[tilespmem:s3+$0x430] =	vst v25  }
.LBB2_4:
0xbe: {  	p0 =	sne.s32 s6, $0x7000;
	v25 =	vld.idx.msk [tilespmem:v24+s5+$0x0], $0xffff;
	_ =	sdelay $0x4  }
0xbf: {  	s3 =	sadd.s32 $0xC00, s3  }
0xc0: {  	[tilespmem:s3+$0xFFFFFBC0] =	vst v25  }
0xc1: {  	v25 =	vld.idx.msk [tilespmem:v23+s5+$0x0], $0xffff;
	_ =	sdelay $0x5  }
0xc2: {  	[tilespmem:s3+$0xFFFFFBD0] =	vst v25  }
0xc3: {  	v25 =	vld.idx.msk [tilespmem:v22+s5+$0x0], $0xffff;
	_ =	sdelay $0x5  }
0xc4: {  	[tilespmem:s3+$0xFFFFFBE0] =	vst v25  }
0xc5: {  	v25 =	vld.idx.msk [tilespmem:v21+s5+$0x0], $0xffff;
	_ =	sdelay $0x5  }
0xc6: {  	[tilespmem:s3+$0xFFFFFBF0] =	vst v25  }
0xc7: {  	v25 =	vld.idx.msk [tilespmem:v20+s5+$0x0], $0xffff;
	_ =	sdelay $0x5  }
0xc8: {  	[tilespmem:s3+$0xFFFFFC00] =	vst v25  }
0xc9: {  	v25 =	vld.idx.msk [tilespmem:v19+s5+$0x0], $0xffff;
	_ =	sdelay $0x5  }
0xca: {  	[tilespmem:s3+$0xFFFFFC10] =	vst v25  }
0xcb: {  	v25 =	vld.idx.msk [tilespmem:v18+s5+$0x0], $0xffff;
	_ =	sdelay $0x5  }
0xcc: {  	[tilespmem:s3+$0xFFFFFC20] =	vst v25  }
0xcd: {  	v25 =	vld.idx.msk [tilespmem:v17+s5+$0x0], $0xffff;
	_ =	sdelay $0x5  }
0xce: {  	[tilespmem:s3+$0xFFFFFC30] =	vst v25  }
0xcf: {  	v25 =	vld.idx.msk [tilespmem:v16+s5+$0x0], $0xffff;
	_ =	sdelay $0x5  }
0xd0: {  	[tilespmem:s3+$0xFFFFFFC0] =	vst v25  }
0xd1: {  	v25 =	vld.idx.msk [tilespmem:v15+s5+$0x0], $0xffff;
	_ =	sdelay $0x5  }
0xd2: {  	[tilespmem:s3+$0xFFFFFFD0] =	vst v25  }
0xd3: {  	v25 =	vld.idx.msk [tilespmem:v14+s5+$0x0], $0xffff;
	_ =	sdelay $0x5  }
0xd4: {  	[tilespmem:s3+$0xFFFFFFE0] =	vst v25  }
0xd5: {  	v25 =	vld.idx.msk [tilespmem:v13+s5+$0x0], $0xffff;
	_ =	sdelay $0x5  }
0xd6: {  	[tilespmem:s3+$0xFFFFFFF0] =	vst v25  }
0xd7: {  	v25 =	vld.idx.msk [tilespmem:v12+s5+$0x0], $0xffff;
	_ =	sdelay $0x5  }
0xd8: {  	[tilespmem:s3+$0x0] =	vst v25  }
0xd9: {  	v25 =	vld.idx.msk [tilespmem:v11+s5+$0x0], $0xffff;
	_ =	sdelay $0x5  }
0xda: {  	[tilespmem:s3+$0x10] =	vst v25  }
0xdb: {  	v25 =	vld.idx.msk [tilespmem:v10+s5+$0x0], $0xffff;
	_ =	sdelay $0x5  }
0xdc: {  	[tilespmem:s3+$0x20] =	vst v25  }
0xdd: {  	v25 =	vld.idx.msk [tilespmem:v9+s5+$0x0], $0xffff;
	_ =	sdelay $0x5  }
0xde: {  	[tilespmem:s3+$0x30] =	vst v25  }
0xdf: {  	v25 =	vld.idx.msk [tilespmem:v8+s5+$0x0], $0xffff;
	_ =	sdelay $0x5  }
0xe0: {  	[tilespmem:s3+$0x3C0] =	vst v25  }
0xe1: {  	v25 =	vld.idx.msk [tilespmem:v7+s5+$0x0], $0xffff;
	_ =	sdelay $0x5  }
0xe2: {  	[tilespmem:s3+$0x3D0] =	vst v25  }
0xe3: {  	v25 =	vld.idx.msk [tilespmem:v5+s5+$0x0], $0xffff;
	_ =	sdelay $0x5  }
0xe4: {  	[tilespmem:s3+$0x3E0] =	vst v25  }
0xe5: {  	v25 =	vld.idx.msk [tilespmem:v3+s5+$0x0], $0xffff;
	_ =	sdelay $0x5  }
0xe6: {  	[tilespmem:s3+$0x3F0] =	vst v25  }
0xe7: {  	v25 =	vld.idx.msk [tilespmem:v6+s5+$0x0], $0xffff;
	_ =	sdelay $0x5  }
0xe8: {  	[tilespmem:s3+$0x400] =	vst v25  }
0xe9: {  	v25 =	vld.idx.msk [tilespmem:v4+s5+$0x0], $0xffff;
	_ =	sdelay $0x5  }
0xea: {  	[tilespmem:s3+$0x410] =	vst v25  }
0xeb: {  	v25 =	vld.idx.msk [tilespmem:v1+s5+$0x0], $0xffff;
	_ =	sdelay $0x5  }
0xec: {  	[tilespmem:s3+$0x420] =	vst v25  }
0xed: {  	v25 =	vld.idx.msk [tilespmem:v2+s5+$0x0], $0xffff;
	_ =	sdelay $0x1  }
.Ltmp1:
0xee: {  	(pc) =	sbr.rel @p0 .LBB2_4-.Ltmp1, $2  }
0xef: {  	_ =	sdelay $0x2  }
0xf0: {  	s5 =	sshra.s32 s6, $0x2;
	s6 =	sadd.s32 $0x1000, s6;
	[tilespmem:s3+$0x430] =	vst v25  }
0xf1: {  	_ =	sdelay $0x3  }
0xf2: {  	v24 =	vld.idx.msk [tilespmem:v24+s5+$0x0], $0xffff;
	_ =	sdelay $0x3  }
0xf3: {  	s3 =	sadd.s32 $0xC00, s3  }
0xf4: {  	[tilespmem:s3+$0xFFFFFBC0] =	vst v24  }
0xf5: {  	v23 =	vld.idx.msk [tilespmem:v23+s5+$0x0], $0xffff;
	_ =	sdelay $0x4  }
0xf6: {  	[tilespmem:s3+$0xFFFFFBD0] =	vst v23  }
0xf7: {  	v22 =	vld.idx.msk [tilespmem:v22+s5+$0x0], $0xffff;
	_ =	sdelay $0x4  }
0xf8: {  	[tilespmem:s3+$0xFFFFFBE0] =	vst v22  }
0xf9: {  	v21 =	vld.idx.msk [tilespmem:v21+s5+$0x0], $0xffff;
	_ =	sdelay $0x4  }
0xfa: {  	[tilespmem:s3+$0xFFFFFBF0] =	vst v21  }
0xfb: {  	v20 =	vld.idx.msk [tilespmem:v20+s5+$0x0], $0xffff;
	_ =	sdelay $0x4  }
0xfc: {  	[tilespmem:s3+$0xFFFFFC00] =	vst v20  }
0xfd: {  	v19 =	vld.idx.msk [tilespmem:v19+s5+$0x0], $0xffff;
	_ =	sdelay $0x4  }
0xfe: {  	[tilespmem:s3+$0xFFFFFC10] =	vst v19  }
0xff: {  	v18 =	vld.idx.msk [tilespmem:v18+s5+$0x0], $0xffff;
	_ =	sdelay $0x4  }
0x100: {  	[tilespmem:s3+$0xFFFFFC20] =	vst v18  }
0x101: {  	v17 =	vld.idx.msk [tilespmem:v17+s5+$0x0], $0xffff;
	_ =	sdelay $0x4  }
0x102: {  	[tilespmem:s3+$0xFFFFFC30] =	vst v17  }
0x103: {  	v16 =	vld.idx.msk [tilespmem:v16+s5+$0x0], $0xffff;
	_ =	sdelay $0x4  }
0x104: {  	[tilespmem:s3+$0xFFFFFFC0] =	vst v16  }
0x105: {  	v15 =	vld.idx.msk [tilespmem:v15+s5+$0x0], $0xffff;
	_ =	sdelay $0x4  }
0x106: {  	[tilespmem:s3+$0xFFFFFFD0] =	vst v15  }
0x107: {  	v14 =	vld.idx.msk [tilespmem:v14+s5+$0x0], $0xffff;
	_ =	sdelay $0x4  }
0x108: {  	[tilespmem:s3+$0xFFFFFFE0] =	vst v14  }
0x109: {  	v13 =	vld.idx.msk [tilespmem:v13+s5+$0x0], $0xffff;
	_ =	sdelay $0x4  }
0x10a: {  	[tilespmem:s3+$0xFFFFFFF0] =	vst v13  }
0x10b: {  	v12 =	vld.idx.msk [tilespmem:v12+s5+$0x0], $0xffff;
	_ =	sdelay $0x4  }
0x10c: {  	[tilespmem:s3+$0x0] =	vst v12  }
0x10d: {  	v11 =	vld.idx.msk [tilespmem:v11+s5+$0x0], $0xffff;
	_ =	sdelay $0x4  }
0x10e: {  	[tilespmem:s3+$0x10] =	vst v11  }
0x10f: {  	v10 =	vld.idx.msk [tilespmem:v10+s5+$0x0], $0xffff;
	_ =	sdelay $0x4  }
0x110: {  	[tilespmem:s3+$0x20] =	vst v10  }
0x111: {  	v9 =	vld.idx.msk [tilespmem:v9+s5+$0x0], $0xffff;
	_ =	sdelay $0x4  }
0x112: {  	[tilespmem:s3+$0x30] =	vst v9  }
0x113: {  	v8 =	vld.idx.msk [tilespmem:v8+s5+$0x0], $0xffff;
	_ =	sdelay $0x4  }
0x114: {  	[tilespmem:s3+$0x3C0] =	vst v8  }
0x115: {  	v7 =	vld.idx.msk [tilespmem:v7+s5+$0x0], $0xffff;
	_ =	sdelay $0x4  }
0x116: {  	[tilespmem:s3+$0x3D0] =	vst v7  }
0x117: {  	v5 =	vld.idx.msk [tilespmem:v5+s5+$0x0], $0xffff;
	_ =	sdelay $0x4  }
0x118: {  	[tilespmem:s3+$0x3E0] =	vst v5  }
0x119: {  	v3 =	vld.idx.msk [tilespmem:v3+s5+$0x0], $0xffff;
	_ =	sdelay $0x4  }
0x11a: {  	[tilespmem:s3+$0x3F0] =	vst v3  }
0x11b: {  	v3 =	vld.idx.msk [tilespmem:v6+s5+$0x0], $0xffff;
	_ =	sdelay $0x4  }
0x11c: {  	[tilespmem:s3+$0x400] =	vst v3  }
0x11d: {  	v3 =	vld.idx.msk [tilespmem:v4+s5+$0x0], $0xffff;
	_ =	sdelay $0x4  }
0x11e: {  	[tilespmem:s3+$0x410] =	vst v3  }
0x11f: {  	v1 =	vld.idx.msk [tilespmem:v1+s5+$0x0], $0xffff;
	_ =	sdelay $0x4  }
0x120: {  	[tilespmem:s3+$0x420] =	vst v1  }
0x121: {  	v1 =	vld.idx.msk [tilespmem:v2+s5+$0x0], $0xffff;
	_ =	sdelay $0x4  }
0x122: {  	[tilespmem:s3+$0x430] =	vst v1  }
0x123: {  	v24 =	vld [tilespmem:$0x18280]  }
0x124: {  	v23 =	vld [tilespmem:$0x18290]  }
0x125: {  	v22 =	vld [tilespmem:$0x182A0]  }
0x126: {  	v21 =	vld [tilespmem:$0x182B0]  }
0x127: {  	v20 =	vld [tilespmem:$0x182C0]  }
0x128: {  	v19 =	vld [tilespmem:$0x182D0]  }
0x129: {  	v18 =	vld [tilespmem:$0x182E0]  }
0x12a: {  	v17 =	vld [tilespmem:$0x182F0]  }
0x12b: {  	v16 =	vld [tilespmem:$0x18300]  }
0x12c: {  	v15 =	vld [tilespmem:$0x18310]  }
0x12d: {  	v14 =	vld [tilespmem:$0x18320]  }
0x12e: {  	v13 =	vld [tilespmem:$0x18330]  }
0x12f: {  	v12 =	vld [tilespmem:$0x18340]  }
0x130: {  	v11 =	vld [tilespmem:$0x18350]  }
0x131: {  	v10 =	vld [tilespmem:$0x18360]  }
0x132: {  	v9 =	vld [tilespmem:$0x18370]  }
0x133: {  	v8 =	vld [tilespmem:$0x18380]  }
0x134: {  	v7 =	vld [tilespmem:$0x18390]  }
0x135: {  	s7 =	simm.s32 $0x0;
	v5 =	vld [tilespmem:$0x183A0]  }
0x136: {  	v25 =	vld.idx.msk [tilespmem:v24+s7+$0x0], $0xffff  }
0x137: {  	v3 =	vld [tilespmem:$0x183B0]  }
0x138: {  	v6 =	vld [tilespmem:$0x183C0]  }
0x139: {  	v4 =	vld [tilespmem:$0x183D0]  }
0x13a: {  	s3 =	simm.s32 $0x8500;
	v1 =	vld [tilespmem:$0x183E0]  }
0x13b: {  	v2 =	vld [tilespmem:$0x183F0];
	[tilespmem:s3+$0xFFFFFC00] =	vst v25  }
0x13c: {  	v25 =	vld.idx.msk [tilespmem:v23+s7+$0x0], $0xffff;
	_ =	sdelay $0x4  }
0x13d: {  	[tilespmem:s3+$0xFFFFFC10] =	vst v25  }
0x13e: {  	v25 =	vld.idx.msk [tilespmem:v22+s7+$0x0], $0xffff;
	_ =	sdelay $0x4  }
0x13f: {  	[tilespmem:s3+$0xFFFFFC20] =	vst v25  }
0x140: {  	v25 =	vld.idx.msk [tilespmem:v21+s7+$0x0], $0xffff;
	_ =	sdelay $0x4  }
0x141: {  	[tilespmem:s3+$0xFFFFFC30] =	vst v25  }
0x142: {  	v25 =	vld.idx.msk [tilespmem:v20+s7+$0x0], $0xffff;
	_ =	sdelay $0x4  }
0x143: {  	[tilespmem:s3+$0xFFFFFC40] =	vst v25  }
0x144: {  	v25 =	vld.idx.msk [tilespmem:v19+s7+$0x0], $0xffff;
	_ =	sdelay $0x4  }
0x145: {  	[tilespmem:s3+$0xFFFFFC50] =	vst v25  }
0x146: {  	v25 =	vld.idx.msk [tilespmem:v18+s7+$0x0], $0xffff;
	_ =	sdelay $0x4  }
0x147: {  	[tilespmem:s3+$0xFFFFFC60] =	vst v25  }
0x148: {  	v25 =	vld.idx.msk [tilespmem:v17+s7+$0x0], $0xffff;
	_ =	sdelay $0x4  }
0x149: {  	[tilespmem:s3+$0xFFFFFC70] =	vst v25  }
0x14a: {  	v25 =	vld.idx.msk [tilespmem:v16+s7+$0x0], $0xffff;
	_ =	sdelay $0x4  }
0x14b: {  	[tilespmem:s3+$0x0] =	vst v25  }
0x14c: {  	v25 =	vld.idx.msk [tilespmem:v15+s7+$0x0], $0xffff;
	_ =	sdelay $0x4  }
0x14d: {  	[tilespmem:s3+$0x10] =	vst v25  }
0x14e: {  	v25 =	vld.idx.msk [tilespmem:v14+s7+$0x0], $0xffff;
	_ =	sdelay $0x4  }
0x14f: {  	[tilespmem:s3+$0x20] =	vst v25  }
0x150: {  	v25 =	vld.idx.msk [tilespmem:v13+s7+$0x0], $0xffff;
	_ =	sdelay $0x4  }
0x151: {  	[tilespmem:s3+$0x30] =	vst v25  }
0x152: {  	v25 =	vld.idx.msk [tilespmem:v12+s7+$0x0], $0xffff;
	_ =	sdelay $0x4  }
0x153: {  	[tilespmem:s3+$0x40] =	vst v25  }
0x154: {  	v25 =	vld.idx.msk [tilespmem:v11+s7+$0x0], $0xffff;
	_ =	sdelay $0x4  }
0x155: {  	[tilespmem:s3+$0x50] =	vst v25  }
0x156: {  	v25 =	vld.idx.msk [tilespmem:v10+s7+$0x0], $0xffff;
	_ =	sdelay $0x4  }
0x157: {  	[tilespmem:s3+$0x60] =	vst v25  }
0x158: {  	v25 =	vld.idx.msk [tilespmem:v9+s7+$0x0], $0xffff;
	_ =	sdelay $0x4  }
0x159: {  	[tilespmem:s3+$0x70] =	vst v25  }
0x15a: {  	v25 =	vld.idx.msk [tilespmem:v8+s7+$0x0], $0xffff;
	_ =	sdelay $0x4  }
0x15b: {  	[tilespmem:s3+$0x400] =	vst v25  }
0x15c: {  	v25 =	vld.idx.msk [tilespmem:v7+s7+$0x0], $0xffff;
	_ =	sdelay $0x4  }
0x15d: {  	[tilespmem:s3+$0x410] =	vst v25  }
0x15e: {  	v25 =	vld.idx.msk [tilespmem:v5+s7+$0x0], $0xffff;
	_ =	sdelay $0x4  }
0x15f: {  	[tilespmem:s3+$0x420] =	vst v25  }
0x160: {  	v25 =	vld.idx.msk [tilespmem:v3+s7+$0x0], $0xffff;
	_ =	sdelay $0x4  }
0x161: {  	[tilespmem:s3+$0x430] =	vst v25  }
0x162: {  	v25 =	vld.idx.msk [tilespmem:v6+s7+$0x0], $0xffff;
	_ =	sdelay $0x4  }
0x163: {  	[tilespmem:s3+$0x440] =	vst v25  }
0x164: {  	v25 =	vld.idx.msk [tilespmem:v4+s7+$0x0], $0xffff;
	_ =	sdelay $0x4  }
0x165: {  	[tilespmem:s3+$0x450] =	vst v25  }
0x166: {  	v25 =	vld.idx.msk [tilespmem:v1+s7+$0x0], $0xffff;
	_ =	sdelay $0x4  }
0x167: {  	[tilespmem:s3+$0x460] =	vst v25  }
0x168: {  	v25 =	vld.idx.msk [tilespmem:v2+s7+$0x0], $0xffff;
	_ =	sdelay $0x4  }
0x169: {  	s6 =	simm.s32 $0x2000;
	s5 =	simm.s32 $0x400;
	[tilespmem:s3+$0x470] =	vst v25  }
.LBB2_6:
0x16a: {  	p0 =	sne.s32 s6, $0x7000;
	v25 =	vld.idx.msk [tilespmem:v24+s5+$0x0], $0xffff;
	_ =	sdelay $0x4  }
0x16b: {  	s3 =	sadd.s32 $0xC00, s3  }
0x16c: {  	[tilespmem:s3+$0xFFFFFC00] =	vst v25  }
0x16d: {  	v25 =	vld.idx.msk [tilespmem:v23+s5+$0x0], $0xffff;
	_ =	sdelay $0x5  }
0x16e: {  	[tilespmem:s3+$0xFFFFFC10] =	vst v25  }
0x16f: {  	v25 =	vld.idx.msk [tilespmem:v22+s5+$0x0], $0xffff;
	_ =	sdelay $0x5  }
0x170: {  	[tilespmem:s3+$0xFFFFFC20] =	vst v25  }
0x171: {  	v25 =	vld.idx.msk [tilespmem:v21+s5+$0x0], $0xffff;
	_ =	sdelay $0x5  }
0x172: {  	[tilespmem:s3+$0xFFFFFC30] =	vst v25  }
0x173: {  	v25 =	vld.idx.msk [tilespmem:v20+s5+$0x0], $0xffff;
	_ =	sdelay $0x5  }
0x174: {  	[tilespmem:s3+$0xFFFFFC40] =	vst v25  }
0x175: {  	v25 =	vld.idx.msk [tilespmem:v19+s5+$0x0], $0xffff;
	_ =	sdelay $0x5  }
0x176: {  	[tilespmem:s3+$0xFFFFFC50] =	vst v25  }
0x177: {  	v25 =	vld.idx.msk [tilespmem:v18+s5+$0x0], $0xffff;
	_ =	sdelay $0x5  }
0x178: {  	[tilespmem:s3+$0xFFFFFC60] =	vst v25  }
0x179: {  	v25 =	vld.idx.msk [tilespmem:v17+s5+$0x0], $0xffff;
	_ =	sdelay $0x5  }
0x17a: {  	[tilespmem:s3+$0xFFFFFC70] =	vst v25  }
0x17b: {  	v25 =	vld.idx.msk [tilespmem:v16+s5+$0x0], $0xffff;
	_ =	sdelay $0x5  }
0x17c: {  	[tilespmem:s3+$0x0] =	vst v25  }
0x17d: {  	v25 =	vld.idx.msk [tilespmem:v15+s5+$0x0], $0xffff;
	_ =	sdelay $0x5  }
0x17e: {  	[tilespmem:s3+$0x10] =	vst v25  }
0x17f: {  	v25 =	vld.idx.msk [tilespmem:v14+s5+$0x0], $0xffff;
	_ =	sdelay $0x5  }
0x180: {  	[tilespmem:s3+$0x20] =	vst v25  }
0x181: {  	v25 =	vld.idx.msk [tilespmem:v13+s5+$0x0], $0xffff;
	_ =	sdelay $0x5  }
0x182: {  	[tilespmem:s3+$0x30] =	vst v25  }
0x183: {  	v25 =	vld.idx.msk [tilespmem:v12+s5+$0x0], $0xffff;
	_ =	sdelay $0x5  }
0x184: {  	[tilespmem:s3+$0x40] =	vst v25  }
0x185: {  	v25 =	vld.idx.msk [tilespmem:v11+s5+$0x0], $0xffff;
	_ =	sdelay $0x5  }
0x186: {  	[tilespmem:s3+$0x50] =	vst v25  }
0x187: {  	v25 =	vld.idx.msk [tilespmem:v10+s5+$0x0], $0xffff;
	_ =	sdelay $0x5  }
0x188: {  	[tilespmem:s3+$0x60] =	vst v25  }
0x189: {  	v25 =	vld.idx.msk [tilespmem:v9+s5+$0x0], $0xffff;
	_ =	sdelay $0x5  }
0x18a: {  	[tilespmem:s3+$0x70] =	vst v25  }
0x18b: {  	v25 =	vld.idx.msk [tilespmem:v8+s5+$0x0], $0xffff;
	_ =	sdelay $0x5  }
0x18c: {  	[tilespmem:s3+$0x400] =	vst v25  }
0x18d: {  	v25 =	vld.idx.msk [tilespmem:v7+s5+$0x0], $0xffff;
	_ =	sdelay $0x5  }
0x18e: {  	[tilespmem:s3+$0x410] =	vst v25  }
0x18f: {  	v25 =	vld.idx.msk [tilespmem:v5+s5+$0x0], $0xffff;
	_ =	sdelay $0x5  }
0x190: {  	[tilespmem:s3+$0x420] =	vst v25  }
0x191: {  	v25 =	vld.idx.msk [tilespmem:v3+s5+$0x0], $0xffff;
	_ =	sdelay $0x5  }
0x192: {  	[tilespmem:s3+$0x430] =	vst v25  }
0x193: {  	v25 =	vld.idx.msk [tilespmem:v6+s5+$0x0], $0xffff;
	_ =	sdelay $0x5  }
0x194: {  	[tilespmem:s3+$0x440] =	vst v25  }
0x195: {  	v25 =	vld.idx.msk [tilespmem:v4+s5+$0x0], $0xffff;
	_ =	sdelay $0x5  }
0x196: {  	[tilespmem:s3+$0x450] =	vst v25  }
0x197: {  	v25 =	vld.idx.msk [tilespmem:v1+s5+$0x0], $0xffff;
	_ =	sdelay $0x5  }
0x198: {  	[tilespmem:s3+$0x460] =	vst v25  }
0x199: {  	v25 =	vld.idx.msk [tilespmem:v2+s5+$0x0], $0xffff;
	_ =	sdelay $0x1  }
.Ltmp2:
0x19a: {  	(pc) =	sbr.rel @p0 .LBB2_6-.Ltmp2, $2  }
0x19b: {  	_ =	sdelay $0x2  }
0x19c: {  	s5 =	sshra.s32 s6, $0x2;
	s6 =	sadd.s32 $0x1000, s6;
	[tilespmem:s3+$0x470] =	vst v25  }
0x19d: {  	_ =	sdelay $0x3  }
0x19e: {  	v24 =	vld.idx.msk [tilespmem:v24+s5+$0x0], $0xffff;
	_ =	sdelay $0x3  }
0x19f: {  	s3 =	sadd.s32 $0xC00, s3  }
0x1a0: {  	[tilespmem:s3+$0xFFFFFC00] =	vst v24  }
0x1a1: {  	v23 =	vld.idx.msk [tilespmem:v23+s5+$0x0], $0xffff;
	_ =	sdelay $0x4  }
0x1a2: {  	[tilespmem:s3+$0xFFFFFC10] =	vst v23  }
0x1a3: {  	v22 =	vld.idx.msk [tilespmem:v22+s5+$0x0], $0xffff;
	_ =	sdelay $0x4  }
0x1a4: {  	[tilespmem:s3+$0xFFFFFC20] =	vst v22  }
0x1a5: {  	v21 =	vld.idx.msk [tilespmem:v21+s5+$0x0], $0xffff;
	_ =	sdelay $0x4  }
0x1a6: {  	[tilespmem:s3+$0xFFFFFC30] =	vst v21  }
0x1a7: {  	v20 =	vld.idx.msk [tilespmem:v20+s5+$0x0], $0xffff;
	_ =	sdelay $0x4  }
0x1a8: {  	[tilespmem:s3+$0xFFFFFC40] =	vst v20  }
0x1a9: {  	v19 =	vld.idx.msk [tilespmem:v19+s5+$0x0], $0xffff;
	_ =	sdelay $0x4  }
0x1aa: {  	[tilespmem:s3+$0xFFFFFC50] =	vst v19  }
0x1ab: {  	v18 =	vld.idx.msk [tilespmem:v18+s5+$0x0], $0xffff;
	_ =	sdelay $0x4  }
0x1ac: {  	[tilespmem:s3+$0xFFFFFC60] =	vst v18  }
0x1ad: {  	v17 =	vld.idx.msk [tilespmem:v17+s5+$0x0], $0xffff;
	_ =	sdelay $0x4  }
0x1ae: {  	[tilespmem:s3+$0xFFFFFC70] =	vst v17  }
0x1af: {  	v16 =	vld.idx.msk [tilespmem:v16+s5+$0x0], $0xffff;
	_ =	sdelay $0x4  }
0x1b0: {  	[tilespmem:s3+$0x0] =	vst v16  }
0x1b1: {  	v15 =	vld.idx.msk [tilespmem:v15+s5+$0x0], $0xffff;
	_ =	sdelay $0x4  }
0x1b2: {  	[tilespmem:s3+$0x10] =	vst v15  }
0x1b3: {  	v14 =	vld.idx.msk [tilespmem:v14+s5+$0x0], $0xffff;
	_ =	sdelay $0x4  }
0x1b4: {  	[tilespmem:s3+$0x20] =	vst v14  }
0x1b5: {  	v13 =	vld.idx.msk [tilespmem:v13+s5+$0x0], $0xffff;
	_ =	sdelay $0x4  }
0x1b6: {  	[tilespmem:s3+$0x30] =	vst v13  }
0x1b7: {  	v12 =	vld.idx.msk [tilespmem:v12+s5+$0x0], $0xffff;
	_ =	sdelay $0x4  }
0x1b8: {  	[tilespmem:s3+$0x40] =	vst v12  }
0x1b9: {  	v11 =	vld.idx.msk [tilespmem:v11+s5+$0x0], $0xffff;
	_ =	sdelay $0x4  }
0x1ba: {  	[tilespmem:s3+$0x50] =	vst v11  }
0x1bb: {  	v10 =	vld.idx.msk [tilespmem:v10+s5+$0x0], $0xffff;
	_ =	sdelay $0x4  }
0x1bc: {  	[tilespmem:s3+$0x60] =	vst v10  }
0x1bd: {  	v9 =	vld.idx.msk [tilespmem:v9+s5+$0x0], $0xffff;
	_ =	sdelay $0x4  }
0x1be: {  	[tilespmem:s3+$0x70] =	vst v9  }
0x1bf: {  	v8 =	vld.idx.msk [tilespmem:v8+s5+$0x0], $0xffff;
	_ =	sdelay $0x4  }
0x1c0: {  	[tilespmem:s3+$0x400] =	vst v8  }
0x1c1: {  	v7 =	vld.idx.msk [tilespmem:v7+s5+$0x0], $0xffff;
	_ =	sdelay $0x4  }
0x1c2: {  	[tilespmem:s3+$0x410] =	vst v7  }
0x1c3: {  	v5 =	vld.idx.msk [tilespmem:v5+s5+$0x0], $0xffff;
	_ =	sdelay $0x4  }
0x1c4: {  	[tilespmem:s3+$0x420] =	vst v5  }
0x1c5: {  	v3 =	vld.idx.msk [tilespmem:v3+s5+$0x0], $0xffff;
	_ =	sdelay $0x4  }
0x1c6: {  	[tilespmem:s3+$0x430] =	vst v3  }
0x1c7: {  	v3 =	vld.idx.msk [tilespmem:v6+s5+$0x0], $0xffff;
	_ =	sdelay $0x4  }
0x1c8: {  	[tilespmem:s3+$0x440] =	vst v3  }
0x1c9: {  	v3 =	vld.idx.msk [tilespmem:v4+s5+$0x0], $0xffff;
	_ =	sdelay $0x4  }
0x1ca: {  	[tilespmem:s3+$0x450] =	vst v3  }
0x1cb: {  	v1 =	vld.idx.msk [tilespmem:v1+s5+$0x0], $0xffff;
	_ =	sdelay $0x4  }
0x1cc: {  	[tilespmem:s3+$0x460] =	vst v1  }
0x1cd: {  	v1 =	vld.idx.msk [tilespmem:v2+s5+$0x0], $0xffff;
	_ =	sdelay $0x4  }
0x1ce: {  	[tilespmem:s3+$0x470] =	vst v1  }
0x1cf: {  	v24 =	vld [tilespmem:$0x18400]  }
0x1d0: {  	v23 =	vld [tilespmem:$0x18410]  }
0x1d1: {  	v22 =	vld [tilespmem:$0x18420]  }
0x1d2: {  	v21 =	vld [tilespmem:$0x18430]  }
0x1d3: {  	v20 =	vld [tilespmem:$0x18440]  }
0x1d4: {  	v19 =	vld [tilespmem:$0x18450]  }
0x1d5: {  	v18 =	vld [tilespmem:$0x18460]  }
0x1d6: {  	v17 =	vld [tilespmem:$0x18470]  }
0x1d7: {  	v16 =	vld [tilespmem:$0x18480]  }
0x1d8: {  	v15 =	vld [tilespmem:$0x18490]  }
0x1d9: {  	v14 =	vld [tilespmem:$0x184A0]  }
0x1da: {  	v13 =	vld [tilespmem:$0x184B0]  }
0x1db: {  	v12 =	vld [tilespmem:$0x184C0]  }
0x1dc: {  	v11 =	vld [tilespmem:$0x184D0]  }
0x1dd: {  	v10 =	vld [tilespmem:$0x184E0]  }
0x1de: {  	v9 =	vld [tilespmem:$0x184F0]  }
0x1df: {  	v8 =	vld [tilespmem:$0x18500]  }
0x1e0: {  	v7 =	vld [tilespmem:$0x18510]  }
0x1e1: {  	s7 =	simm.s32 $0x0;
	v5 =	vld [tilespmem:$0x18520]  }
0x1e2: {  	v25 =	vld.idx.msk [tilespmem:v24+s7+$0x0], $0xffff  }
0x1e3: {  	v3 =	vld [tilespmem:$0x18530]  }
0x1e4: {  	v6 =	vld [tilespmem:$0x18540]  }
0x1e5: {  	v4 =	vld [tilespmem:$0x18550]  }
0x1e6: {  	s3 =	simm.s32 $0x8580;
	v1 =	vld [tilespmem:$0x18560]  }
0x1e7: {  	v2 =	vld [tilespmem:$0x18570];
	[tilespmem:s3+$0xFFFFFC00] =	vst v25  }
0x1e8: {  	v25 =	vld.idx.msk [tilespmem:v23+s7+$0x0], $0xffff;
	_ =	sdelay $0x4  }
0x1e9: {  	[tilespmem:s3+$0xFFFFFC10] =	vst v25  }
0x1ea: {  	v25 =	vld.idx.msk [tilespmem:v22+s7+$0x0], $0xffff;
	_ =	sdelay $0x4  }
0x1eb: {  	[tilespmem:s3+$0xFFFFFC20] =	vst v25  }
0x1ec: {  	v25 =	vld.idx.msk [tilespmem:v21+s7+$0x0], $0xffff;
	_ =	sdelay $0x4  }
0x1ed: {  	[tilespmem:s3+$0xFFFFFC30] =	vst v25  }
0x1ee: {  	v25 =	vld.idx.msk [tilespmem:v20+s7+$0x0], $0xffff;
	_ =	sdelay $0x4  }
0x1ef: {  	[tilespmem:s3+$0xFFFFFC40] =	vst v25  }
0x1f0: {  	v25 =	vld.idx.msk [tilespmem:v19+s7+$0x0], $0xffff;
	_ =	sdelay $0x4  }
0x1f1: {  	[tilespmem:s3+$0xFFFFFC50] =	vst v25  }
0x1f2: {  	v25 =	vld.idx.msk [tilespmem:v18+s7+$0x0], $0xffff;
	_ =	sdelay $0x4  }
0x1f3: {  	[tilespmem:s3+$0xFFFFFC60] =	vst v25  }
0x1f4: {  	v25 =	vld.idx.msk [tilespmem:v17+s7+$0x0], $0xffff;
	_ =	sdelay $0x4  }
0x1f5: {  	[tilespmem:s3+$0xFFFFFC70] =	vst v25  }
0x1f6: {  	v25 =	vld.idx.msk [tilespmem:v16+s7+$0x0], $0xffff;
	_ =	sdelay $0x4  }
0x1f7: {  	[tilespmem:s3+$0x0] =	vst v25  }
0x1f8: {  	v25 =	vld.idx.msk [tilespmem:v15+s7+$0x0], $0xffff;
	_ =	sdelay $0x4  }
0x1f9: {  	[tilespmem:s3+$0x10] =	vst v25  }
0x1fa: {  	v25 =	vld.idx.msk [tilespmem:v14+s7+$0x0], $0xffff;
	_ =	sdelay $0x4  }
0x1fb: {  	[tilespmem:s3+$0x20] =	vst v25  }
0x1fc: {  	v25 =	vld.idx.msk [tilespmem:v13+s7+$0x0], $0xffff;
	_ =	sdelay $0x4  }
0x1fd: {  	[tilespmem:s3+$0x30] =	vst v25  }
0x1fe: {  	v25 =	vld.idx.msk [tilespmem:v12+s7+$0x0], $0xffff;
	_ =	sdelay $0x4  }
0x1ff: {  	[tilespmem:s3+$0x40] =	vst v25  }
0x200: {  	v25 =	vld.idx.msk [tilespmem:v11+s7+$0x0], $0xffff;
	_ =	sdelay $0x4  }
0x201: {  	[tilespmem:s3+$0x50] =	vst v25  }
0x202: {  	v25 =	vld.idx.msk [tilespmem:v10+s7+$0x0], $0xffff;
	_ =	sdelay $0x4  }
0x203: {  	[tilespmem:s3+$0x60] =	vst v25  }
0x204: {  	v25 =	vld.idx.msk [tilespmem:v9+s7+$0x0], $0xffff;
	_ =	sdelay $0x4  }
0x205: {  	[tilespmem:s3+$0x70] =	vst v25  }
0x206: {  	v25 =	vld.idx.msk [tilespmem:v8+s7+$0x0], $0xffff;
	_ =	sdelay $0x4  }
0x207: {  	[tilespmem:s3+$0x400] =	vst v25  }
0x208: {  	v25 =	vld.idx.msk [tilespmem:v7+s7+$0x0], $0xffff;
	_ =	sdelay $0x4  }
0x209: {  	[tilespmem:s3+$0x410] =	vst v25  }
0x20a: {  	v25 =	vld.idx.msk [tilespmem:v5+s7+$0x0], $0xffff;
	_ =	sdelay $0x4  }
0x20b: {  	[tilespmem:s3+$0x420] =	vst v25  }
0x20c: {  	v25 =	vld.idx.msk [tilespmem:v3+s7+$0x0], $0xffff;
	_ =	sdelay $0x4  }
0x20d: {  	[tilespmem:s3+$0x430] =	vst v25  }
0x20e: {  	v25 =	vld.idx.msk [tilespmem:v6+s7+$0x0], $0xffff;
	_ =	sdelay $0x4  }
0x20f: {  	[tilespmem:s3+$0x440] =	vst v25  }
0x210: {  	v25 =	vld.idx.msk [tilespmem:v4+s7+$0x0], $0xffff;
	_ =	sdelay $0x4  }
0x211: {  	[tilespmem:s3+$0x450] =	vst v25  }
0x212: {  	v25 =	vld.idx.msk [tilespmem:v1+s7+$0x0], $0xffff;
	_ =	sdelay $0x4  }
0x213: {  	[tilespmem:s3+$0x460] =	vst v25  }
0x214: {  	v25 =	vld.idx.msk [tilespmem:v2+s7+$0x0], $0xffff;
	_ =	sdelay $0x4  }
0x215: {  	s6 =	simm.s32 $0x2000;
	s5 =	simm.s32 $0x400;
	[tilespmem:s3+$0x470] =	vst v25  }
.LBB2_8:
0x216: {  	p0 =	sne.s32 s6, $0x7000;
	v25 =	vld.idx.msk [tilespmem:v24+s5+$0x0], $0xffff;
	_ =	sdelay $0x4  }
0x217: {  	s3 =	sadd.s32 $0xC00, s3  }
0x218: {  	[tilespmem:s3+$0xFFFFFC00] =	vst v25  }
0x219: {  	v25 =	vld.idx.msk [tilespmem:v23+s5+$0x0], $0xffff;
	_ =	sdelay $0x5  }
0x21a: {  	[tilespmem:s3+$0xFFFFFC10] =	vst v25  }
0x21b: {  	v25 =	vld.idx.msk [tilespmem:v22+s5+$0x0], $0xffff;
	_ =	sdelay $0x5  }
0x21c: {  	[tilespmem:s3+$0xFFFFFC20] =	vst v25  }
0x21d: {  	v25 =	vld.idx.msk [tilespmem:v21+s5+$0x0], $0xffff;
	_ =	sdelay $0x5  }
0x21e: {  	[tilespmem:s3+$0xFFFFFC30] =	vst v25  }
0x21f: {  	v25 =	vld.idx.msk [tilespmem:v20+s5+$0x0], $0xffff;
	_ =	sdelay $0x5  }
0x220: {  	[tilespmem:s3+$0xFFFFFC40] =	vst v25  }
0x221: {  	v25 =	vld.idx.msk [tilespmem:v19+s5+$0x0], $0xffff;
	_ =	sdelay $0x5  }
0x222: {  	[tilespmem:s3+$0xFFFFFC50] =	vst v25  }
0x223: {  	v25 =	vld.idx.msk [tilespmem:v18+s5+$0x0], $0xffff;
	_ =	sdelay $0x5  }
0x224: {  	[tilespmem:s3+$0xFFFFFC60] =	vst v25  }
0x225: {  	v25 =	vld.idx.msk [tilespmem:v17+s5+$0x0], $0xffff;
	_ =	sdelay $0x5  }
0x226: {  	[tilespmem:s3+$0xFFFFFC70] =	vst v25  }
0x227: {  	v25 =	vld.idx.msk [tilespmem:v16+s5+$0x0], $0xffff;
	_ =	sdelay $0x5  }
0x228: {  	[tilespmem:s3+$0x0] =	vst v25  }
0x229: {  	v25 =	vld.idx.msk [tilespmem:v15+s5+$0x0], $0xffff;
	_ =	sdelay $0x5  }
0x22a: {  	[tilespmem:s3+$0x10] =	vst v25  }
0x22b: {  	v25 =	vld.idx.msk [tilespmem:v14+s5+$0x0], $0xffff;
	_ =	sdelay $0x5  }
0x22c: {  	[tilespmem:s3+$0x20] =	vst v25  }
0x22d: {  	v25 =	vld.idx.msk [tilespmem:v13+s5+$0x0], $0xffff;
	_ =	sdelay $0x5  }
0x22e: {  	[tilespmem:s3+$0x30] =	vst v25  }
0x22f: {  	v25 =	vld.idx.msk [tilespmem:v12+s5+$0x0], $0xffff;
	_ =	sdelay $0x5  }
0x230: {  	[tilespmem:s3+$0x40] =	vst v25  }
0x231: {  	v25 =	vld.idx.msk [tilespmem:v11+s5+$0x0], $0xffff;
	_ =	sdelay $0x5  }
0x232: {  	[tilespmem:s3+$0x50] =	vst v25  }
0x233: {  	v25 =	vld.idx.msk [tilespmem:v10+s5+$0x0], $0xffff;
	_ =	sdelay $0x5  }
0x234: {  	[tilespmem:s3+$0x60] =	vst v25  }
0x235: {  	v25 =	vld.idx.msk [tilespmem:v9+s5+$0x0], $0xffff;
	_ =	sdelay $0x5  }
0x236: {  	[tilespmem:s3+$0x70] =	vst v25  }
0x237: {  	v25 =	vld.idx.msk [tilespmem:v8+s5+$0x0], $0xffff;
	_ =	sdelay $0x5  }
0x238: {  	[tilespmem:s3+$0x400] =	vst v25  }
0x239: {  	v25 =	vld.idx.msk [tilespmem:v7+s5+$0x0], $0xffff;
	_ =	sdelay $0x5  }
0x23a: {  	[tilespmem:s3+$0x410] =	vst v25  }
0x23b: {  	v25 =	vld.idx.msk [tilespmem:v5+s5+$0x0], $0xffff;
	_ =	sdelay $0x5  }
0x23c: {  	[tilespmem:s3+$0x420] =	vst v25  }
0x23d: {  	v25 =	vld.idx.msk [tilespmem:v3+s5+$0x0], $0xffff;
	_ =	sdelay $0x5  }
0x23e: {  	[tilespmem:s3+$0x430] =	vst v25  }
0x23f: {  	v25 =	vld.idx.msk [tilespmem:v6+s5+$0x0], $0xffff;
	_ =	sdelay $0x5  }
0x240: {  	[tilespmem:s3+$0x440] =	vst v25  }
0x241: {  	v25 =	vld.idx.msk [tilespmem:v4+s5+$0x0], $0xffff;
	_ =	sdelay $0x5  }
0x242: {  	[tilespmem:s3+$0x450] =	vst v25  }
0x243: {  	v25 =	vld.idx.msk [tilespmem:v1+s5+$0x0], $0xffff;
	_ =	sdelay $0x5  }
0x244: {  	[tilespmem:s3+$0x460] =	vst v25  }
0x245: {  	v25 =	vld.idx.msk [tilespmem:v2+s5+$0x0], $0xffff;
	_ =	sdelay $0x1  }
.Ltmp3:
0x246: {  	(pc) =	sbr.rel @p0 .LBB2_8-.Ltmp3, $2  }
0x247: {  	_ =	sdelay $0x2  }
0x248: {  	s5 =	sshra.s32 s6, $0x2;
	s6 =	sadd.s32 $0x1000, s6;
	[tilespmem:s3+$0x470] =	vst v25  }
0x249: {  	_ =	sdelay $0x3  }
0x24a: {  	v24 =	vld.idx.msk [tilespmem:v24+s5+$0x0], $0xffff;
	_ =	sdelay $0x3  }
0x24b: {  	s3 =	sadd.s32 $0xC00, s3  }
0x24c: {  	[tilespmem:s3+$0xFFFFFC00] =	vst v24  }
0x24d: {  	v23 =	vld.idx.msk [tilespmem:v23+s5+$0x0], $0xffff;
	_ =	sdelay $0x4  }
0x24e: {  	[tilespmem:s3+$0xFFFFFC10] =	vst v23  }
0x24f: {  	v22 =	vld.idx.msk [tilespmem:v22+s5+$0x0], $0xffff;
	_ =	sdelay $0x4  }
0x250: {  	[tilespmem:s3+$0xFFFFFC20] =	vst v22  }
0x251: {  	v21 =	vld.idx.msk [tilespmem:v21+s5+$0x0], $0xffff;
	_ =	sdelay $0x4  }
0x252: {  	[tilespmem:s3+$0xFFFFFC30] =	vst v21  }
0x253: {  	v20 =	vld.idx.msk [tilespmem:v20+s5+$0x0], $0xffff;
	_ =	sdelay $0x4  }
0x254: {  	[tilespmem:s3+$0xFFFFFC40] =	vst v20  }
0x255: {  	v19 =	vld.idx.msk [tilespmem:v19+s5+$0x0], $0xffff;
	_ =	sdelay $0x4  }
0x256: {  	[tilespmem:s3+$0xFFFFFC50] =	vst v19  }
0x257: {  	v18 =	vld.idx.msk [tilespmem:v18+s5+$0x0], $0xffff;
	_ =	sdelay $0x4  }
0x258: {  	[tilespmem:s3+$0xFFFFFC60] =	vst v18  }
0x259: {  	v17 =	vld.idx.msk [tilespmem:v17+s5+$0x0], $0xffff;
	_ =	sdelay $0x4  }
0x25a: {  	[tilespmem:s3+$0xFFFFFC70] =	vst v17  }
0x25b: {  	v16 =	vld.idx.msk [tilespmem:v16+s5+$0x0], $0xffff;
	_ =	sdelay $0x4  }
0x25c: {  	[tilespmem:s3+$0x0] =	vst v16  }
0x25d: {  	v15 =	vld.idx.msk [tilespmem:v15+s5+$0x0], $0xffff;
	_ =	sdelay $0x4  }
0x25e: {  	[tilespmem:s3+$0x10] =	vst v15  }
0x25f: {  	v14 =	vld.idx.msk [tilespmem:v14+s5+$0x0], $0xffff;
	_ =	sdelay $0x4  }
0x260: {  	[tilespmem:s3+$0x20] =	vst v14  }
0x261: {  	v13 =	vld.idx.msk [tilespmem:v13+s5+$0x0], $0xffff;
	_ =	sdelay $0x4  }
0x262: {  	[tilespmem:s3+$0x30] =	vst v13  }
0x263: {  	v12 =	vld.idx.msk [tilespmem:v12+s5+$0x0], $0xffff;
	_ =	sdelay $0x4  }
0x264: {  	[tilespmem:s3+$0x40] =	vst v12  }
0x265: {  	v11 =	vld.idx.msk [tilespmem:v11+s5+$0x0], $0xffff;
	_ =	sdelay $0x4  }
0x266: {  	[tilespmem:s3+$0x50] =	vst v11  }
0x267: {  	v10 =	vld.idx.msk [tilespmem:v10+s5+$0x0], $0xffff;
	_ =	sdelay $0x4  }
0x268: {  	[tilespmem:s3+$0x60] =	vst v10  }
0x269: {  	v9 =	vld.idx.msk [tilespmem:v9+s5+$0x0], $0xffff;
	_ =	sdelay $0x4  }
0x26a: {  	[tilespmem:s3+$0x70] =	vst v9  }
0x26b: {  	v8 =	vld.idx.msk [tilespmem:v8+s5+$0x0], $0xffff;
	_ =	sdelay $0x4  }
0x26c: {  	[tilespmem:s3+$0x400] =	vst v8  }
0x26d: {  	v7 =	vld.idx.msk [tilespmem:v7+s5+$0x0], $0xffff;
	_ =	sdelay $0x4  }
0x26e: {  	[tilespmem:s3+$0x410] =	vst v7  }
0x26f: {  	v5 =	vld.idx.msk [tilespmem:v5+s5+$0x0], $0xffff;
	_ =	sdelay $0x4  }
0x270: {  	[tilespmem:s3+$0x420] =	vst v5  }
0x271: {  	v3 =	vld.idx.msk [tilespmem:v3+s5+$0x0], $0xffff;
	_ =	sdelay $0x4  }
0x272: {  	[tilespmem:s3+$0x430] =	vst v3  }
0x273: {  	v3 =	vld.idx.msk [tilespmem:v6+s5+$0x0], $0xffff;
	_ =	sdelay $0x4  }
0x274: {  	[tilespmem:s3+$0x440] =	vst v3  }
0x275: {  	v3 =	vld.idx.msk [tilespmem:v4+s5+$0x0], $0xffff;
	_ =	sdelay $0x4  }
0x276: {  	[tilespmem:s3+$0x450] =	vst v3  }
0x277: {  	v1 =	vld.idx.msk [tilespmem:v1+s5+$0x0], $0xffff;
	_ =	sdelay $0x4  }
0x278: {  	[tilespmem:s3+$0x460] =	vst v1  }
0x279: {  	v1 =	vld.idx.msk [tilespmem:v2+s5+$0x0], $0xffff;
	_ =	sdelay $0x4  }
0x27a: {  	[tilespmem:s3+$0x470] =	vst v1  }
0x27b: {  	v24 =	vld [tilespmem:$0x18580]  }
0x27c: {  	v23 =	vld [tilespmem:$0x18590]  }
0x27d: {  	v22 =	vld [tilespmem:$0x185A0]  }
0x27e: {  	v21 =	vld [tilespmem:$0x185B0]  }
0x27f: {  	v20 =	vld [tilespmem:$0x185C0]  }
0x280: {  	v19 =	vld [tilespmem:$0x185D0]  }
0x281: {  	v18 =	vld [tilespmem:$0x185E0]  }
0x282: {  	v17 =	vld [tilespmem:$0x185F0]  }
0x283: {  	v16 =	vld [tilespmem:$0x18600]  }
0x284: {  	v15 =	vld [tilespmem:$0x18610]  }
0x285: {  	v14 =	vld [tilespmem:$0x18620]  }
0x286: {  	v13 =	vld [tilespmem:$0x18630]  }
0x287: {  	v12 =	vld [tilespmem:$0x18640]  }
0x288: {  	v11 =	vld [tilespmem:$0x18650]  }
0x289: {  	v10 =	vld [tilespmem:$0x18660]  }
0x28a: {  	v9 =	vld [tilespmem:$0x18670]  }
0x28b: {  	v8 =	vld [tilespmem:$0x18680]  }
0x28c: {  	v7 =	vld [tilespmem:$0x18690]  }
0x28d: {  	s7 =	simm.s32 $0x0;
	v5 =	vld [tilespmem:$0x186A0]  }
0x28e: {  	v25 =	vld.idx.msk [tilespmem:v24+s7+$0x0], $0xffff  }
0x28f: {  	v3 =	vld [tilespmem:$0x186B0]  }
0x290: {  	v6 =	vld [tilespmem:$0x186C0]  }
0x291: {  	v4 =	vld [tilespmem:$0x186D0]  }
0x292: {  	s3 =	simm.s32 $0x8600;
	v1 =	vld [tilespmem:$0x186E0]  }
0x293: {  	v2 =	vld [tilespmem:$0x186F0];
	[tilespmem:s3+$0xFFFFFC00] =	vst v25  }
0x294: {  	v25 =	vld.idx.msk [tilespmem:v23+s7+$0x0], $0xffff;
	_ =	sdelay $0x4  }
0x295: {  	[tilespmem:s3+$0xFFFFFC10] =	vst v25  }
0x296: {  	v25 =	vld.idx.msk [tilespmem:v22+s7+$0x0], $0xffff;
	_ =	sdelay $0x4  }
0x297: {  	[tilespmem:s3+$0xFFFFFC20] =	vst v25  }
0x298: {  	v25 =	vld.idx.msk [tilespmem:v21+s7+$0x0], $0xffff;
	_ =	sdelay $0x4  }
0x299: {  	[tilespmem:s3+$0xFFFFFC30] =	vst v25  }
0x29a: {  	v25 =	vld.idx.msk [tilespmem:v20+s7+$0x0], $0xffff;
	_ =	sdelay $0x4  }
0x29b: {  	[tilespmem:s3+$0xFFFFFC40] =	vst v25  }
0x29c: {  	v25 =	vld.idx.msk [tilespmem:v19+s7+$0x0], $0xffff;
	_ =	sdelay $0x4  }
0x29d: {  	[tilespmem:s3+$0xFFFFFC50] =	vst v25  }
0x29e: {  	v25 =	vld.idx.msk [tilespmem:v18+s7+$0x0], $0xffff;
	_ =	sdelay $0x4  }
0x29f: {  	[tilespmem:s3+$0xFFFFFC60] =	vst v25  }
0x2a0: {  	v25 =	vld.idx.msk [tilespmem:v17+s7+$0x0], $0xffff;
	_ =	sdelay $0x4  }
0x2a1: {  	[tilespmem:s3+$0xFFFFFC70] =	vst v25  }
0x2a2: {  	v25 =	vld.idx.msk [tilespmem:v16+s7+$0x0], $0xffff;
	_ =	sdelay $0x4  }
0x2a3: {  	[tilespmem:s3+$0x0] =	vst v25  }
0x2a4: {  	v25 =	vld.idx.msk [tilespmem:v15+s7+$0x0], $0xffff;
	_ =	sdelay $0x4  }
0x2a5: {  	[tilespmem:s3+$0x10] =	vst v25  }
0x2a6: {  	v25 =	vld.idx.msk [tilespmem:v14+s7+$0x0], $0xffff;
	_ =	sdelay $0x4  }
0x2a7: {  	[tilespmem:s3+$0x20] =	vst v25  }
0x2a8: {  	v25 =	vld.idx.msk [tilespmem:v13+s7+$0x0], $0xffff;
	_ =	sdelay $0x4  }
0x2a9: {  	[tilespmem:s3+$0x30] =	vst v25  }
0x2aa: {  	v25 =	vld.idx.msk [tilespmem:v12+s7+$0x0], $0xffff;
	_ =	sdelay $0x4  }
0x2ab: {  	[tilespmem:s3+$0x40] =	vst v25  }
0x2ac: {  	v25 =	vld.idx.msk [tilespmem:v11+s7+$0x0], $0xffff;
	_ =	sdelay $0x4  }
0x2ad: {  	[tilespmem:s3+$0x50] =	vst v25  }
0x2ae: {  	v25 =	vld.idx.msk [tilespmem:v10+s7+$0x0], $0xffff;
	_ =	sdelay $0x4  }
0x2af: {  	[tilespmem:s3+$0x60] =	vst v25  }
0x2b0: {  	v25 =	vld.idx.msk [tilespmem:v9+s7+$0x0], $0xffff;
	_ =	sdelay $0x4  }
0x2b1: {  	[tilespmem:s3+$0x70] =	vst v25  }
0x2b2: {  	v25 =	vld.idx.msk [tilespmem:v8+s7+$0x0], $0xffff;
	_ =	sdelay $0x4  }
0x2b3: {  	[tilespmem:s3+$0x400] =	vst v25  }
0x2b4: {  	v25 =	vld.idx.msk [tilespmem:v7+s7+$0x0], $0xffff;
	_ =	sdelay $0x4  }
0x2b5: {  	[tilespmem:s3+$0x410] =	vst v25  }
0x2b6: {  	v25 =	vld.idx.msk [tilespmem:v5+s7+$0x0], $0xffff;
	_ =	sdelay $0x4  }
0x2b7: {  	[tilespmem:s3+$0x420] =	vst v25  }
0x2b8: {  	v25 =	vld.idx.msk [tilespmem:v3+s7+$0x0], $0xffff;
	_ =	sdelay $0x4  }
0x2b9: {  	[tilespmem:s3+$0x430] =	vst v25  }
0x2ba: {  	v25 =	vld.idx.msk [tilespmem:v6+s7+$0x0], $0xffff;
	_ =	sdelay $0x4  }
0x2bb: {  	[tilespmem:s3+$0x440] =	vst v25  }
0x2bc: {  	v25 =	vld.idx.msk [tilespmem:v4+s7+$0x0], $0xffff;
	_ =	sdelay $0x4  }
0x2bd: {  	[tilespmem:s3+$0x450] =	vst v25  }
0x2be: {  	v25 =	vld.idx.msk [tilespmem:v1+s7+$0x0], $0xffff;
	_ =	sdelay $0x4  }
0x2bf: {  	[tilespmem:s3+$0x460] =	vst v25  }
0x2c0: {  	v25 =	vld.idx.msk [tilespmem:v2+s7+$0x0], $0xffff;
	_ =	sdelay $0x4  }
0x2c1: {  	s6 =	simm.s32 $0x2000;
	s5 =	simm.s32 $0x400;
	[tilespmem:s3+$0x470] =	vst v25  }
.LBB2_10:
0x2c2: {  	p0 =	sne.s32 s6, $0x7000;
	v25 =	vld.idx.msk [tilespmem:v24+s5+$0x0], $0xffff;
	_ =	sdelay $0x4  }
0x2c3: {  	s3 =	sadd.s32 $0xC00, s3  }
0x2c4: {  	[tilespmem:s3+$0xFFFFFC00] =	vst v25  }
0x2c5: {  	v25 =	vld.idx.msk [tilespmem:v23+s5+$0x0], $0xffff;
	_ =	sdelay $0x5  }
0x2c6: {  	[tilespmem:s3+$0xFFFFFC10] =	vst v25  }
0x2c7: {  	v25 =	vld.idx.msk [tilespmem:v22+s5+$0x0], $0xffff;
	_ =	sdelay $0x5  }
0x2c8: {  	[tilespmem:s3+$0xFFFFFC20] =	vst v25  }
0x2c9: {  	v25 =	vld.idx.msk [tilespmem:v21+s5+$0x0], $0xffff;
	_ =	sdelay $0x5  }
0x2ca: {  	[tilespmem:s3+$0xFFFFFC30] =	vst v25  }
0x2cb: {  	v25 =	vld.idx.msk [tilespmem:v20+s5+$0x0], $0xffff;
	_ =	sdelay $0x5  }
0x2cc: {  	[tilespmem:s3+$0xFFFFFC40] =	vst v25  }
0x2cd: {  	v25 =	vld.idx.msk [tilespmem:v19+s5+$0x0], $0xffff;
	_ =	sdelay $0x5  }
0x2ce: {  	[tilespmem:s3+$0xFFFFFC50] =	vst v25  }
0x2cf: {  	v25 =	vld.idx.msk [tilespmem:v18+s5+$0x0], $0xffff;
	_ =	sdelay $0x5  }
0x2d0: {  	[tilespmem:s3+$0xFFFFFC60] =	vst v25  }
0x2d1: {  	v25 =	vld.idx.msk [tilespmem:v17+s5+$0x0], $0xffff;
	_ =	sdelay $0x5  }
0x2d2: {  	[tilespmem:s3+$0xFFFFFC70] =	vst v25  }
0x2d3: {  	v25 =	vld.idx.msk [tilespmem:v16+s5+$0x0], $0xffff;
	_ =	sdelay $0x5  }
0x2d4: {  	[tilespmem:s3+$0x0] =	vst v25  }
0x2d5: {  	v25 =	vld.idx.msk [tilespmem:v15+s5+$0x0], $0xffff;
	_ =	sdelay $0x5  }
0x2d6: {  	[tilespmem:s3+$0x10] =	vst v25  }
0x2d7: {  	v25 =	vld.idx.msk [tilespmem:v14+s5+$0x0], $0xffff;
	_ =	sdelay $0x5  }
0x2d8: {  	[tilespmem:s3+$0x20] =	vst v25  }
0x2d9: {  	v25 =	vld.idx.msk [tilespmem:v13+s5+$0x0], $0xffff;
	_ =	sdelay $0x5  }
0x2da: {  	[tilespmem:s3+$0x30] =	vst v25  }
0x2db: {  	v25 =	vld.idx.msk [tilespmem:v12+s5+$0x0], $0xffff;
	_ =	sdelay $0x5  }
0x2dc: {  	[tilespmem:s3+$0x40] =	vst v25  }
0x2dd: {  	v25 =	vld.idx.msk [tilespmem:v11+s5+$0x0], $0xffff;
	_ =	sdelay $0x5  }
0x2de: {  	[tilespmem:s3+$0x50] =	vst v25  }
0x2df: {  	v25 =	vld.idx.msk [tilespmem:v10+s5+$0x0], $0xffff;
	_ =	sdelay $0x5  }
0x2e0: {  	[tilespmem:s3+$0x60] =	vst v25  }
0x2e1: {  	v25 =	vld.idx.msk [tilespmem:v9+s5+$0x0], $0xffff;
	_ =	sdelay $0x5  }
0x2e2: {  	[tilespmem:s3+$0x70] =	vst v25  }
0x2e3: {  	v25 =	vld.idx.msk [tilespmem:v8+s5+$0x0], $0xffff;
	_ =	sdelay $0x5  }
0x2e4: {  	[tilespmem:s3+$0x400] =	vst v25  }
0x2e5: {  	v25 =	vld.idx.msk [tilespmem:v7+s5+$0x0], $0xffff;
	_ =	sdelay $0x5  }
0x2e6: {  	[tilespmem:s3+$0x410] =	vst v25  }
0x2e7: {  	v25 =	vld.idx.msk [tilespmem:v5+s5+$0x0], $0xffff;
	_ =	sdelay $0x5  }
0x2e8: {  	[tilespmem:s3+$0x420] =	vst v25  }
0x2e9: {  	v25 =	vld.idx.msk [tilespmem:v3+s5+$0x0], $0xffff;
	_ =	sdelay $0x5  }
0x2ea: {  	[tilespmem:s3+$0x430] =	vst v25  }
0x2eb: {  	v25 =	vld.idx.msk [tilespmem:v6+s5+$0x0], $0xffff;
	_ =	sdelay $0x5  }
0x2ec: {  	[tilespmem:s3+$0x440] =	vst v25  }
0x2ed: {  	v25 =	vld.idx.msk [tilespmem:v4+s5+$0x0], $0xffff;
	_ =	sdelay $0x5  }
0x2ee: {  	[tilespmem:s3+$0x450] =	vst v25  }
0x2ef: {  	v25 =	vld.idx.msk [tilespmem:v1+s5+$0x0], $0xffff;
	_ =	sdelay $0x5  }
0x2f0: {  	[tilespmem:s3+$0x460] =	vst v25  }
0x2f1: {  	v25 =	vld.idx.msk [tilespmem:v2+s5+$0x0], $0xffff;
	_ =	sdelay $0x1  }
.Ltmp4:
0x2f2: {  	(pc) =	sbr.rel @p0 .LBB2_10-.Ltmp4, $2  }
0x2f3: {  	_ =	sdelay $0x2  }
0x2f4: {  	s5 =	sshra.s32 s6, $0x2;
	s6 =	sadd.s32 $0x1000, s6;
	[tilespmem:s3+$0x470] =	vst v25  }
0x2f5: {  	_ =	sdelay $0x3  }
0x2f6: {  	v24 =	vld.idx.msk [tilespmem:v24+s5+$0x0], $0xffff;
	_ =	sdelay $0x3  }
0x2f7: {  	s3 =	sadd.s32 $0xC00, s3  }
0x2f8: {  	[tilespmem:s3+$0xFFFFFC00] =	vst v24  }
0x2f9: {  	v23 =	vld.idx.msk [tilespmem:v23+s5+$0x0], $0xffff;
	_ =	sdelay $0x4  }
0x2fa: {  	[tilespmem:s3+$0xFFFFFC10] =	vst v23  }
0x2fb: {  	v22 =	vld.idx.msk [tilespmem:v22+s5+$0x0], $0xffff;
	_ =	sdelay $0x4  }
0x2fc: {  	[tilespmem:s3+$0xFFFFFC20] =	vst v22  }
0x2fd: {  	v21 =	vld.idx.msk [tilespmem:v21+s5+$0x0], $0xffff;
	_ =	sdelay $0x4  }
0x2fe: {  	[tilespmem:s3+$0xFFFFFC30] =	vst v21  }
0x2ff: {  	v20 =	vld.idx.msk [tilespmem:v20+s5+$0x0], $0xffff;
	_ =	sdelay $0x4  }
0x300: {  	[tilespmem:s3+$0xFFFFFC40] =	vst v20  }
0x301: {  	v19 =	vld.idx.msk [tilespmem:v19+s5+$0x0], $0xffff;
	_ =	sdelay $0x4  }
0x302: {  	[tilespmem:s3+$0xFFFFFC50] =	vst v19  }
0x303: {  	v18 =	vld.idx.msk [tilespmem:v18+s5+$0x0], $0xffff;
	_ =	sdelay $0x4  }
0x304: {  	[tilespmem:s3+$0xFFFFFC60] =	vst v18  }
0x305: {  	v17 =	vld.idx.msk [tilespmem:v17+s5+$0x0], $0xffff;
	_ =	sdelay $0x4  }
0x306: {  	[tilespmem:s3+$0xFFFFFC70] =	vst v17  }
0x307: {  	v16 =	vld.idx.msk [tilespmem:v16+s5+$0x0], $0xffff;
	_ =	sdelay $0x4  }
0x308: {  	[tilespmem:s3+$0x0] =	vst v16  }
0x309: {  	v15 =	vld.idx.msk [tilespmem:v15+s5+$0x0], $0xffff;
	_ =	sdelay $0x4  }
0x30a: {  	[tilespmem:s3+$0x10] =	vst v15  }
0x30b: {  	v14 =	vld.idx.msk [tilespmem:v14+s5+$0x0], $0xffff;
	_ =	sdelay $0x4  }
0x30c: {  	[tilespmem:s3+$0x20] =	vst v14  }
0x30d: {  	v13 =	vld.idx.msk [tilespmem:v13+s5+$0x0], $0xffff;
	_ =	sdelay $0x4  }
0x30e: {  	[tilespmem:s3+$0x30] =	vst v13  }
0x30f: {  	v12 =	vld.idx.msk [tilespmem:v12+s5+$0x0], $0xffff;
	_ =	sdelay $0x4  }
0x310: {  	[tilespmem:s3+$0x40] =	vst v12  }
0x311: {  	v11 =	vld.idx.msk [tilespmem:v11+s5+$0x0], $0xffff;
	_ =	sdelay $0x4  }
0x312: {  	[tilespmem:s3+$0x50] =	vst v11  }
0x313: {  	v10 =	vld.idx.msk [tilespmem:v10+s5+$0x0], $0xffff;
	_ =	sdelay $0x4  }
0x314: {  	[tilespmem:s3+$0x60] =	vst v10  }
0x315: {  	v9 =	vld.idx.msk [tilespmem:v9+s5+$0x0], $0xffff;
	_ =	sdelay $0x4  }
0x316: {  	[tilespmem:s3+$0x70] =	vst v9  }
0x317: {  	v8 =	vld.idx.msk [tilespmem:v8+s5+$0x0], $0xffff;
	_ =	sdelay $0x4  }
0x318: {  	[tilespmem:s3+$0x400] =	vst v8  }
0x319: {  	v7 =	vld.idx.msk [tilespmem:v7+s5+$0x0], $0xffff;
	_ =	sdelay $0x4  }
0x31a: {  	[tilespmem:s3+$0x410] =	vst v7  }
0x31b: {  	v5 =	vld.idx.msk [tilespmem:v5+s5+$0x0], $0xffff;
	_ =	sdelay $0x4  }
0x31c: {  	[tilespmem:s3+$0x420] =	vst v5  }
0x31d: {  	v3 =	vld.idx.msk [tilespmem:v3+s5+$0x0], $0xffff;
	_ =	sdelay $0x4  }
0x31e: {  	[tilespmem:s3+$0x430] =	vst v3  }
0x31f: {  	v3 =	vld.idx.msk [tilespmem:v6+s5+$0x0], $0xffff;
	_ =	sdelay $0x4  }
0x320: {  	[tilespmem:s3+$0x440] =	vst v3  }
0x321: {  	v3 =	vld.idx.msk [tilespmem:v4+s5+$0x0], $0xffff;
	_ =	sdelay $0x4  }
0x322: {  	[tilespmem:s3+$0x450] =	vst v3  }
0x323: {  	v1 =	vld.idx.msk [tilespmem:v1+s5+$0x0], $0xffff;
	_ =	sdelay $0x4  }
0x324: {  	[tilespmem:s3+$0x460] =	vst v1  }
0x325: {  	v1 =	vld.idx.msk [tilespmem:v2+s5+$0x0], $0xffff;
	_ =	sdelay $0x4  }
0x326: {  	[tilespmem:s3+$0x470] =	vst v1  }
0x327: {  	v3 =	vld [tilespmem:$0x18720]  }
0x328: {  	v1 =	vld [tilespmem:$0x18700]  }
0x329: {  	v2 =	vld [tilespmem:$0x18710];
	_ =	sdelay $0x4  }
0x32a: {  	s7 =	simm.s32 $0x0  }
0x32b: {  	v3 =	vld.idx.msk [tilespmem:v3+s7+$0x0], $0xffff  }
0x32c: {  	v1 =	vld.idx.msk [tilespmem:v1+s7+$0x0], $0xffff  }
0x32d: {  	v2 =	vld.idx.msk [tilespmem:v2+s7+$0x0], $0xffff;
	_ =	sdelay $0x1  }
0x32e: {  	s5 =	simm.s32 $0x3000;
	s3 =	simm.s32 $0x0  }
.LBB2_12:
0x32f: {  	p0 =	sne.s32 s5, $0x15000;
	[tilespmem:s3+$0x8AF0] =	vst v3  }
0x330: {  	[tilespmem:s3+$0x8280] =	vst v1  }
0x331: {  	[tilespmem:s3+$0x8290] =	vst v2  }
0x332: {  	[tilespmem:s3+$0x82A0] =	vst v3  }
0x333: {  	[tilespmem:s3+$0x82B0] =	vst v1  }
0x334: {  	[tilespmem:s3+$0x82C0] =	vst v2  }
0x335: {  	[tilespmem:s3+$0x82D0] =	vst v3  }
0x336: {  	[tilespmem:s3+$0x82E0] =	vst v1  }
0x337: {  	[tilespmem:s3+$0x82F0] =	vst v2  }
0x338: {  	[tilespmem:s3+$0x8680] =	vst v3  }
0x339: {  	[tilespmem:s3+$0x8690] =	vst v1  }
0x33a: {  	[tilespmem:s3+$0x86A0] =	vst v2  }
0x33b: {  	[tilespmem:s3+$0x86B0] =	vst v3  }
0x33c: {  	[tilespmem:s3+$0x86C0] =	vst v1  }
0x33d: {  	[tilespmem:s3+$0x86D0] =	vst v2  }
0x33e: {  	[tilespmem:s3+$0x86E0] =	vst v3  }
0x33f: {  	[tilespmem:s3+$0x86F0] =	vst v1  }
0x340: {  	[tilespmem:s3+$0x8A80] =	vst v2  }
0x341: {  	[tilespmem:s3+$0x8A90] =	vst v3  }
.Ltmp5:
0x342: {  	[tilespmem:s3+$0x8AA0] =	vst v1;
	(pc) =	sbr.rel @p0 .LBB2_12-.Ltmp5, $4  }
0x343: {  	[tilespmem:s3+$0x8AB0] =	vst v2  }
0x344: {  	[tilespmem:s3+$0x8AC0] =	vst v3  }
0x345: {  	[tilespmem:s3+$0x8AD0] =	vst v1  }
0x346: {  	[tilespmem:s3+$0x8AE0] =	vst v2;
	s3 =	sshra.s32 s5, $0x2;
	s5 =	sadd.s32 $0x3000, s5  }
0x347: {  	[tilespmem:s3+$0x8AF0] =	vst v3  }
0x348: {  	[tilespmem:s3+$0x8280] =	vst v1  }
0x349: {  	[tilespmem:s3+$0x8290] =	vst v2  }
0x34a: {  	[tilespmem:s3+$0x82A0] =	vst v3  }
0x34b: {  	[tilespmem:s3+$0x82B0] =	vst v1  }
0x34c: {  	[tilespmem:s3+$0x82C0] =	vst v2  }
0x34d: {  	[tilespmem:s3+$0x82D0] =	vst v3  }
0x34e: {  	[tilespmem:s3+$0x82E0] =	vst v1  }
0x34f: {  	[tilespmem:s3+$0x82F0] =	vst v2  }
0x350: {  	[tilespmem:s3+$0x8680] =	vst v3  }
0x351: {  	[tilespmem:s3+$0x8690] =	vst v1  }
0x352: {  	[tilespmem:s3+$0x86A0] =	vst v2  }
0x353: {  	[tilespmem:s3+$0x86B0] =	vst v3  }
0x354: {  	[tilespmem:s3+$0x86C0] =	vst v1  }
0x355: {  	[tilespmem:s3+$0x86D0] =	vst v2  }
0x356: {  	[tilespmem:s3+$0x86E0] =	vst v3  }
0x357: {  	[tilespmem:s3+$0x86F0] =	vst v1  }
0x358: {  	[tilespmem:s3+$0x8A80] =	vst v2  }
0x359: {  	[tilespmem:s3+$0x8A90] =	vst v3  }
0x35a: {  	[tilespmem:s3+$0x8AA0] =	vst v1  }
0x35b: {  	[tilespmem:s3+$0x8AB0] =	vst v2  }
0x35c: {  	[tilespmem:s3+$0x8AC0] =	vst v3  }
0x35d: {  	[tilespmem:s3+$0x8AD0] =	vst v1  }
0x35e: {  	[tilespmem:s3+$0x8AE0] =	vst v2  }
0x35f: {  	v3 =	vld [tilespmem:$0x18750]  }
0x360: {  	v1 =	vld [tilespmem:$0x18730]  }
0x361: {  	v2 =	vld [tilespmem:$0x18740];
	_ =	sdelay $0x4  }
0x362: {  	s7 =	simm.s32 $0x0  }
0x363: {  	v3 =	vld.idx.msk [tilespmem:v3+s7+$0x0], $0xffff  }
0x364: {  	v1 =	vld.idx.msk [tilespmem:v1+s7+$0x0], $0xffff  }
0x365: {  	v2 =	vld.idx.msk [tilespmem:v2+s7+$0x0], $0xffff;
	_ =	sdelay $0x1  }
0x366: {  	s3 =	simm.s32 $0x0;
	s5 =	simm.s32 $0x3000  }
.LBB2_14:
0x367: {  	p0 =	sne.s32 s5, $0x15000;
	[tilespmem:s3+$0x8B70] =	vst v3  }
0x368: {  	[tilespmem:s3+$0x8300] =	vst v1  }
0x369: {  	[tilespmem:s3+$0x8310] =	vst v2  }
0x36a: {  	[tilespmem:s3+$0x8320] =	vst v3  }
0x36b: {  	[tilespmem:s3+$0x8330] =	vst v1  }
0x36c: {  	[tilespmem:s3+$0x8340] =	vst v2  }
0x36d: {  	[tilespmem:s3+$0x8350] =	vst v3  }
0x36e: {  	[tilespmem:s3+$0x8360] =	vst v1  }
0x36f: {  	[tilespmem:s3+$0x8370] =	vst v2  }
0x370: {  	[tilespmem:s3+$0x8700] =	vst v3  }
0x371: {  	[tilespmem:s3+$0x8710] =	vst v1  }
0x372: {  	[tilespmem:s3+$0x8720] =	vst v2  }
0x373: {  	[tilespmem:s3+$0x8730] =	vst v3  }
0x374: {  	[tilespmem:s3+$0x8740] =	vst v1  }
0x375: {  	[tilespmem:s3+$0x8750] =	vst v2  }
0x376: {  	[tilespmem:s3+$0x8760] =	vst v3  }
0x377: {  	[tilespmem:s3+$0x8770] =	vst v1  }
0x378: {  	[tilespmem:s3+$0x8B00] =	vst v2  }
0x379: {  	[tilespmem:s3+$0x8B10] =	vst v3  }
.Ltmp6:
0x37a: {  	[tilespmem:s3+$0x8B20] =	vst v1;
	(pc) =	sbr.rel @p0 .LBB2_14-.Ltmp6, $4  }
0x37b: {  	[tilespmem:s3+$0x8B30] =	vst v2  }
0x37c: {  	[tilespmem:s3+$0x8B40] =	vst v3  }
0x37d: {  	[tilespmem:s3+$0x8B50] =	vst v1  }
0x37e: {  	[tilespmem:s3+$0x8B60] =	vst v2;
	s3 =	sshra.s32 s5, $0x2;
	s5 =	sadd.s32 $0x3000, s5  }
0x37f: {  	[tilespmem:s3+$0x8B70] =	vst v3  }
0x380: {  	[tilespmem:s3+$0x8300] =	vst v1  }
0x381: {  	[tilespmem:s3+$0x8310] =	vst v2  }
0x382: {  	[tilespmem:s3+$0x8320] =	vst v3  }
0x383: {  	[tilespmem:s3+$0x8330] =	vst v1  }
0x384: {  	[tilespmem:s3+$0x8340] =	vst v2  }
0x385: {  	[tilespmem:s3+$0x8350] =	vst v3  }
0x386: {  	[tilespmem:s3+$0x8360] =	vst v1  }
0x387: {  	[tilespmem:s3+$0x8370] =	vst v2  }
0x388: {  	[tilespmem:s3+$0x8700] =	vst v3  }
0x389: {  	[tilespmem:s3+$0x8710] =	vst v1  }
0x38a: {  	[tilespmem:s3+$0x8720] =	vst v2  }
0x38b: {  	[tilespmem:s3+$0x8730] =	vst v3  }
0x38c: {  	[tilespmem:s3+$0x8740] =	vst v1  }
0x38d: {  	[tilespmem:s3+$0x8750] =	vst v2  }
0x38e: {  	[tilespmem:s3+$0x8760] =	vst v3  }
0x38f: {  	[tilespmem:s3+$0x8770] =	vst v1  }
0x390: {  	[tilespmem:s3+$0x8B00] =	vst v2  }
0x391: {  	[tilespmem:s3+$0x8B10] =	vst v3  }
0x392: {  	[tilespmem:s3+$0x8B20] =	vst v1  }
0x393: {  	[tilespmem:s3+$0x8B30] =	vst v2  }
0x394: {  	[tilespmem:s3+$0x8B40] =	vst v3  }
0x395: {  	[tilespmem:s3+$0x8B50] =	vst v1  }
0x396: {  	[tilespmem:s3+$0x8B60] =	vst v2;
	s3 =	simm.s32 $0x0;
	s5 =	rddreg [dreg:$0xb];
	s6 =	simm.s32 $0x8080  }
0x397: {  	[hbm4b:s5+s3] =	stream.linear.scatter [tilespmem:s6], [sflag:$0x3], $0x300, $0x38;
	[tilespmem:$0x18800] =	vst v63  }
0x398: {  	s7 =	simm.s32 $0x8480;
	s6 =	rddreg [dreg:$0xc]  }
0x399: {  	[hbm4b:s6+s3] =	stream.linear.scatter [tilespmem:s7], [sflag:$0x3], $0x300, $0x38;
	[tilespmem:$0x18800] =	vst v63  }
0x39a: {  	s6 =	rddreg [dreg:$0xd];
	s7 =	simm.s32 $0x8880  }
0x39b: {  	[hbm4b:s6+s3] =	stream.linear.scatter [tilespmem:s7], [sflag:$0x3], $0x300, $0x38;
	[tilespmem:$0x18800] =	vst v63  }
0x39c: {  	s6 =	rddreg [dreg:$0xe];
	s7 =	simm.s32 $0x8C80  }
0x39d: {  	[hbm4b:s6+s3] =	stream.linear.scatter [tilespmem:s7], [sflag:$0x3], $0x300, $0x38;
	[tilespmem:$0x18800] =	vst v63  }
0x39e: {  	s6 =	rddreg [dreg:$0xf];
	s7 =	simm.s32 $0x9080  }
0x39f: {  	[hbm4b:s6+s3] =	stream.linear.scatter [tilespmem:s7], [sflag:$0x3], $0x300, $0x38;
	[tilespmem:$0x18800] =	vst v63  }
0x3a0: {  	s6 =	rddreg [dreg:$0x10];
	s7 =	simm.s32 $0x9480  }
0x3a1: {  	[hbm4b:s6+s3] =	stream.linear.scatter [tilespmem:s7], [sflag:$0x3], $0x300, $0x38;
	[tilespmem:$0x18800] =	vst v63  }
0x3a2: {  	s6 =	rddreg [dreg:$0x11];
	s7 =	simm.s32 $0x9880  }
0x3a3: {  	[hbm4b:s6+s3] =	stream.linear.scatter [tilespmem:s7], [sflag:$0x3], $0x300, $0x38;
	[tilespmem:$0x18800] =	vst v63  }
0x3a4: {  	s6 =	rddreg [dreg:$0x12];
	s7 =	simm.s32 $0x9C80  }
0x3a5: {  	[hbm4b:s6+s3] =	stream.linear.scatter [tilespmem:s7], [sflag:$0x3], $0x300, $0x38;
	[tilespmem:$0x18800] =	vst v63  }
0x3a6: {  	s6 =	rddreg [dreg:$0x13];
	s7 =	simm.s32 $0xA080  }
0x3a7: {  	[hbm4b:s6+s3] =	stream.linear.scatter [tilespmem:s7], [sflag:$0x3], $0x300, $0x38;
	[tilespmem:$0x18800] =	vst v63  }
0x3a8: {  	s6 =	rddreg [dreg:$0x14];
	s7 =	simm.s32 $0xA480  }
0x3a9: {  	[hbm4b:s6+s3] =	stream.linear.scatter [tilespmem:s7], [sflag:$0x3], $0x300, $0x38;
	[tilespmem:$0x18800] =	vst v63  }
0x3aa: {  	s6 =	rddreg [dreg:$0x15];
	s7 =	simm.s32 $0xA880  }
0x3ab: {  	[hbm4b:s6+s3] =	stream.linear.scatter [tilespmem:s7], [sflag:$0x3], $0x300, $0x38;
	[tilespmem:$0x18800] =	vst v63  }
0x3ac: {  	s6 =	rddreg [dreg:$0x16];
	s7 =	simm.s32 $0xAC80  }
0x3ad: {  	[hbm4b:s6+s3] =	stream.linear.scatter [tilespmem:s7], [sflag:$0x3], $0x300, $0x38;
	[tilespmem:$0x18800] =	vst v63  }
0x3ae: {  	s6 =	rddreg [dreg:$0x17];
	s7 =	simm.s32 $0xB080  }
0x3af: {  	[hbm4b:s6+s3] =	stream.linear.scatter [tilespmem:s7], [sflag:$0x3], $0x300, $0x38;
	[tilespmem:$0x18800] =	vst v63  }
0x3b0: {  	s6 =	rddreg [dreg:$0x18];
	s7 =	simm.s32 $0xB480  }
0x3b1: {  	[hbm4b:s6+s3] =	stream.linear.scatter [tilespmem:s7], [sflag:$0x3], $0x300, $0x38;
	[tilespmem:$0x18800] =	vst v63  }
0x3b2: {  	s6 =	rddreg [dreg:$0x19];
	s7 =	simm.s32 $0xB880  }
0x3b3: {  	[hbm4b:s6+s3] =	stream.linear.scatter [tilespmem:s7], [sflag:$0x3], $0x300, $0x38;
	[tilespmem:$0x18800] =	vst v63  }
0x3b4: {  	s6 =	rddreg [dreg:$0x1a];
	s7 =	simm.s32 $0xBC80  }
0x3b5: {  	[hbm4b:s6+s3] =	stream.linear.scatter [tilespmem:s7], [sflag:$0x3], $0x300, $0x38;
	[tilespmem:$0x18800] =	vst v63  }
0x3b6: {  	s6 =	rddreg [dreg:$0x1b];
	s7 =	simm.s32 $0xC080  }
0x3b7: {  	[hbm4b:s6+s3] =	stream.linear.scatter [tilespmem:s7], [sflag:$0x3], $0x300, $0x38;
	[tilespmem:$0x18800] =	vst v63  }
0x3b8: {  	s6 =	rddreg [dreg:$0x1c];
	s7 =	simm.s32 $0xC480  }
0x3b9: {  	[hbm4b:s6+s3] =	stream.linear.scatter [tilespmem:s7], [sflag:$0x3], $0x300, $0x38;
	[tilespmem:$0x18800] =	vst v63  }
0x3ba: {  	s6 =	rddreg [dreg:$0x1d];
	s7 =	simm.s32 $0xC880  }
0x3bb: {  	[hbm4b:s6+s3] =	stream.linear.scatter [tilespmem:s7], [sflag:$0x3], $0x300, $0x38;
	[tilespmem:$0x18800] =	vst v63  }
0x3bc: {  	s6 =	rddreg [dreg:$0x1e];
	s7 =	simm.s32 $0xCC80  }
0x3bd: {  	[hbm4b:s6+s3] =	stream.linear.scatter [tilespmem:s7], [sflag:$0x3], $0x300, $0x38;
	[tilespmem:$0x18800] =	vst v63  }
0x3be: {  	s6 =	rddreg [dreg:$0x1f];
	s7 =	simm.s32 $0xD080  }
0x3bf: {  	[hbm4b:s6+s3] =	stream.linear.scatter [tilespmem:s7], [sflag:$0x3], $0x300, $0x38;
	[tilespmem:$0x18800] =	vst v63  }
0x3c0: {  	s6 =	sld [smem:$0x7F7];
	_ =	sdelay $0x1  }
0x3c1: {  	s7 =	simm.s32 $0xD480  }
0x3c2: {  	[hbm4b:s6+s3] =	stream.linear.scatter [tilespmem:s7], [sflag:$0x3], $0x300, $0x38;
	[tilespmem:$0x18800] =	vst v63  }
0x3c3: {  	s6 =	sld [smem:$0x7F8];
	_ =	sdelay $0x1  }
0x3c4: {  	s7 =	simm.s32 $0xD880  }
0x3c5: {  	[hbm4b:s6+s3] =	stream.linear.scatter [tilespmem:s7], [sflag:$0x3], $0x300, $0x38;
	[tilespmem:$0x18800] =	vst v63  }
0x3c6: {  	s6 =	sld [smem:$0x7F9];
	_ =	sdelay $0x1  }
0x3c7: {  	s7 =	simm.s32 $0xDC80  }
0x3c8: {  	[hbm4b:s6+s3] =	stream.linear.scatter [tilespmem:s7], [sflag:$0x3], $0x300, $0x38;
	[tilespmem:$0x18800] =	vst v63  }
0x3c9: {  	v24 =	vld [tilespmem:$0x18100]  }
0x3ca: {  	v23 =	vld [tilespmem:$0x18110]  }
0x3cb: {  	v22 =	vld [tilespmem:$0x18120]  }
0x3cc: {  	v21 =	vld [tilespmem:$0x18130]  }
0x3cd: {  	v20 =	vld [tilespmem:$0x18140]  }
0x3ce: {  	v19 =	vld [tilespmem:$0x18150]  }
0x3cf: {  	v18 =	vld [tilespmem:$0x18160]  }
0x3d0: {  	v17 =	vld [tilespmem:$0x18170]  }
0x3d1: {  	v16 =	vld [tilespmem:$0x18180]  }
0x3d2: {  	v15 =	vld [tilespmem:$0x18190]  }
0x3d3: {  	v14 =	vld [tilespmem:$0x181A0]  }
0x3d4: {  	v13 =	vld [tilespmem:$0x181B0]  }
0x3d5: {  	v12 =	vld [tilespmem:$0x181C0]  }
0x3d6: {  	v11 =	vld [tilespmem:$0x181D0]  }
0x3d7: {  	v10 =	vld [tilespmem:$0x181E0]  }
0x3d8: {  	v9 =	vld [tilespmem:$0x181F0]  }
0x3d9: {  	v8 =	vld [tilespmem:$0x18200]  }
0x3da: {  	v7 =	vld [tilespmem:$0x18210]  }
0x3db: {  	v6 =	vld [tilespmem:$0x18220]  }
0x3dc: {  	v5 =	vld [tilespmem:$0x18230]  }
0x3dd: {  	v4 =	vld [tilespmem:$0x18240]  }
0x3de: {  	v3 =	vld [tilespmem:$0x18250]  }
0x3df: {  	v1 =	vld [tilespmem:$0x18260]  }
0x3e0: {  	s5 =	simm.s32 $0x2000;
	v2 =	vld [tilespmem:$0x18270]  }
0x3e1: {  	s6 =	simm.s32 $0x3000;
	v25 =	vld.idx.msk [tilespmem:v24+s5+$0x0], $0xffff  }
.LBB2_16:
0x3e2: {  	p0 =	sne.s32 s6, $0x15000;
	_ =	sdelay $0x3  }
0x3e3: {  	s7 =	sshra.s32 s3, $0x2;
	s3 =	smov.u32 s6  }
0x3e4: {  	[tilespmem:s7+$0xE080] =	vst v25  }
0x3e5: {  	v25 =	vld.idx.msk [tilespmem:v23+s5+$0x0], $0xffff;
	_ =	sdelay $0x5  }
0x3e6: {  	[tilespmem:s7+$0xE090] =	vst v25  }
0x3e7: {  	v25 =	vld.idx.msk [tilespmem:v22+s5+$0x0], $0xffff;
	_ =	sdelay $0x5  }
0x3e8: {  	[tilespmem:s7+$0xE0A0] =	vst v25  }
0x3e9: {  	v25 =	vld.idx.msk [tilespmem:v21+s5+$0x0], $0xffff;
	_ =	sdelay $0x5  }
0x3ea: {  	[tilespmem:s7+$0xE0B0] =	vst v25  }
0x3eb: {  	v25 =	vld.idx.msk [tilespmem:v20+s5+$0x0], $0xffff;
	_ =	sdelay $0x5  }
0x3ec: {  	[tilespmem:s7+$0xE0C0] =	vst v25  }
0x3ed: {  	v25 =	vld.idx.msk [tilespmem:v19+s5+$0x0], $0xffff;
	_ =	sdelay $0x5  }
0x3ee: {  	[tilespmem:s7+$0xE0D0] =	vst v25  }
0x3ef: {  	v25 =	vld.idx.msk [tilespmem:v18+s5+$0x0], $0xffff;
	_ =	sdelay $0x5  }
0x3f0: {  	[tilespmem:s7+$0xE0E0] =	vst v25  }
0x3f1: {  	v25 =	vld.idx.msk [tilespmem:v17+s5+$0x0], $0xffff;
	_ =	sdelay $0x5  }
0x3f2: {  	[tilespmem:s7+$0xE0F0] =	vst v25  }
0x3f3: {  	v25 =	vld.idx.msk [tilespmem:v16+s5+$0x0], $0xffff;
	_ =	sdelay $0x5  }
0x3f4: {  	[tilespmem:s7+$0xE480] =	vst v25  }
0x3f5: {  	v25 =	vld.idx.msk [tilespmem:v15+s5+$0x0], $0xffff;
	_ =	sdelay $0x5  }
0x3f6: {  	[tilespmem:s7+$0xE490] =	vst v25  }
0x3f7: {  	v25 =	vld.idx.msk [tilespmem:v14+s5+$0x0], $0xffff;
	_ =	sdelay $0x5  }
0x3f8: {  	[tilespmem:s7+$0xE4A0] =	vst v25  }
0x3f9: {  	v25 =	vld.idx.msk [tilespmem:v13+s5+$0x0], $0xffff;
	_ =	sdelay $0x5  }
0x3fa: {  	[tilespmem:s7+$0xE4B0] =	vst v25  }
0x3fb: {  	v25 =	vld.idx.msk [tilespmem:v12+s5+$0x0], $0xffff;
	_ =	sdelay $0x5  }
0x3fc: {  	[tilespmem:s7+$0xE4C0] =	vst v25  }
0x3fd: {  	v25 =	vld.idx.msk [tilespmem:v11+s5+$0x0], $0xffff;
	_ =	sdelay $0x5  }
0x3fe: {  	[tilespmem:s7+$0xE4D0] =	vst v25  }
0x3ff: {  	v25 =	vld.idx.msk [tilespmem:v10+s5+$0x0], $0xffff;
	_ =	sdelay $0x5  }
0x400: {  	[tilespmem:s7+$0xE4E0] =	vst v25  }
0x401: {  	v25 =	vld.idx.msk [tilespmem:v9+s5+$0x0], $0xffff;
	_ =	sdelay $0x5  }
0x402: {  	[tilespmem:s7+$0xE4F0] =	vst v25  }
0x403: {  	v25 =	vld.idx.msk [tilespmem:v8+s5+$0x0], $0xffff;
	_ =	sdelay $0x5  }
0x404: {  	[tilespmem:s7+$0xE880] =	vst v25  }
0x405: {  	v25 =	vld.idx.msk [tilespmem:v7+s5+$0x0], $0xffff;
	_ =	sdelay $0x5  }
0x406: {  	[tilespmem:s7+$0xE890] =	vst v25  }
0x407: {  	v25 =	vld.idx.msk [tilespmem:v6+s5+$0x0], $0xffff;
	_ =	sdelay $0x5  }
0x408: {  	[tilespmem:s7+$0xE8A0] =	vst v25  }
0x409: {  	v25 =	vld.idx.msk [tilespmem:v5+s5+$0x0], $0xffff;
	_ =	sdelay $0x5  }
0x40a: {  	[tilespmem:s7+$0xE8B0] =	vst v25  }
0x40b: {  	v25 =	vld.idx.msk [tilespmem:v4+s5+$0x0], $0xffff;
	_ =	sdelay $0x5  }
0x40c: {  	[tilespmem:s7+$0xE8C0] =	vst v25  }
0x40d: {  	v25 =	vld.idx.msk [tilespmem:v3+s5+$0x0], $0xffff;
	_ =	sdelay $0x5  }
0x40e: {  	[tilespmem:s7+$0xE8D0] =	vst v25  }
0x40f: {  	v25 =	vld.idx.msk [tilespmem:v1+s5+$0x0], $0xffff;
	_ =	sdelay $0x5  }
0x410: {  	[tilespmem:s7+$0xE8E0] =	vst v25  }
0x411: {  	v25 =	vld.idx.msk [tilespmem:v2+s5+$0x0], $0xffff;
	_ =	sdelay $0x2  }
.Ltmp7:
0x412: {  	(pc) =	sbr.rel @p0 .LBB2_16-.Ltmp7, $3  }
0x413: {  	_ =	sdelay $0x1  }
0x414: {  	s5 =	sadd.s32 $0x400, s5;
	[tilespmem:s7+$0xE8F0] =	vst v25  }
0x415: {  	s6 =	sadd.s32 $0x3000, s6;
	v25 =	vld.idx.msk [tilespmem:v24+s5+$0x0], $0xffff  }
0x416: {  	_ =	sdelay $0x2  }
0x417: {  	s3 =	sshra.s32 s3, $0x2  }
0x418: {  	[tilespmem:s3+$0xE080] =	vst v25  }
0x419: {  	v23 =	vld.idx.msk [tilespmem:v23+s5+$0x0], $0xffff;
	_ =	sdelay $0x4  }
0x41a: {  	[tilespmem:s3+$0xE090] =	vst v23  }
0x41b: {  	v22 =	vld.idx.msk [tilespmem:v22+s5+$0x0], $0xffff;
	_ =	sdelay $0x4  }
0x41c: {  	[tilespmem:s3+$0xE0A0] =	vst v22  }
0x41d: {  	v21 =	vld.idx.msk [tilespmem:v21+s5+$0x0], $0xffff;
	_ =	sdelay $0x4  }
0x41e: {  	[tilespmem:s3+$0xE0B0] =	vst v21  }
0x41f: {  	v20 =	vld.idx.msk [tilespmem:v20+s5+$0x0], $0xffff;
	_ =	sdelay $0x4  }
0x420: {  	[tilespmem:s3+$0xE0C0] =	vst v20  }
0x421: {  	v19 =	vld.idx.msk [tilespmem:v19+s5+$0x0], $0xffff;
	_ =	sdelay $0x4  }
0x422: {  	[tilespmem:s3+$0xE0D0] =	vst v19  }
0x423: {  	v18 =	vld.idx.msk [tilespmem:v18+s5+$0x0], $0xffff;
	_ =	sdelay $0x4  }
0x424: {  	[tilespmem:s3+$0xE0E0] =	vst v18  }
0x425: {  	v17 =	vld.idx.msk [tilespmem:v17+s5+$0x0], $0xffff;
	_ =	sdelay $0x4  }
0x426: {  	[tilespmem:s3+$0xE0F0] =	vst v17  }
0x427: {  	v16 =	vld.idx.msk [tilespmem:v16+s5+$0x0], $0xffff;
	_ =	sdelay $0x4  }
0x428: {  	[tilespmem:s3+$0xE480] =	vst v16  }
0x429: {  	v15 =	vld.idx.msk [tilespmem:v15+s5+$0x0], $0xffff;
	_ =	sdelay $0x4  }
0x42a: {  	[tilespmem:s3+$0xE490] =	vst v15  }
0x42b: {  	v14 =	vld.idx.msk [tilespmem:v14+s5+$0x0], $0xffff;
	_ =	sdelay $0x4  }
0x42c: {  	[tilespmem:s3+$0xE4A0] =	vst v14  }
0x42d: {  	v13 =	vld.idx.msk [tilespmem:v13+s5+$0x0], $0xffff;
	_ =	sdelay $0x4  }
0x42e: {  	[tilespmem:s3+$0xE4B0] =	vst v13  }
0x42f: {  	v12 =	vld.idx.msk [tilespmem:v12+s5+$0x0], $0xffff;
	_ =	sdelay $0x4  }
0x430: {  	[tilespmem:s3+$0xE4C0] =	vst v12  }
0x431: {  	v11 =	vld.idx.msk [tilespmem:v11+s5+$0x0], $0xffff;
	_ =	sdelay $0x4  }
0x432: {  	[tilespmem:s3+$0xE4D0] =	vst v11  }
0x433: {  	v10 =	vld.idx.msk [tilespmem:v10+s5+$0x0], $0xffff;
	_ =	sdelay $0x4  }
0x434: {  	[tilespmem:s3+$0xE4E0] =	vst v10  }
0x435: {  	v9 =	vld.idx.msk [tilespmem:v9+s5+$0x0], $0xffff;
	_ =	sdelay $0x4  }
0x436: {  	[tilespmem:s3+$0xE4F0] =	vst v9  }
0x437: {  	v8 =	vld.idx.msk [tilespmem:v8+s5+$0x0], $0xffff;
	_ =	sdelay $0x4  }
0x438: {  	[tilespmem:s3+$0xE880] =	vst v8  }
0x439: {  	v7 =	vld.idx.msk [tilespmem:v7+s5+$0x0], $0xffff;
	_ =	sdelay $0x4  }
0x43a: {  	[tilespmem:s3+$0xE890] =	vst v7  }
0x43b: {  	v6 =	vld.idx.msk [tilespmem:v6+s5+$0x0], $0xffff;
	_ =	sdelay $0x4  }
0x43c: {  	[tilespmem:s3+$0xE8A0] =	vst v6  }
0x43d: {  	v5 =	vld.idx.msk [tilespmem:v5+s5+$0x0], $0xffff;
	_ =	sdelay $0x4  }
0x43e: {  	[tilespmem:s3+$0xE8B0] =	vst v5  }
0x43f: {  	v4 =	vld.idx.msk [tilespmem:v4+s5+$0x0], $0xffff;
	_ =	sdelay $0x4  }
0x440: {  	[tilespmem:s3+$0xE8C0] =	vst v4  }
0x441: {  	v3 =	vld.idx.msk [tilespmem:v3+s5+$0x0], $0xffff;
	_ =	sdelay $0x4  }
0x442: {  	[tilespmem:s3+$0xE8D0] =	vst v3  }
0x443: {  	v1 =	vld.idx.msk [tilespmem:v1+s5+$0x0], $0xffff;
	_ =	sdelay $0x4  }
0x444: {  	[tilespmem:s3+$0xE8E0] =	vst v1  }
0x445: {  	v1 =	vld.idx.msk [tilespmem:v2+s5+$0x0], $0xffff;
	_ =	sdelay $0x4  }
0x446: {  	[tilespmem:s3+$0xE8F0] =	vst v1  }
0x447: {  	v24 =	vld [tilespmem:$0x18280]  }
0x448: {  	v23 =	vld [tilespmem:$0x18290]  }
0x449: {  	v22 =	vld [tilespmem:$0x182A0]  }
0x44a: {  	v21 =	vld [tilespmem:$0x182B0]  }
0x44b: {  	v20 =	vld [tilespmem:$0x182C0]  }
0x44c: {  	v19 =	vld [tilespmem:$0x182D0]  }
0x44d: {  	v18 =	vld [tilespmem:$0x182E0]  }
0x44e: {  	v17 =	vld [tilespmem:$0x182F0]  }
0x44f: {  	v16 =	vld [tilespmem:$0x18300]  }
0x450: {  	v15 =	vld [tilespmem:$0x18310]  }
0x451: {  	v14 =	vld [tilespmem:$0x18320]  }
0x452: {  	v13 =	vld [tilespmem:$0x18330]  }
0x453: {  	v12 =	vld [tilespmem:$0x18340]  }
0x454: {  	v11 =	vld [tilespmem:$0x18350]  }
0x455: {  	v10 =	vld [tilespmem:$0x18360]  }
0x456: {  	v9 =	vld [tilespmem:$0x18370]  }
0x457: {  	v8 =	vld [tilespmem:$0x18380]  }
0x458: {  	v7 =	vld [tilespmem:$0x18390]  }
0x459: {  	v6 =	vld [tilespmem:$0x183A0]  }
0x45a: {  	v5 =	vld [tilespmem:$0x183B0]  }
0x45b: {  	v4 =	vld [tilespmem:$0x183C0]  }
0x45c: {  	v3 =	vld [tilespmem:$0x183D0]  }
0x45d: {  	v1 =	vld [tilespmem:$0x183E0]  }
0x45e: {  	s3 =	simm.s32 $0x2000;
	v2 =	vld [tilespmem:$0x183F0]  }
0x45f: {  	s6 =	simm.s32 $0x3000;
	s5 =	simm.s32 $0x0;
	v25 =	vld.idx.msk [tilespmem:v24+s3+$0x0], $0xffff  }
.LBB2_18:
0x460: {  	p0 =	sne.s32 s6, $0x15000;
	_ =	sdelay $0x3  }
0x461: {  	s7 =	sshra.s32 s5, $0x2;
	s5 =	smov.u32 s6  }
0x462: {  	[tilespmem:s7+$0xE100] =	vst v25  }
0x463: {  	v25 =	vld.idx.msk [tilespmem:v23+s3+$0x0], $0xffff;
	_ =	sdelay $0x5  }
0x464: {  	[tilespmem:s7+$0xE110] =	vst v25  }
0x465: {  	v25 =	vld.idx.msk [tilespmem:v22+s3+$0x0], $0xffff;
	_ =	sdelay $0x5  }
0x466: {  	[tilespmem:s7+$0xE120] =	vst v25  }
0x467: {  	v25 =	vld.idx.msk [tilespmem:v21+s3+$0x0], $0xffff;
	_ =	sdelay $0x5  }
0x468: {  	[tilespmem:s7+$0xE130] =	vst v25  }
0x469: {  	v25 =	vld.idx.msk [tilespmem:v20+s3+$0x0], $0xffff;
	_ =	sdelay $0x5  }
0x46a: {  	[tilespmem:s7+$0xE140] =	vst v25  }
0x46b: {  	v25 =	vld.idx.msk [tilespmem:v19+s3+$0x0], $0xffff;
	_ =	sdelay $0x5  }
0x46c: {  	[tilespmem:s7+$0xE150] =	vst v25  }
0x46d: {  	v25 =	vld.idx.msk [tilespmem:v18+s3+$0x0], $0xffff;
	_ =	sdelay $0x5  }
0x46e: {  	[tilespmem:s7+$0xE160] =	vst v25  }
0x46f: {  	v25 =	vld.idx.msk [tilespmem:v17+s3+$0x0], $0xffff;
	_ =	sdelay $0x5  }
0x470: {  	[tilespmem:s7+$0xE170] =	vst v25  }
0x471: {  	v25 =	vld.idx.msk [tilespmem:v16+s3+$0x0], $0xffff;
	_ =	sdelay $0x5  }
0x472: {  	[tilespmem:s7+$0xE500] =	vst v25  }
0x473: {  	v25 =	vld.idx.msk [tilespmem:v15+s3+$0x0], $0xffff;
	_ =	sdelay $0x5  }
0x474: {  	[tilespmem:s7+$0xE510] =	vst v25  }
0x475: {  	v25 =	vld.idx.msk [tilespmem:v14+s3+$0x0], $0xffff;
	_ =	sdelay $0x5  }
0x476: {  	[tilespmem:s7+$0xE520] =	vst v25  }
0x477: {  	v25 =	vld.idx.msk [tilespmem:v13+s3+$0x0], $0xffff;
	_ =	sdelay $0x5  }
0x478: {  	[tilespmem:s7+$0xE530] =	vst v25  }
0x479: {  	v25 =	vld.idx.msk [tilespmem:v12+s3+$0x0], $0xffff;
	_ =	sdelay $0x5  }
0x47a: {  	[tilespmem:s7+$0xE540] =	vst v25  }
0x47b: {  	v25 =	vld.idx.msk [tilespmem:v11+s3+$0x0], $0xffff;
	_ =	sdelay $0x5  }
0x47c: {  	[tilespmem:s7+$0xE550] =	vst v25  }
0x47d: {  	v25 =	vld.idx.msk [tilespmem:v10+s3+$0x0], $0xffff;
	_ =	sdelay $0x5  }
0x47e: {  	[tilespmem:s7+$0xE560] =	vst v25  }
0x47f: {  	v25 =	vld.idx.msk [tilespmem:v9+s3+$0x0], $0xffff;
	_ =	sdelay $0x5  }
0x480: {  	[tilespmem:s7+$0xE570] =	vst v25  }
0x481: {  	v25 =	vld.idx.msk [tilespmem:v8+s3+$0x0], $0xffff;
	_ =	sdelay $0x5  }
0x482: {  	[tilespmem:s7+$0xE900] =	vst v25  }
0x483: {  	v25 =	vld.idx.msk [tilespmem:v7+s3+$0x0], $0xffff;
	_ =	sdelay $0x5  }
0x484: {  	[tilespmem:s7+$0xE910] =	vst v25  }
0x485: {  	v25 =	vld.idx.msk [tilespmem:v6+s3+$0x0], $0xffff;
	_ =	sdelay $0x5  }
0x486: {  	[tilespmem:s7+$0xE920] =	vst v25  }
0x487: {  	v25 =	vld.idx.msk [tilespmem:v5+s3+$0x0], $0xffff;
	_ =	sdelay $0x5  }
0x488: {  	[tilespmem:s7+$0xE930] =	vst v25  }
0x489: {  	v25 =	vld.idx.msk [tilespmem:v4+s3+$0x0], $0xffff;
	_ =	sdelay $0x5  }
0x48a: {  	[tilespmem:s7+$0xE940] =	vst v25  }
0x48b: {  	v25 =	vld.idx.msk [tilespmem:v3+s3+$0x0], $0xffff;
	_ =	sdelay $0x5  }
0x48c: {  	[tilespmem:s7+$0xE950] =	vst v25  }
0x48d: {  	v25 =	vld.idx.msk [tilespmem:v1+s3+$0x0], $0xffff;
	_ =	sdelay $0x5  }
0x48e: {  	[tilespmem:s7+$0xE960] =	vst v25  }
0x48f: {  	v25 =	vld.idx.msk [tilespmem:v2+s3+$0x0], $0xffff;
	_ =	sdelay $0x2  }
.Ltmp8:
0x490: {  	(pc) =	sbr.rel @p0 .LBB2_18-.Ltmp8, $3  }
0x491: {  	_ =	sdelay $0x1  }
0x492: {  	s3 =	sadd.s32 $0x400, s3;
	[tilespmem:s7+$0xE970] =	vst v25  }
0x493: {  	s6 =	sadd.s32 $0x3000, s6;
	v25 =	vld.idx.msk [tilespmem:v24+s3+$0x0], $0xffff  }
0x494: {  	_ =	sdelay $0x2  }
0x495: {  	s5 =	sshra.s32 s5, $0x2  }
0x496: {  	[tilespmem:s5+$0xE100] =	vst v25  }
0x497: {  	v23 =	vld.idx.msk [tilespmem:v23+s3+$0x0], $0xffff;
	_ =	sdelay $0x4  }
0x498: {  	[tilespmem:s5+$0xE110] =	vst v23  }
0x499: {  	v22 =	vld.idx.msk [tilespmem:v22+s3+$0x0], $0xffff;
	_ =	sdelay $0x4  }
0x49a: {  	[tilespmem:s5+$0xE120] =	vst v22  }
0x49b: {  	v21 =	vld.idx.msk [tilespmem:v21+s3+$0x0], $0xffff;
	_ =	sdelay $0x4  }
0x49c: {  	[tilespmem:s5+$0xE130] =	vst v21  }
0x49d: {  	v20 =	vld.idx.msk [tilespmem:v20+s3+$0x0], $0xffff;
	_ =	sdelay $0x4  }
0x49e: {  	[tilespmem:s5+$0xE140] =	vst v20  }
0x49f: {  	v19 =	vld.idx.msk [tilespmem:v19+s3+$0x0], $0xffff;
	_ =	sdelay $0x4  }
0x4a0: {  	[tilespmem:s5+$0xE150] =	vst v19  }
0x4a1: {  	v18 =	vld.idx.msk [tilespmem:v18+s3+$0x0], $0xffff;
	_ =	sdelay $0x4  }
0x4a2: {  	[tilespmem:s5+$0xE160] =	vst v18  }
0x4a3: {  	v17 =	vld.idx.msk [tilespmem:v17+s3+$0x0], $0xffff;
	_ =	sdelay $0x4  }
0x4a4: {  	[tilespmem:s5+$0xE170] =	vst v17  }
0x4a5: {  	v16 =	vld.idx.msk [tilespmem:v16+s3+$0x0], $0xffff;
	_ =	sdelay $0x4  }
0x4a6: {  	[tilespmem:s5+$0xE500] =	vst v16  }
0x4a7: {  	v15 =	vld.idx.msk [tilespmem:v15+s3+$0x0], $0xffff;
	_ =	sdelay $0x4  }
0x4a8: {  	[tilespmem:s5+$0xE510] =	vst v15  }
0x4a9: {  	v14 =	vld.idx.msk [tilespmem:v14+s3+$0x0], $0xffff;
	_ =	sdelay $0x4  }
0x4aa: {  	[tilespmem:s5+$0xE520] =	vst v14  }
0x4ab: {  	v13 =	vld.idx.msk [tilespmem:v13+s3+$0x0], $0xffff;
	_ =	sdelay $0x4  }
0x4ac: {  	[tilespmem:s5+$0xE530] =	vst v13  }
0x4ad: {  	v12 =	vld.idx.msk [tilespmem:v12+s3+$0x0], $0xffff;
	_ =	sdelay $0x4  }
0x4ae: {  	[tilespmem:s5+$0xE540] =	vst v12  }
0x4af: {  	v11 =	vld.idx.msk [tilespmem:v11+s3+$0x0], $0xffff;
	_ =	sdelay $0x4  }
0x4b0: {  	[tilespmem:s5+$0xE550] =	vst v11  }
0x4b1: {  	v10 =	vld.idx.msk [tilespmem:v10+s3+$0x0], $0xffff;
	_ =	sdelay $0x4  }
0x4b2: {  	[tilespmem:s5+$0xE560] =	vst v10  }
0x4b3: {  	v9 =	vld.idx.msk [tilespmem:v9+s3+$0x0], $0xffff;
	_ =	sdelay $0x4  }
0x4b4: {  	[tilespmem:s5+$0xE570] =	vst v9  }
0x4b5: {  	v8 =	vld.idx.msk [tilespmem:v8+s3+$0x0], $0xffff;
	_ =	sdelay $0x4  }
0x4b6: {  	[tilespmem:s5+$0xE900] =	vst v8  }
0x4b7: {  	v7 =	vld.idx.msk [tilespmem:v7+s3+$0x0], $0xffff;
	_ =	sdelay $0x4  }
0x4b8: {  	[tilespmem:s5+$0xE910] =	vst v7  }
0x4b9: {  	v6 =	vld.idx.msk [tilespmem:v6+s3+$0x0], $0xffff;
	_ =	sdelay $0x4  }
0x4ba: {  	[tilespmem:s5+$0xE920] =	vst v6  }
0x4bb: {  	v5 =	vld.idx.msk [tilespmem:v5+s3+$0x0], $0xffff;
	_ =	sdelay $0x4  }
0x4bc: {  	[tilespmem:s5+$0xE930] =	vst v5  }
0x4bd: {  	v4 =	vld.idx.msk [tilespmem:v4+s3+$0x0], $0xffff;
	_ =	sdelay $0x4  }
0x4be: {  	[tilespmem:s5+$0xE940] =	vst v4  }
0x4bf: {  	v3 =	vld.idx.msk [tilespmem:v3+s3+$0x0], $0xffff;
	_ =	sdelay $0x4  }
0x4c0: {  	[tilespmem:s5+$0xE950] =	vst v3  }
0x4c1: {  	v1 =	vld.idx.msk [tilespmem:v1+s3+$0x0], $0xffff;
	_ =	sdelay $0x4  }
0x4c2: {  	[tilespmem:s5+$0xE960] =	vst v1  }
0x4c3: {  	v1 =	vld.idx.msk [tilespmem:v2+s3+$0x0], $0xffff;
	_ =	sdelay $0x4  }
0x4c4: {  	[tilespmem:s5+$0xE970] =	vst v1  }
0x4c5: {  	v24 =	vld [tilespmem:$0x18400]  }
0x4c6: {  	v23 =	vld [tilespmem:$0x18410]  }
0x4c7: {  	v22 =	vld [tilespmem:$0x18420]  }
0x4c8: {  	v21 =	vld [tilespmem:$0x18430]  }
0x4c9: {  	v20 =	vld [tilespmem:$0x18440]  }
0x4ca: {  	v19 =	vld [tilespmem:$0x18450]  }
0x4cb: {  	v18 =	vld [tilespmem:$0x18460]  }
0x4cc: {  	v17 =	vld [tilespmem:$0x18470]  }
0x4cd: {  	v16 =	vld [tilespmem:$0x18480]  }
0x4ce: {  	v15 =	vld [tilespmem:$0x18490]  }
0x4cf: {  	v14 =	vld [tilespmem:$0x184A0]  }
0x4d0: {  	v13 =	vld [tilespmem:$0x184B0]  }
0x4d1: {  	v12 =	vld [tilespmem:$0x184C0]  }
0x4d2: {  	v11 =	vld [tilespmem:$0x184D0]  }
0x4d3: {  	v10 =	vld [tilespmem:$0x184E0]  }
0x4d4: {  	v9 =	vld [tilespmem:$0x184F0]  }
0x4d5: {  	v8 =	vld [tilespmem:$0x18500]  }
0x4d6: {  	v7 =	vld [tilespmem:$0x18510]  }
0x4d7: {  	v6 =	vld [tilespmem:$0x18520]  }
0x4d8: {  	v5 =	vld [tilespmem:$0x18530]  }
0x4d9: {  	v4 =	vld [tilespmem:$0x18540]  }
0x4da: {  	v3 =	vld [tilespmem:$0x18550]  }
0x4db: {  	v1 =	vld [tilespmem:$0x18560]  }
0x4dc: {  	s3 =	simm.s32 $0x2000;
	v2 =	vld [tilespmem:$0x18570]  }
0x4dd: {  	s6 =	simm.s32 $0x3000;
	s5 =	simm.s32 $0x0;
	v25 =	vld.idx.msk [tilespmem:v24+s3+$0x0], $0xffff  }
.LBB2_20:
0x4de: {  	p0 =	sne.s32 s6, $0x15000;
	_ =	sdelay $0x3  }
0x4df: {  	s7 =	sshra.s32 s5, $0x2;
	s5 =	smov.u32 s6  }
0x4e0: {  	[tilespmem:s7+$0xE180] =	vst v25  }
0x4e1: {  	v25 =	vld.idx.msk [tilespmem:v23+s3+$0x0], $0xffff;
	_ =	sdelay $0x5  }
0x4e2: {  	[tilespmem:s7+$0xE190] =	vst v25  }
0x4e3: {  	v25 =	vld.idx.msk [tilespmem:v22+s3+$0x0], $0xffff;
	_ =	sdelay $0x5  }
0x4e4: {  	[tilespmem:s7+$0xE1A0] =	vst v25  }
0x4e5: {  	v25 =	vld.idx.msk [tilespmem:v21+s3+$0x0], $0xffff;
	_ =	sdelay $0x5  }
0x4e6: {  	[tilespmem:s7+$0xE1B0] =	vst v25  }
0x4e7: {  	v25 =	vld.idx.msk [tilespmem:v20+s3+$0x0], $0xffff;
	_ =	sdelay $0x5  }
0x4e8: {  	[tilespmem:s7+$0xE1C0] =	vst v25  }
0x4e9: {  	v25 =	vld.idx.msk [tilespmem:v19+s3+$0x0], $0xffff;
	_ =	sdelay $0x5  }
0x4ea: {  	[tilespmem:s7+$0xE1D0] =	vst v25  }
0x4eb: {  	v25 =	vld.idx.msk [tilespmem:v18+s3+$0x0], $0xffff;
	_ =	sdelay $0x5  }
0x4ec: {  	[tilespmem:s7+$0xE1E0] =	vst v25  }
0x4ed: {  	v25 =	vld.idx.msk [tilespmem:v17+s3+$0x0], $0xffff;
	_ =	sdelay $0x5  }
0x4ee: {  	[tilespmem:s7+$0xE1F0] =	vst v25  }
0x4ef: {  	v25 =	vld.idx.msk [tilespmem:v16+s3+$0x0], $0xffff;
	_ =	sdelay $0x5  }
0x4f0: {  	[tilespmem:s7+$0xE580] =	vst v25  }
0x4f1: {  	v25 =	vld.idx.msk [tilespmem:v15+s3+$0x0], $0xffff;
	_ =	sdelay $0x5  }
0x4f2: {  	[tilespmem:s7+$0xE590] =	vst v25  }
0x4f3: {  	v25 =	vld.idx.msk [tilespmem:v14+s3+$0x0], $0xffff;
	_ =	sdelay $0x5  }
0x4f4: {  	[tilespmem:s7+$0xE5A0] =	vst v25  }
0x4f5: {  	v25 =	vld.idx.msk [tilespmem:v13+s3+$0x0], $0xffff;
	_ =	sdelay $0x5  }
0x4f6: {  	[tilespmem:s7+$0xE5B0] =	vst v25  }
0x4f7: {  	v25 =	vld.idx.msk [tilespmem:v12+s3+$0x0], $0xffff;
	_ =	sdelay $0x5  }
0x4f8: {  	[tilespmem:s7+$0xE5C0] =	vst v25  }
0x4f9: {  	v25 =	vld.idx.msk [tilespmem:v11+s3+$0x0], $0xffff;
	_ =	sdelay $0x5  }
0x4fa: {  	[tilespmem:s7+$0xE5D0] =	vst v25  }
0x4fb: {  	v25 =	vld.idx.msk [tilespmem:v10+s3+$0x0], $0xffff;
	_ =	sdelay $0x5  }
0x4fc: {  	[tilespmem:s7+$0xE5E0] =	vst v25  }
0x4fd: {  	v25 =	vld.idx.msk [tilespmem:v9+s3+$0x0], $0xffff;
	_ =	sdelay $0x5  }
0x4fe: {  	[tilespmem:s7+$0xE5F0] =	vst v25  }
0x4ff: {  	v25 =	vld.idx.msk [tilespmem:v8+s3+$0x0], $0xffff;
	_ =	sdelay $0x5  }
0x500: {  	[tilespmem:s7+$0xE980] =	vst v25  }
0x501: {  	v25 =	vld.idx.msk [tilespmem:v7+s3+$0x0], $0xffff;
	_ =	sdelay $0x5  }
0x502: {  	[tilespmem:s7+$0xE990] =	vst v25  }
0x503: {  	v25 =	vld.idx.msk [tilespmem:v6+s3+$0x0], $0xffff;
	_ =	sdelay $0x5  }
0x504: {  	[tilespmem:s7+$0xE9A0] =	vst v25  }
0x505: {  	v25 =	vld.idx.msk [tilespmem:v5+s3+$0x0], $0xffff;
	_ =	sdelay $0x5  }
0x506: {  	[tilespmem:s7+$0xE9B0] =	vst v25  }
0x507: {  	v25 =	vld.idx.msk [tilespmem:v4+s3+$0x0], $0xffff;
	_ =	sdelay $0x5  }
0x508: {  	[tilespmem:s7+$0xE9C0] =	vst v25  }
0x509: {  	v25 =	vld.idx.msk [tilespmem:v3+s3+$0x0], $0xffff;
	_ =	sdelay $0x5  }
0x50a: {  	[tilespmem:s7+$0xE9D0] =	vst v25  }
0x50b: {  	v25 =	vld.idx.msk [tilespmem:v1+s3+$0x0], $0xffff;
	_ =	sdelay $0x5  }
0x50c: {  	[tilespmem:s7+$0xE9E0] =	vst v25  }
0x50d: {  	v25 =	vld.idx.msk [tilespmem:v2+s3+$0x0], $0xffff;
	_ =	sdelay $0x2  }
.Ltmp9:
0x50e: {  	(pc) =	sbr.rel @p0 .LBB2_20-.Ltmp9, $3  }
0x50f: {  	_ =	sdelay $0x1  }
0x510: {  	s3 =	sadd.s32 $0x400, s3;
	[tilespmem:s7+$0xE9F0] =	vst v25  }
0x511: {  	s6 =	sadd.s32 $0x3000, s6;
	v25 =	vld.idx.msk [tilespmem:v24+s3+$0x0], $0xffff  }
0x512: {  	_ =	sdelay $0x2  }
0x513: {  	s5 =	sshra.s32 s5, $0x2  }
0x514: {  	[tilespmem:s5+$0xE180] =	vst v25  }
0x515: {  	v23 =	vld.idx.msk [tilespmem:v23+s3+$0x0], $0xffff;
	_ =	sdelay $0x4  }
0x516: {  	[tilespmem:s5+$0xE190] =	vst v23  }
0x517: {  	v22 =	vld.idx.msk [tilespmem:v22+s3+$0x0], $0xffff;
	_ =	sdelay $0x4  }
0x518: {  	[tilespmem:s5+$0xE1A0] =	vst v22  }
0x519: {  	v21 =	vld.idx.msk [tilespmem:v21+s3+$0x0], $0xffff;
	_ =	sdelay $0x4  }
0x51a: {  	[tilespmem:s5+$0xE1B0] =	vst v21  }
0x51b: {  	v20 =	vld.idx.msk [tilespmem:v20+s3+$0x0], $0xffff;
	_ =	sdelay $0x4  }
0x51c: {  	[tilespmem:s5+$0xE1C0] =	vst v20  }
0x51d: {  	v19 =	vld.idx.msk [tilespmem:v19+s3+$0x0], $0xffff;
	_ =	sdelay $0x4  }
0x51e: {  	[tilespmem:s5+$0xE1D0] =	vst v19  }
0x51f: {  	v18 =	vld.idx.msk [tilespmem:v18+s3+$0x0], $0xffff;
	_ =	sdelay $0x4  }
0x520: {  	[tilespmem:s5+$0xE1E0] =	vst v18  }
0x521: {  	v17 =	vld.idx.msk [tilespmem:v17+s3+$0x0], $0xffff;
	_ =	sdelay $0x4  }
0x522: {  	[tilespmem:s5+$0xE1F0] =	vst v17  }
0x523: {  	v16 =	vld.idx.msk [tilespmem:v16+s3+$0x0], $0xffff;
	_ =	sdelay $0x4  }
0x524: {  	[tilespmem:s5+$0xE580] =	vst v16  }
0x525: {  	v15 =	vld.idx.msk [tilespmem:v15+s3+$0x0], $0xffff;
	_ =	sdelay $0x4  }
0x526: {  	[tilespmem:s5+$0xE590] =	vst v15  }
0x527: {  	v14 =	vld.idx.msk [tilespmem:v14+s3+$0x0], $0xffff;
	_ =	sdelay $0x4  }
0x528: {  	[tilespmem:s5+$0xE5A0] =	vst v14  }
0x529: {  	v13 =	vld.idx.msk [tilespmem:v13+s3+$0x0], $0xffff;
	_ =	sdelay $0x4  }
0x52a: {  	[tilespmem:s5+$0xE5B0] =	vst v13  }
0x52b: {  	v12 =	vld.idx.msk [tilespmem:v12+s3+$0x0], $0xffff;
	_ =	sdelay $0x4  }
0x52c: {  	[tilespmem:s5+$0xE5C0] =	vst v12  }
0x52d: {  	v11 =	vld.idx.msk [tilespmem:v11+s3+$0x0], $0xffff;
	_ =	sdelay $0x4  }
0x52e: {  	[tilespmem:s5+$0xE5D0] =	vst v11  }
0x52f: {  	v10 =	vld.idx.msk [tilespmem:v10+s3+$0x0], $0xffff;
	_ =	sdelay $0x4  }
0x530: {  	[tilespmem:s5+$0xE5E0] =	vst v10  }
0x531: {  	v9 =	vld.idx.msk [tilespmem:v9+s3+$0x0], $0xffff;
	_ =	sdelay $0x4  }
0x532: {  	[tilespmem:s5+$0xE5F0] =	vst v9  }
0x533: {  	v8 =	vld.idx.msk [tilespmem:v8+s3+$0x0], $0xffff;
	_ =	sdelay $0x4  }
0x534: {  	[tilespmem:s5+$0xE980] =	vst v8  }
0x535: {  	v7 =	vld.idx.msk [tilespmem:v7+s3+$0x0], $0xffff;
	_ =	sdelay $0x4  }
0x536: {  	[tilespmem:s5+$0xE990] =	vst v7  }
0x537: {  	v6 =	vld.idx.msk [tilespmem:v6+s3+$0x0], $0xffff;
	_ =	sdelay $0x4  }
0x538: {  	[tilespmem:s5+$0xE9A0] =	vst v6  }
0x539: {  	v5 =	vld.idx.msk [tilespmem:v5+s3+$0x0], $0xffff;
	_ =	sdelay $0x4  }
0x53a: {  	[tilespmem:s5+$0xE9B0] =	vst v5  }
0x53b: {  	v4 =	vld.idx.msk [tilespmem:v4+s3+$0x0], $0xffff;
	_ =	sdelay $0x4  }
0x53c: {  	[tilespmem:s5+$0xE9C0] =	vst v4  }
0x53d: {  	v3 =	vld.idx.msk [tilespmem:v3+s3+$0x0], $0xffff;
	_ =	sdelay $0x4  }
0x53e: {  	[tilespmem:s5+$0xE9D0] =	vst v3  }
0x53f: {  	v1 =	vld.idx.msk [tilespmem:v1+s3+$0x0], $0xffff;
	_ =	sdelay $0x4  }
0x540: {  	[tilespmem:s5+$0xE9E0] =	vst v1  }
0x541: {  	v1 =	vld.idx.msk [tilespmem:v2+s3+$0x0], $0xffff;
	_ =	sdelay $0x4  }
0x542: {  	[tilespmem:s5+$0xE9F0] =	vst v1  }
0x543: {  	v24 =	vld [tilespmem:$0x18580]  }
0x544: {  	v23 =	vld [tilespmem:$0x18590]  }
0x545: {  	v22 =	vld [tilespmem:$0x185A0]  }
0x546: {  	v21 =	vld [tilespmem:$0x185B0]  }
0x547: {  	v20 =	vld [tilespmem:$0x185C0]  }
0x548: {  	v19 =	vld [tilespmem:$0x185D0]  }
0x549: {  	v18 =	vld [tilespmem:$0x185E0]  }
0x54a: {  	v17 =	vld [tilespmem:$0x185F0]  }
0x54b: {  	v16 =	vld [tilespmem:$0x18600]  }
0x54c: {  	v15 =	vld [tilespmem:$0x18610]  }
0x54d: {  	v14 =	vld [tilespmem:$0x18620]  }
0x54e: {  	v13 =	vld [tilespmem:$0x18630]  }
0x54f: {  	v12 =	vld [tilespmem:$0x18640]  }
0x550: {  	v11 =	vld [tilespmem:$0x18650]  }
0x551: {  	v10 =	vld [tilespmem:$0x18660]  }
0x552: {  	v9 =	vld [tilespmem:$0x18670]  }
0x553: {  	v8 =	vld [tilespmem:$0x18680]  }
0x554: {  	v7 =	vld [tilespmem:$0x18690]  }
0x555: {  	v6 =	vld [tilespmem:$0x186A0]  }
0x556: {  	v5 =	vld [tilespmem:$0x186B0]  }
0x557: {  	v4 =	vld [tilespmem:$0x186C0]  }
0x558: {  	v3 =	vld [tilespmem:$0x186D0]  }
0x559: {  	v1 =	vld [tilespmem:$0x186E0]  }
0x55a: {  	s3 =	simm.s32 $0x2000;
	v2 =	vld [tilespmem:$0x186F0]  }
0x55b: {  	s6 =	simm.s32 $0x3000;
	s5 =	simm.s32 $0x0;
	v25 =	vld.idx.msk [tilespmem:v24+s3+$0x0], $0xffff  }
.LBB2_22:
0x55c: {  	p0 =	sne.s32 s6, $0x15000;
	_ =	sdelay $0x3  }
0x55d: {  	s7 =	sshra.s32 s5, $0x2;
	s5 =	smov.u32 s6  }
0x55e: {  	[tilespmem:s7+$0xE200] =	vst v25  }
0x55f: {  	v25 =	vld.idx.msk [tilespmem:v23+s3+$0x0], $0xffff;
	_ =	sdelay $0x5  }
0x560: {  	[tilespmem:s7+$0xE210] =	vst v25  }
0x561: {  	v25 =	vld.idx.msk [tilespmem:v22+s3+$0x0], $0xffff;
	_ =	sdelay $0x5  }
0x562: {  	[tilespmem:s7+$0xE220] =	vst v25  }
0x563: {  	v25 =	vld.idx.msk [tilespmem:v21+s3+$0x0], $0xffff;
	_ =	sdelay $0x5  }
0x564: {  	[tilespmem:s7+$0xE230] =	vst v25  }
0x565: {  	v25 =	vld.idx.msk [tilespmem:v20+s3+$0x0], $0xffff;
	_ =	sdelay $0x5  }
0x566: {  	[tilespmem:s7+$0xE240] =	vst v25  }
0x567: {  	v25 =	vld.idx.msk [tilespmem:v19+s3+$0x0], $0xffff;
	_ =	sdelay $0x5  }
0x568: {  	[tilespmem:s7+$0xE250] =	vst v25  }
0x569: {  	v25 =	vld.idx.msk [tilespmem:v18+s3+$0x0], $0xffff;
	_ =	sdelay $0x5  }
0x56a: {  	[tilespmem:s7+$0xE260] =	vst v25  }
0x56b: {  	v25 =	vld.idx.msk [tilespmem:v17+s3+$0x0], $0xffff;
	_ =	sdelay $0x5  }
0x56c: {  	[tilespmem:s7+$0xE270] =	vst v25  }
0x56d: {  	v25 =	vld.idx.msk [tilespmem:v16+s3+$0x0], $0xffff;
	_ =	sdelay $0x5  }
0x56e: {  	[tilespmem:s7+$0xE600] =	vst v25  }
0x56f: {  	v25 =	vld.idx.msk [tilespmem:v15+s3+$0x0], $0xffff;
	_ =	sdelay $0x5  }
0x570: {  	[tilespmem:s7+$0xE610] =	vst v25  }
0x571: {  	v25 =	vld.idx.msk [tilespmem:v14+s3+$0x0], $0xffff;
	_ =	sdelay $0x5  }
0x572: {  	[tilespmem:s7+$0xE620] =	vst v25  }
0x573: {  	v25 =	vld.idx.msk [tilespmem:v13+s3+$0x0], $0xffff;
	_ =	sdelay $0x5  }
0x574: {  	[tilespmem:s7+$0xE630] =	vst v25  }
0x575: {  	v25 =	vld.idx.msk [tilespmem:v12+s3+$0x0], $0xffff;
	_ =	sdelay $0x5  }
0x576: {  	[tilespmem:s7+$0xE640] =	vst v25  }
0x577: {  	v25 =	vld.idx.msk [tilespmem:v11+s3+$0x0], $0xffff;
	_ =	sdelay $0x5  }
0x578: {  	[tilespmem:s7+$0xE650] =	vst v25  }
0x579: {  	v25 =	vld.idx.msk [tilespmem:v10+s3+$0x0], $0xffff;
	_ =	sdelay $0x5  }
0x57a: {  	[tilespmem:s7+$0xE660] =	vst v25  }
0x57b: {  	v25 =	vld.idx.msk [tilespmem:v9+s3+$0x0], $0xffff;
	_ =	sdelay $0x5  }
0x57c: {  	[tilespmem:s7+$0xE670] =	vst v25  }
0x57d: {  	v25 =	vld.idx.msk [tilespmem:v8+s3+$0x0], $0xffff;
	_ =	sdelay $0x5  }
0x57e: {  	[tilespmem:s7+$0xEA00] =	vst v25  }
0x57f: {  	v25 =	vld.idx.msk [tilespmem:v7+s3+$0x0], $0xffff;
	_ =	sdelay $0x5  }
0x580: {  	[tilespmem:s7+$0xEA10] =	vst v25  }
0x581: {  	v25 =	vld.idx.msk [tilespmem:v6+s3+$0x0], $0xffff;
	_ =	sdelay $0x5  }
0x582: {  	[tilespmem:s7+$0xEA20] =	vst v25  }
0x583: {  	v25 =	vld.idx.msk [tilespmem:v5+s3+$0x0], $0xffff;
	_ =	sdelay $0x5  }
0x584: {  	[tilespmem:s7+$0xEA30] =	vst v25  }
0x585: {  	v25 =	vld.idx.msk [tilespmem:v4+s3+$0x0], $0xffff;
	_ =	sdelay $0x5  }
0x586: {  	[tilespmem:s7+$0xEA40] =	vst v25  }
0x587: {  	v25 =	vld.idx.msk [tilespmem:v3+s3+$0x0], $0xffff;
	_ =	sdelay $0x5  }
0x588: {  	[tilespmem:s7+$0xEA50] =	vst v25  }
0x589: {  	v25 =	vld.idx.msk [tilespmem:v1+s3+$0x0], $0xffff;
	_ =	sdelay $0x5  }
0x58a: {  	[tilespmem:s7+$0xEA60] =	vst v25  }
0x58b: {  	v25 =	vld.idx.msk [tilespmem:v2+s3+$0x0], $0xffff;
	_ =	sdelay $0x2  }
.Ltmp10:
0x58c: {  	(pc) =	sbr.rel @p0 .LBB2_22-.Ltmp10, $3  }
0x58d: {  	_ =	sdelay $0x1  }
0x58e: {  	s3 =	sadd.s32 $0x400, s3;
	[tilespmem:s7+$0xEA70] =	vst v25  }
0x58f: {  	s6 =	sadd.s32 $0x3000, s6;
	v25 =	vld.idx.msk [tilespmem:v24+s3+$0x0], $0xffff  }
0x590: {  	_ =	sdelay $0x2  }
0x591: {  	s5 =	sshra.s32 s5, $0x2  }
0x592: {  	[tilespmem:s5+$0xE200] =	vst v25  }
0x593: {  	v23 =	vld.idx.msk [tilespmem:v23+s3+$0x0], $0xffff;
	_ =	sdelay $0x4  }
0x594: {  	[tilespmem:s5+$0xE210] =	vst v23  }
0x595: {  	v22 =	vld.idx.msk [tilespmem:v22+s3+$0x0], $0xffff;
	_ =	sdelay $0x4  }
0x596: {  	[tilespmem:s5+$0xE220] =	vst v22  }
0x597: {  	v21 =	vld.idx.msk [tilespmem:v21+s3+$0x0], $0xffff;
	_ =	sdelay $0x4  }
0x598: {  	[tilespmem:s5+$0xE230] =	vst v21  }
0x599: {  	v20 =	vld.idx.msk [tilespmem:v20+s3+$0x0], $0xffff;
	_ =	sdelay $0x4  }
0x59a: {  	[tilespmem:s5+$0xE240] =	vst v20  }
0x59b: {  	v19 =	vld.idx.msk [tilespmem:v19+s3+$0x0], $0xffff;
	_ =	sdelay $0x4  }
0x59c: {  	[tilespmem:s5+$0xE250] =	vst v19  }
0x59d: {  	v18 =	vld.idx.msk [tilespmem:v18+s3+$0x0], $0xffff;
	_ =	sdelay $0x4  }
0x59e: {  	[tilespmem:s5+$0xE260] =	vst v18  }
0x59f: {  	v17 =	vld.idx.msk [tilespmem:v17+s3+$0x0], $0xffff;
	_ =	sdelay $0x4  }
0x5a0: {  	[tilespmem:s5+$0xE270] =	vst v17  }
0x5a1: {  	v16 =	vld.idx.msk [tilespmem:v16+s3+$0x0], $0xffff;
	_ =	sdelay $0x4  }
0x5a2: {  	[tilespmem:s5+$0xE600] =	vst v16  }
0x5a3: {  	v15 =	vld.idx.msk [tilespmem:v15+s3+$0x0], $0xffff;
	_ =	sdelay $0x4  }
0x5a4: {  	[tilespmem:s5+$0xE610] =	vst v15  }
0x5a5: {  	v14 =	vld.idx.msk [tilespmem:v14+s3+$0x0], $0xffff;
	_ =	sdelay $0x4  }
0x5a6: {  	[tilespmem:s5+$0xE620] =	vst v14  }
0x5a7: {  	v13 =	vld.idx.msk [tilespmem:v13+s3+$0x0], $0xffff;
	_ =	sdelay $0x4  }
0x5a8: {  	[tilespmem:s5+$0xE630] =	vst v13  }
0x5a9: {  	v12 =	vld.idx.msk [tilespmem:v12+s3+$0x0], $0xffff;
	_ =	sdelay $0x4  }
0x5aa: {  	[tilespmem:s5+$0xE640] =	vst v12  }
0x5ab: {  	v11 =	vld.idx.msk [tilespmem:v11+s3+$0x0], $0xffff;
	_ =	sdelay $0x4  }
0x5ac: {  	[tilespmem:s5+$0xE650] =	vst v11  }
0x5ad: {  	v10 =	vld.idx.msk [tilespmem:v10+s3+$0x0], $0xffff;
	_ =	sdelay $0x4  }
0x5ae: {  	[tilespmem:s5+$0xE660] =	vst v10  }
0x5af: {  	v9 =	vld.idx.msk [tilespmem:v9+s3+$0x0], $0xffff;
	_ =	sdelay $0x4  }
0x5b0: {  	[tilespmem:s5+$0xE670] =	vst v9  }
0x5b1: {  	v8 =	vld.idx.msk [tilespmem:v8+s3+$0x0], $0xffff;
	_ =	sdelay $0x4  }
0x5b2: {  	[tilespmem:s5+$0xEA00] =	vst v8  }
0x5b3: {  	v7 =	vld.idx.msk [tilespmem:v7+s3+$0x0], $0xffff;
	_ =	sdelay $0x4  }
0x5b4: {  	[tilespmem:s5+$0xEA10] =	vst v7  }
0x5b5: {  	v6 =	vld.idx.msk [tilespmem:v6+s3+$0x0], $0xffff;
	_ =	sdelay $0x4  }
0x5b6: {  	[tilespmem:s5+$0xEA20] =	vst v6  }
0x5b7: {  	v5 =	vld.idx.msk [tilespmem:v5+s3+$0x0], $0xffff;
	_ =	sdelay $0x4  }
0x5b8: {  	[tilespmem:s5+$0xEA30] =	vst v5  }
0x5b9: {  	v4 =	vld.idx.msk [tilespmem:v4+s3+$0x0], $0xffff;
	_ =	sdelay $0x4  }
0x5ba: {  	[tilespmem:s5+$0xEA40] =	vst v4  }
0x5bb: {  	v3 =	vld.idx.msk [tilespmem:v3+s3+$0x0], $0xffff;
	_ =	sdelay $0x4  }
0x5bc: {  	[tilespmem:s5+$0xEA50] =	vst v3  }
0x5bd: {  	v1 =	vld.idx.msk [tilespmem:v1+s3+$0x0], $0xffff;
	_ =	sdelay $0x4  }
0x5be: {  	[tilespmem:s5+$0xEA60] =	vst v1  }
0x5bf: {  	v1 =	vld.idx.msk [tilespmem:v2+s3+$0x0], $0xffff;
	_ =	sdelay $0x4  }
0x5c0: {  	[tilespmem:s5+$0xEA70] =	vst v1  }
0x5c1: {  	v3 =	vld [tilespmem:$0x18720]  }
0x5c2: {  	v1 =	vld [tilespmem:$0x18700]  }
0x5c3: {  	v2 =	vld [tilespmem:$0x18710];
	_ =	sdelay $0x4  }
0x5c4: {  	s7 =	simm.s32 $0x0  }
0x5c5: {  	v3 =	vld.idx.msk [tilespmem:v3+s7+$0x0], $0xffff  }
0x5c6: {  	v1 =	vld.idx.msk [tilespmem:v1+s7+$0x0], $0xffff  }
0x5c7: {  	v2 =	vld.idx.msk [tilespmem:v2+s7+$0x0], $0xffff;
	_ =	sdelay $0x1  }
0x5c8: {  	s3 =	simm.s32 $0x0;
	s5 =	simm.s32 $0x3000  }
.LBB2_24:
0x5c9: {  	p0 =	sne.s32 s5, $0x15000;
	[tilespmem:s3+$0xEAF0] =	vst v3  }
0x5ca: {  	[tilespmem:s3+$0xE280] =	vst v1  }
0x5cb: {  	[tilespmem:s3+$0xE290] =	vst v2  }
0x5cc: {  	[tilespmem:s3+$0xE2A0] =	vst v3  }
0x5cd: {  	[tilespmem:s3+$0xE2B0] =	vst v1  }
0x5ce: {  	[tilespmem:s3+$0xE2C0] =	vst v2  }
0x5cf: {  	[tilespmem:s3+$0xE2D0] =	vst v3  }
0x5d0: {  	[tilespmem:s3+$0xE2E0] =	vst v1  }
0x5d1: {  	[tilespmem:s3+$0xE2F0] =	vst v2  }
0x5d2: {  	[tilespmem:s3+$0xE680] =	vst v3  }
0x5d3: {  	[tilespmem:s3+$0xE690] =	vst v1  }
0x5d4: {  	[tilespmem:s3+$0xE6A0] =	vst v2  }
0x5d5: {  	[tilespmem:s3+$0xE6B0] =	vst v3  }
0x5d6: {  	[tilespmem:s3+$0xE6C0] =	vst v1  }
0x5d7: {  	[tilespmem:s3+$0xE6D0] =	vst v2  }
0x5d8: {  	[tilespmem:s3+$0xE6E0] =	vst v3  }
0x5d9: {  	[tilespmem:s3+$0xE6F0] =	vst v1  }
0x5da: {  	[tilespmem:s3+$0xEA80] =	vst v2  }
0x5db: {  	[tilespmem:s3+$0xEA90] =	vst v3  }
.Ltmp11:
0x5dc: {  	[tilespmem:s3+$0xEAA0] =	vst v1;
	(pc) =	sbr.rel @p0 .LBB2_24-.Ltmp11, $4  }
0x5dd: {  	[tilespmem:s3+$0xEAB0] =	vst v2  }
0x5de: {  	[tilespmem:s3+$0xEAC0] =	vst v3  }
0x5df: {  	[tilespmem:s3+$0xEAD0] =	vst v1  }
0x5e0: {  	[tilespmem:s3+$0xEAE0] =	vst v2;
	s3 =	sshra.s32 s5, $0x2;
	s5 =	sadd.s32 $0x3000, s5  }
0x5e1: {  	[tilespmem:s3+$0xEAF0] =	vst v3  }
0x5e2: {  	[tilespmem:s3+$0xE280] =	vst v1  }
0x5e3: {  	[tilespmem:s3+$0xE290] =	vst v2  }
0x5e4: {  	[tilespmem:s3+$0xE2A0] =	vst v3  }
0x5e5: {  	[tilespmem:s3+$0xE2B0] =	vst v1  }
0x5e6: {  	[tilespmem:s3+$0xE2C0] =	vst v2  }
0x5e7: {  	[tilespmem:s3+$0xE2D0] =	vst v3  }
0x5e8: {  	[tilespmem:s3+$0xE2E0] =	vst v1  }
0x5e9: {  	[tilespmem:s3+$0xE2F0] =	vst v2  }
0x5ea: {  	[tilespmem:s3+$0xE680] =	vst v3  }
0x5eb: {  	[tilespmem:s3+$0xE690] =	vst v1  }
0x5ec: {  	[tilespmem:s3+$0xE6A0] =	vst v2  }
0x5ed: {  	[tilespmem:s3+$0xE6B0] =	vst v3  }
0x5ee: {  	[tilespmem:s3+$0xE6C0] =	vst v1  }
0x5ef: {  	[tilespmem:s3+$0xE6D0] =	vst v2  }
0x5f0: {  	[tilespmem:s3+$0xE6E0] =	vst v3  }
0x5f1: {  	[tilespmem:s3+$0xE6F0] =	vst v1  }
0x5f2: {  	[tilespmem:s3+$0xEA80] =	vst v2  }
0x5f3: {  	[tilespmem:s3+$0xEA90] =	vst v3  }
0x5f4: {  	[tilespmem:s3+$0xEAA0] =	vst v1  }
0x5f5: {  	[tilespmem:s3+$0xEAB0] =	vst v2  }
0x5f6: {  	[tilespmem:s3+$0xEAC0] =	vst v3  }
0x5f7: {  	[tilespmem:s3+$0xEAD0] =	vst v1  }
0x5f8: {  	[tilespmem:s3+$0xEAE0] =	vst v2  }
0x5f9: {  	v3 =	vld [tilespmem:$0x18750]  }
0x5fa: {  	v1 =	vld [tilespmem:$0x18730]  }
0x5fb: {  	v2 =	vld [tilespmem:$0x18740];
	_ =	sdelay $0x4  }
0x5fc: {  	s7 =	simm.s32 $0x0  }
0x5fd: {  	v3 =	vld.idx.msk [tilespmem:v3+s7+$0x0], $0xffff  }
0x5fe: {  	v1 =	vld.idx.msk [tilespmem:v1+s7+$0x0], $0xffff  }
0x5ff: {  	v2 =	vld.idx.msk [tilespmem:v2+s7+$0x0], $0xffff;
	_ =	sdelay $0x1  }
0x600: {  	s3 =	simm.s32 $0x0;
	s5 =	simm.s32 $0x3000  }
.LBB2_26:
0x601: {  	p0 =	sne.s32 s5, $0x15000;
	[tilespmem:s3+$0xEB70] =	vst v3  }
0x602: {  	[tilespmem:s3+$0xE300] =	vst v1  }
0x603: {  	[tilespmem:s3+$0xE310] =	vst v2  }
0x604: {  	[tilespmem:s3+$0xE320] =	vst v3  }
0x605: {  	[tilespmem:s3+$0xE330] =	vst v1  }
0x606: {  	[tilespmem:s3+$0xE340] =	vst v2  }
0x607: {  	[tilespmem:s3+$0xE350] =	vst v3  }
0x608: {  	[tilespmem:s3+$0xE360] =	vst v1  }
0x609: {  	[tilespmem:s3+$0xE370] =	vst v2  }
0x60a: {  	[tilespmem:s3+$0xE700] =	vst v3  }
0x60b: {  	[tilespmem:s3+$0xE710] =	vst v1  }
0x60c: {  	[tilespmem:s3+$0xE720] =	vst v2  }
0x60d: {  	[tilespmem:s3+$0xE730] =	vst v3  }
0x60e: {  	[tilespmem:s3+$0xE740] =	vst v1  }
0x60f: {  	[tilespmem:s3+$0xE750] =	vst v2  }
0x610: {  	[tilespmem:s3+$0xE760] =	vst v3  }
0x611: {  	[tilespmem:s3+$0xE770] =	vst v1  }
0x612: {  	[tilespmem:s3+$0xEB00] =	vst v2  }
0x613: {  	[tilespmem:s3+$0xEB10] =	vst v3  }
.Ltmp12:
0x614: {  	[tilespmem:s3+$0xEB20] =	vst v1;
	(pc) =	sbr.rel @p0 .LBB2_26-.Ltmp12, $4  }
0x615: {  	[tilespmem:s3+$0xEB30] =	vst v2  }
0x616: {  	[tilespmem:s3+$0xEB40] =	vst v3  }
0x617: {  	[tilespmem:s3+$0xEB50] =	vst v1  }
0x618: {  	[tilespmem:s3+$0xEB60] =	vst v2;
	s3 =	sshra.s32 s5, $0x2;
	s5 =	sadd.s32 $0x3000, s5  }
0x619: {  	[tilespmem:s3+$0xEB70] =	vst v3  }
0x61a: {  	[tilespmem:s3+$0xE300] =	vst v1  }
0x61b: {  	[tilespmem:s3+$0xE310] =	vst v2  }
0x61c: {  	[tilespmem:s3+$0xE320] =	vst v3  }
0x61d: {  	[tilespmem:s3+$0xE330] =	vst v1  }
0x61e: {  	[tilespmem:s3+$0xE340] =	vst v2  }
0x61f: {  	[tilespmem:s3+$0xE350] =	vst v3  }
0x620: {  	[tilespmem:s3+$0xE360] =	vst v1  }
0x621: {  	[tilespmem:s3+$0xE370] =	vst v2  }
0x622: {  	[tilespmem:s3+$0xE700] =	vst v3  }
0x623: {  	[tilespmem:s3+$0xE710] =	vst v1  }
0x624: {  	[tilespmem:s3+$0xE720] =	vst v2  }
0x625: {  	[tilespmem:s3+$0xE730] =	vst v3  }
0x626: {  	[tilespmem:s3+$0xE740] =	vst v1  }
0x627: {  	[tilespmem:s3+$0xE750] =	vst v2  }
0x628: {  	[tilespmem:s3+$0xE760] =	vst v3  }
0x629: {  	[tilespmem:s3+$0xE770] =	vst v1  }
0x62a: {  	[tilespmem:s3+$0xEB00] =	vst v2  }
0x62b: {  	[tilespmem:s3+$0xEB10] =	vst v3  }
0x62c: {  	[tilespmem:s3+$0xEB20] =	vst v1  }
0x62d: {  	[tilespmem:s3+$0xEB30] =	vst v2  }
0x62e: {  	[tilespmem:s3+$0xEB40] =	vst v3;
	s7 =	sld [smem:$0x7FA]  }
0x62f: {  	[tilespmem:s3+$0xEB50] =	vst v1  }
0x630: {  	[tilespmem:s3+$0xEB60] =	vst v2;
	s5 =	simm.s32 $0xE080;
	s6 =	sld [smem:$0x7FB]  }
0x631: {  	[hbm4b:s7+s4] =	stream.linear.scatter [tilespmem:s5], [sflag:$0x3], $0x300, $0x38;
	[tilespmem:$0x18800] =	vst v63  }
0x632: {  	s7 =	simm.s32 $0xE480  }
0x633: {  	[hbm4b:s6+s4] =	stream.linear.scatter [tilespmem:s7], [sflag:$0x3], $0x300, $0x38;
	[tilespmem:$0x18800] =	vst v63  }
0x634: {  	s6 =	sld [smem:$0x7FC];
	_ =	sdelay $0x1  }
0x635: {  	s7 =	simm.s32 $0xE880  }
0x636: {  	[hbm4b:s6+s4] =	stream.linear.scatter [tilespmem:s7], [sflag:$0x3], $0x300, $0x38;
	[tilespmem:$0x18800] =	vst v63  }
0x637: {  	s6 =	sld [smem:$0x7FD];
	_ =	sdelay $0x1  }
0x638: {  	s7 =	simm.s32 $0xEC80  }
0x639: {  	[hbm4b:s6+s4] =	stream.linear.scatter [tilespmem:s7], [sflag:$0x3], $0x300, $0x38;
	[tilespmem:$0x18800] =	vst v63  }
0x63a: {  	s6 =	simm.s32 $0xF080  }
0x63b: {  	[hbm4b:s8+s4] =	stream.linear.scatter [tilespmem:s6], [sflag:$0x3], $0x300, $0x38;
	[tilespmem:$0x18800] =	vst v63  }
0x63c: {  	s7 =	simm.s32 $0xF480  }
0x63d: {  	[hbm4b:s9+s4] =	stream.linear.scatter [tilespmem:s7], [sflag:$0x3], $0x300, $0x38;
	[tilespmem:$0x18800] =	vst v63  }
0x63e: {  	s5 =	simm.s32 $0xF880  }
0x63f: {  	[hbm4b:s10+s4] =	stream.linear.scatter [tilespmem:s5], [sflag:$0x3], $0x300, $0x38;
	[tilespmem:$0x18800] =	vst v63  }
0x640: {  	s6 =	simm.s32 $0xFC80  }
0x641: {  	[hbm4b:s11+s4] =	stream.linear.scatter [tilespmem:s6], [sflag:$0x3], $0x300, $0x38;
	[tilespmem:$0x18800] =	vst v63  }
0x642: {  	s7 =	simm.s32 $0x10080  }
0x643: {  	[hbm4b:s12+s4] =	stream.linear.scatter [tilespmem:s7], [sflag:$0x3], $0x300, $0x38;
	[tilespmem:$0x18800] =	vst v63  }
0x644: {  	s5 =	simm.s32 $0x10480  }
0x645: {  	[hbm4b:s13+s4] =	stream.linear.scatter [tilespmem:s5], [sflag:$0x3], $0x300, $0x38;
	[tilespmem:$0x18800] =	vst v63  }
0x646: {  	s6 =	simm.s32 $0x10880  }
0x647: {  	[hbm4b:s14+s4] =	stream.linear.scatter [tilespmem:s6], [sflag:$0x3], $0x300, $0x38;
	[tilespmem:$0x18800] =	vst v63  }
0x648: {  	s7 =	simm.s32 $0x10C80  }
0x649: {  	[hbm4b:s15+s4] =	stream.linear.scatter [tilespmem:s7], [sflag:$0x3], $0x300, $0x38;
	[tilespmem:$0x18800] =	vst v63  }
0x64a: {  	s5 =	simm.s32 $0x11080  }
0x64b: {  	[hbm4b:s16+s4] =	stream.linear.scatter [tilespmem:s5], [sflag:$0x3], $0x300, $0x38;
	[tilespmem:$0x18800] =	vst v63  }
0x64c: {  	s6 =	simm.s32 $0x11480  }
0x64d: {  	[hbm4b:s17+s4] =	stream.linear.scatter [tilespmem:s6], [sflag:$0x3], $0x300, $0x38;
	[tilespmem:$0x18800] =	vst v63  }
0x64e: {  	s7 =	simm.s32 $0x11880  }
0x64f: {  	[hbm4b:s18+s4] =	stream.linear.scatter [tilespmem:s7], [sflag:$0x3], $0x300, $0x38;
	[tilespmem:$0x18800] =	vst v63  }
0x650: {  	s5 =	simm.s32 $0x11C80  }
0x651: {  	[hbm4b:s19+s4] =	stream.linear.scatter [tilespmem:s5], [sflag:$0x3], $0x300, $0x38;
	[tilespmem:$0x18800] =	vst v63  }
0x652: {  	s6 =	simm.s32 $0x12080  }
0x653: {  	[hbm4b:s20+s4] =	stream.linear.scatter [tilespmem:s6], [sflag:$0x3], $0x300, $0x38;
	[tilespmem:$0x18800] =	vst v63  }
0x654: {  	s7 =	simm.s32 $0x12480  }
0x655: {  	[hbm4b:s21+s4] =	stream.linear.scatter [tilespmem:s7], [sflag:$0x3], $0x300, $0x38;
	[tilespmem:$0x18800] =	vst v63  }
0x656: {  	s5 =	simm.s32 $0x12880  }
0x657: {  	[hbm4b:s22+s4] =	stream.linear.scatter [tilespmem:s5], [sflag:$0x3], $0x300, $0x38;
	[tilespmem:$0x18800] =	vst v63  }
0x658: {  	s6 =	simm.s32 $0x12C80  }
0x659: {  	[hbm4b:s23+s4] =	stream.linear.scatter [tilespmem:s6], [sflag:$0x3], $0x300, $0x38;
	[tilespmem:$0x18800] =	vst v63  }
0x65a: {  	s7 =	simm.s32 $0x13080  }
0x65b: {  	[hbm4b:s24+s4] =	stream.linear.scatter [tilespmem:s7], [sflag:$0x3], $0x300, $0x38;
	[tilespmem:$0x18800] =	vst v63  }
0x65c: {  	s5 =	simm.s32 $0x13480  }
0x65d: {  	[hbm4b:s25+s4] =	stream.linear.scatter [tilespmem:s5], [sflag:$0x3], $0x300, $0x38;
	[tilespmem:$0x18800] =	vst v63  }
0x65e: {  	s6 =	simm.s32 $0x13880  }
0x65f: {  	[hbm4b:s26+s4] =	stream.linear.scatter [tilespmem:s6], [sflag:$0x3], $0x300, $0x38;
	[tilespmem:$0x18800] =	vst v63  }
0x660: {  	s7 =	simm.s32 $0x13C80  }
0x661: {  	[hbm4b:s28+s4] =	stream.linear.scatter [tilespmem:s7], [sflag:$0x3], $0x300, $0x38;
	[tilespmem:$0x18800] =	vst v63  }
0x662: {  	_ =	swait.ge [sflag:s0], $0x4000  }
0x663: {  	[sflag:s0] =	ssyncset.done $0x0  }
0x664: {  	[sflag:s0] =	ssyncadd.s32 $0xFFFFC000  }
0x665: {  	_ =	swait.ge [sflag:s0], $0x300  }
0x666: {  	[sflag:s0] =	ssyncset.done $0x0  }
0x667: {  	[sflag:s0] =	ssyncadd.s32 $0xFFFFFD00  }
0x668: {  	_ =	swait.ge [sflag:s0], $0x300  }
0x669: {  	[sflag:s0] =	ssyncset.done $0x0  }
0x66a: {  	[sflag:s0] =	ssyncadd.s32 $0xFFFFFD00  }
0x66b: {  	_ =	swait.ge [sflag:s0], $0x300  }
0x66c: {  	[sflag:s0] =	ssyncset.done $0x0  }
0x66d: {  	[sflag:s0] =	ssyncadd.s32 $0xFFFFFD00  }
0x66e: {  	_ =	swait.ge [sflag:s0], $0x300  }
0x66f: {  	[sflag:s0] =	ssyncset.done $0x0  }
0x670: {  	[sflag:s0] =	ssyncadd.s32 $0xFFFFFD00  }
0x671: {  	_ =	swait.ge [sflag:s0], $0x300  }
0x672: {  	[sflag:s0] =	ssyncset.done $0x0  }
0x673: {  	[sflag:s0] =	ssyncadd.s32 $0xFFFFFD00  }
0x674: {  	_ =	swait.ge [sflag:s0], $0x300  }
0x675: {  	[sflag:s0] =	ssyncset.done $0x0  }
0x676: {  	[sflag:s0] =	ssyncadd.s32 $0xFFFFFD00  }
0x677: {  	_ =	swait.ge [sflag:s0], $0x300  }
0x678: {  	[sflag:s0] =	ssyncset.done $0x0  }
0x679: {  	[sflag:s0] =	ssyncadd.s32 $0xFFFFFD00  }
0x67a: {  	_ =	swait.ge [sflag:s0], $0x300  }
0x67b: {  	[sflag:s0] =	ssyncset.done $0x0  }
0x67c: {  	[sflag:s0] =	ssyncadd.s32 $0xFFFFFD00  }
0x67d: {  	_ =	swait.ge [sflag:s0], $0x300  }
0x67e: {  	[sflag:s0] =	ssyncset.done $0x0  }
0x67f: {  	[sflag:s0] =	ssyncadd.s32 $0xFFFFFD00  }
0x680: {  	_ =	swait.ge [sflag:s0], $0x300  }
0x681: {  	[sflag:s0] =	ssyncset.done $0x0  }
0x682: {  	[sflag:s0] =	ssyncadd.s32 $0xFFFFFD00  }
0x683: {  	_ =	swait.ge [sflag:s0], $0x300  }
0x684: {  	[sflag:s0] =	ssyncset.done $0x0  }
0x685: {  	[sflag:s0] =	ssyncadd.s32 $0xFFFFFD00  }
0x686: {  	_ =	swait.ge [sflag:s0], $0x300  }
0x687: {  	[sflag:s0] =	ssyncset.done $0x0  }
0x688: {  	[sflag:s0] =	ssyncadd.s32 $0xFFFFFD00  }
0x689: {  	_ =	swait.ge [sflag:s0], $0x300  }
0x68a: {  	[sflag:s0] =	ssyncset.done $0x0  }
0x68b: {  	[sflag:s0] =	ssyncadd.s32 $0xFFFFFD00  }
0x68c: {  	_ =	swait.ge [sflag:s0], $0x300  }
0x68d: {  	[sflag:s0] =	ssyncset.done $0x0  }
0x68e: {  	[sflag:s0] =	ssyncadd.s32 $0xFFFFFD00  }
0x68f: {  	_ =	swait.ge [sflag:s0], $0x300  }
0x690: {  	[sflag:s0] =	ssyncset.done $0x0  }
0x691: {  	[sflag:s0] =	ssyncadd.s32 $0xFFFFFD00  }
0x692: {  	_ =	swait.ge [sflag:s0], $0x300  }
0x693: {  	[sflag:s0] =	ssyncset.done $0x0  }
0x694: {  	[sflag:s0] =	ssyncadd.s32 $0xFFFFFD00  }
0x695: {  	_ =	swait.ge [sflag:s0], $0x300  }
0x696: {  	[sflag:s0] =	ssyncset.done $0x0  }
0x697: {  	[sflag:s0] =	ssyncadd.s32 $0xFFFFFD00  }
0x698: {  	_ =	swait.ge [sflag:s0], $0x300  }
0x699: {  	[sflag:s0] =	ssyncset.done $0x0  }
0x69a: {  	[sflag:s0] =	ssyncadd.s32 $0xFFFFFD00  }
0x69b: {  	_ =	swait.ge [sflag:s0], $0x300  }
0x69c: {  	[sflag:s0] =	ssyncset.done $0x0  }
0x69d: {  	[sflag:s0] =	ssyncadd.s32 $0xFFFFFD00  }
0x69e: {  	_ =	swait.ge [sflag:s0], $0x300  }
0x69f: {  	[sflag:s0] =	ssyncset.done $0x0  }
0x6a0: {  	[sflag:s0] =	ssyncadd.s32 $0xFFFFFD00  }
0x6a1: {  	_ =	swait.ge [sflag:s0], $0x300  }
0x6a2: {  	[sflag:s0] =	ssyncset.done $0x0  }
0x6a3: {  	[sflag:s0] =	ssyncadd.s32 $0xFFFFFD00  }
0x6a4: {  	_ =	swait.ge [sflag:s0], $0x300  }
0x6a5: {  	[sflag:s0] =	ssyncset.done $0x0  }
0x6a6: {  	[sflag:s0] =	ssyncadd.s32 $0xFFFFFD00  }
0x6a7: {  	_ =	swait.ge [sflag:s0], $0x300  }
0x6a8: {  	[sflag:s0] =	ssyncset.done $0x0  }
0x6a9: {  	[sflag:s0] =	ssyncadd.s32 $0xFFFFFD00  }
0x6aa: {  	_ =	swait.ge [sflag:s0], $0x300  }
0x6ab: {  	[sflag:s0] =	ssyncset.done $0x0  }
0x6ac: {  	[sflag:s0] =	ssyncadd.s32 $0xFFFFFD00  }
0x6ad: {  	_ =	swait.ge [sflag:s0], $0x300  }
0x6ae: {  	[sflag:s0] =	ssyncset.done $0x0  }
0x6af: {  	[sflag:s0] =	ssyncadd.s32 $0xFFFFFD00  }
0x6b0: {  	_ =	swait.ge [sflag:s0], $0x300  }
0x6b1: {  	[sflag:s0] =	ssyncset.done $0x0  }
0x6b2: {  	[sflag:s0] =	ssyncadd.s32 $0xFFFFFD00  }
0x6b3: {  	_ =	swait.ge [sflag:s0], $0x300  }
0x6b4: {  	[sflag:s0] =	ssyncset.done $0x0  }
0x6b5: {  	[sflag:s0] =	ssyncadd.s32 $0xFFFFFD00  }
0x6b6: {  	_ =	swait.ge [sflag:s0], $0x300  }
0x6b7: {  	[sflag:s0] =	ssyncset.done $0x0  }
0x6b8: {  	[sflag:s0] =	ssyncadd.s32 $0xFFFFFD00  }
0x6b9: {  	_ =	swait.ge [sflag:s0], $0x300  }
0x6ba: {  	[sflag:s0] =	ssyncset.done $0x0  }
0x6bb: {  	[sflag:s0] =	ssyncadd.s32 $0xFFFFFD00  }
0x6bc: {  	_ =	swait.ge [sflag:s0], $0x300  }
0x6bd: {  	[sflag:s0] =	ssyncset.done $0x0  }
0x6be: {  	[sflag:s0] =	ssyncadd.s32 $0xFFFFFD00  }
0x6bf: {  	_ =	swait.ge [sflag:s0], $0x300  }
0x6c0: {  	[sflag:s0] =	ssyncset.done $0x0  }
0x6c1: {  	[sflag:s0] =	ssyncadd.s32 $0xFFFFFD00  }
0x6c2: {  	_ =	swait.ge [sflag:s0], $0x300  }
0x6c3: {  	[sflag:s0] =	ssyncset.done $0x0  }
0x6c4: {  	[sflag:s0] =	ssyncadd.s32 $0xFFFFFD00  }
0x6c5: {  	_ =	swait.ge [sflag:s0], $0x300  }
0x6c6: {  	[sflag:s0] =	ssyncset.done $0x0  }
0x6c7: {  	[sflag:s0] =	ssyncadd.s32 $0xFFFFFD00  }
0x6c8: {  	_ =	swait.ge [sflag:s0], $0x300  }
0x6c9: {  	[sflag:s0] =	ssyncset.done $0x0  }
0x6ca: {  	[sflag:s0] =	ssyncadd.s32 $0xFFFFFD00  }
0x6cb: {  	_ =	swait.ge [sflag:s0], $0x300  }
0x6cc: {  	[sflag:s0] =	ssyncset.done $0x0  }
0x6cd: {  	[sflag:s0] =	ssyncadd.s32 $0xFFFFFD00  }
0x6ce: {  	_ =	swait.ge [sflag:s0], $0x300  }
0x6cf: {  	[sflag:s0] =	ssyncset.done $0x0  }
0x6d0: {  	[sflag:s0] =	ssyncadd.s32 $0xFFFFFD00  }
0x6d1: {  	_ =	swait.ge [sflag:s0], $0x300  }
0x6d2: {  	[sflag:s0] =	ssyncset.done $0x0  }
0x6d3: {  	[sflag:s0] =	ssyncadd.s32 $0xFFFFFD00  }
0x6d4: {  	_ =	swait.ge [sflag:s0], $0x300  }
0x6d5: {  	[sflag:s0] =	ssyncset.done $0x0  }
0x6d6: {  	[sflag:s0] =	ssyncadd.s32 $0xFFFFFD00  }
0x6d7: {  	_ =	swait.ge [sflag:s0], $0x300  }
0x6d8: {  	[sflag:s0] =	ssyncset.done $0x0  }
0x6d9: {  	[sflag:s0] =	ssyncadd.s32 $0xFFFFFD00  }
0x6da: {  	_ =	swait.ge [sflag:s0], $0x300  }
0x6db: {  	[sflag:s0] =	ssyncset.done $0x0  }
0x6dc: {  	[sflag:s0] =	ssyncadd.s32 $0xFFFFFD00  }
0x6dd: {  	_ =	swait.ge [sflag:s0], $0x300  }
0x6de: {  	[sflag:s0] =	ssyncset.done $0x0  }
0x6df: {  	[sflag:s0] =	ssyncadd.s32 $0xFFFFFD00  }
0x6e0: {  	_ =	swait.ge [sflag:s0], $0x300  }
0x6e1: {  	[sflag:s0] =	ssyncset.done $0x0  }
0x6e2: {  	[sflag:s0] =	ssyncadd.s32 $0xFFFFFD00  }
0x6e3: {  	_ =	swait.ge [sflag:s0], $0x300  }
0x6e4: {  	[sflag:s0] =	ssyncset.done $0x0  }
0x6e5: {  	[sflag:s0] =	ssyncadd.s32 $0xFFFFFD00  }
0x6e6: {  	_ =	swait.ge [sflag:s0], $0x300  }
0x6e7: {  	[sflag:s0] =	ssyncset.done $0x0  }
0x6e8: {  	[sflag:s0] =	ssyncadd.s32 $0xFFFFFD00  }
0x6e9: {  	_ =	swait.ge [sflag:s0], $0x300  }
0x6ea: {  	[sflag:s0] =	ssyncset.done $0x0  }
0x6eb: {  	[sflag:s0] =	ssyncadd.s32 $0xFFFFFD00  }
0x6ec: {  	_ =	swait.ge [sflag:s0], $0x300  }
0x6ed: {  	[sflag:s0] =	ssyncset.done $0x0  }
0x6ee: {  	s1 =	sadd.s32 $0x1, s1;
	[sflag:s0] =	ssyncadd.s32 $0xFFFFFD00  }
0x6ef: {  	p0 =	sne.s32 s1, s29;
	_ =	swait.ge [sflag:s0], $0x300  }
.Ltmp13:
0x6f0: {  	[sflag:s0] =	ssyncset.done $0x0;
	(pc) =	sbr.rel @p0 .LBB2_1-.Ltmp13, $4  }
0x6f1: {  	[sflag:s0] =	ssyncadd.s32 $0xFFFFFD00  }
0x6f2: {  	_ =	swait.ge [sflag:s0], $0x300  }
0x6f3: {  	[sflag:s0] =	ssyncset.done $0x0  }
0x6f4: {  	[sflag:s0] =	ssyncadd.s32 $0xFFFFFD00  }
0x6f5: {  	_ =	sfence.sel $0x180000  }
0x6f6: {  	[bflag:$0x0] =	sbarrier.arrive $0xFFFF  }
0x6f7: {  	_ =	strace $0x90000047  }
0x6f8: {  	s0 =	stileid.u32;
	[bflag:$0x2] =	sbarrier.arrive $0xFFFF  }
0x6f9: {  	p0 =	sne.s32 s0, $0x0;
	s0 =	rddreg [dreg:$0x5]  }
0x6fa: {  	s0 =	sadd.s32 @!p0 $0x100000, s0  }
0x6fb: {  	[sflag:s0] =	ssyncadd.tile.s32 @!p0 $0x1;
	_ =	shalt  }
.Lfunc_end2:
_tile_overlayer_lowered:
.L_overlay_start_2:
0x6fc: {  	(tag) =	ssettag $0x2  }
0x6fd: {  	s0 =	rddreg [dreg:$0x0];
	s2 =	stileid.u32  }
0x6fe: {  	s1 =	rddreg [dreg:$0x1];
	p0 =	sne.s32 s2, $0x0  }
0x6ff: {  	s3 =	rddreg [dreg:$0x2];
	[bflag:$0x3] =	sbarrier.arrive $0xFFFF;
	s2 =	simm.s32 @!p0 $0x1C04  }
0x700: {  	[timem:s3], [sflag:s2] =	dma.local @!p0 [hbm:s0], s1  }
0x701: {  	s0 =	simm.s32 @!p0 $0x4  }
0x702: {  	_ =	swait.ge @!p0 [sflag:s0], s1  }
0x703: {  	s1 =	ssub.s32 @!p0 $0x0, s1;
	[sflag:s0] =	ssyncset.done @!p0 $0x0  }
0x704: {  	[sflag:s0] =	ssyncadd.s32 @!p0 s1  }
0x705: {  	[bflag:$0x3] =	sbarrier.arrive $0xFFFF  }
0x706: {  	_ =	shalt  }

</sc_bundles>
